<compile_context>
chip_gen: v7x
topology: tpu7x:2x2x1
jax: 0.10.2.dev20260603
libtpu: 0.0.44.dev20260713+nightly
codegen_flags: <defaults>
</compile_context>

<pallas_src>
import functools

import jax
import jax.numpy as jnp
from jax import lax
from jax.experimental import pallas as pl
from jax.experimental.pallas import tpu as pltpu
from jax.experimental.pallas import tpu_sc as plsc

_N = 500000
_C = 100
_COVER = (_N // 128) * 128
_W = 256
_FULL = _COVER // _W
_NW = 32
_CB = _FULL // _NW
_CE = _FULL - _CB * _NW
_NB = 4
_LBUF = 16384

_mesh = plsc.VectorSubcoreMesh(core_axis_name="c", subcore_axis_name="s")


@functools.partial(
    pl.kernel,
    mesh=_mesh,
    out_type=jax.ShapeDtypeStruct((_C, _N), jnp.float32),
    scratch_types=[
        pltpu.VMEM((_NB, _C, _W), jnp.float32),
        pltpu.VMEM((_LBUF,), jnp.int32),
        pltpu.SemaphoreType.DMA,
        pltpu.SemaphoreType.DMA,
        pltpu.SemaphoreType.DMA,
        pltpu.SemaphoreType.DMA,
        pltpu.SemaphoreType.DMA,
    ],
    compiler_params=pltpu.CompilerParams(
        needs_layout_passes=False, skip_device_barrier=True
    ),
)
def _sc_onehot_t(labels_hbm, out_hbm, bufs, lab_v, sem_l, s0, s1, s2, s3):
    sems = (s0, s1, s2, s3)
    cid = lax.axis_index("c")
    sid = lax.axis_index("s")
    wid = sid * 2 + cid

    cstart = wid * _CB + jnp.minimum(wid, _CE)
    nch = jnp.where(wid < _CE, _CB + 1, _CB)
    col0 = cstart * _W
    wbase = jnp.minimum(col0, _N - _LBUF)
    loff = col0 - wbase
    pltpu.async_copy(labels_hbm.at[pl.ds(wbase, _LBUF)], lab_v, sem_l)

    zero16 = jnp.zeros((16,), jnp.float32)

    def _zero_buf(b):
        def _zero(r, carry):
            for g in range(_W // 16):
                bufs[b, r, pl.ds(g * 16, 16)] = zero16
            return carry

        lax.fori_loop(0, _C, _zero, 0)

    ones = jnp.ones((16,), jnp.float32)
    zeros = jnp.zeros((16,), jnp.float32)
    iota = lax.iota(jnp.int32, 16)

    def _scatter(b, k, val):
        lbase = loff + k * _W
        for g in range(_W // 16):
            lab16 = lab_v[pl.ds(lbase + g * 16, 16)]
            lab16 = jnp.where(lab16 < 0, 55, lab16)
            col16 = g * 16 + iota
            plsc.store_scatter(bufs.at[b], [lab16, col16], val)

    def _fire(b, k):
        pltpu.async_copy(
            bufs.at[b], out_hbm.at[:, pl.ds((cstart + k) * _W, _W)], sems[b]
        )

    _zero_buf(0)
    pltpu.make_async_copy(labels_hbm.at[pl.ds(wbase, _LBUF)], lab_v, sem_l).wait()
    _scatter(0, 0, ones)
    _fire(0, 0)
    for b in range(1, _NB):
        _zero_buf(b)
        _scatter(b, b, ones)
        _fire(b, b)

    _M = (_CB + 2 + (_NB - 1)) // _NB

    def _phase(m, carry):
        for j in range(_NB):
            s = _NB * m + j + _NB
            b = j

            @pl.when(s - _NB < nch)
            def _():
                k = s - _NB
                pltpu.make_async_copy(
                    bufs.at[b],
                    out_hbm.at[:, pl.ds((cstart + k) * _W, _W)],
                    sems[b],
                ).wait()
                _scatter(b, k, zeros)

            @pl.when(s < nch)
            def _():
                _scatter(b, s, ones)
                _fire(b, s)

        return carry

    lax.fori_loop(0, _M, _phase, 0)


def _tail_body(lab_ref, out_ref):
    lab = lab_ref[...]
    lab = jnp.where(lab < 0, 55, lab)
    iota_c = lax.broadcasted_iota(jnp.int32, (_C, _N - _COVER), 0)
    out_ref[...] = (iota_c == lab).astype(jnp.float32)


_tail_onehot = pl.pallas_call(
    _tail_body,
    out_shape=jax.ShapeDtypeStruct((_C, _N - _COVER), jnp.float32),
)


def kernel(x, labels):
    out_t = _sc_onehot_t(labels)
    tail = _tail_onehot(labels[_COVER:].reshape(1, _N - _COVER))
    out_t = lax.dynamic_update_slice(out_t, tail, (0, _COVER))
    return out_t.T

# --- scband reference (transcript-rebuilt; emitter-appended) ---
"""Pipeline reference for scband-ecoregions-loc-enc-27848567947286 (READ-ONLY COPY).

The authoritative reference and input builder live on the scoring server;
editing this copy changes nothing except your own understanding.
"""

import jax, jax.numpy as jnp
import numpy as np

N = 500000
NUM_CLASSES = 100

def setup_inputs(seed: int = 0) -> dict:
    key = jax.random.key(seed)
    k1, k2 = jax.random.split(key)
    x = jax.random.normal(k1, (N, 2), dtype=jnp.float32)  # lon/lat coordinates
    # biome labels that the geopandas spatial join would have produced;
    # the sjoin itself is non-tensor CPU work, modeled here as a precomputed int input
    labels = jax.random.randint(k2, (N,), 0, NUM_CLASSES, dtype=jnp.int32)
    return {"x": x, "labels": labels}

def reference(x, labels):
    n = x.shape[0]
    # ep_labels[ep_labels < 0] = 55  (missing-join sentinel handling)
    lab = jnp.where(labels < 0, 55, labels)
    # x = torch.zeros((N, 100)); x[arange(N), labels] = 1  -> scatter-overwrite one-hot
    out = jnp.zeros((n, NUM_CLASSES), dtype=jnp.float32)
    out = out.at[jnp.arange(n), lab].set(1.0)
    return out

if __name__ == "__main__":
    import jax
    _d = setup_inputs()
    print(jax.jit(kernel)(*tuple(_d.values())))

</pallas_src>

<mosaic_0001>
#map = affine_map<(d0, d1) -> (0)>
#map1 = affine_map<(d0, d1) -> (0, 0)>
module attributes {stable_mosaic.version = 14 : i64} {
  func.func @_sc_onehot_t(%arg0: i32, %arg1: i32, %arg2: memref<500000xi32, #tpu.memory_space<hbm>>, %arg3: memref<100x500000xf32, #tpu.memory_space<hbm>>, %arg4: memref<4x100x256xf32, #tpu.memory_space<vmem>>, %arg5: memref<16384xi32, #tpu.memory_space<vmem>>, %arg6: memref<!tpu.dma_semaphore, #tpu.memory_space<semaphore_mem>>, %arg7: memref<!tpu.dma_semaphore, #tpu.memory_space<semaphore_mem>>, %arg8: memref<!tpu.dma_semaphore, #tpu.memory_space<semaphore_mem>>, %arg9: memref<!tpu.dma_semaphore, #tpu.memory_space<semaphore_mem>>, %arg10: memref<!tpu.dma_semaphore, #tpu.memory_space<semaphore_mem>>) attributes {dimension_semantics = [#tpu.dimension_semantics<core_parallel>, #tpu.dimension_semantics<subcore_parallel>], iteration_bounds = array<i64: 2, 16>, scalar_prefetch = 0 : i64, scratch_operands = 7 : i64, tpu.core_type = #tpu.core_type<sc_vector_subcore>, window_params = [{transform_indices = #map}, {transform_indices = #map1}]} {
    %mul3A = arith.constant 2 : i32
    %mul3A_0 = arith.muli %arg1, %mul3A : i32
    %add3A = arith.addi %mul3A_0, %arg0 : i32
    %mul3A_1 = arith.constant 61 : i32
    %mul3A_2 = arith.muli %add3A, %mul3A_1 : i32
    %min3A = arith.constant 1 : i32
    %min3A_3 = arith.minsi %add3A, %min3A : i32
    %add3A_4 = arith.addi %mul3A_2, %min3A_3 : i32
    %lt3A = arith.constant 1 : i32
    %lt3A_5 = arith.cmpi slt, %add3A, %lt3A : i32
    %jit3A = arith.constant 62 : i32
    %jit3A_6 = arith.constant 61 : i32
    %select_n3A = arith.select %lt3A_5, %jit3A, %jit3A_6 : i32
    %mul3A_7 = arith.constant 256 : i32
    %mul3A_8 = arith.muli %add3A_4, %mul3A_7 : i32
    %min3A_9 = arith.constant 483616 : i32
    %min3A_10 = arith.minsi %mul3A_8, %min3A_9 : i32
    %sub3A = arith.subi %mul3A_8, %min3A_10 : i32
    %dma_start3A = tpu.memref_slice %arg2[%min3A_10] : memref<500000xi32, #tpu.memory_space<hbm>> -> memref<16384xi32, #tpu.memory_space<hbm>>
    %dma_start3A_11 = tpu.memref_slice %arg2[%min3A_10] : memref<500000xi32, #tpu.memory_space<hbm>> -> memref<16384xi32, #tpu.memory_space<hbm>>
    tpu.enqueue_dma source(%dma_start3A_11 : memref<16384xi32, #tpu.memory_space<hbm>>) target(%arg5 : memref<16384xi32, #tpu.memory_space<vmem>>) target_semaphore(%arg6 : memref<!tpu.dma_semaphore, #tpu.memory_space<semaphore_mem>>)
    %broadcast_in_dim3A = arith.constant 0.000000e+00 : f32
    %broadcast_in_dim3A_12 = vector.broadcast %broadcast_in_dim3A : f32 to vector<16xf32>
    %broadcast_in_dim3A_13 = arith.constant 1.000000e+00 : f32
    %broadcast_in_dim3A_14 = vector.broadcast %broadcast_in_dim3A_13 : f32 to vector<16xf32>
    %broadcast_in_dim3A_15 = arith.constant 0.000000e+00 : f32
    %broadcast_in_dim3A_16 = vector.broadcast %broadcast_in_dim3A_15 : f32 to vector<16xf32>
    %iota3A = tpu.iota {dimensions = array<i32: 0>} : vector<16xi32>
    %scan3A = arith.constant 0 : i32
    %scan3A_17 = arith.constant 0 : i32
    %scan3A_18 = arith.constant 100 : i32
    %scan3A_19 = arith.addi %scan3A_17, %scan3A_18 : i32
    %scan3A_20 = arith.constant 1 : i32
    scf.for %scan3A_1273 = %scan3A_17 to %scan3A_19 step %scan3A_20  : i32 {
      %swap3A = arith.constant 0 : i32
      %swap3A_1274 = arith.index_cast %swap3A : i32 to index
      %swap3A_1275 = arith.index_cast %scan3A_1273 : i32 to index
      %swap3A_1276 = arith.constant 0 : index
      %swap3A_1277 = tpu.vector_load %arg4[%swap3A_1274, %swap3A_1275, %swap3A_1276] {strides = array<i32>} : memref<4x100x256xf32, #tpu.memory_space<vmem>>, vector<16xf32>,
      tpu.vector_store %arg4[%swap3A_1274, %swap3A_1275, %swap3A_1276], %broadcast_in_dim3A_12 {strides = array<i32>} : memref<4x100x256xf32, #tpu.memory_space<vmem>>, vector<16xf32>,
      %swap3A_1278 = arith.constant 0 : i32
      %swap3A_1279 = arith.index_cast %swap3A_1278 : i32 to index
      %swap3A_1280 = arith.index_cast %scan3A_1273 : i32 to index
      %swap3A_1281 = arith.constant 16 : index
      %swap3A_1282 = tpu.vector_load %arg4[%swap3A_1279, %swap3A_1280, %swap3A_1281] {strides = array<i32>} : memref<4x100x256xf32, #tpu.memory_space<vmem>>, vector<16xf32>,
      tpu.vector_store %arg4[%swap3A_1279, %swap3A_1280, %swap3A_1281], %broadcast_in_dim3A_12 {strides = array<i32>} : memref<4x100x256xf32, #tpu.memory_space<vmem>>, vector<16xf32>,
      %swap3A_1283 = arith.constant 0 : i32
      %swap3A_1284 = arith.index_cast %swap3A_1283 : i32 to index
      %swap3A_1285 = arith.index_cast %scan3A_1273 : i32 to index
      %swap3A_1286 = arith.constant 32 : index
      %swap3A_1287 = tpu.vector_load %arg4[%swap3A_1284, %swap3A_1285, %swap3A_1286] {strides = array<i32>} : memref<4x100x256xf32, #tpu.memory_space<vmem>>, vector<16xf32>,
      tpu.vector_store %arg4[%swap3A_1284, %swap3A_1285, %swap3A_1286], %broadcast_in_dim3A_12 {strides = array<i32>} : memref<4x100x256xf32, #tpu.memory_space<vmem>>, vector<16xf32>,
      %swap3A_1288 = arith.constant 0 : i32
      %swap3A_1289 = arith.index_cast %swap3A_1288 : i32 to index
      %swap3A_1290 = arith.index_cast %scan3A_1273 : i32 to index
      %swap3A_1291 = arith.constant 48 : index
      %swap3A_1292 = tpu.vector_load %arg4[%swap3A_1289, %swap3A_1290, %swap3A_1291] {strides = array<i32>} : memref<4x100x256xf32, #tpu.memory_space<vmem>>, vector<16xf32>,
      tpu.vector_store %arg4[%swap3A_1289, %swap3A_1290, %swap3A_1291], %broadcast_in_dim3A_12 {strides = array<i32>} : memref<4x100x256xf32, #tpu.memory_space<vmem>>, vector<16xf32>,
      %swap3A_1293 = arith.constant 0 : i32
      %swap3A_1294 = arith.index_cast %swap3A_1293 : i32 to index
      %swap3A_1295 = arith.index_cast %scan3A_1273 : i32 to index
      %swap3A_1296 = arith.constant 64 : index
      %swap3A_1297 = tpu.vector_load %arg4[%swap3A_1294, %swap3A_1295, %swap3A_1296] {strides = array<i32>} : memref<4x100x256xf32, #tpu.memory_space<vmem>>, vector<16xf32>,
      tpu.vector_store %arg4[%swap3A_1294, %swap3A_1295, %swap3A_1296], %broadcast_in_dim3A_12 {strides = array<i32>} : memref<4x100x256xf32, #tpu.memory_space<vmem>>, vector<16xf32>,
      %swap3A_1298 = arith.constant 0 : i32
      %swap3A_1299 = arith.index_cast %swap3A_1298 : i32 to index
      %swap3A_1300 = arith.index_cast %scan3A_1273 : i32 to index
      %swap3A_1301 = arith.constant 80 : index
      %swap3A_1302 = tpu.vector_load %arg4[%swap3A_1299, %swap3A_1300, %swap3A_1301] {strides = array<i32>} : memref<4x100x256xf32, #tpu.memory_space<vmem>>, vector<16xf32>,
      tpu.vector_store %arg4[%swap3A_1299, %swap3A_1300, %swap3A_1301], %broadcast_in_dim3A_12 {strides = array<i32>} : memref<4x100x256xf32, #tpu.memory_space<vmem>>, vector<16xf32>,
      %swap3A_1303 = arith.constant 0 : i32
      %swap3A_1304 = arith.index_cast %swap3A_1303 : i32 to index
      %swap3A_1305 = arith.index_cast %scan3A_1273 : i32 to index
      %swap3A_1306 = arith.constant 96 : index
      %swap3A_1307 = tpu.vector_load %arg4[%swap3A_1304, %swap3A_1305, %swap3A_1306] {strides = array<i32>} : memref<4x100x256xf32, #tpu.memory_space<vmem>>, vector<16xf32>,
      tpu.vector_store %arg4[%swap3A_1304, %swap3A_1305, %swap3A_1306], %broadcast_in_dim3A_12 {strides = array<i32>} : memref<4x100x256xf32, #tpu.memory_space<vmem>>, vector<16xf32>,
      %swap3A_1308 = arith.constant 0 : i32
      %swap3A_1309 = arith.index_cast %swap3A_1308 : i32 to index
      %swap3A_1310 = arith.index_cast %scan3A_1273 : i32 to index
      %swap3A_1311 = arith.constant 112 : index
      %swap3A_1312 = tpu.vector_load %arg4[%swap3A_1309, %swap3A_1310, %swap3A_1311] {strides = array<i32>} : memref<4x100x256xf32, #tpu.memory_space<vmem>>, vector<16xf32>,
      tpu.vector_store %arg4[%swap3A_1309, %swap3A_1310, %swap3A_1311], %broadcast_in_dim3A_12 {strides = array<i32>} : memref<4x100x256xf32, #tpu.memory_space<vmem>>, vector<16xf32>,
      %swap3A_1313 = arith.constant 0 : i32
      %swap3A_1314 = arith.index_cast %swap3A_1313 : i32 to index
      %swap3A_1315 = arith.index_cast %scan3A_1273 : i32 to index
      %swap3A_1316 = arith.constant 128 : index
      %swap3A_1317 = tpu.vector_load %arg4[%swap3A_1314, %swap3A_1315, %swap3A_1316] {strides = array<i32>} : memref<4x100x256xf32, #tpu.memory_space<vmem>>, vector<16xf32>,
      tpu.vector_store %arg4[%swap3A_1314, %swap3A_1315, %swap3A_1316], %broadcast_in_dim3A_12 {strides = array<i32>} : memref<4x100x256xf32, #tpu.memory_space<vmem>>, vector<16xf32>,
      %swap3A_1318 = arith.constant 0 : i32
      %swap3A_1319 = arith.index_cast %swap3A_1318 : i32 to index
      %swap3A_1320 = arith.index_cast %scan3A_1273 : i32 to index
      %swap3A_1321 = arith.constant 144 : index
      %swap3A_1322 = tpu.vector_load %arg4[%swap3A_1319, %swap3A_1320, %swap3A_1321] {strides = array<i32>} : memref<4x100x256xf32, #tpu.memory_space<vmem>>, vector<16xf32>,
      tpu.vector_store %arg4[%swap3A_1319, %swap3A_1320, %swap3A_1321], %broadcast_in_dim3A_12 {strides = array<i32>} : memref<4x100x256xf32, #tpu.memory_space<vmem>>, vector<16xf32>,
      %swap3A_1323 = arith.constant 0 : i32
      %swap3A_1324 = arith.index_cast %swap3A_1323 : i32 to index
      %swap3A_1325 = arith.index_cast %scan3A_1273 : i32 to index
      %swap3A_1326 = arith.constant 160 : index
      %swap3A_1327 = tpu.vector_load %arg4[%swap3A_1324, %swap3A_1325, %swap3A_1326] {strides = array<i32>} : memref<4x100x256xf32, #tpu.memory_space<vmem>>, vector<16xf32>,
      tpu.vector_store %arg4[%swap3A_1324, %swap3A_1325, %swap3A_1326], %broadcast_in_dim3A_12 {strides = array<i32>} : memref<4x100x256xf32, #tpu.memory_space<vmem>>, vector<16xf32>,
      %swap3A_1328 = arith.constant 0 : i32
      %swap3A_1329 = arith.index_cast %swap3A_1328 : i32 to index
      %swap3A_1330 = arith.index_cast %scan3A_1273 : i32 to index
      %swap3A_1331 = arith.constant 176 : index
      %swap3A_1332 = tpu.vector_load %arg4[%swap3A_1329, %swap3A_1330, %swap3A_1331] {strides = array<i32>} : memref<4x100x256xf32, #tpu.memory_space<vmem>>, vector<16xf32>,
      tpu.vector_store %arg4[%swap3A_1329, %swap3A_1330, %swap3A_1331], %broadcast_in_dim3A_12 {strides = array<i32>} : memref<4x100x256xf32, #tpu.memory_space<vmem>>, vector<16xf32>,
      %swap3A_1333 = arith.constant 0 : i32
      %swap3A_1334 = arith.index_cast %swap3A_1333 : i32 to index
      %swap3A_1335 = arith.index_cast %scan3A_1273 : i32 to index
      %swap3A_1336 = arith.constant 192 : index
      %swap3A_1337 = tpu.vector_load %arg4[%swap3A_1334, %swap3A_1335, %swap3A_1336] {strides = array<i32>} : memref<4x100x256xf32, #tpu.memory_space<vmem>>, vector<16xf32>,
      tpu.vector_store %arg4[%swap3A_1334, %swap3A_1335, %swap3A_1336], %broadcast_in_dim3A_12 {strides = array<i32>} : memref<4x100x256xf32, #tpu.memory_space<vmem>>, vector<16xf32>,
      %swap3A_1338 = arith.constant 0 : i32
      %swap3A_1339 = arith.index_cast %swap3A_1338 : i32 to index
      %swap3A_1340 = arith.index_cast %scan3A_1273 : i32 to index
      %swap3A_1341 = arith.constant 208 : index
      %swap3A_1342 = tpu.vector_load %arg4[%swap3A_1339, %swap3A_1340, %swap3A_1341] {strides = array<i32>} : memref<4x100x256xf32, #tpu.memory_space<vmem>>, vector<16xf32>,
      tpu.vector_store %arg4[%swap3A_1339, %swap3A_1340, %swap3A_1341], %broadcast_in_dim3A_12 {strides = array<i32>} : memref<4x100x256xf32, #tpu.memory_space<vmem>>, vector<16xf32>,
      %swap3A_1343 = arith.constant 0 : i32
      %swap3A_1344 = arith.index_cast %swap3A_1343 : i32 to index
      %swap3A_1345 = arith.index_cast %scan3A_1273 : i32 to index
      %swap3A_1346 = arith.constant 224 : index
      %swap3A_1347 = tpu.vector_load %arg4[%swap3A_1344, %swap3A_1345, %swap3A_1346] {strides = array<i32>} : memref<4x100x256xf32, #tpu.memory_space<vmem>>, vector<16xf32>,
      tpu.vector_store %arg4[%swap3A_1344, %swap3A_1345, %swap3A_1346], %broadcast_in_dim3A_12 {strides = array<i32>} : memref<4x100x256xf32, #tpu.memory_space<vmem>>, vector<16xf32>,
      %swap3A_1348 = arith.constant 0 : i32
      %swap3A_1349 = arith.index_cast %swap3A_1348 : i32 to index
      %swap3A_1350 = arith.index_cast %scan3A_1273 : i32 to index
      %swap3A_1351 = arith.constant 240 : index
      %swap3A_1352 = tpu.vector_load %arg4[%swap3A_1349, %swap3A_1350, %swap3A_1351] {strides = array<i32>} : memref<4x100x256xf32, #tpu.memory_space<vmem>>, vector<16xf32>,
      tpu.vector_store %arg4[%swap3A_1349, %swap3A_1350, %swap3A_1351], %broadcast_in_dim3A_12 {strides = array<i32>} : memref<4x100x256xf32, #tpu.memory_space<vmem>>, vector<16xf32>,
    }
    %scan3A_21 = arith.constant 100 : i32
    %dma_wait3A = tpu.memref_slice %arg2[%min3A_10] : memref<500000xi32, #tpu.memory_space<hbm>> -> memref<16384xi32, #tpu.memory_space<hbm>>
    %dma_wait3A_22 = tpu.memref_slice %arg2[%min3A_10] : memref<500000xi32, #tpu.memory_space<hbm>> -> memref<16384xi32, #tpu.memory_space<hbm>>
    tpu.wait_dma2 semaphore(%arg6 : memref<!tpu.dma_semaphore, #tpu.memory_space<semaphore_mem>>) src(%dma_wait3A_22 : memref<16384xi32, #tpu.memory_space<hbm>>) dst(%arg5 : memref<16384xi32, #tpu.memory_space<vmem>>)
    %add3A_23 = arith.constant 0 : i32
    %add3A_24 = arith.addi %sub3A, %add3A_23 : i32
    %add3A_25 = arith.constant 0 : i32
    %add3A_26 = arith.addi %add3A_24, %add3A_25 : i32
    %get3A = arith.index_cast %add3A_26 : i32 to index
    %get3A_27 = tpu.vector_load %arg5[%get3A] {strides = array<i32>} : memref<16384xi32, #tpu.memory_space<vmem>>, vector<16xi32>,
    %lt3A_28 = arith.constant 0 : i32
    %lt3A_29 = vector.broadcast %lt3A_28 : i32 to vector<16xi32>
    %lt3A_30 = arith.cmpi slt, %get3A_27, %lt3A_29 : vector<16xi32>
    %jit3A_31 = arith.constant 55 : i32
    %broadcast_in_dim3A_32 = vector.broadcast %jit3A_31 : i32 to vector<16xi32>
    %select_n3A_33 = arith.select %lt3A_30, %broadcast_in_dim3A_32, %get3A_27 : vector<16xi1>, vector<16xi32>
    %add3A_34 = arith.constant 0 : i32
    %add3A_35 = vector.broadcast %add3A_34 : i32 to vector<16xi32>
    %add3A_36 = arith.addi %add3A_35, %iota3A : vector<16xi32>
    %scatter3A = arith.constant 0 : i32
    %scatter3A_37 = arith.constant 0 : i32
    %scatter3A_38 = arith.constant 0 : i32
    %scatter3A_39 = tpu.memref_slice %arg4[%scatter3A, %scatter3A_37, %scatter3A_38] : memref<4x100x256xf32, #tpu.memory_space<vmem>> -> memref<1x100x256xf32, #tpu.memory_space<vmem>>
    %scatter3A_40 = tpu.memref_squeeze %scatter3A_39 : memref<1x100x256xf32, #tpu.memory_space<vmem>> -> memref<100x256xf32, #tpu.memory_space<vmem>>
    tpu.vector_store_idx %scatter3A_40[%select_n3A_33, %add3A_36], %broadcast_in_dim3A_14 : memref<100x256xf32, #tpu.memory_space<vmem>>[vector<16xi32>, vector<16xi32>], vector<16xf32>,
    %add3A_41 = arith.constant 16 : i32
    %add3A_42 = arith.addi %add3A_24, %add3A_41 : i32
    %get3A_43 = arith.index_cast %add3A_42 : i32 to index
    %get3A_44 = tpu.vector_load %arg5[%get3A_43] {strides = array<i32>} : memref<16384xi32, #tpu.memory_space<vmem>>, vector<16xi32>,
    %lt3A_45 = arith.constant 0 : i32
    %lt3A_46 = vector.broadcast %lt3A_45 : i32 to vector<16xi32>
    %lt3A_47 = arith.cmpi slt, %get3A_44, %lt3A_46 : vector<16xi32>
    %jit3A_48 = arith.constant 55 : i32
    %broadcast_in_dim3A_49 = vector.broadcast %jit3A_48 : i32 to vector<16xi32>
    %select_n3A_50 = arith.select %lt3A_47, %broadcast_in_dim3A_49, %get3A_44 : vector<16xi1>, vector<16xi32>
    %add3A_51 = arith.constant 16 : i32
    %add3A_52 = vector.broadcast %add3A_51 : i32 to vector<16xi32>
    %add3A_53 = arith.addi %add3A_52, %iota3A : vector<16xi32>
    %scatter3A_54 = arith.constant 0 : i32
    %scatter3A_55 = arith.constant 0 : i32
    %scatter3A_56 = arith.constant 0 : i32
    %scatter3A_57 = tpu.memref_slice %arg4[%scatter3A_54, %scatter3A_55, %scatter3A_56] : memref<4x100x256xf32, #tpu.memory_space<vmem>> -> memref<1x100x256xf32, #tpu.memory_space<vmem>>
    %scatter3A_58 = tpu.memref_squeeze %scatter3A_57 : memref<1x100x256xf32, #tpu.memory_space<vmem>> -> memref<100x256xf32, #tpu.memory_space<vmem>>
    tpu.vector_store_idx %scatter3A_58[%select_n3A_50, %add3A_53], %broadcast_in_dim3A_14 : memref<100x256xf32, #tpu.memory_space<vmem>>[vector<16xi32>, vector<16xi32>], vector<16xf32>,
    %add3A_59 = arith.constant 32 : i32
    %add3A_60 = arith.addi %add3A_24, %add3A_59 : i32
    %get3A_61 = arith.index_cast %add3A_60 : i32 to index
    %get3A_62 = tpu.vector_load %arg5[%get3A_61] {strides = array<i32>} : memref<16384xi32, #tpu.memory_space<vmem>>, vector<16xi32>,
    %lt3A_63 = arith.constant 0 : i32
    %lt3A_64 = vector.broadcast %lt3A_63 : i32 to vector<16xi32>
    %lt3A_65 = arith.cmpi slt, %get3A_62, %lt3A_64 : vector<16xi32>
    %jit3A_66 = arith.constant 55 : i32
    %broadcast_in_dim3A_67 = vector.broadcast %jit3A_66 : i32 to vector<16xi32>
    %select_n3A_68 = arith.select %lt3A_65, %broadcast_in_dim3A_67, %get3A_62 : vector<16xi1>, vector<16xi32>
    %add3A_69 = arith.constant 32 : i32
    %add3A_70 = vector.broadcast %add3A_69 : i32 to vector<16xi32>
    %add3A_71 = arith.addi %add3A_70, %iota3A : vector<16xi32>
    %scatter3A_72 = arith.constant 0 : i32
    %scatter3A_73 = arith.constant 0 : i32
    %scatter3A_74 = arith.constant 0 : i32
    %scatter3A_75 = tpu.memref_slice %arg4[%scatter3A_72, %scatter3A_73, %scatter3A_74] : memref<4x100x256xf32, #tpu.memory_space<vmem>> -> memref<1x100x256xf32, #tpu.memory_space<vmem>>
    %scatter3A_76 = tpu.memref_squeeze %scatter3A_75 : memref<1x100x256xf32, #tpu.memory_space<vmem>> -> memref<100x256xf32, #tpu.memory_space<vmem>>
    tpu.vector_store_idx %scatter3A_76[%select_n3A_68, %add3A_71], %broadcast_in_dim3A_14 : memref<100x256xf32, #tpu.memory_space<vmem>>[vector<16xi32>, vector<16xi32>], vector<16xf32>,
    %add3A_77 = arith.constant 48 : i32
    %add3A_78 = arith.addi %add3A_24, %add3A_77 : i32
    %get3A_79 = arith.index_cast %add3A_78 : i32 to index
    %get3A_80 = tpu.vector_load %arg5[%get3A_79] {strides = array<i32>} : memref<16384xi32, #tpu.memory_space<vmem>>, vector<16xi32>,
    %lt3A_81 = arith.constant 0 : i32
    %lt3A_82 = vector.broadcast %lt3A_81 : i32 to vector<16xi32>
    %lt3A_83 = arith.cmpi slt, %get3A_80, %lt3A_82 : vector<16xi32>
    %jit3A_84 = arith.constant 55 : i32
    %broadcast_in_dim3A_85 = vector.broadcast %jit3A_84 : i32 to vector<16xi32>
    %select_n3A_86 = arith.select %lt3A_83, %broadcast_in_dim3A_85, %get3A_80 : vector<16xi1>, vector<16xi32>
    %add3A_87 = arith.constant 48 : i32
    %add3A_88 = vector.broadcast %add3A_87 : i32 to vector<16xi32>
    %add3A_89 = arith.addi %add3A_88, %iota3A : vector<16xi32>
    %scatter3A_90 = arith.constant 0 : i32
    %scatter3A_91 = arith.constant 0 : i32
    %scatter3A_92 = arith.constant 0 : i32
    %scatter3A_93 = tpu.memref_slice %arg4[%scatter3A_90, %scatter3A_91, %scatter3A_92] : memref<4x100x256xf32, #tpu.memory_space<vmem>> -> memref<1x100x256xf32, #tpu.memory_space<vmem>>
    %scatter3A_94 = tpu.memref_squeeze %scatter3A_93 : memref<1x100x256xf32, #tpu.memory_space<vmem>> -> memref<100x256xf32, #tpu.memory_space<vmem>>
    tpu.vector_store_idx %scatter3A_94[%select_n3A_86, %add3A_89], %broadcast_in_dim3A_14 : memref<100x256xf32, #tpu.memory_space<vmem>>[vector<16xi32>, vector<16xi32>], vector<16xf32>,
    %add3A_95 = arith.constant 64 : i32
    %add3A_96 = arith.addi %add3A_24, %add3A_95 : i32
    %get3A_97 = arith.index_cast %add3A_96 : i32 to index
    %get3A_98 = tpu.vector_load %arg5[%get3A_97] {strides = array<i32>} : memref<16384xi32, #tpu.memory_space<vmem>>, vector<16xi32>,
    %lt3A_99 = arith.constant 0 : i32
    %lt3A_100 = vector.broadcast %lt3A_99 : i32 to vector<16xi32>
    %lt3A_101 = arith.cmpi slt, %get3A_98, %lt3A_100 : vector<16xi32>
    %jit3A_102 = arith.constant 55 : i32
    %broadcast_in_dim3A_103 = vector.broadcast %jit3A_102 : i32 to vector<16xi32>
    %select_n3A_104 = arith.select %lt3A_101, %broadcast_in_dim3A_103, %get3A_98 : vector<16xi1>, vector<16xi32>
    %add3A_105 = arith.constant 64 : i32
    %add3A_106 = vector.broadcast %add3A_105 : i32 to vector<16xi32>
    %add3A_107 = arith.addi %add3A_106, %iota3A : vector<16xi32>
    %scatter3A_108 = arith.constant 0 : i32
    %scatter3A_109 = arith.constant 0 : i32
    %scatter3A_110 = arith.constant 0 : i32
    %scatter3A_111 = tpu.memref_slice %arg4[%scatter3A_108, %scatter3A_109, %scatter3A_110] : memref<4x100x256xf32, #tpu.memory_space<vmem>> -> memref<1x100x256xf32, #tpu.memory_space<vmem>>
    %scatter3A_112 = tpu.memref_squeeze %scatter3A_111 : memref<1x100x256xf32, #tpu.memory_space<vmem>> -> memref<100x256xf32, #tpu.memory_space<vmem>>
    tpu.vector_store_idx %scatter3A_112[%select_n3A_104, %add3A_107], %broadcast_in_dim3A_14 : memref<100x256xf32, #tpu.memory_space<vmem>>[vector<16xi32>, vector<16xi32>], vector<16xf32>,
    %add3A_113 = arith.constant 80 : i32
    %add3A_114 = arith.addi %add3A_24, %add3A_113 : i32
    %get3A_115 = arith.index_cast %add3A_114 : i32 to index
    %get3A_116 = tpu.vector_load %arg5[%get3A_115] {strides = array<i32>} : memref<16384xi32, #tpu.memory_space<vmem>>, vector<16xi32>,
    %lt3A_117 = arith.constant 0 : i32
    %lt3A_118 = vector.broadcast %lt3A_117 : i32 to vector<16xi32>
    %lt3A_119 = arith.cmpi slt, %get3A_116, %lt3A_118 : vector<16xi32>
    %jit3A_120 = arith.constant 55 : i32
    %broadcast_in_dim3A_121 = vector.broadcast %jit3A_120 : i32 to vector<16xi32>
    %select_n3A_122 = arith.select %lt3A_119, %broadcast_in_dim3A_121, %get3A_116 : vector<16xi1>, vector<16xi32>
    %add3A_123 = arith.constant 80 : i32
    %add3A_124 = vector.broadcast %add3A_123 : i32 to vector<16xi32>
    %add3A_125 = arith.addi %add3A_124, %iota3A : vector<16xi32>
    %scatter3A_126 = arith.constant 0 : i32
    %scatter3A_127 = arith.constant 0 : i32
    %scatter3A_128 = arith.constant 0 : i32
    %scatter3A_129 = tpu.memref_slice %arg4[%scatter3A_126, %scatter3A_127, %scatter3A_128] : memref<4x100x256xf32, #tpu.memory_space<vmem>> -> memref<1x100x256xf32, #tpu.memory_space<vmem>>
    %scatter3A_130 = tpu.memref_squeeze %scatter3A_129 : memref<1x100x256xf32, #tpu.memory_space<vmem>> -> memref<100x256xf32, #tpu.memory_space<vmem>>
    tpu.vector_store_idx %scatter3A_130[%select_n3A_122, %add3A_125], %broadcast_in_dim3A_14 : memref<100x256xf32, #tpu.memory_space<vmem>>[vector<16xi32>, vector<16xi32>], vector<16xf32>,
    %add3A_131 = arith.constant 96 : i32
    %add3A_132 = arith.addi %add3A_24, %add3A_131 : i32
    %get3A_133 = arith.index_cast %add3A_132 : i32 to index
    %get3A_134 = tpu.vector_load %arg5[%get3A_133] {strides = array<i32>} : memref<16384xi32, #tpu.memory_space<vmem>>, vector<16xi32>,
    %lt3A_135 = arith.constant 0 : i32
    %lt3A_136 = vector.broadcast %lt3A_135 : i32 to vector<16xi32>
    %lt3A_137 = arith.cmpi slt, %get3A_134, %lt3A_136 : vector<16xi32>
    %jit3A_138 = arith.constant 55 : i32
    %broadcast_in_dim3A_139 = vector.broadcast %jit3A_138 : i32 to vector<16xi32>
    %select_n3A_140 = arith.select %lt3A_137, %broadcast_in_dim3A_139, %get3A_134 : vector<16xi1>, vector<16xi32>
    %add3A_141 = arith.constant 96 : i32
    %add3A_142 = vector.broadcast %add3A_141 : i32 to vector<16xi32>
    %add3A_143 = arith.addi %add3A_142, %iota3A : vector<16xi32>
    %scatter3A_144 = arith.constant 0 : i32
    %scatter3A_145 = arith.constant 0 : i32
    %scatter3A_146 = arith.constant 0 : i32
    %scatter3A_147 = tpu.memref_slice %arg4[%scatter3A_144, %scatter3A_145, %scatter3A_146] : memref<4x100x256xf32, #tpu.memory_space<vmem>> -> memref<1x100x256xf32, #tpu.memory_space<vmem>>
    %scatter3A_148 = tpu.memref_squeeze %scatter3A_147 : memref<1x100x256xf32, #tpu.memory_space<vmem>> -> memref<100x256xf32, #tpu.memory_space<vmem>>
    tpu.vector_store_idx %scatter3A_148[%select_n3A_140, %add3A_143], %broadcast_in_dim3A_14 : memref<100x256xf32, #tpu.memory_space<vmem>>[vector<16xi32>, vector<16xi32>], vector<16xf32>,
    %add3A_149 = arith.constant 112 : i32
    %add3A_150 = arith.addi %add3A_24, %add3A_149 : i32
    %get3A_151 = arith.index_cast %add3A_150 : i32 to index
    %get3A_152 = tpu.vector_load %arg5[%get3A_151] {strides = array<i32>} : memref<16384xi32, #tpu.memory_space<vmem>>, vector<16xi32>,
    %lt3A_153 = arith.constant 0 : i32
    %lt3A_154 = vector.broadcast %lt3A_153 : i32 to vector<16xi32>
    %lt3A_155 = arith.cmpi slt, %get3A_152, %lt3A_154 : vector<16xi32>
    %jit3A_156 = arith.constant 55 : i32
    %broadcast_in_dim3A_157 = vector.broadcast %jit3A_156 : i32 to vector<16xi32>
    %select_n3A_158 = arith.select %lt3A_155, %broadcast_in_dim3A_157, %get3A_152 : vector<16xi1>, vector<16xi32>
    %add3A_159 = arith.constant 112 : i32
    %add3A_160 = vector.broadcast %add3A_159 : i32 to vector<16xi32>
    %add3A_161 = arith.addi %add3A_160, %iota3A : vector<16xi32>
    %scatter3A_162 = arith.constant 0 : i32
    %scatter3A_163 = arith.constant 0 : i32
    %scatter3A_164 = arith.constant 0 : i32
    %scatter3A_165 = tpu.memref_slice %arg4[%scatter3A_162, %scatter3A_163, %scatter3A_164] : memref<4x100x256xf32, #tpu.memory_space<vmem>> -> memref<1x100x256xf32, #tpu.memory_space<vmem>>
    %scatter3A_166 = tpu.memref_squeeze %scatter3A_165 : memref<1x100x256xf32, #tpu.memory_space<vmem>> -> memref<100x256xf32, #tpu.memory_space<vmem>>
    tpu.vector_store_idx %scatter3A_166[%select_n3A_158, %add3A_161], %broadcast_in_dim3A_14 : memref<100x256xf32, #tpu.memory_space<vmem>>[vector<16xi32>, vector<16xi32>], vector<16xf32>,
    %add3A_167 = arith.constant 128 : i32
    %add3A_168 = arith.addi %add3A_24, %add3A_167 : i32
    %get3A_169 = arith.index_cast %add3A_168 : i32 to index
    %get3A_170 = tpu.vector_load %arg5[%get3A_169] {strides = array<i32>} : memref<16384xi32, #tpu.memory_space<vmem>>, vector<16xi32>,
    %lt3A_171 = arith.constant 0 : i32
    %lt3A_172 = vector.broadcast %lt3A_171 : i32 to vector<16xi32>
    %lt3A_173 = arith.cmpi slt, %get3A_170, %lt3A_172 : vector<16xi32>
    %jit3A_174 = arith.constant 55 : i32
    %broadcast_in_dim3A_175 = vector.broadcast %jit3A_174 : i32 to vector<16xi32>
    %select_n3A_176 = arith.select %lt3A_173, %broadcast_in_dim3A_175, %get3A_170 : vector<16xi1>, vector<16xi32>
    %add3A_177 = arith.constant 128 : i32
    %add3A_178 = vector.broadcast %add3A_177 : i32 to vector<16xi32>
    %add3A_179 = arith.addi %add3A_178, %iota3A : vector<16xi32>
    %scatter3A_180 = arith.constant 0 : i32
    %scatter3A_181 = arith.constant 0 : i32
    %scatter3A_182 = arith.constant 0 : i32
    %scatter3A_183 = tpu.memref_slice %arg4[%scatter3A_180, %scatter3A_181, %scatter3A_182] : memref<4x100x256xf32, #tpu.memory_space<vmem>> -> memref<1x100x256xf32, #tpu.memory_space<vmem>>
    %scatter3A_184 = tpu.memref_squeeze %scatter3A_183 : memref<1x100x256xf32, #tpu.memory_space<vmem>> -> memref<100x256xf32, #tpu.memory_space<vmem>>
    tpu.vector_store_idx %scatter3A_184[%select_n3A_176, %add3A_179], %broadcast_in_dim3A_14 : memref<100x256xf32, #tpu.memory_space<vmem>>[vector<16xi32>, vector<16xi32>], vector<16xf32>,
    %add3A_185 = arith.constant 144 : i32
    %add3A_186 = arith.addi %add3A_24, %add3A_185 : i32
    %get3A_187 = arith.index_cast %add3A_186 : i32 to index
    %get3A_188 = tpu.vector_load %arg5[%get3A_187] {strides = array<i32>} : memref<16384xi32, #tpu.memory_space<vmem>>, vector<16xi32>,
    %lt3A_189 = arith.constant 0 : i32
    %lt3A_190 = vector.broadcast %lt3A_189 : i32 to vector<16xi32>
    %lt3A_191 = arith.cmpi slt, %get3A_188, %lt3A_190 : vector<16xi32>
    %jit3A_192 = arith.constant 55 : i32
    %broadcast_in_dim3A_193 = vector.broadcast %jit3A_192 : i32 to vector<16xi32>
    %select_n3A_194 = arith.select %lt3A_191, %broadcast_in_dim3A_193, %get3A_188 : vector<16xi1>, vector<16xi32>
    %add3A_195 = arith.constant 144 : i32
    %add3A_196 = vector.broadcast %add3A_195 : i32 to vector<16xi32>
    %add3A_197 = arith.addi %add3A_196, %iota3A : vector<16xi32>
    %scatter3A_198 = arith.constant 0 : i32
    %scatter3A_199 = arith.constant 0 : i32
    %scatter3A_200 = arith.constant 0 : i32
    %scatter3A_201 = tpu.memref_slice %arg4[%scatter3A_198, %scatter3A_199, %scatter3A_200] : memref<4x100x256xf32, #tpu.memory_space<vmem>> -> memref<1x100x256xf32, #tpu.memory_space<vmem>>
    %scatter3A_202 = tpu.memref_squeeze %scatter3A_201 : memref<1x100x256xf32, #tpu.memory_space<vmem>> -> memref<100x256xf32, #tpu.memory_space<vmem>>
    tpu.vector_store_idx %scatter3A_202[%select_n3A_194, %add3A_197], %broadcast_in_dim3A_14 : memref<100x256xf32, #tpu.memory_space<vmem>>[vector<16xi32>, vector<16xi32>], vector<16xf32>,
    %add3A_203 = arith.constant 160 : i32
    %add3A_204 = arith.addi %add3A_24, %add3A_203 : i32
    %get3A_205 = arith.index_cast %add3A_204 : i32 to index
    %get3A_206 = tpu.vector_load %arg5[%get3A_205] {strides = array<i32>} : memref<16384xi32, #tpu.memory_space<vmem>>, vector<16xi32>,
    %lt3A_207 = arith.constant 0 : i32
    %lt3A_208 = vector.broadcast %lt3A_207 : i32 to vector<16xi32>
    %lt3A_209 = arith.cmpi slt, %get3A_206, %lt3A_208 : vector<16xi32>
    %jit3A_210 = arith.constant 55 : i32
    %broadcast_in_dim3A_211 = vector.broadcast %jit3A_210 : i32 to vector<16xi32>
    %select_n3A_212 = arith.select %lt3A_209, %broadcast_in_dim3A_211, %get3A_206 : vector<16xi1>, vector<16xi32>
    %add3A_213 = arith.constant 160 : i32
    %add3A_214 = vector.broadcast %add3A_213 : i32 to vector<16xi32>
    %add3A_215 = arith.addi %add3A_214, %iota3A : vector<16xi32>
    %scatter3A_216 = arith.constant 0 : i32
    %scatter3A_217 = arith.constant 0 : i32
    %scatter3A_218 = arith.constant 0 : i32
    %scatter3A_219 = tpu.memref_slice %arg4[%scatter3A_216, %scatter3A_217, %scatter3A_218] : memref<4x100x256xf32, #tpu.memory_space<vmem>> -> memref<1x100x256xf32, #tpu.memory_space<vmem>>
    %scatter3A_220 = tpu.memref_squeeze %scatter3A_219 : memref<1x100x256xf32, #tpu.memory_space<vmem>> -> memref<100x256xf32, #tpu.memory_space<vmem>>
    tpu.vector_store_idx %scatter3A_220[%select_n3A_212, %add3A_215], %broadcast_in_dim3A_14 : memref<100x256xf32, #tpu.memory_space<vmem>>[vector<16xi32>, vector<16xi32>], vector<16xf32>,
    %add3A_221 = arith.constant 176 : i32
    %add3A_222 = arith.addi %add3A_24, %add3A_221 : i32
    %get3A_223 = arith.index_cast %add3A_222 : i32 to index
    %get3A_224 = tpu.vector_load %arg5[%get3A_223] {strides = array<i32>} : memref<16384xi32, #tpu.memory_space<vmem>>, vector<16xi32>,
    %lt3A_225 = arith.constant 0 : i32
    %lt3A_226 = vector.broadcast %lt3A_225 : i32 to vector<16xi32>
    %lt3A_227 = arith.cmpi slt, %get3A_224, %lt3A_226 : vector<16xi32>
    %jit3A_228 = arith.constant 55 : i32
    %broadcast_in_dim3A_229 = vector.broadcast %jit3A_228 : i32 to vector<16xi32>
    %select_n3A_230 = arith.select %lt3A_227, %broadcast_in_dim3A_229, %get3A_224 : vector<16xi1>, vector<16xi32>
    %add3A_231 = arith.constant 176 : i32
    %add3A_232 = vector.broadcast %add3A_231 : i32 to vector<16xi32>
    %add3A_233 = arith.addi %add3A_232, %iota3A : vector<16xi32>
    %scatter3A_234 = arith.constant 0 : i32
    %scatter3A_235 = arith.constant 0 : i32
    %scatter3A_236 = arith.constant 0 : i32
    %scatter3A_237 = tpu.memref_slice %arg4[%scatter3A_234, %scatter3A_235, %scatter3A_236] : memref<4x100x256xf32, #tpu.memory_space<vmem>> -> memref<1x100x256xf32, #tpu.memory_space<vmem>>
    %scatter3A_238 = tpu.memref_squeeze %scatter3A_237 : memref<1x100x256xf32, #tpu.memory_space<vmem>> -> memref<100x256xf32, #tpu.memory_space<vmem>>
    tpu.vector_store_idx %scatter3A_238[%select_n3A_230, %add3A_233], %broadcast_in_dim3A_14 : memref<100x256xf32, #tpu.memory_space<vmem>>[vector<16xi32>, vector<16xi32>], vector<16xf32>,
    %add3A_239 = arith.constant 192 : i32
    %add3A_240 = arith.addi %add3A_24, %add3A_239 : i32
    %get3A_241 = arith.index_cast %add3A_240 : i32 to index
    %get3A_242 = tpu.vector_load %arg5[%get3A_241] {strides = array<i32>} : memref<16384xi32, #tpu.memory_space<vmem>>, vector<16xi32>,
    %lt3A_243 = arith.constant 0 : i32
    %lt3A_244 = vector.broadcast %lt3A_243 : i32 to vector<16xi32>
    %lt3A_245 = arith.cmpi slt, %get3A_242, %lt3A_244 : vector<16xi32>
    %jit3A_246 = arith.constant 55 : i32
    %broadcast_in_dim3A_247 = vector.broadcast %jit3A_246 : i32 to vector<16xi32>
    %select_n3A_248 = arith.select %lt3A_245, %broadcast_in_dim3A_247, %get3A_242 : vector<16xi1>, vector<16xi32>
    %add3A_249 = arith.constant 192 : i32
    %add3A_250 = vector.broadcast %add3A_249 : i32 to vector<16xi32>
    %add3A_251 = arith.addi %add3A_250, %iota3A : vector<16xi32>
    %scatter3A_252 = arith.constant 0 : i32
    %scatter3A_253 = arith.constant 0 : i32
    %scatter3A_254 = arith.constant 0 : i32
    %scatter3A_255 = tpu.memref_slice %arg4[%scatter3A_252, %scatter3A_253, %scatter3A_254] : memref<4x100x256xf32, #tpu.memory_space<vmem>> -> memref<1x100x256xf32, #tpu.memory_space<vmem>>
    %scatter3A_256 = tpu.memref_squeeze %scatter3A_255 : memref<1x100x256xf32, #tpu.memory_space<vmem>> -> memref<100x256xf32, #tpu.memory_space<vmem>>
    tpu.vector_store_idx %scatter3A_256[%select_n3A_248, %add3A_251], %broadcast_in_dim3A_14 : memref<100x256xf32, #tpu.memory_space<vmem>>[vector<16xi32>, vector<16xi32>], vector<16xf32>,
    %add3A_257 = arith.constant 208 : i32
    %add3A_258 = arith.addi %add3A_24, %add3A_257 : i32
    %get3A_259 = arith.index_cast %add3A_258 : i32 to index
    %get3A_260 = tpu.vector_load %arg5[%get3A_259] {strides = array<i32>} : memref<16384xi32, #tpu.memory_space<vmem>>, vector<16xi32>,
    %lt3A_261 = arith.constant 0 : i32
    %lt3A_262 = vector.broadcast %lt3A_261 : i32 to vector<16xi32>
    %lt3A_263 = arith.cmpi slt, %get3A_260, %lt3A_262 : vector<16xi32>
    %jit3A_264 = arith.constant 55 : i32
    %broadcast_in_dim3A_265 = vector.broadcast %jit3A_264 : i32 to vector<16xi32>
    %select_n3A_266 = arith.select %lt3A_263, %broadcast_in_dim3A_265, %get3A_260 : vector<16xi1>, vector<16xi32>
    %add3A_267 = arith.constant 208 : i32
    %add3A_268 = vector.broadcast %add3A_267 : i32 to vector<16xi32>
    %add3A_269 = arith.addi %add3A_268, %iota3A : vector<16xi32>
    %scatter3A_270 = arith.constant 0 : i32
    %scatter3A_271 = arith.constant 0 : i32
    %scatter3A_272 = arith.constant 0 : i32
    %scatter3A_273 = tpu.memref_slice %arg4[%scatter3A_270, %scatter3A_271, %scatter3A_272] : memref<4x100x256xf32, #tpu.memory_space<vmem>> -> memref<1x100x256xf32, #tpu.memory_space<vmem>>
    %scatter3A_274 = tpu.memref_squeeze %scatter3A_273 : memref<1x100x256xf32, #tpu.memory_space<vmem>> -> memref<100x256xf32, #tpu.memory_space<vmem>>
    tpu.vector_store_idx %scatter3A_274[%select_n3A_266, %add3A_269], %broadcast_in_dim3A_14 : memref<100x256xf32, #tpu.memory_space<vmem>>[vector<16xi32>, vector<16xi32>], vector<16xf32>,
    %add3A_275 = arith.constant 224 : i32
    %add3A_276 = arith.addi %add3A_24, %add3A_275 : i32
    %get3A_277 = arith.index_cast %add3A_276 : i32 to index
    %get3A_278 = tpu.vector_load %arg5[%get3A_277] {strides = array<i32>} : memref<16384xi32, #tpu.memory_space<vmem>>, vector<16xi32>,
    %lt3A_279 = arith.constant 0 : i32
    %lt3A_280 = vector.broadcast %lt3A_279 : i32 to vector<16xi32>
    %lt3A_281 = arith.cmpi slt, %get3A_278, %lt3A_280 : vector<16xi32>
    %jit3A_282 = arith.constant 55 : i32
    %broadcast_in_dim3A_283 = vector.broadcast %jit3A_282 : i32 to vector<16xi32>
    %select_n3A_284 = arith.select %lt3A_281, %broadcast_in_dim3A_283, %get3A_278 : vector<16xi1>, vector<16xi32>
    %add3A_285 = arith.constant 224 : i32
    %add3A_286 = vector.broadcast %add3A_285 : i32 to vector<16xi32>
    %add3A_287 = arith.addi %add3A_286, %iota3A : vector<16xi32>
    %scatter3A_288 = arith.constant 0 : i32
    %scatter3A_289 = arith.constant 0 : i32
    %scatter3A_290 = arith.constant 0 : i32
    %scatter3A_291 = tpu.memref_slice %arg4[%scatter3A_288, %scatter3A_289, %scatter3A_290] : memref<4x100x256xf32, #tpu.memory_space<vmem>> -> memref<1x100x256xf32, #tpu.memory_space<vmem>>
    %scatter3A_292 = tpu.memref_squeeze %scatter3A_291 : memref<1x100x256xf32, #tpu.memory_space<vmem>> -> memref<100x256xf32, #tpu.memory_space<vmem>>
    tpu.vector_store_idx %scatter3A_292[%select_n3A_284, %add3A_287], %broadcast_in_dim3A_14 : memref<100x256xf32, #tpu.memory_space<vmem>>[vector<16xi32>, vector<16xi32>], vector<16xf32>,
    %add3A_293 = arith.constant 240 : i32
    %add3A_294 = arith.addi %add3A_24, %add3A_293 : i32
    %get3A_295 = arith.index_cast %add3A_294 : i32 to index
    %get3A_296 = tpu.vector_load %arg5[%get3A_295] {strides = array<i32>} : memref<16384xi32, #tpu.memory_space<vmem>>, vector<16xi32>,
    %lt3A_297 = arith.constant 0 : i32
    %lt3A_298 = vector.broadcast %lt3A_297 : i32 to vector<16xi32>
    %lt3A_299 = arith.cmpi slt, %get3A_296, %lt3A_298 : vector<16xi32>
    %jit3A_300 = arith.constant 55 : i32
    %broadcast_in_dim3A_301 = vector.broadcast %jit3A_300 : i32 to vector<16xi32>
    %select_n3A_302 = arith.select %lt3A_299, %broadcast_in_dim3A_301, %get3A_296 : vector<16xi1>, vector<16xi32>
    %add3A_303 = arith.constant 240 : i32
    %add3A_304 = vector.broadcast %add3A_303 : i32 to vector<16xi32>
    %add3A_305 = arith.addi %add3A_304, %iota3A : vector<16xi32>
    %scatter3A_306 = arith.constant 0 : i32
    %scatter3A_307 = arith.constant 0 : i32
    %scatter3A_308 = arith.constant 0 : i32
    %scatter3A_309 = tpu.memref_slice %arg4[%scatter3A_306, %scatter3A_307, %scatter3A_308] : memref<4x100x256xf32, #tpu.memory_space<vmem>> -> memref<1x100x256xf32, #tpu.memory_space<vmem>>
    %scatter3A_310 = tpu.memref_squeeze %scatter3A_309 : memref<1x100x256xf32, #tpu.memory_space<vmem>> -> memref<100x256xf32, #tpu.memory_space<vmem>>
    tpu.vector_store_idx %scatter3A_310[%select_n3A_302, %add3A_305], %broadcast_in_dim3A_14 : memref<100x256xf32, #tpu.memory_space<vmem>>[vector<16xi32>, vector<16xi32>], vector<16xf32>,
    %add3A_311 = arith.constant 0 : i32
    %add3A_312 = arith.addi %add3A_4, %add3A_311 : i32
    %mul3A_313 = arith.constant 256 : i32
    %mul3A_314 = arith.muli %add3A_312, %mul3A_313 : i32
    %dma_start3A_315 = arith.constant 0 : i32
    %dma_start3A_316 = arith.constant 0 : i32
    %dma_start3A_317 = arith.constant 0 : i32
    %dma_start3A_318 = tpu.memref_slice %arg4[%dma_start3A_315, %dma_start3A_316, %dma_start3A_317] : memref<4x100x256xf32, #tpu.memory_space<vmem>> -> memref<1x100x256xf32, #tpu.memory_space<vmem>>
    %dma_start3A_319 = tpu.memref_squeeze %dma_start3A_318 : memref<1x100x256xf32, #tpu.memory_space<vmem>> -> memref<100x256xf32, #tpu.memory_space<vmem>>
    %dma_start3A_320 = arith.constant 0 : i32
    %dma_start3A_321 = tpu.memref_slice %arg3[%dma_start3A_320, %mul3A_314] : memref<100x500000xf32, #tpu.memory_space<hbm>> -> memref<100x256xf32, #tpu.memory_space<hbm>>
    %dma_start3A_322 = arith.constant 0 : i32
    %dma_start3A_323 = tpu.memref_slice %arg3[%dma_start3A_322, %mul3A_314] : memref<100x500000xf32, #tpu.memory_space<hbm>> -> memref<100x256xf32, #tpu.memory_space<hbm>>
    %dma_start3A_324 = arith.constant 0 : i32
    %dma_start3A_325 = arith.constant 0 : i32
    %dma_start3A_326 = tpu.memref_slice %arg4[%dma_start3A_315, %dma_start3A_324, %dma_start3A_325] : memref<4x100x256xf32, #tpu.memory_space<vmem>> -> memref<1x100x256xf32, #tpu.memory_space<vmem>>
    %dma_start3A_327 = tpu.memref_squeeze %dma_start3A_326 : memref<1x100x256xf32, #tpu.memory_space<vmem>> -> memref<100x256xf32, #tpu.memory_space<vmem>>
    tpu.enqueue_dma source(%dma_start3A_327 : memref<100x256xf32, #tpu.memory_space<vmem>>) target(%dma_start3A_323 : memref<100x256xf32, #tpu.memory_space<hbm>>) target_semaphore(%arg7 : memref<!tpu.dma_semaphore, #tpu.memory_space<semaphore_mem>>)
    %scan3A_328 = arith.constant 0 : i32
    %scan3A_329 = arith.constant 0 : i32
    %scan3A_330 = arith.constant 100 : i32
    %scan3A_331 = arith.addi %scan3A_329, %scan3A_330 : i32
    %scan3A_332 = arith.constant 1 : i32
    scf.for %scan3A_1273 = %scan3A_329 to %scan3A_331 step %scan3A_332  : i32 {
      %swap3A = arith.constant 1 : i32
      %swap3A_1274 = arith.index_cast %swap3A : i32 to index
      %swap3A_1275 = arith.index_cast %scan3A_1273 : i32 to index
      %swap3A_1276 = arith.constant 0 : index
      %swap3A_1277 = tpu.vector_load %arg4[%swap3A_1274, %swap3A_1275, %swap3A_1276] {strides = array<i32>} : memref<4x100x256xf32, #tpu.memory_space<vmem>>, vector<16xf32>,
      tpu.vector_store %arg4[%swap3A_1274, %swap3A_1275, %swap3A_1276], %broadcast_in_dim3A_12 {strides = array<i32>} : memref<4x100x256xf32, #tpu.memory_space<vmem>>, vector<16xf32>,
      %swap3A_1278 = arith.constant 1 : i32
      %swap3A_1279 = arith.index_cast %swap3A_1278 : i32 to index
      %swap3A_1280 = arith.index_cast %scan3A_1273 : i32 to index
      %swap3A_1281 = arith.constant 16 : index
      %swap3A_1282 = tpu.vector_load %arg4[%swap3A_1279, %swap3A_1280, %swap3A_1281] {strides = array<i32>} : memref<4x100x256xf32, #tpu.memory_space<vmem>>, vector<16xf32>,
      tpu.vector_store %arg4[%swap3A_1279, %swap3A_1280, %swap3A_1281], %broadcast_in_dim3A_12 {strides = array<i32>} : memref<4x100x256xf32, #tpu.memory_space<vmem>>, vector<16xf32>,
      %swap3A_1283 = arith.constant 1 : i32
      %swap3A_1284 = arith.index_cast %swap3A_1283 : i32 to index
      %swap3A_1285 = arith.index_cast %scan3A_1273 : i32 to index
      %swap3A_1286 = arith.constant 32 : index
      %swap3A_1287 = tpu.vector_load %arg4[%swap3A_1284, %swap3A_1285, %swap3A_1286] {strides = array<i32>} : memref<4x100x256xf32, #tpu.memory_space<vmem>>, vector<16xf32>,
      tpu.vector_store %arg4[%swap3A_1284, %swap3A_1285, %swap3A_1286], %broadcast_in_dim3A_12 {strides = array<i32>} : memref<4x100x256xf32, #tpu.memory_space<vmem>>, vector<16xf32>,
      %swap3A_1288 = arith.constant 1 : i32
      %swap3A_1289 = arith.index_cast %swap3A_1288 : i32 to index
      %swap3A_1290 = arith.index_cast %scan3A_1273 : i32 to index
      %swap3A_1291 = arith.constant 48 : index
      %swap3A_1292 = tpu.vector_load %arg4[%swap3A_1289, %swap3A_1290, %swap3A_1291] {strides = array<i32>} : memref<4x100x256xf32, #tpu.memory_space<vmem>>, vector<16xf32>,
      tpu.vector_store %arg4[%swap3A_1289, %swap3A_1290, %swap3A_1291], %broadcast_in_dim3A_12 {strides = array<i32>} : memref<4x100x256xf32, #tpu.memory_space<vmem>>, vector<16xf32>,
      %swap3A_1293 = arith.constant 1 : i32
      %swap3A_1294 = arith.index_cast %swap3A_1293 : i32 to index
      %swap3A_1295 = arith.index_cast %scan3A_1273 : i32 to index
      %swap3A_1296 = arith.constant 64 : index
      %swap3A_1297 = tpu.vector_load %arg4[%swap3A_1294, %swap3A_1295, %swap3A_1296] {strides = array<i32>} : memref<4x100x256xf32, #tpu.memory_space<vmem>>, vector<16xf32>,
      tpu.vector_store %arg4[%swap3A_1294, %swap3A_1295, %swap3A_1296], %broadcast_in_dim3A_12 {strides = array<i32>} : memref<4x100x256xf32, #tpu.memory_space<vmem>>, vector<16xf32>,
      %swap3A_1298 = arith.constant 1 : i32
      %swap3A_1299 = arith.index_cast %swap3A_1298 : i32 to index
      %swap3A_1300 = arith.index_cast %scan3A_1273 : i32 to index
      %swap3A_1301 = arith.constant 80 : index
      %swap3A_1302 = tpu.vector_load %arg4[%swap3A_1299, %swap3A_1300, %swap3A_1301] {strides = array<i32>} : memref<4x100x256xf32, #tpu.memory_space<vmem>>, vector<16xf32>,
      tpu.vector_store %arg4[%swap3A_1299, %swap3A_1300, %swap3A_1301], %broadcast_in_dim3A_12 {strides = array<i32>} : memref<4x100x256xf32, #tpu.memory_space<vmem>>, vector<16xf32>,
      %swap3A_1303 = arith.constant 1 : i32
      %swap3A_1304 = arith.index_cast %swap3A_1303 : i32 to index
      %swap3A_1305 = arith.index_cast %scan3A_1273 : i32 to index
      %swap3A_1306 = arith.constant 96 : index
      %swap3A_1307 = tpu.vector_load %arg4[%swap3A_1304, %swap3A_1305, %swap3A_1306] {strides = array<i32>} : memref<4x100x256xf32, #tpu.memory_space<vmem>>, vector<16xf32>,
      tpu.vector_store %arg4[%swap3A_1304, %swap3A_1305, %swap3A_1306], %broadcast_in_dim3A_12 {strides = array<i32>} : memref<4x100x256xf32, #tpu.memory_space<vmem>>, vector<16xf32>,
      %swap3A_1308 = arith.constant 1 : i32
      %swap3A_1309 = arith.index_cast %swap3A_1308 : i32 to index
      %swap3A_1310 = arith.index_cast %scan3A_1273 : i32 to index
      %swap3A_1311 = arith.constant 112 : index
      %swap3A_1312 = tpu.vector_load %arg4[%swap3A_1309, %swap3A_1310, %swap3A_1311] {strides = array<i32>} : memref<4x100x256xf32, #tpu.memory_space<vmem>>, vector<16xf32>,
      tpu.vector_store %arg4[%swap3A_1309, %swap3A_1310, %swap3A_1311], %broadcast_in_dim3A_12 {strides = array<i32>} : memref<4x100x256xf32, #tpu.memory_space<vmem>>, vector<16xf32>,
      %swap3A_1313 = arith.constant 1 : i32
      %swap3A_1314 = arith.index_cast %swap3A_1313 : i32 to index
      %swap3A_1315 = arith.index_cast %scan3A_1273 : i32 to index
      %swap3A_1316 = arith.constant 128 : index
      %swap3A_1317 = tpu.vector_load %arg4[%swap3A_1314, %swap3A_1315, %swap3A_1316] {strides = array<i32>} : memref<4x100x256xf32, #tpu.memory_space<vmem>>, vector<16xf32>,
      tpu.vector_store %arg4[%swap3A_1314, %swap3A_1315, %swap3A_1316], %broadcast_in_dim3A_12 {strides = array<i32>} : memref<4x100x256xf32, #tpu.memory_space<vmem>>, vector<16xf32>,
      %swap3A_1318 = arith.constant 1 : i32
      %swap3A_1319 = arith.index_cast %swap3A_1318 : i32 to index
      %swap3A_1320 = arith.index_cast %scan3A_1273 : i32 to index
      %swap3A_1321 = arith.constant 144 : index
      %swap3A_1322 = tpu.vector_load %arg4[%swap3A_1319, %swap3A_1320, %swap3A_1321] {strides = array<i32>} : memref<4x100x256xf32, #tpu.memory_space<vmem>>, vector<16xf32>,
      tpu.vector_store %arg4[%swap3A_1319, %swap3A_1320, %swap3A_1321], %broadcast_in_dim3A_12 {strides = array<i32>} : memref<4x100x256xf32, #tpu.memory_space<vmem>>, vector<16xf32>,
      %swap3A_1323 = arith.constant 1 : i32
      %swap3A_1324 = arith.index_cast %swap3A_1323 : i32 to index
      %swap3A_1325 = arith.index_cast %scan3A_1273 : i32 to index
      %swap3A_1326 = arith.constant 160 : index
      %swap3A_1327 = tpu.vector_load %arg4[%swap3A_1324, %swap3A_1325, %swap3A_1326] {strides = array<i32>} : memref<4x100x256xf32, #tpu.memory_space<vmem>>, vector<16xf32>,
      tpu.vector_store %arg4[%swap3A_1324, %swap3A_1325, %swap3A_1326], %broadcast_in_dim3A_12 {strides = array<i32>} : memref<4x100x256xf32, #tpu.memory_space<vmem>>, vector<16xf32>,
      %swap3A_1328 = arith.constant 1 : i32
      %swap3A_1329 = arith.index_cast %swap3A_1328 : i32 to index
      %swap3A_1330 = arith.index_cast %scan3A_1273 : i32 to index
      %swap3A_1331 = arith.constant 176 : index
      %swap3A_1332 = tpu.vector_load %arg4[%swap3A_1329, %swap3A_1330, %swap3A_1331] {strides = array<i32>} : memref<4x100x256xf32, #tpu.memory_space<vmem>>, vector<16xf32>,
      tpu.vector_store %arg4[%swap3A_1329, %swap3A_1330, %swap3A_1331], %broadcast_in_dim3A_12 {strides = array<i32>} : memref<4x100x256xf32, #tpu.memory_space<vmem>>, vector<16xf32>,
      %swap3A_1333 = arith.constant 1 : i32
      %swap3A_1334 = arith.index_cast %swap3A_1333 : i32 to index
      %swap3A_1335 = arith.index_cast %scan3A_1273 : i32 to index
      %swap3A_1336 = arith.constant 192 : index
      %swap3A_1337 = tpu.vector_load %arg4[%swap3A_1334, %swap3A_1335, %swap3A_1336] {strides = array<i32>} : memref<4x100x256xf32, #tpu.memory_space<vmem>>, vector<16xf32>,
      tpu.vector_store %arg4[%swap3A_1334, %swap3A_1335, %swap3A_1336], %broadcast_in_dim3A_12 {strides = array<i32>} : memref<4x100x256xf32, #tpu.memory_space<vmem>>, vector<16xf32>,
      %swap3A_1338 = arith.constant 1 : i32
      %swap3A_1339 = arith.index_cast %swap3A_1338 : i32 to index
      %swap3A_1340 = arith.index_cast %scan3A_1273 : i32 to index
      %swap3A_1341 = arith.constant 208 : index
      %swap3A_1342 = tpu.vector_load %arg4[%swap3A_1339, %swap3A_1340, %swap3A_1341] {strides = array<i32>} : memref<4x100x256xf32, #tpu.memory_space<vmem>>, vector<16xf32>,
      tpu.vector_store %arg4[%swap3A_1339, %swap3A_1340, %swap3A_1341], %broadcast_in_dim3A_12 {strides = array<i32>} : memref<4x100x256xf32, #tpu.memory_space<vmem>>, vector<16xf32>,
      %swap3A_1343 = arith.constant 1 : i32
      %swap3A_1344 = arith.index_cast %swap3A_1343 : i32 to index
      %swap3A_1345 = arith.index_cast %scan3A_1273 : i32 to index
      %swap3A_1346 = arith.constant 224 : index
      %swap3A_1347 = tpu.vector_load %arg4[%swap3A_1344, %swap3A_1345, %swap3A_1346] {strides = array<i32>} : memref<4x100x256xf32, #tpu.memory_space<vmem>>, vector<16xf32>,
      tpu.vector_store %arg4[%swap3A_1344, %swap3A_1345, %swap3A_1346], %broadcast_in_dim3A_12 {strides = array<i32>} : memref<4x100x256xf32, #tpu.memory_space<vmem>>, vector<16xf32>,
      %swap3A_1348 = arith.constant 1 : i32
      %swap3A_1349 = arith.index_cast %swap3A_1348 : i32 to index
      %swap3A_1350 = arith.index_cast %scan3A_1273 : i32 to index
      %swap3A_1351 = arith.constant 240 : index
      %swap3A_1352 = tpu.vector_load %arg4[%swap3A_1349, %swap3A_1350, %swap3A_1351] {strides = array<i32>} : memref<4x100x256xf32, #tpu.memory_space<vmem>>, vector<16xf32>,
      tpu.vector_store %arg4[%swap3A_1349, %swap3A_1350, %swap3A_1351], %broadcast_in_dim3A_12 {strides = array<i32>} : memref<4x100x256xf32, #tpu.memory_space<vmem>>, vector<16xf32>,
    }
    %scan3A_333 = arith.constant 100 : i32
    %add3A_334 = arith.constant 256 : i32
    %add3A_335 = arith.addi %sub3A, %add3A_334 : i32
    %add3A_336 = arith.constant 0 : i32
    %add3A_337 = arith.addi %add3A_335, %add3A_336 : i32
    %get3A_338 = arith.index_cast %add3A_337 : i32 to index
    %get3A_339 = tpu.vector_load %arg5[%get3A_338] {strides = array<i32>} : memref<16384xi32, #tpu.memory_space<vmem>>, vector<16xi32>,
    %lt3A_340 = arith.constant 0 : i32
    %lt3A_341 = vector.broadcast %lt3A_340 : i32 to vector<16xi32>
    %lt3A_342 = arith.cmpi slt, %get3A_339, %lt3A_341 : vector<16xi32>
    %jit3A_343 = arith.constant 55 : i32
    %broadcast_in_dim3A_344 = vector.broadcast %jit3A_343 : i32 to vector<16xi32>
    %select_n3A_345 = arith.select %lt3A_342, %broadcast_in_dim3A_344, %get3A_339 : vector<16xi1>, vector<16xi32>
    %add3A_346 = arith.constant 0 : i32
    %add3A_347 = vector.broadcast %add3A_346 : i32 to vector<16xi32>
    %add3A_348 = arith.addi %add3A_347, %iota3A : vector<16xi32>
    %scatter3A_349 = arith.constant 1 : i32
    %scatter3A_350 = arith.constant 0 : i32
    %scatter3A_351 = arith.constant 0 : i32
    %scatter3A_352 = tpu.memref_slice %arg4[%scatter3A_349, %scatter3A_350, %scatter3A_351] : memref<4x100x256xf32, #tpu.memory_space<vmem>> -> memref<1x100x256xf32, #tpu.memory_space<vmem>>
    %scatter3A_353 = tpu.memref_squeeze %scatter3A_352 : memref<1x100x256xf32, #tpu.memory_space<vmem>> -> memref<100x256xf32, #tpu.memory_space<vmem>>
    tpu.vector_store_idx %scatter3A_353[%select_n3A_345, %add3A_348], %broadcast_in_dim3A_14 : memref<100x256xf32, #tpu.memory_space<vmem>>[vector<16xi32>, vector<16xi32>], vector<16xf32>,
    %add3A_354 = arith.constant 16 : i32
    %add3A_355 = arith.addi %add3A_335, %add3A_354 : i32
    %get3A_356 = arith.index_cast %add3A_355 : i32 to index
    %get3A_357 = tpu.vector_load %arg5[%get3A_356] {strides = array<i32>} : memref<16384xi32, #tpu.memory_space<vmem>>, vector<16xi32>,
    %lt3A_358 = arith.constant 0 : i32
    %lt3A_359 = vector.broadcast %lt3A_358 : i32 to vector<16xi32>
    %lt3A_360 = arith.cmpi slt, %get3A_357, %lt3A_359 : vector<16xi32>
    %jit3A_361 = arith.constant 55 : i32
    %broadcast_in_dim3A_362 = vector.broadcast %jit3A_361 : i32 to vector<16xi32>
    %select_n3A_363 = arith.select %lt3A_360, %broadcast_in_dim3A_362, %get3A_357 : vector<16xi1>, vector<16xi32>
    %add3A_364 = arith.constant 16 : i32
    %add3A_365 = vector.broadcast %add3A_364 : i32 to vector<16xi32>
    %add3A_366 = arith.addi %add3A_365, %iota3A : vector<16xi32>
    %scatter3A_367 = arith.constant 1 : i32
    %scatter3A_368 = arith.constant 0 : i32
    %scatter3A_369 = arith.constant 0 : i32
    %scatter3A_370 = tpu.memref_slice %arg4[%scatter3A_367, %scatter3A_368, %scatter3A_369] : memref<4x100x256xf32, #tpu.memory_space<vmem>> -> memref<1x100x256xf32, #tpu.memory_space<vmem>>
    %scatter3A_371 = tpu.memref_squeeze %scatter3A_370 : memref<1x100x256xf32, #tpu.memory_space<vmem>> -> memref<100x256xf32, #tpu.memory_space<vmem>>
    tpu.vector_store_idx %scatter3A_371[%select_n3A_363, %add3A_366], %broadcast_in_dim3A_14 : memref<100x256xf32, #tpu.memory_space<vmem>>[vector<16xi32>, vector<16xi32>], vector<16xf32>,
    %add3A_372 = arith.constant 32 : i32
    %add3A_373 = arith.addi %add3A_335, %add3A_372 : i32
    %get3A_374 = arith.index_cast %add3A_373 : i32 to index
    %get3A_375 = tpu.vector_load %arg5[%get3A_374] {strides = array<i32>} : memref<16384xi32, #tpu.memory_space<vmem>>, vector<16xi32>,
    %lt3A_376 = arith.constant 0 : i32
    %lt3A_377 = vector.broadcast %lt3A_376 : i32 to vector<16xi32>
    %lt3A_378 = arith.cmpi slt, %get3A_375, %lt3A_377 : vector<16xi32>
    %jit3A_379 = arith.constant 55 : i32
    %broadcast_in_dim3A_380 = vector.broadcast %jit3A_379 : i32 to vector<16xi32>
    %select_n3A_381 = arith.select %lt3A_378, %broadcast_in_dim3A_380, %get3A_375 : vector<16xi1>, vector<16xi32>
    %add3A_382 = arith.constant 32 : i32
    %add3A_383 = vector.broadcast %add3A_382 : i32 to vector<16xi32>
    %add3A_384 = arith.addi %add3A_383, %iota3A : vector<16xi32>
    %scatter3A_385 = arith.constant 1 : i32
    %scatter3A_386 = arith.constant 0 : i32
    %scatter3A_387 = arith.constant 0 : i32
    %scatter3A_388 = tpu.memref_slice %arg4[%scatter3A_385, %scatter3A_386, %scatter3A_387] : memref<4x100x256xf32, #tpu.memory_space<vmem>> -> memref<1x100x256xf32, #tpu.memory_space<vmem>>
    %scatter3A_389 = tpu.memref_squeeze %scatter3A_388 : memref<1x100x256xf32, #tpu.memory_space<vmem>> -> memref<100x256xf32, #tpu.memory_space<vmem>>
    tpu.vector_store_idx %scatter3A_389[%select_n3A_381, %add3A_384], %broadcast_in_dim3A_14 : memref<100x256xf32, #tpu.memory_space<vmem>>[vector<16xi32>, vector<16xi32>], vector<16xf32>,
    %add3A_390 = arith.constant 48 : i32
    %add3A_391 = arith.addi %add3A_335, %add3A_390 : i32
    %get3A_392 = arith.index_cast %add3A_391 : i32 to index
    %get3A_393 = tpu.vector_load %arg5[%get3A_392] {strides = array<i32>} : memref<16384xi32, #tpu.memory_space<vmem>>, vector<16xi32>,
    %lt3A_394 = arith.constant 0 : i32
    %lt3A_395 = vector.broadcast %lt3A_394 : i32 to vector<16xi32>
    %lt3A_396 = arith.cmpi slt, %get3A_393, %lt3A_395 : vector<16xi32>
    %jit3A_397 = arith.constant 55 : i32
    %broadcast_in_dim3A_398 = vector.broadcast %jit3A_397 : i32 to vector<16xi32>
    %select_n3A_399 = arith.select %lt3A_396, %broadcast_in_dim3A_398, %get3A_393 : vector<16xi1>, vector<16xi32>
    %add3A_400 = arith.constant 48 : i32
    %add3A_401 = vector.broadcast %add3A_400 : i32 to vector<16xi32>
    %add3A_402 = arith.addi %add3A_401, %iota3A : vector<16xi32>
    %scatter3A_403 = arith.constant 1 : i32
    %scatter3A_404 = arith.constant 0 : i32
    %scatter3A_405 = arith.constant 0 : i32
    %scatter3A_406 = tpu.memref_slice %arg4[%scatter3A_403, %scatter3A_404, %scatter3A_405] : memref<4x100x256xf32, #tpu.memory_space<vmem>> -> memref<1x100x256xf32, #tpu.memory_space<vmem>>
    %scatter3A_407 = tpu.memref_squeeze %scatter3A_406 : memref<1x100x256xf32, #tpu.memory_space<vmem>> -> memref<100x256xf32, #tpu.memory_space<vmem>>
    tpu.vector_store_idx %scatter3A_407[%select_n3A_399, %add3A_402], %broadcast_in_dim3A_14 : memref<100x256xf32, #tpu.memory_space<vmem>>[vector<16xi32>, vector<16xi32>], vector<16xf32>,
    %add3A_408 = arith.constant 64 : i32
    %add3A_409 = arith.addi %add3A_335, %add3A_408 : i32
    %get3A_410 = arith.index_cast %add3A_409 : i32 to index
    %get3A_411 = tpu.vector_load %arg5[%get3A_410] {strides = array<i32>} : memref<16384xi32, #tpu.memory_space<vmem>>, vector<16xi32>,
    %lt3A_412 = arith.constant 0 : i32
    %lt3A_413 = vector.broadcast %lt3A_412 : i32 to vector<16xi32>
    %lt3A_414 = arith.cmpi slt, %get3A_411, %lt3A_413 : vector<16xi32>
    %jit3A_415 = arith.constant 55 : i32
    %broadcast_in_dim3A_416 = vector.broadcast %jit3A_415 : i32 to vector<16xi32>
    %select_n3A_417 = arith.select %lt3A_414, %broadcast_in_dim3A_416, %get3A_411 : vector<16xi1>, vector<16xi32>
    %add3A_418 = arith.constant 64 : i32
    %add3A_419 = vector.broadcast %add3A_418 : i32 to vector<16xi32>
    %add3A_420 = arith.addi %add3A_419, %iota3A : vector<16xi32>
    %scatter3A_421 = arith.constant 1 : i32
    %scatter3A_422 = arith.constant 0 : i32
    %scatter3A_423 = arith.constant 0 : i32
    %scatter3A_424 = tpu.memref_slice %arg4[%scatter3A_421, %scatter3A_422, %scatter3A_423] : memref<4x100x256xf32, #tpu.memory_space<vmem>> -> memref<1x100x256xf32, #tpu.memory_space<vmem>>
    %scatter3A_425 = tpu.memref_squeeze %scatter3A_424 : memref<1x100x256xf32, #tpu.memory_space<vmem>> -> memref<100x256xf32, #tpu.memory_space<vmem>>
    tpu.vector_store_idx %scatter3A_425[%select_n3A_417, %add3A_420], %broadcast_in_dim3A_14 : memref<100x256xf32, #tpu.memory_space<vmem>>[vector<16xi32>, vector<16xi32>], vector<16xf32>,
    %add3A_426 = arith.constant 80 : i32
    %add3A_427 = arith.addi %add3A_335, %add3A_426 : i32
    %get3A_428 = arith.index_cast %add3A_427 : i32 to index
    %get3A_429 = tpu.vector_load %arg5[%get3A_428] {strides = array<i32>} : memref<16384xi32, #tpu.memory_space<vmem>>, vector<16xi32>,
    %lt3A_430 = arith.constant 0 : i32
    %lt3A_431 = vector.broadcast %lt3A_430 : i32 to vector<16xi32>
    %lt3A_432 = arith.cmpi slt, %get3A_429, %lt3A_431 : vector<16xi32>
    %jit3A_433 = arith.constant 55 : i32
    %broadcast_in_dim3A_434 = vector.broadcast %jit3A_433 : i32 to vector<16xi32>
    %select_n3A_435 = arith.select %lt3A_432, %broadcast_in_dim3A_434, %get3A_429 : vector<16xi1>, vector<16xi32>
    %add3A_436 = arith.constant 80 : i32
    %add3A_437 = vector.broadcast %add3A_436 : i32 to vector<16xi32>
    %add3A_438 = arith.addi %add3A_437, %iota3A : vector<16xi32>
    %scatter3A_439 = arith.constant 1 : i32
    %scatter3A_440 = arith.constant 0 : i32
    %scatter3A_441 = arith.constant 0 : i32
    %scatter3A_442 = tpu.memref_slice %arg4[%scatter3A_439, %scatter3A_440, %scatter3A_441] : memref<4x100x256xf32, #tpu.memory_space<vmem>> -> memref<1x100x256xf32, #tpu.memory_space<vmem>>
    %scatter3A_443 = tpu.memref_squeeze %scatter3A_442 : memref<1x100x256xf32, #tpu.memory_space<vmem>> -> memref<100x256xf32, #tpu.memory_space<vmem>>
    tpu.vector_store_idx %scatter3A_443[%select_n3A_435, %add3A_438], %broadcast_in_dim3A_14 : memref<100x256xf32, #tpu.memory_space<vmem>>[vector<16xi32>, vector<16xi32>], vector<16xf32>,
    %add3A_444 = arith.constant 96 : i32
    %add3A_445 = arith.addi %add3A_335, %add3A_444 : i32
    %get3A_446 = arith.index_cast %add3A_445 : i32 to index
    %get3A_447 = tpu.vector_load %arg5[%get3A_446] {strides = array<i32>} : memref<16384xi32, #tpu.memory_space<vmem>>, vector<16xi32>,
    %lt3A_448 = arith.constant 0 : i32
    %lt3A_449 = vector.broadcast %lt3A_448 : i32 to vector<16xi32>
    %lt3A_450 = arith.cmpi slt, %get3A_447, %lt3A_449 : vector<16xi32>
    %jit3A_451 = arith.constant 55 : i32
    %broadcast_in_dim3A_452 = vector.broadcast %jit3A_451 : i32 to vector<16xi32>
    %select_n3A_453 = arith.select %lt3A_450, %broadcast_in_dim3A_452, %get3A_447 : vector<16xi1>, vector<16xi32>
    %add3A_454 = arith.constant 96 : i32
    %add3A_455 = vector.broadcast %add3A_454 : i32 to vector<16xi32>
    %add3A_456 = arith.addi %add3A_455, %iota3A : vector<16xi32>
    %scatter3A_457 = arith.constant 1 : i32
    %scatter3A_458 = arith.constant 0 : i32
    %scatter3A_459 = arith.constant 0 : i32
    %scatter3A_460 = tpu.memref_slice %arg4[%scatter3A_457, %scatter3A_458, %scatter3A_459] : memref<4x100x256xf32, #tpu.memory_space<vmem>> -> memref<1x100x256xf32, #tpu.memory_space<vmem>>
    %scatter3A_461 = tpu.memref_squeeze %scatter3A_460 : memref<1x100x256xf32, #tpu.memory_space<vmem>> -> memref<100x256xf32, #tpu.memory_space<vmem>>
    tpu.vector_store_idx %scatter3A_461[%select_n3A_453, %add3A_456], %broadcast_in_dim3A_14 : memref<100x256xf32, #tpu.memory_space<vmem>>[vector<16xi32>, vector<16xi32>], vector<16xf32>,
    %add3A_462 = arith.constant 112 : i32
    %add3A_463 = arith.addi %add3A_335, %add3A_462 : i32
    %get3A_464 = arith.index_cast %add3A_463 : i32 to index
    %get3A_465 = tpu.vector_load %arg5[%get3A_464] {strides = array<i32>} : memref<16384xi32, #tpu.memory_space<vmem>>, vector<16xi32>,
    %lt3A_466 = arith.constant 0 : i32
    %lt3A_467 = vector.broadcast %lt3A_466 : i32 to vector<16xi32>
    %lt3A_468 = arith.cmpi slt, %get3A_465, %lt3A_467 : vector<16xi32>
    %jit3A_469 = arith.constant 55 : i32
    %broadcast_in_dim3A_470 = vector.broadcast %jit3A_469 : i32 to vector<16xi32>
    %select_n3A_471 = arith.select %lt3A_468, %broadcast_in_dim3A_470, %get3A_465 : vector<16xi1>, vector<16xi32>
    %add3A_472 = arith.constant 112 : i32
    %add3A_473 = vector.broadcast %add3A_472 : i32 to vector<16xi32>
    %add3A_474 = arith.addi %add3A_473, %iota3A : vector<16xi32>
    %scatter3A_475 = arith.constant 1 : i32
    %scatter3A_476 = arith.constant 0 : i32
    %scatter3A_477 = arith.constant 0 : i32
    %scatter3A_478 = tpu.memref_slice %arg4[%scatter3A_475, %scatter3A_476, %scatter3A_477] : memref<4x100x256xf32, #tpu.memory_space<vmem>> -> memref<1x100x256xf32, #tpu.memory_space<vmem>>
    %scatter3A_479 = tpu.memref_squeeze %scatter3A_478 : memref<1x100x256xf32, #tpu.memory_space<vmem>> -> memref<100x256xf32, #tpu.memory_space<vmem>>
    tpu.vector_store_idx %scatter3A_479[%select_n3A_471, %add3A_474], %broadcast_in_dim3A_14 : memref<100x256xf32, #tpu.memory_space<vmem>>[vector<16xi32>, vector<16xi32>], vector<16xf32>,
    %add3A_480 = arith.constant 128 : i32
    %add3A_481 = arith.addi %add3A_335, %add3A_480 : i32
    %get3A_482 = arith.index_cast %add3A_481 : i32 to index
    %get3A_483 = tpu.vector_load %arg5[%get3A_482] {strides = array<i32>} : memref<16384xi32, #tpu.memory_space<vmem>>, vector<16xi32>,
    %lt3A_484 = arith.constant 0 : i32
    %lt3A_485 = vector.broadcast %lt3A_484 : i32 to vector<16xi32>
    %lt3A_486 = arith.cmpi slt, %get3A_483, %lt3A_485 : vector<16xi32>
    %jit3A_487 = arith.constant 55 : i32
    %broadcast_in_dim3A_488 = vector.broadcast %jit3A_487 : i32 to vector<16xi32>
    %select_n3A_489 = arith.select %lt3A_486, %broadcast_in_dim3A_488, %get3A_483 : vector<16xi1>, vector<16xi32>
    %add3A_490 = arith.constant 128 : i32
    %add3A_491 = vector.broadcast %add3A_490 : i32 to vector<16xi32>
    %add3A_492 = arith.addi %add3A_491, %iota3A : vector<16xi32>
    %scatter3A_493 = arith.constant 1 : i32
    %scatter3A_494 = arith.constant 0 : i32
    %scatter3A_495 = arith.constant 0 : i32
    %scatter3A_496 = tpu.memref_slice %arg4[%scatter3A_493, %scatter3A_494, %scatter3A_495] : memref<4x100x256xf32, #tpu.memory_space<vmem>> -> memref<1x100x256xf32, #tpu.memory_space<vmem>>
    %scatter3A_497 = tpu.memref_squeeze %scatter3A_496 : memref<1x100x256xf32, #tpu.memory_space<vmem>> -> memref<100x256xf32, #tpu.memory_space<vmem>>
    tpu.vector_store_idx %scatter3A_497[%select_n3A_489, %add3A_492], %broadcast_in_dim3A_14 : memref<100x256xf32, #tpu.memory_space<vmem>>[vector<16xi32>, vector<16xi32>], vector<16xf32>,
    %add3A_498 = arith.constant 144 : i32
    %add3A_499 = arith.addi %add3A_335, %add3A_498 : i32
    %get3A_500 = arith.index_cast %add3A_499 : i32 to index
    %get3A_501 = tpu.vector_load %arg5[%get3A_500] {strides = array<i32>} : memref<16384xi32, #tpu.memory_space<vmem>>, vector<16xi32>,
    %lt3A_502 = arith.constant 0 : i32
    %lt3A_503 = vector.broadcast %lt3A_502 : i32 to vector<16xi32>
    %lt3A_504 = arith.cmpi slt, %get3A_501, %lt3A_503 : vector<16xi32>
    %jit3A_505 = arith.constant 55 : i32
    %broadcast_in_dim3A_506 = vector.broadcast %jit3A_505 : i32 to vector<16xi32>
    %select_n3A_507 = arith.select %lt3A_504, %broadcast_in_dim3A_506, %get3A_501 : vector<16xi1>, vector<16xi32>
    %add3A_508 = arith.constant 144 : i32
    %add3A_509 = vector.broadcast %add3A_508 : i32 to vector<16xi32>
    %add3A_510 = arith.addi %add3A_509, %iota3A : vector<16xi32>
    %scatter3A_511 = arith.constant 1 : i32
    %scatter3A_512 = arith.constant 0 : i32
    %scatter3A_513 = arith.constant 0 : i32
    %scatter3A_514 = tpu.memref_slice %arg4[%scatter3A_511, %scatter3A_512, %scatter3A_513] : memref<4x100x256xf32, #tpu.memory_space<vmem>> -> memref<1x100x256xf32, #tpu.memory_space<vmem>>
    %scatter3A_515 = tpu.memref_squeeze %scatter3A_514 : memref<1x100x256xf32, #tpu.memory_space<vmem>> -> memref<100x256xf32, #tpu.memory_space<vmem>>
    tpu.vector_store_idx %scatter3A_515[%select_n3A_507, %add3A_510], %broadcast_in_dim3A_14 : memref<100x256xf32, #tpu.memory_space<vmem>>[vector<16xi32>, vector<16xi32>], vector<16xf32>,
    %add3A_516 = arith.constant 160 : i32
    %add3A_517 = arith.addi %add3A_335, %add3A_516 : i32
    %get3A_518 = arith.index_cast %add3A_517 : i32 to index
    %get3A_519 = tpu.vector_load %arg5[%get3A_518] {strides = array<i32>} : memref<16384xi32, #tpu.memory_space<vmem>>, vector<16xi32>,
    %lt3A_520 = arith.constant 0 : i32
    %lt3A_521 = vector.broadcast %lt3A_520 : i32 to vector<16xi32>
    %lt3A_522 = arith.cmpi slt, %get3A_519, %lt3A_521 : vector<16xi32>
    %jit3A_523 = arith.constant 55 : i32
    %broadcast_in_dim3A_524 = vector.broadcast %jit3A_523 : i32 to vector<16xi32>
    %select_n3A_525 = arith.select %lt3A_522, %broadcast_in_dim3A_524, %get3A_519 : vector<16xi1>, vector<16xi32>
    %add3A_526 = arith.constant 160 : i32
    %add3A_527 = vector.broadcast %add3A_526 : i32 to vector<16xi32>
    %add3A_528 = arith.addi %add3A_527, %iota3A : vector<16xi32>
    %scatter3A_529 = arith.constant 1 : i32
    %scatter3A_530 = arith.constant 0 : i32
    %scatter3A_531 = arith.constant 0 : i32
    %scatter3A_532 = tpu.memref_slice %arg4[%scatter3A_529, %scatter3A_530, %scatter3A_531] : memref<4x100x256xf32, #tpu.memory_space<vmem>> -> memref<1x100x256xf32, #tpu.memory_space<vmem>>
    %scatter3A_533 = tpu.memref_squeeze %scatter3A_532 : memref<1x100x256xf32, #tpu.memory_space<vmem>> -> memref<100x256xf32, #tpu.memory_space<vmem>>
    tpu.vector_store_idx %scatter3A_533[%select_n3A_525, %add3A_528], %broadcast_in_dim3A_14 : memref<100x256xf32, #tpu.memory_space<vmem>>[vector<16xi32>, vector<16xi32>], vector<16xf32>,
    %add3A_534 = arith.constant 176 : i32
    %add3A_535 = arith.addi %add3A_335, %add3A_534 : i32
    %get3A_536 = arith.index_cast %add3A_535 : i32 to index
    %get3A_537 = tpu.vector_load %arg5[%get3A_536] {strides = array<i32>} : memref<16384xi32, #tpu.memory_space<vmem>>, vector<16xi32>,
    %lt3A_538 = arith.constant 0 : i32
    %lt3A_539 = vector.broadcast %lt3A_538 : i32 to vector<16xi32>
    %lt3A_540 = arith.cmpi slt, %get3A_537, %lt3A_539 : vector<16xi32>
    %jit3A_541 = arith.constant 55 : i32
    %broadcast_in_dim3A_542 = vector.broadcast %jit3A_541 : i32 to vector<16xi32>
    %select_n3A_543 = arith.select %lt3A_540, %broadcast_in_dim3A_542, %get3A_537 : vector<16xi1>, vector<16xi32>
    %add3A_544 = arith.constant 176 : i32
    %add3A_545 = vector.broadcast %add3A_544 : i32 to vector<16xi32>
    %add3A_546 = arith.addi %add3A_545, %iota3A : vector<16xi32>
    %scatter3A_547 = arith.constant 1 : i32
    %scatter3A_548 = arith.constant 0 : i32
    %scatter3A_549 = arith.constant 0 : i32
    %scatter3A_550 = tpu.memref_slice %arg4[%scatter3A_547, %scatter3A_548, %scatter3A_549] : memref<4x100x256xf32, #tpu.memory_space<vmem>> -> memref<1x100x256xf32, #tpu.memory_space<vmem>>
    %scatter3A_551 = tpu.memref_squeeze %scatter3A_550 : memref<1x100x256xf32, #tpu.memory_space<vmem>> -> memref<100x256xf32, #tpu.memory_space<vmem>>
    tpu.vector_store_idx %scatter3A_551[%select_n3A_543, %add3A_546], %broadcast_in_dim3A_14 : memref<100x256xf32, #tpu.memory_space<vmem>>[vector<16xi32>, vector<16xi32>], vector<16xf32>,
    %add3A_552 = arith.constant 192 : i32
    %add3A_553 = arith.addi %add3A_335, %add3A_552 : i32
    %get3A_554 = arith.index_cast %add3A_553 : i32 to index
    %get3A_555 = tpu.vector_load %arg5[%get3A_554] {strides = array<i32>} : memref<16384xi32, #tpu.memory_space<vmem>>, vector<16xi32>,
    %lt3A_556 = arith.constant 0 : i32
    %lt3A_557 = vector.broadcast %lt3A_556 : i32 to vector<16xi32>
    %lt3A_558 = arith.cmpi slt, %get3A_555, %lt3A_557 : vector<16xi32>
    %jit3A_559 = arith.constant 55 : i32
    %broadcast_in_dim3A_560 = vector.broadcast %jit3A_559 : i32 to vector<16xi32>
    %select_n3A_561 = arith.select %lt3A_558, %broadcast_in_dim3A_560, %get3A_555 : vector<16xi1>, vector<16xi32>
    %add3A_562 = arith.constant 192 : i32
    %add3A_563 = vector.broadcast %add3A_562 : i32 to vector<16xi32>
    %add3A_564 = arith.addi %add3A_563, %iota3A : vector<16xi32>
    %scatter3A_565 = arith.constant 1 : i32
    %scatter3A_566 = arith.constant 0 : i32
    %scatter3A_567 = arith.constant 0 : i32
    %scatter3A_568 = tpu.memref_slice %arg4[%scatter3A_565, %scatter3A_566, %scatter3A_567] : memref<4x100x256xf32, #tpu.memory_space<vmem>> -> memref<1x100x256xf32, #tpu.memory_space<vmem>>
    %scatter3A_569 = tpu.memref_squeeze %scatter3A_568 : memref<1x100x256xf32, #tpu.memory_space<vmem>> -> memref<100x256xf32, #tpu.memory_space<vmem>>
    tpu.vector_store_idx %scatter3A_569[%select_n3A_561, %add3A_564], %broadcast_in_dim3A_14 : memref<100x256xf32, #tpu.memory_space<vmem>>[vector<16xi32>, vector<16xi32>], vector<16xf32>,
    %add3A_570 = arith.constant 208 : i32
    %add3A_571 = arith.addi %add3A_335, %add3A_570 : i32
    %get3A_572 = arith.index_cast %add3A_571 : i32 to index
    %get3A_573 = tpu.vector_load %arg5[%get3A_572] {strides = array<i32>} : memref<16384xi32, #tpu.memory_space<vmem>>, vector<16xi32>,
    %lt3A_574 = arith.constant 0 : i32
    %lt3A_575 = vector.broadcast %lt3A_574 : i32 to vector<16xi32>
    %lt3A_576 = arith.cmpi slt, %get3A_573, %lt3A_575 : vector<16xi32>
    %jit3A_577 = arith.constant 55 : i32
    %broadcast_in_dim3A_578 = vector.broadcast %jit3A_577 : i32 to vector<16xi32>
    %select_n3A_579 = arith.select %lt3A_576, %broadcast_in_dim3A_578, %get3A_573 : vector<16xi1>, vector<16xi32>
    %add3A_580 = arith.constant 208 : i32
    %add3A_581 = vector.broadcast %add3A_580 : i32 to vector<16xi32>
    %add3A_582 = arith.addi %add3A_581, %iota3A : vector<16xi32>
    %scatter3A_583 = arith.constant 1 : i32
    %scatter3A_584 = arith.constant 0 : i32
    %scatter3A_585 = arith.constant 0 : i32
    %scatter3A_586 = tpu.memref_slice %arg4[%scatter3A_583, %scatter3A_584, %scatter3A_585] : memref<4x100x256xf32, #tpu.memory_space<vmem>> -> memref<1x100x256xf32, #tpu.memory_space<vmem>>
    %scatter3A_587 = tpu.memref_squeeze %scatter3A_586 : memref<1x100x256xf32, #tpu.memory_space<vmem>> -> memref<100x256xf32, #tpu.memory_space<vmem>>
    tpu.vector_store_idx %scatter3A_587[%select_n3A_579, %add3A_582], %broadcast_in_dim3A_14 : memref<100x256xf32, #tpu.memory_space<vmem>>[vector<16xi32>, vector<16xi32>], vector<16xf32>,
    %add3A_588 = arith.constant 224 : i32
    %add3A_589 = arith.addi %add3A_335, %add3A_588 : i32
    %get3A_590 = arith.index_cast %add3A_589 : i32 to index
    %get3A_591 = tpu.vector_load %arg5[%get3A_590] {strides = array<i32>} : memref<16384xi32, #tpu.memory_space<vmem>>, vector<16xi32>,
    %lt3A_592 = arith.constant 0 : i32
    %lt3A_593 = vector.broadcast %lt3A_592 : i32 to vector<16xi32>
    %lt3A_594 = arith.cmpi slt, %get3A_591, %lt3A_593 : vector<16xi32>
    %jit3A_595 = arith.constant 55 : i32
    %broadcast_in_dim3A_596 = vector.broadcast %jit3A_595 : i32 to vector<16xi32>
    %select_n3A_597 = arith.select %lt3A_594, %broadcast_in_dim3A_596, %get3A_591 : vector<16xi1>, vector<16xi32>
    %add3A_598 = arith.constant 224 : i32
    %add3A_599 = vector.broadcast %add3A_598 : i32 to vector<16xi32>
    %add3A_600 = arith.addi %add3A_599, %iota3A : vector<16xi32>
    %scatter3A_601 = arith.constant 1 : i32
    %scatter3A_602 = arith.constant 0 : i32
    %scatter3A_603 = arith.constant 0 : i32
    %scatter3A_604 = tpu.memref_slice %arg4[%scatter3A_601, %scatter3A_602, %scatter3A_603] : memref<4x100x256xf32, #tpu.memory_space<vmem>> -> memref<1x100x256xf32, #tpu.memory_space<vmem>>
    %scatter3A_605 = tpu.memref_squeeze %scatter3A_604 : memref<1x100x256xf32, #tpu.memory_space<vmem>> -> memref<100x256xf32, #tpu.memory_space<vmem>>
    tpu.vector_store_idx %scatter3A_605[%select_n3A_597, %add3A_600], %broadcast_in_dim3A_14 : memref<100x256xf32, #tpu.memory_space<vmem>>[vector<16xi32>, vector<16xi32>], vector<16xf32>,
    %add3A_606 = arith.constant 240 : i32
    %add3A_607 = arith.addi %add3A_335, %add3A_606 : i32
    %get3A_608 = arith.index_cast %add3A_607 : i32 to index
    %get3A_609 = tpu.vector_load %arg5[%get3A_608] {strides = array<i32>} : memref<16384xi32, #tpu.memory_space<vmem>>, vector<16xi32>,
    %lt3A_610 = arith.constant 0 : i32
    %lt3A_611 = vector.broadcast %lt3A_610 : i32 to vector<16xi32>
    %lt3A_612 = arith.cmpi slt, %get3A_609, %lt3A_611 : vector<16xi32>
    %jit3A_613 = arith.constant 55 : i32
    %broadcast_in_dim3A_614 = vector.broadcast %jit3A_613 : i32 to vector<16xi32>
    %select_n3A_615 = arith.select %lt3A_612, %broadcast_in_dim3A_614, %get3A_609 : vector<16xi1>, vector<16xi32>
    %add3A_616 = arith.constant 240 : i32
    %add3A_617 = vector.broadcast %add3A_616 : i32 to vector<16xi32>
    %add3A_618 = arith.addi %add3A_617, %iota3A : vector<16xi32>
    %scatter3A_619 = arith.constant 1 : i32
    %scatter3A_620 = arith.constant 0 : i32
    %scatter3A_621 = arith.constant 0 : i32
    %scatter3A_622 = tpu.memref_slice %arg4[%scatter3A_619, %scatter3A_620, %scatter3A_621] : memref<4x100x256xf32, #tpu.memory_space<vmem>> -> memref<1x100x256xf32, #tpu.memory_space<vmem>>
    %scatter3A_623 = tpu.memref_squeeze %scatter3A_622 : memref<1x100x256xf32, #tpu.memory_space<vmem>> -> memref<100x256xf32, #tpu.memory_space<vmem>>
    tpu.vector_store_idx %scatter3A_623[%select_n3A_615, %add3A_618], %broadcast_in_dim3A_14 : memref<100x256xf32, #tpu.memory_space<vmem>>[vector<16xi32>, vector<16xi32>], vector<16xf32>,
    %add3A_624 = arith.constant 1 : i32
    %add3A_625 = arith.addi %add3A_4, %add3A_624 : i32
    %mul3A_626 = arith.constant 256 : i32
    %mul3A_627 = arith.muli %add3A_625, %mul3A_626 : i32
    %dma_start3A_628 = arith.constant 1 : i32
    %dma_start3A_629 = arith.constant 0 : i32
    %dma_start3A_630 = arith.constant 0 : i32
    %dma_start3A_631 = tpu.memref_slice %arg4[%dma_start3A_628, %dma_start3A_629, %dma_start3A_630] : memref<4x100x256xf32, #tpu.memory_space<vmem>> -> memref<1x100x256xf32, #tpu.memory_space<vmem>>
    %dma_start3A_632 = tpu.memref_squeeze %dma_start3A_631 : memref<1x100x256xf32, #tpu.memory_space<vmem>> -> memref<100x256xf32, #tpu.memory_space<vmem>>
    %dma_start3A_633 = arith.constant 0 : i32
    %dma_start3A_634 = tpu.memref_slice %arg3[%dma_start3A_633, %mul3A_627] : memref<100x500000xf32, #tpu.memory_space<hbm>> -> memref<100x256xf32, #tpu.memory_space<hbm>>
    %dma_start3A_635 = arith.constant 0 : i32
    %dma_start3A_636 = tpu.memref_slice %arg3[%dma_start3A_635, %mul3A_627] : memref<100x500000xf32, #tpu.memory_space<hbm>> -> memref<100x256xf32, #tpu.memory_space<hbm>>
    %dma_start3A_637 = arith.constant 0 : i32
    %dma_start3A_638 = arith.constant 0 : i32
    %dma_start3A_639 = tpu.memref_slice %arg4[%dma_start3A_628, %dma_start3A_637, %dma_start3A_638] : memref<4x100x256xf32, #tpu.memory_space<vmem>> -> memref<1x100x256xf32, #tpu.memory_space<vmem>>
    %dma_start3A_640 = tpu.memref_squeeze %dma_start3A_639 : memref<1x100x256xf32, #tpu.memory_space<vmem>> -> memref<100x256xf32, #tpu.memory_space<vmem>>
    tpu.enqueue_dma source(%dma_start3A_640 : memref<100x256xf32, #tpu.memory_space<vmem>>) target(%dma_start3A_636 : memref<100x256xf32, #tpu.memory_space<hbm>>) target_semaphore(%arg8 : memref<!tpu.dma_semaphore, #tpu.memory_space<semaphore_mem>>)
    %scan3A_641 = arith.constant 0 : i32
    %scan3A_642 = arith.constant 0 : i32
    %scan3A_643 = arith.constant 100 : i32
    %scan3A_644 = arith.addi %scan3A_642, %scan3A_643 : i32
    %scan3A_645 = arith.constant 1 : i32
    scf.for %scan3A_1273 = %scan3A_642 to %scan3A_644 step %scan3A_645  : i32 {
      %swap3A = arith.constant 2 : i32
      %swap3A_1274 = arith.index_cast %swap3A : i32 to index
      %swap3A_1275 = arith.index_cast %scan3A_1273 : i32 to index
      %swap3A_1276 = arith.constant 0 : index
      %swap3A_1277 = tpu.vector_load %arg4[%swap3A_1274, %swap3A_1275, %swap3A_1276] {strides = array<i32>} : memref<4x100x256xf32, #tpu.memory_space<vmem>>, vector<16xf32>,
      tpu.vector_store %arg4[%swap3A_1274, %swap3A_1275, %swap3A_1276], %broadcast_in_dim3A_12 {strides = array<i32>} : memref<4x100x256xf32, #tpu.memory_space<vmem>>, vector<16xf32>,
      %swap3A_1278 = arith.constant 2 : i32
      %swap3A_1279 = arith.index_cast %swap3A_1278 : i32 to index
      %swap3A_1280 = arith.index_cast %scan3A_1273 : i32 to index
      %swap3A_1281 = arith.constant 16 : index
      %swap3A_1282 = tpu.vector_load %arg4[%swap3A_1279, %swap3A_1280, %swap3A_1281] {strides = array<i32>} : memref<4x100x256xf32, #tpu.memory_space<vmem>>, vector<16xf32>,
      tpu.vector_store %arg4[%swap3A_1279, %swap3A_1280, %swap3A_1281], %broadcast_in_dim3A_12 {strides = array<i32>} : memref<4x100x256xf32, #tpu.memory_space<vmem>>, vector<16xf32>,
      %swap3A_1283 = arith.constant 2 : i32
      %swap3A_1284 = arith.index_cast %swap3A_1283 : i32 to index
      %swap3A_1285 = arith.index_cast %scan3A_1273 : i32 to index
      %swap3A_1286 = arith.constant 32 : index
      %swap3A_1287 = tpu.vector_load %arg4[%swap3A_1284, %swap3A_1285, %swap3A_1286] {strides = array<i32>} : memref<4x100x256xf32, #tpu.memory_space<vmem>>, vector<16xf32>,
      tpu.vector_store %arg4[%swap3A_1284, %swap3A_1285, %swap3A_1286], %broadcast_in_dim3A_12 {strides = array<i32>} : memref<4x100x256xf32, #tpu.memory_space<vmem>>, vector<16xf32>,
      %swap3A_1288 = arith.constant 2 : i32
      %swap3A_1289 = arith.index_cast %swap3A_1288 : i32 to index
      %swap3A_1290 = arith.index_cast %scan3A_1273 : i32 to index
      %swap3A_1291 = arith.constant 48 : index
      %swap3A_1292 = tpu.vector_load %arg4[%swap3A_1289, %swap3A_1290, %swap3A_1291] {strides = array<i32>} : memref<4x100x256xf32, #tpu.memory_space<vmem>>, vector<16xf32>,
      tpu.vector_store %arg4[%swap3A_1289, %swap3A_1290, %swap3A_1291], %broadcast_in_dim3A_12 {strides = array<i32>} : memref<4x100x256xf32, #tpu.memory_space<vmem>>, vector<16xf32>,
      %swap3A_1293 = arith.constant 2 : i32
      %swap3A_1294 = arith.index_cast %swap3A_1293 : i32 to index
      %swap3A_1295 = arith.index_cast %scan3A_1273 : i32 to index
      %swap3A_1296 = arith.constant 64 : index
      %swap3A_1297 = tpu.vector_load %arg4[%swap3A_1294, %swap3A_1295, %swap3A_1296] {strides = array<i32>} : memref<4x100x256xf32, #tpu.memory_space<vmem>>, vector<16xf32>,
      tpu.vector_store %arg4[%swap3A_1294, %swap3A_1295, %swap3A_1296], %broadcast_in_dim3A_12 {strides = array<i32>} : memref<4x100x256xf32, #tpu.memory_space<vmem>>, vector<16xf32>,
      %swap3A_1298 = arith.constant 2 : i32
      %swap3A_1299 = arith.index_cast %swap3A_1298 : i32 to index
      %swap3A_1300 = arith.index_cast %scan3A_1273 : i32 to index
      %swap3A_1301 = arith.constant 80 : index
      %swap3A_1302 = tpu.vector_load %arg4[%swap3A_1299, %swap3A_1300, %swap3A_1301] {strides = array<i32>} : memref<4x100x256xf32, #tpu.memory_space<vmem>>, vector<16xf32>,
      tpu.vector_store %arg4[%swap3A_1299, %swap3A_1300, %swap3A_1301], %broadcast_in_dim3A_12 {strides = array<i32>} : memref<4x100x256xf32, #tpu.memory_space<vmem>>, vector<16xf32>,
      %swap3A_1303 = arith.constant 2 : i32
      %swap3A_1304 = arith.index_cast %swap3A_1303 : i32 to index
      %swap3A_1305 = arith.index_cast %scan3A_1273 : i32 to index
      %swap3A_1306 = arith.constant 96 : index
      %swap3A_1307 = tpu.vector_load %arg4[%swap3A_1304, %swap3A_1305, %swap3A_1306] {strides = array<i32>} : memref<4x100x256xf32, #tpu.memory_space<vmem>>, vector<16xf32>,
      tpu.vector_store %arg4[%swap3A_1304, %swap3A_1305, %swap3A_1306], %broadcast_in_dim3A_12 {strides = array<i32>} : memref<4x100x256xf32, #tpu.memory_space<vmem>>, vector<16xf32>,
      %swap3A_1308 = arith.constant 2 : i32
      %swap3A_1309 = arith.index_cast %swap3A_1308 : i32 to index
      %swap3A_1310 = arith.index_cast %scan3A_1273 : i32 to index
      %swap3A_1311 = arith.constant 112 : index
      %swap3A_1312 = tpu.vector_load %arg4[%swap3A_1309, %swap3A_1310, %swap3A_1311] {strides = array<i32>} : memref<4x100x256xf32, #tpu.memory_space<vmem>>, vector<16xf32>,
      tpu.vector_store %arg4[%swap3A_1309, %swap3A_1310, %swap3A_1311], %broadcast_in_dim3A_12 {strides = array<i32>} : memref<4x100x256xf32, #tpu.memory_space<vmem>>, vector<16xf32>,
      %swap3A_1313 = arith.constant 2 : i32
      %swap3A_1314 = arith.index_cast %swap3A_1313 : i32 to index
      %swap3A_1315 = arith.index_cast %scan3A_1273 : i32 to index
      %swap3A_1316 = arith.constant 128 : index
      %swap3A_1317 = tpu.vector_load %arg4[%swap3A_1314, %swap3A_1315, %swap3A_1316] {strides = array<i32>} : memref<4x100x256xf32, #tpu.memory_space<vmem>>, vector<16xf32>,
      tpu.vector_store %arg4[%swap3A_1314, %swap3A_1315, %swap3A_1316], %broadcast_in_dim3A_12 {strides = array<i32>} : memref<4x100x256xf32, #tpu.memory_space<vmem>>, vector<16xf32>,
      %swap3A_1318 = arith.constant 2 : i32
      %swap3A_1319 = arith.index_cast %swap3A_1318 : i32 to index
      %swap3A_1320 = arith.index_cast %scan3A_1273 : i32 to index
      %swap3A_1321 = arith.constant 144 : index
      %swap3A_1322 = tpu.vector_load %arg4[%swap3A_1319, %swap3A_1320, %swap3A_1321] {strides = array<i32>} : memref<4x100x256xf32, #tpu.memory_space<vmem>>, vector<16xf32>,
      tpu.vector_store %arg4[%swap3A_1319, %swap3A_1320, %swap3A_1321], %broadcast_in_dim3A_12 {strides = array<i32>} : memref<4x100x256xf32, #tpu.memory_space<vmem>>, vector<16xf32>,
      %swap3A_1323 = arith.constant 2 : i32
      %swap3A_1324 = arith.index_cast %swap3A_1323 : i32 to index
      %swap3A_1325 = arith.index_cast %scan3A_1273 : i32 to index
      %swap3A_1326 = arith.constant 160 : index
      %swap3A_1327 = tpu.vector_load %arg4[%swap3A_1324, %swap3A_1325, %swap3A_1326] {strides = array<i32>} : memref<4x100x256xf32, #tpu.memory_space<vmem>>, vector<16xf32>,
      tpu.vector_store %arg4[%swap3A_1324, %swap3A_1325, %swap3A_1326], %broadcast_in_dim3A_12 {strides = array<i32>} : memref<4x100x256xf32, #tpu.memory_space<vmem>>, vector<16xf32>,
      %swap3A_1328 = arith.constant 2 : i32
      %swap3A_1329 = arith.index_cast %swap3A_1328 : i32 to index
      %swap3A_1330 = arith.index_cast %scan3A_1273 : i32 to index
      %swap3A_1331 = arith.constant 176 : index
      %swap3A_1332 = tpu.vector_load %arg4[%swap3A_1329, %swap3A_1330, %swap3A_1331] {strides = array<i32>} : memref<4x100x256xf32, #tpu.memory_space<vmem>>, vector<16xf32>,
      tpu.vector_store %arg4[%swap3A_1329, %swap3A_1330, %swap3A_1331], %broadcast_in_dim3A_12 {strides = array<i32>} : memref<4x100x256xf32, #tpu.memory_space<vmem>>, vector<16xf32>,
      %swap3A_1333 = arith.constant 2 : i32
      %swap3A_1334 = arith.index_cast %swap3A_1333 : i32 to index
      %swap3A_1335 = arith.index_cast %scan3A_1273 : i32 to index
      %swap3A_1336 = arith.constant 192 : index
      %swap3A_1337 = tpu.vector_load %arg4[%swap3A_1334, %swap3A_1335, %swap3A_1336] {strides = array<i32>} : memref<4x100x256xf32, #tpu.memory_space<vmem>>, vector<16xf32>,
      tpu.vector_store %arg4[%swap3A_1334, %swap3A_1335, %swap3A_1336], %broadcast_in_dim3A_12 {strides = array<i32>} : memref<4x100x256xf32, #tpu.memory_space<vmem>>, vector<16xf32>,
      %swap3A_1338 = arith.constant 2 : i32
      %swap3A_1339 = arith.index_cast %swap3A_1338 : i32 to index
      %swap3A_1340 = arith.index_cast %scan3A_1273 : i32 to index
      %swap3A_1341 = arith.constant 208 : index
      %swap3A_1342 = tpu.vector_load %arg4[%swap3A_1339, %swap3A_1340, %swap3A_1341] {strides = array<i32>} : memref<4x100x256xf32, #tpu.memory_space<vmem>>, vector<16xf32>,
      tpu.vector_store %arg4[%swap3A_1339, %swap3A_1340, %swap3A_1341], %broadcast_in_dim3A_12 {strides = array<i32>} : memref<4x100x256xf32, #tpu.memory_space<vmem>>, vector<16xf32>,
      %swap3A_1343 = arith.constant 2 : i32
      %swap3A_1344 = arith.index_cast %swap3A_1343 : i32 to index
      %swap3A_1345 = arith.index_cast %scan3A_1273 : i32 to index
      %swap3A_1346 = arith.constant 224 : index
      %swap3A_1347 = tpu.vector_load %arg4[%swap3A_1344, %swap3A_1345, %swap3A_1346] {strides = array<i32>} : memref<4x100x256xf32, #tpu.memory_space<vmem>>, vector<16xf32>,
      tpu.vector_store %arg4[%swap3A_1344, %swap3A_1345, %swap3A_1346], %broadcast_in_dim3A_12 {strides = array<i32>} : memref<4x100x256xf32, #tpu.memory_space<vmem>>, vector<16xf32>,
      %swap3A_1348 = arith.constant 2 : i32
      %swap3A_1349 = arith.index_cast %swap3A_1348 : i32 to index
      %swap3A_1350 = arith.index_cast %scan3A_1273 : i32 to index
      %swap3A_1351 = arith.constant 240 : index
      %swap3A_1352 = tpu.vector_load %arg4[%swap3A_1349, %swap3A_1350, %swap3A_1351] {strides = array<i32>} : memref<4x100x256xf32, #tpu.memory_space<vmem>>, vector<16xf32>,
      tpu.vector_store %arg4[%swap3A_1349, %swap3A_1350, %swap3A_1351], %broadcast_in_dim3A_12 {strides = array<i32>} : memref<4x100x256xf32, #tpu.memory_space<vmem>>, vector<16xf32>,
    }
    %scan3A_646 = arith.constant 100 : i32
    %add3A_647 = arith.constant 512 : i32
    %add3A_648 = arith.addi %sub3A, %add3A_647 : i32
    %add3A_649 = arith.constant 0 : i32
    %add3A_650 = arith.addi %add3A_648, %add3A_649 : i32
    %get3A_651 = arith.index_cast %add3A_650 : i32 to index
    %get3A_652 = tpu.vector_load %arg5[%get3A_651] {strides = array<i32>} : memref<16384xi32, #tpu.memory_space<vmem>>, vector<16xi32>,
    %lt3A_653 = arith.constant 0 : i32
    %lt3A_654 = vector.broadcast %lt3A_653 : i32 to vector<16xi32>
    %lt3A_655 = arith.cmpi slt, %get3A_652, %lt3A_654 : vector<16xi32>
    %jit3A_656 = arith.constant 55 : i32
    %broadcast_in_dim3A_657 = vector.broadcast %jit3A_656 : i32 to vector<16xi32>
    %select_n3A_658 = arith.select %lt3A_655, %broadcast_in_dim3A_657, %get3A_652 : vector<16xi1>, vector<16xi32>
    %add3A_659 = arith.constant 0 : i32
    %add3A_660 = vector.broadcast %add3A_659 : i32 to vector<16xi32>
    %add3A_661 = arith.addi %add3A_660, %iota3A : vector<16xi32>
    %scatter3A_662 = arith.constant 2 : i32
    %scatter3A_663 = arith.constant 0 : i32
    %scatter3A_664 = arith.constant 0 : i32
    %scatter3A_665 = tpu.memref_slice %arg4[%scatter3A_662, %scatter3A_663, %scatter3A_664] : memref<4x100x256xf32, #tpu.memory_space<vmem>> -> memref<1x100x256xf32, #tpu.memory_space<vmem>>
    %scatter3A_666 = tpu.memref_squeeze %scatter3A_665 : memref<1x100x256xf32, #tpu.memory_space<vmem>> -> memref<100x256xf32, #tpu.memory_space<vmem>>
    tpu.vector_store_idx %scatter3A_666[%select_n3A_658, %add3A_661], %broadcast_in_dim3A_14 : memref<100x256xf32, #tpu.memory_space<vmem>>[vector<16xi32>, vector<16xi32>], vector<16xf32>,
    %add3A_667 = arith.constant 16 : i32
    %add3A_668 = arith.addi %add3A_648, %add3A_667 : i32
    %get3A_669 = arith.index_cast %add3A_668 : i32 to index
    %get3A_670 = tpu.vector_load %arg5[%get3A_669] {strides = array<i32>} : memref<16384xi32, #tpu.memory_space<vmem>>, vector<16xi32>,
    %lt3A_671 = arith.constant 0 : i32
    %lt3A_672 = vector.broadcast %lt3A_671 : i32 to vector<16xi32>
    %lt3A_673 = arith.cmpi slt, %get3A_670, %lt3A_672 : vector<16xi32>
    %jit3A_674 = arith.constant 55 : i32
    %broadcast_in_dim3A_675 = vector.broadcast %jit3A_674 : i32 to vector<16xi32>
    %select_n3A_676 = arith.select %lt3A_673, %broadcast_in_dim3A_675, %get3A_670 : vector<16xi1>, vector<16xi32>
    %add3A_677 = arith.constant 16 : i32
    %add3A_678 = vector.broadcast %add3A_677 : i32 to vector<16xi32>
    %add3A_679 = arith.addi %add3A_678, %iota3A : vector<16xi32>
    %scatter3A_680 = arith.constant 2 : i32
    %scatter3A_681 = arith.constant 0 : i32
    %scatter3A_682 = arith.constant 0 : i32
    %scatter3A_683 = tpu.memref_slice %arg4[%scatter3A_680, %scatter3A_681, %scatter3A_682] : memref<4x100x256xf32, #tpu.memory_space<vmem>> -> memref<1x100x256xf32, #tpu.memory_space<vmem>>
    %scatter3A_684 = tpu.memref_squeeze %scatter3A_683 : memref<1x100x256xf32, #tpu.memory_space<vmem>> -> memref<100x256xf32, #tpu.memory_space<vmem>>
    tpu.vector_store_idx %scatter3A_684[%select_n3A_676, %add3A_679], %broadcast_in_dim3A_14 : memref<100x256xf32, #tpu.memory_space<vmem>>[vector<16xi32>, vector<16xi32>], vector<16xf32>,
    %add3A_685 = arith.constant 32 : i32
    %add3A_686 = arith.addi %add3A_648, %add3A_685 : i32
    %get3A_687 = arith.index_cast %add3A_686 : i32 to index
    %get3A_688 = tpu.vector_load %arg5[%get3A_687] {strides = array<i32>} : memref<16384xi32, #tpu.memory_space<vmem>>, vector<16xi32>,
    %lt3A_689 = arith.constant 0 : i32
    %lt3A_690 = vector.broadcast %lt3A_689 : i32 to vector<16xi32>
    %lt3A_691 = arith.cmpi slt, %get3A_688, %lt3A_690 : vector<16xi32>
    %jit3A_692 = arith.constant 55 : i32
    %broadcast_in_dim3A_693 = vector.broadcast %jit3A_692 : i32 to vector<16xi32>
    %select_n3A_694 = arith.select %lt3A_691, %broadcast_in_dim3A_693, %get3A_688 : vector<16xi1>, vector<16xi32>
    %add3A_695 = arith.constant 32 : i32
    %add3A_696 = vector.broadcast %add3A_695 : i32 to vector<16xi32>
    %add3A_697 = arith.addi %add3A_696, %iota3A : vector<16xi32>
    %scatter3A_698 = arith.constant 2 : i32
    %scatter3A_699 = arith.constant 0 : i32
    %scatter3A_700 = arith.constant 0 : i32
    %scatter3A_701 = tpu.memref_slice %arg4[%scatter3A_698, %scatter3A_699, %scatter3A_700] : memref<4x100x256xf32, #tpu.memory_space<vmem>> -> memref<1x100x256xf32, #tpu.memory_space<vmem>>
    %scatter3A_702 = tpu.memref_squeeze %scatter3A_701 : memref<1x100x256xf32, #tpu.memory_space<vmem>> -> memref<100x256xf32, #tpu.memory_space<vmem>>
    tpu.vector_store_idx %scatter3A_702[%select_n3A_694, %add3A_697], %broadcast_in_dim3A_14 : memref<100x256xf32, #tpu.memory_space<vmem>>[vector<16xi32>, vector<16xi32>], vector<16xf32>,
    %add3A_703 = arith.constant 48 : i32
    %add3A_704 = arith.addi %add3A_648, %add3A_703 : i32
    %get3A_705 = arith.index_cast %add3A_704 : i32 to index
    %get3A_706 = tpu.vector_load %arg5[%get3A_705] {strides = array<i32>} : memref<16384xi32, #tpu.memory_space<vmem>>, vector<16xi32>,
    %lt3A_707 = arith.constant 0 : i32
    %lt3A_708 = vector.broadcast %lt3A_707 : i32 to vector<16xi32>
    %lt3A_709 = arith.cmpi slt, %get3A_706, %lt3A_708 : vector<16xi32>
    %jit3A_710 = arith.constant 55 : i32
    %broadcast_in_dim3A_711 = vector.broadcast %jit3A_710 : i32 to vector<16xi32>
    %select_n3A_712 = arith.select %lt3A_709, %broadcast_in_dim3A_711, %get3A_706 : vector<16xi1>, vector<16xi32>
    %add3A_713 = arith.constant 48 : i32
    %add3A_714 = vector.broadcast %add3A_713 : i32 to vector<16xi32>
    %add3A_715 = arith.addi %add3A_714, %iota3A : vector<16xi32>
    %scatter3A_716 = arith.constant 2 : i32
    %scatter3A_717 = arith.constant 0 : i32
    %scatter3A_718 = arith.constant 0 : i32
    %scatter3A_719 = tpu.memref_slice %arg4[%scatter3A_716, %scatter3A_717, %scatter3A_718] : memref<4x100x256xf32, #tpu.memory_space<vmem>> -> memref<1x100x256xf32, #tpu.memory_space<vmem>>
    %scatter3A_720 = tpu.memref_squeeze %scatter3A_719 : memref<1x100x256xf32, #tpu.memory_space<vmem>> -> memref<100x256xf32, #tpu.memory_space<vmem>>
    tpu.vector_store_idx %scatter3A_720[%select_n3A_712, %add3A_715], %broadcast_in_dim3A_14 : memref<100x256xf32, #tpu.memory_space<vmem>>[vector<16xi32>, vector<16xi32>], vector<16xf32>,
    %add3A_721 = arith.constant 64 : i32
    %add3A_722 = arith.addi %add3A_648, %add3A_721 : i32
    %get3A_723 = arith.index_cast %add3A_722 : i32 to index
    %get3A_724 = tpu.vector_load %arg5[%get3A_723] {strides = array<i32>} : memref<16384xi32, #tpu.memory_space<vmem>>, vector<16xi32>,
    %lt3A_725 = arith.constant 0 : i32
    %lt3A_726 = vector.broadcast %lt3A_725 : i32 to vector<16xi32>
    %lt3A_727 = arith.cmpi slt, %get3A_724, %lt3A_726 : vector<16xi32>
    %jit3A_728 = arith.constant 55 : i32
    %broadcast_in_dim3A_729 = vector.broadcast %jit3A_728 : i32 to vector<16xi32>
    %select_n3A_730 = arith.select %lt3A_727, %broadcast_in_dim3A_729, %get3A_724 : vector<16xi1>, vector<16xi32>
    %add3A_731 = arith.constant 64 : i32
    %add3A_732 = vector.broadcast %add3A_731 : i32 to vector<16xi32>
    %add3A_733 = arith.addi %add3A_732, %iota3A : vector<16xi32>
    %scatter3A_734 = arith.constant 2 : i32
    %scatter3A_735 = arith.constant 0 : i32
    %scatter3A_736 = arith.constant 0 : i32
    %scatter3A_737 = tpu.memref_slice %arg4[%scatter3A_734, %scatter3A_735, %scatter3A_736] : memref<4x100x256xf32, #tpu.memory_space<vmem>> -> memref<1x100x256xf32, #tpu.memory_space<vmem>>
    %scatter3A_738 = tpu.memref_squeeze %scatter3A_737 : memref<1x100x256xf32, #tpu.memory_space<vmem>> -> memref<100x256xf32, #tpu.memory_space<vmem>>
    tpu.vector_store_idx %scatter3A_738[%select_n3A_730, %add3A_733], %broadcast_in_dim3A_14 : memref<100x256xf32, #tpu.memory_space<vmem>>[vector<16xi32>, vector<16xi32>], vector<16xf32>,
    %add3A_739 = arith.constant 80 : i32
    %add3A_740 = arith.addi %add3A_648, %add3A_739 : i32
    %get3A_741 = arith.index_cast %add3A_740 : i32 to index
    %get3A_742 = tpu.vector_load %arg5[%get3A_741] {strides = array<i32>} : memref<16384xi32, #tpu.memory_space<vmem>>, vector<16xi32>,
    %lt3A_743 = arith.constant 0 : i32
    %lt3A_744 = vector.broadcast %lt3A_743 : i32 to vector<16xi32>
    %lt3A_745 = arith.cmpi slt, %get3A_742, %lt3A_744 : vector<16xi32>
    %jit3A_746 = arith.constant 55 : i32
    %broadcast_in_dim3A_747 = vector.broadcast %jit3A_746 : i32 to vector<16xi32>
    %select_n3A_748 = arith.select %lt3A_745, %broadcast_in_dim3A_747, %get3A_742 : vector<16xi1>, vector<16xi32>
    %add3A_749 = arith.constant 80 : i32
    %add3A_750 = vector.broadcast %add3A_749 : i32 to vector<16xi32>
    %add3A_751 = arith.addi %add3A_750, %iota3A : vector<16xi32>
    %scatter3A_752 = arith.constant 2 : i32
    %scatter3A_753 = arith.constant 0 : i32
    %scatter3A_754 = arith.constant 0 : i32
    %scatter3A_755 = tpu.memref_slice %arg4[%scatter3A_752, %scatter3A_753, %scatter3A_754] : memref<4x100x256xf32, #tpu.memory_space<vmem>> -> memref<1x100x256xf32, #tpu.memory_space<vmem>>
    %scatter3A_756 = tpu.memref_squeeze %scatter3A_755 : memref<1x100x256xf32, #tpu.memory_space<vmem>> -> memref<100x256xf32, #tpu.memory_space<vmem>>
    tpu.vector_store_idx %scatter3A_756[%select_n3A_748, %add3A_751], %broadcast_in_dim3A_14 : memref<100x256xf32, #tpu.memory_space<vmem>>[vector<16xi32>, vector<16xi32>], vector<16xf32>,
    %add3A_757 = arith.constant 96 : i32
    %add3A_758 = arith.addi %add3A_648, %add3A_757 : i32
    %get3A_759 = arith.index_cast %add3A_758 : i32 to index
    %get3A_760 = tpu.vector_load %arg5[%get3A_759] {strides = array<i32>} : memref<16384xi32, #tpu.memory_space<vmem>>, vector<16xi32>,
    %lt3A_761 = arith.constant 0 : i32
    %lt3A_762 = vector.broadcast %lt3A_761 : i32 to vector<16xi32>
    %lt3A_763 = arith.cmpi slt, %get3A_760, %lt3A_762 : vector<16xi32>
    %jit3A_764 = arith.constant 55 : i32
    %broadcast_in_dim3A_765 = vector.broadcast %jit3A_764 : i32 to vector<16xi32>
    %select_n3A_766 = arith.select %lt3A_763, %broadcast_in_dim3A_765, %get3A_760 : vector<16xi1>, vector<16xi32>
    %add3A_767 = arith.constant 96 : i32
    %add3A_768 = vector.broadcast %add3A_767 : i32 to vector<16xi32>
    %add3A_769 = arith.addi %add3A_768, %iota3A : vector<16xi32>
    %scatter3A_770 = arith.constant 2 : i32
    %scatter3A_771 = arith.constant 0 : i32
    %scatter3A_772 = arith.constant 0 : i32
    %scatter3A_773 = tpu.memref_slice %arg4[%scatter3A_770, %scatter3A_771, %scatter3A_772] : memref<4x100x256xf32, #tpu.memory_space<vmem>> -> memref<1x100x256xf32, #tpu.memory_space<vmem>>
    %scatter3A_774 = tpu.memref_squeeze %scatter3A_773 : memref<1x100x256xf32, #tpu.memory_space<vmem>> -> memref<100x256xf32, #tpu.memory_space<vmem>>
    tpu.vector_store_idx %scatter3A_774[%select_n3A_766, %add3A_769], %broadcast_in_dim3A_14 : memref<100x256xf32, #tpu.memory_space<vmem>>[vector<16xi32>, vector<16xi32>], vector<16xf32>,
    %add3A_775 = arith.constant 112 : i32
    %add3A_776 = arith.addi %add3A_648, %add3A_775 : i32
    %get3A_777 = arith.index_cast %add3A_776 : i32 to index
    %get3A_778 = tpu.vector_load %arg5[%get3A_777] {strides = array<i32>} : memref<16384xi32, #tpu.memory_space<vmem>>, vector<16xi32>,
    %lt3A_779 = arith.constant 0 : i32
    %lt3A_780 = vector.broadcast %lt3A_779 : i32 to vector<16xi32>
    %lt3A_781 = arith.cmpi slt, %get3A_778, %lt3A_780 : vector<16xi32>
    %jit3A_782 = arith.constant 55 : i32
    %broadcast_in_dim3A_783 = vector.broadcast %jit3A_782 : i32 to vector<16xi32>
    %select_n3A_784 = arith.select %lt3A_781, %broadcast_in_dim3A_783, %get3A_778 : vector<16xi1>, vector<16xi32>
    %add3A_785 = arith.constant 112 : i32
    %add3A_786 = vector.broadcast %add3A_785 : i32 to vector<16xi32>
    %add3A_787 = arith.addi %add3A_786, %iota3A : vector<16xi32>
    %scatter3A_788 = arith.constant 2 : i32
    %scatter3A_789 = arith.constant 0 : i32
    %scatter3A_790 = arith.constant 0 : i32
    %scatter3A_791 = tpu.memref_slice %arg4[%scatter3A_788, %scatter3A_789, %scatter3A_790] : memref<4x100x256xf32, #tpu.memory_space<vmem>> -> memref<1x100x256xf32, #tpu.memory_space<vmem>>
    %scatter3A_792 = tpu.memref_squeeze %scatter3A_791 : memref<1x100x256xf32, #tpu.memory_space<vmem>> -> memref<100x256xf32, #tpu.memory_space<vmem>>
    tpu.vector_store_idx %scatter3A_792[%select_n3A_784, %add3A_787], %broadcast_in_dim3A_14 : memref<100x256xf32, #tpu.memory_space<vmem>>[vector<16xi32>, vector<16xi32>], vector<16xf32>,
    %add3A_793 = arith.constant 128 : i32
    %add3A_794 = arith.addi %add3A_648, %add3A_793 : i32
    %get3A_795 = arith.index_cast %add3A_794 : i32 to index
    %get3A_796 = tpu.vector_load %arg5[%get3A_795] {strides = array<i32>} : memref<16384xi32, #tpu.memory_space<vmem>>, vector<16xi32>,
    %lt3A_797 = arith.constant 0 : i32
    %lt3A_798 = vector.broadcast %lt3A_797 : i32 to vector<16xi32>
    %lt3A_799 = arith.cmpi slt, %get3A_796, %lt3A_798 : vector<16xi32>
    %jit3A_800 = arith.constant 55 : i32
    %broadcast_in_dim3A_801 = vector.broadcast %jit3A_800 : i32 to vector<16xi32>
    %select_n3A_802 = arith.select %lt3A_799, %broadcast_in_dim3A_801, %get3A_796 : vector<16xi1>, vector<16xi32>
    %add3A_803 = arith.constant 128 : i32
    %add3A_804 = vector.broadcast %add3A_803 : i32 to vector<16xi32>
    %add3A_805 = arith.addi %add3A_804, %iota3A : vector<16xi32>
    %scatter3A_806 = arith.constant 2 : i32
    %scatter3A_807 = arith.constant 0 : i32
    %scatter3A_808 = arith.constant 0 : i32
    %scatter3A_809 = tpu.memref_slice %arg4[%scatter3A_806, %scatter3A_807, %scatter3A_808] : memref<4x100x256xf32, #tpu.memory_space<vmem>> -> memref<1x100x256xf32, #tpu.memory_space<vmem>>
    %scatter3A_810 = tpu.memref_squeeze %scatter3A_809 : memref<1x100x256xf32, #tpu.memory_space<vmem>> -> memref<100x256xf32, #tpu.memory_space<vmem>>
    tpu.vector_store_idx %scatter3A_810[%select_n3A_802, %add3A_805], %broadcast_in_dim3A_14 : memref<100x256xf32, #tpu.memory_space<vmem>>[vector<16xi32>, vector<16xi32>], vector<16xf32>,
    %add3A_811 = arith.constant 144 : i32
    %add3A_812 = arith.addi %add3A_648, %add3A_811 : i32
    %get3A_813 = arith.index_cast %add3A_812 : i32 to index
    %get3A_814 = tpu.vector_load %arg5[%get3A_813] {strides = array<i32>} : memref<16384xi32, #tpu.memory_space<vmem>>, vector<16xi32>,
    %lt3A_815 = arith.constant 0 : i32
    %lt3A_816 = vector.broadcast %lt3A_815 : i32 to vector<16xi32>
    %lt3A_817 = arith.cmpi slt, %get3A_814, %lt3A_816 : vector<16xi32>
    %jit3A_818 = arith.constant 55 : i32
    %broadcast_in_dim3A_819 = vector.broadcast %jit3A_818 : i32 to vector<16xi32>
    %select_n3A_820 = arith.select %lt3A_817, %broadcast_in_dim3A_819, %get3A_814 : vector<16xi1>, vector<16xi32>
    %add3A_821 = arith.constant 144 : i32
    %add3A_822 = vector.broadcast %add3A_821 : i32 to vector<16xi32>
    %add3A_823 = arith.addi %add3A_822, %iota3A : vector<16xi32>
    %scatter3A_824 = arith.constant 2 : i32
    %scatter3A_825 = arith.constant 0 : i32
    %scatter3A_826 = arith.constant 0 : i32
    %scatter3A_827 = tpu.memref_slice %arg4[%scatter3A_824, %scatter3A_825, %scatter3A_826] : memref<4x100x256xf32, #tpu.memory_space<vmem>> -> memref<1x100x256xf32, #tpu.memory_space<vmem>>
    %scatter3A_828 = tpu.memref_squeeze %scatter3A_827 : memref<1x100x256xf32, #tpu.memory_space<vmem>> -> memref<100x256xf32, #tpu.memory_space<vmem>>
    tpu.vector_store_idx %scatter3A_828[%select_n3A_820, %add3A_823], %broadcast_in_dim3A_14 : memref<100x256xf32, #tpu.memory_space<vmem>>[vector<16xi32>, vector<16xi32>], vector<16xf32>,
    %add3A_829 = arith.constant 160 : i32
    %add3A_830 = arith.addi %add3A_648, %add3A_829 : i32
    %get3A_831 = arith.index_cast %add3A_830 : i32 to index
    %get3A_832 = tpu.vector_load %arg5[%get3A_831] {strides = array<i32>} : memref<16384xi32, #tpu.memory_space<vmem>>, vector<16xi32>,
    %lt3A_833 = arith.constant 0 : i32
    %lt3A_834 = vector.broadcast %lt3A_833 : i32 to vector<16xi32>
    %lt3A_835 = arith.cmpi slt, %get3A_832, %lt3A_834 : vector<16xi32>
    %jit3A_836 = arith.constant 55 : i32
    %broadcast_in_dim3A_837 = vector.broadcast %jit3A_836 : i32 to vector<16xi32>
    %select_n3A_838 = arith.select %lt3A_835, %broadcast_in_dim3A_837, %get3A_832 : vector<16xi1>, vector<16xi32>
    %add3A_839 = arith.constant 160 : i32
    %add3A_840 = vector.broadcast %add3A_839 : i32 to vector<16xi32>
    %add3A_841 = arith.addi %add3A_840, %iota3A : vector<16xi32>
    %scatter3A_842 = arith.constant 2 : i32
    %scatter3A_843 = arith.constant 0 : i32
    %scatter3A_844 = arith.constant 0 : i32
    %scatter3A_845 = tpu.memref_slice %arg4[%scatter3A_842, %scatter3A_843, %scatter3A_844] : memref<4x100x256xf32, #tpu.memory_space<vmem>> -> memref<1x100x256xf32, #tpu.memory_space<vmem>>
    %scatter3A_846 = tpu.memref_squeeze %scatter3A_845 : memref<1x100x256xf32, #tpu.memory_space<vmem>> -> memref<100x256xf32, #tpu.memory_space<vmem>>
    tpu.vector_store_idx %scatter3A_846[%select_n3A_838, %add3A_841], %broadcast_in_dim3A_14 : memref<100x256xf32, #tpu.memory_space<vmem>>[vector<16xi32>, vector<16xi32>], vector<16xf32>,
    %add3A_847 = arith.constant 176 : i32
    %add3A_848 = arith.addi %add3A_648, %add3A_847 : i32
    %get3A_849 = arith.index_cast %add3A_848 : i32 to index
    %get3A_850 = tpu.vector_load %arg5[%get3A_849] {strides = array<i32>} : memref<16384xi32, #tpu.memory_space<vmem>>, vector<16xi32>,
    %lt3A_851 = arith.constant 0 : i32
    %lt3A_852 = vector.broadcast %lt3A_851 : i32 to vector<16xi32>
    %lt3A_853 = arith.cmpi slt, %get3A_850, %lt3A_852 : vector<16xi32>
    %jit3A_854 = arith.constant 55 : i32
    %broadcast_in_dim3A_855 = vector.broadcast %jit3A_854 : i32 to vector<16xi32>
    %select_n3A_856 = arith.select %lt3A_853, %broadcast_in_dim3A_855, %get3A_850 : vector<16xi1>, vector<16xi32>
    %add3A_857 = arith.constant 176 : i32
    %add3A_858 = vector.broadcast %add3A_857 : i32 to vector<16xi32>
    %add3A_859 = arith.addi %add3A_858, %iota3A : vector<16xi32>
    %scatter3A_860 = arith.constant 2 : i32
    %scatter3A_861 = arith.constant 0 : i32
    %scatter3A_862 = arith.constant 0 : i32
    %scatter3A_863 = tpu.memref_slice %arg4[%scatter3A_860, %scatter3A_861, %scatter3A_862] : memref<4x100x256xf32, #tpu.memory_space<vmem>> -> memref<1x100x256xf32, #tpu.memory_space<vmem>>
    %scatter3A_864 = tpu.memref_squeeze %scatter3A_863 : memref<1x100x256xf32, #tpu.memory_space<vmem>> -> memref<100x256xf32, #tpu.memory_space<vmem>>
    tpu.vector_store_idx %scatter3A_864[%select_n3A_856, %add3A_859], %broadcast_in_dim3A_14 : memref<100x256xf32, #tpu.memory_space<vmem>>[vector<16xi32>, vector<16xi32>], vector<16xf32>,
    %add3A_865 = arith.constant 192 : i32
    %add3A_866 = arith.addi %add3A_648, %add3A_865 : i32
    %get3A_867 = arith.index_cast %add3A_866 : i32 to index
    %get3A_868 = tpu.vector_load %arg5[%get3A_867] {strides = array<i32>} : memref<16384xi32, #tpu.memory_space<vmem>>, vector<16xi32>,
    %lt3A_869 = arith.constant 0 : i32
    %lt3A_870 = vector.broadcast %lt3A_869 : i32 to vector<16xi32>
    %lt3A_871 = arith.cmpi slt, %get3A_868, %lt3A_870 : vector<16xi32>
    %jit3A_872 = arith.constant 55 : i32
    %broadcast_in_dim3A_873 = vector.broadcast %jit3A_872 : i32 to vector<16xi32>
    %select_n3A_874 = arith.select %lt3A_871, %broadcast_in_dim3A_873, %get3A_868 : vector<16xi1>, vector<16xi32>
    %add3A_875 = arith.constant 192 : i32
    %add3A_876 = vector.broadcast %add3A_875 : i32 to vector<16xi32>
    %add3A_877 = arith.addi %add3A_876, %iota3A : vector<16xi32>
    %scatter3A_878 = arith.constant 2 : i32
    %scatter3A_879 = arith.constant 0 : i32
    %scatter3A_880 = arith.constant 0 : i32
    %scatter3A_881 = tpu.memref_slice %arg4[%scatter3A_878, %scatter3A_879, %scatter3A_880] : memref<4x100x256xf32, #tpu.memory_space<vmem>> -> memref<1x100x256xf32, #tpu.memory_space<vmem>>
    %scatter3A_882 = tpu.memref_squeeze %scatter3A_881 : memref<1x100x256xf32, #tpu.memory_space<vmem>> -> memref<100x256xf32, #tpu.memory_space<vmem>>
    tpu.vector_store_idx %scatter3A_882[%select_n3A_874, %add3A_877], %broadcast_in_dim3A_14 : memref<100x256xf32, #tpu.memory_space<vmem>>[vector<16xi32>, vector<16xi32>], vector<16xf32>,
    %add3A_883 = arith.constant 208 : i32
    %add3A_884 = arith.addi %add3A_648, %add3A_883 : i32
    %get3A_885 = arith.index_cast %add3A_884 : i32 to index
    %get3A_886 = tpu.vector_load %arg5[%get3A_885] {strides = array<i32>} : memref<16384xi32, #tpu.memory_space<vmem>>, vector<16xi32>,
    %lt3A_887 = arith.constant 0 : i32
    %lt3A_888 = vector.broadcast %lt3A_887 : i32 to vector<16xi32>
    %lt3A_889 = arith.cmpi slt, %get3A_886, %lt3A_888 : vector<16xi32>
    %jit3A_890 = arith.constant 55 : i32
    %broadcast_in_dim3A_891 = vector.broadcast %jit3A_890 : i32 to vector<16xi32>
    %select_n3A_892 = arith.select %lt3A_889, %broadcast_in_dim3A_891, %get3A_886 : vector<16xi1>, vector<16xi32>
    %add3A_893 = arith.constant 208 : i32
    %add3A_894 = vector.broadcast %add3A_893 : i32 to vector<16xi32>
    %add3A_895 = arith.addi %add3A_894, %iota3A : vector<16xi32>
    %scatter3A_896 = arith.constant 2 : i32
    %scatter3A_897 = arith.constant 0 : i32
    %scatter3A_898 = arith.constant 0 : i32
    %scatter3A_899 = tpu.memref_slice %arg4[%scatter3A_896, %scatter3A_897, %scatter3A_898] : memref<4x100x256xf32, #tpu.memory_space<vmem>> -> memref<1x100x256xf32, #tpu.memory_space<vmem>>
    %scatter3A_900 = tpu.memref_squeeze %scatter3A_899 : memref<1x100x256xf32, #tpu.memory_space<vmem>> -> memref<100x256xf32, #tpu.memory_space<vmem>>
    tpu.vector_store_idx %scatter3A_900[%select_n3A_892, %add3A_895], %broadcast_in_dim3A_14 : memref<100x256xf32, #tpu.memory_space<vmem>>[vector<16xi32>, vector<16xi32>], vector<16xf32>,
    %add3A_901 = arith.constant 224 : i32
    %add3A_902 = arith.addi %add3A_648, %add3A_901 : i32
    %get3A_903 = arith.index_cast %add3A_902 : i32 to index
    %get3A_904 = tpu.vector_load %arg5[%get3A_903] {strides = array<i32>} : memref<16384xi32, #tpu.memory_space<vmem>>, vector<16xi32>,
    %lt3A_905 = arith.constant 0 : i32
    %lt3A_906 = vector.broadcast %lt3A_905 : i32 to vector<16xi32>
    %lt3A_907 = arith.cmpi slt, %get3A_904, %lt3A_906 : vector<16xi32>
    %jit3A_908 = arith.constant 55 : i32
    %broadcast_in_dim3A_909 = vector.broadcast %jit3A_908 : i32 to vector<16xi32>
    %select_n3A_910 = arith.select %lt3A_907, %broadcast_in_dim3A_909, %get3A_904 : vector<16xi1>, vector<16xi32>
    %add3A_911 = arith.constant 224 : i32
    %add3A_912 = vector.broadcast %add3A_911 : i32 to vector<16xi32>
    %add3A_913 = arith.addi %add3A_912, %iota3A : vector<16xi32>
    %scatter3A_914 = arith.constant 2 : i32
    %scatter3A_915 = arith.constant 0 : i32
    %scatter3A_916 = arith.constant 0 : i32
    %scatter3A_917 = tpu.memref_slice %arg4[%scatter3A_914, %scatter3A_915, %scatter3A_916] : memref<4x100x256xf32, #tpu.memory_space<vmem>> -> memref<1x100x256xf32, #tpu.memory_space<vmem>>
    %scatter3A_918 = tpu.memref_squeeze %scatter3A_917 : memref<1x100x256xf32, #tpu.memory_space<vmem>> -> memref<100x256xf32, #tpu.memory_space<vmem>>
    tpu.vector_store_idx %scatter3A_918[%select_n3A_910, %add3A_913], %broadcast_in_dim3A_14 : memref<100x256xf32, #tpu.memory_space<vmem>>[vector<16xi32>, vector<16xi32>], vector<16xf32>,
    %add3A_919 = arith.constant 240 : i32
    %add3A_920 = arith.addi %add3A_648, %add3A_919 : i32
    %get3A_921 = arith.index_cast %add3A_920 : i32 to index
    %get3A_922 = tpu.vector_load %arg5[%get3A_921] {strides = array<i32>} : memref<16384xi32, #tpu.memory_space<vmem>>, vector<16xi32>,
    %lt3A_923 = arith.constant 0 : i32
    %lt3A_924 = vector.broadcast %lt3A_923 : i32 to vector<16xi32>
    %lt3A_925 = arith.cmpi slt, %get3A_922, %lt3A_924 : vector<16xi32>
    %jit3A_926 = arith.constant 55 : i32
    %broadcast_in_dim3A_927 = vector.broadcast %jit3A_926 : i32 to vector<16xi32>
    %select_n3A_928 = arith.select %lt3A_925, %broadcast_in_dim3A_927, %get3A_922 : vector<16xi1>, vector<16xi32>
    %add3A_929 = arith.constant 240 : i32
    %add3A_930 = vector.broadcast %add3A_929 : i32 to vector<16xi32>
    %add3A_931 = arith.addi %add3A_930, %iota3A : vector<16xi32>
    %scatter3A_932 = arith.constant 2 : i32
    %scatter3A_933 = arith.constant 0 : i32
    %scatter3A_934 = arith.constant 0 : i32
    %scatter3A_935 = tpu.memref_slice %arg4[%scatter3A_932, %scatter3A_933, %scatter3A_934] : memref<4x100x256xf32, #tpu.memory_space<vmem>> -> memref<1x100x256xf32, #tpu.memory_space<vmem>>
    %scatter3A_936 = tpu.memref_squeeze %scatter3A_935 : memref<1x100x256xf32, #tpu.memory_space<vmem>> -> memref<100x256xf32, #tpu.memory_space<vmem>>
    tpu.vector_store_idx %scatter3A_936[%select_n3A_928, %add3A_931], %broadcast_in_dim3A_14 : memref<100x256xf32, #tpu.memory_space<vmem>>[vector<16xi32>, vector<16xi32>], vector<16xf32>,
    %add3A_937 = arith.constant 2 : i32
    %add3A_938 = arith.addi %add3A_4, %add3A_937 : i32
    %mul3A_939 = arith.constant 256 : i32
    %mul3A_940 = arith.muli %add3A_938, %mul3A_939 : i32
    %dma_start3A_941 = arith.constant 2 : i32
    %dma_start3A_942 = arith.constant 0 : i32
    %dma_start3A_943 = arith.constant 0 : i32
    %dma_start3A_944 = tpu.memref_slice %arg4[%dma_start3A_941, %dma_start3A_942, %dma_start3A_943] : memref<4x100x256xf32, #tpu.memory_space<vmem>> -> memref<1x100x256xf32, #tpu.memory_space<vmem>>
    %dma_start3A_945 = tpu.memref_squeeze %dma_start3A_944 : memref<1x100x256xf32, #tpu.memory_space<vmem>> -> memref<100x256xf32, #tpu.memory_space<vmem>>
    %dma_start3A_946 = arith.constant 0 : i32
    %dma_start3A_947 = tpu.memref_slice %arg3[%dma_start3A_946, %mul3A_940] : memref<100x500000xf32, #tpu.memory_space<hbm>> -> memref<100x256xf32, #tpu.memory_space<hbm>>
    %dma_start3A_948 = arith.constant 0 : i32
    %dma_start3A_949 = tpu.memref_slice %arg3[%dma_start3A_948, %mul3A_940] : memref<100x500000xf32, #tpu.memory_space<hbm>> -> memref<100x256xf32, #tpu.memory_space<hbm>>
    %dma_start3A_950 = arith.constant 0 : i32
    %dma_start3A_951 = arith.constant 0 : i32
    %dma_start3A_952 = tpu.memref_slice %arg4[%dma_start3A_941, %dma_start3A_950, %dma_start3A_951] : memref<4x100x256xf32, #tpu.memory_space<vmem>> -> memref<1x100x256xf32, #tpu.memory_space<vmem>>
    %dma_start3A_953 = tpu.memref_squeeze %dma_start3A_952 : memref<1x100x256xf32, #tpu.memory_space<vmem>> -> memref<100x256xf32, #tpu.memory_space<vmem>>
    tpu.enqueue_dma source(%dma_start3A_953 : memref<100x256xf32, #tpu.memory_space<vmem>>) target(%dma_start3A_949 : memref<100x256xf32, #tpu.memory_space<hbm>>) target_semaphore(%arg9 : memref<!tpu.dma_semaphore, #tpu.memory_space<semaphore_mem>>)
    %scan3A_954 = arith.constant 0 : i32
    %scan3A_955 = arith.constant 0 : i32
    %scan3A_956 = arith.constant 100 : i32
    %scan3A_957 = arith.addi %scan3A_955, %scan3A_956 : i32
    %scan3A_958 = arith.constant 1 : i32
    scf.for %scan3A_1273 = %scan3A_955 to %scan3A_957 step %scan3A_958  : i32 {
      %swap3A = arith.constant 3 : i32
      %swap3A_1274 = arith.index_cast %swap3A : i32 to index
      %swap3A_1275 = arith.index_cast %scan3A_1273 : i32 to index
      %swap3A_1276 = arith.constant 0 : index
      %swap3A_1277 = tpu.vector_load %arg4[%swap3A_1274, %swap3A_1275, %swap3A_1276] {strides = array<i32>} : memref<4x100x256xf32, #tpu.memory_space<vmem>>, vector<16xf32>,
      tpu.vector_store %arg4[%swap3A_1274, %swap3A_1275, %swap3A_1276], %broadcast_in_dim3A_12 {strides = array<i32>} : memref<4x100x256xf32, #tpu.memory_space<vmem>>, vector<16xf32>,
      %swap3A_1278 = arith.constant 3 : i32
      %swap3A_1279 = arith.index_cast %swap3A_1278 : i32 to index
      %swap3A_1280 = arith.index_cast %scan3A_1273 : i32 to index
      %swap3A_1281 = arith.constant 16 : index
      %swap3A_1282 = tpu.vector_load %arg4[%swap3A_1279, %swap3A_1280, %swap3A_1281] {strides = array<i32>} : memref<4x100x256xf32, #tpu.memory_space<vmem>>, vector<16xf32>,
      tpu.vector_store %arg4[%swap3A_1279, %swap3A_1280, %swap3A_1281], %broadcast_in_dim3A_12 {strides = array<i32>} : memref<4x100x256xf32, #tpu.memory_space<vmem>>, vector<16xf32>,
      %swap3A_1283 = arith.constant 3 : i32
      %swap3A_1284 = arith.index_cast %swap3A_1283 : i32 to index
      %swap3A_1285 = arith.index_cast %scan3A_1273 : i32 to index
      %swap3A_1286 = arith.constant 32 : index
      %swap3A_1287 = tpu.vector_load %arg4[%swap3A_1284, %swap3A_1285, %swap3A_1286] {strides = array<i32>} : memref<4x100x256xf32, #tpu.memory_space<vmem>>, vector<16xf32>,
      tpu.vector_store %arg4[%swap3A_1284, %swap3A_1285, %swap3A_1286], %broadcast_in_dim3A_12 {strides = array<i32>} : memref<4x100x256xf32, #tpu.memory_space<vmem>>, vector<16xf32>,
      %swap3A_1288 = arith.constant 3 : i32
      %swap3A_1289 = arith.index_cast %swap3A_1288 : i32 to index
      %swap3A_1290 = arith.index_cast %scan3A_1273 : i32 to index
      %swap3A_1291 = arith.constant 48 : index
      %swap3A_1292 = tpu.vector_load %arg4[%swap3A_1289, %swap3A_1290, %swap3A_1291] {strides = array<i32>} : memref<4x100x256xf32, #tpu.memory_space<vmem>>, vector<16xf32>,
      tpu.vector_store %arg4[%swap3A_1289, %swap3A_1290, %swap3A_1291], %broadcast_in_dim3A_12 {strides = array<i32>} : memref<4x100x256xf32, #tpu.memory_space<vmem>>, vector<16xf32>,
      %swap3A_1293 = arith.constant 3 : i32
      %swap3A_1294 = arith.index_cast %swap3A_1293 : i32 to index
      %swap3A_1295 = arith.index_cast %scan3A_1273 : i32 to index
      %swap3A_1296 = arith.constant 64 : index
      %swap3A_1297 = tpu.vector_load %arg4[%swap3A_1294, %swap3A_1295, %swap3A_1296] {strides = array<i32>} : memref<4x100x256xf32, #tpu.memory_space<vmem>>, vector<16xf32>,
      tpu.vector_store %arg4[%swap3A_1294, %swap3A_1295, %swap3A_1296], %broadcast_in_dim3A_12 {strides = array<i32>} : memref<4x100x256xf32, #tpu.memory_space<vmem>>, vector<16xf32>,
      %swap3A_1298 = arith.constant 3 : i32
      %swap3A_1299 = arith.index_cast %swap3A_1298 : i32 to index
      %swap3A_1300 = arith.index_cast %scan3A_1273 : i32 to index
      %swap3A_1301 = arith.constant 80 : index
      %swap3A_1302 = tpu.vector_load %arg4[%swap3A_1299, %swap3A_1300, %swap3A_1301] {strides = array<i32>} : memref<4x100x256xf32, #tpu.memory_space<vmem>>, vector<16xf32>,
      tpu.vector_store %arg4[%swap3A_1299, %swap3A_1300, %swap3A_1301], %broadcast_in_dim3A_12 {strides = array<i32>} : memref<4x100x256xf32, #tpu.memory_space<vmem>>, vector<16xf32>,
      %swap3A_1303 = arith.constant 3 : i32
      %swap3A_1304 = arith.index_cast %swap3A_1303 : i32 to index
      %swap3A_1305 = arith.index_cast %scan3A_1273 : i32 to index
      %swap3A_1306 = arith.constant 96 : index
      %swap3A_1307 = tpu.vector_load %arg4[%swap3A_1304, %swap3A_1305, %swap3A_1306] {strides = array<i32>} : memref<4x100x256xf32, #tpu.memory_space<vmem>>, vector<16xf32>,
      tpu.vector_store %arg4[%swap3A_1304, %swap3A_1305, %swap3A_1306], %broadcast_in_dim3A_12 {strides = array<i32>} : memref<4x100x256xf32, #tpu.memory_space<vmem>>, vector<16xf32>,
      %swap3A_1308 = arith.constant 3 : i32
      %swap3A_1309 = arith.index_cast %swap3A_1308 : i32 to index
      %swap3A_1310 = arith.index_cast %scan3A_1273 : i32 to index
      %swap3A_1311 = arith.constant 112 : index
      %swap3A_1312 = tpu.vector_load %arg4[%swap3A_1309, %swap3A_1310, %swap3A_1311] {strides = array<i32>} : memref<4x100x256xf32, #tpu.memory_space<vmem>>, vector<16xf32>,
      tpu.vector_store %arg4[%swap3A_1309, %swap3A_1310, %swap3A_1311], %broadcast_in_dim3A_12 {strides = array<i32>} : memref<4x100x256xf32, #tpu.memory_space<vmem>>, vector<16xf32>,
      %swap3A_1313 = arith.constant 3 : i32
      %swap3A_1314 = arith.index_cast %swap3A_1313 : i32 to index
      %swap3A_1315 = arith.index_cast %scan3A_1273 : i32 to index
      %swap3A_1316 = arith.constant 128 : index
      %swap3A_1317 = tpu.vector_load %arg4[%swap3A_1314, %swap3A_1315, %swap3A_1316] {strides = array<i32>} : memref<4x100x256xf32, #tpu.memory_space<vmem>>, vector<16xf32>,
      tpu.vector_store %arg4[%swap3A_1314, %swap3A_1315, %swap3A_1316], %broadcast_in_dim3A_12 {strides = array<i32>} : memref<4x100x256xf32, #tpu.memory_space<vmem>>, vector<16xf32>,
      %swap3A_1318 = arith.constant 3 : i32
      %swap3A_1319 = arith.index_cast %swap3A_1318 : i32 to index
      %swap3A_1320 = arith.index_cast %scan3A_1273 : i32 to index
      %swap3A_1321 = arith.constant 144 : index
      %swap3A_1322 = tpu.vector_load %arg4[%swap3A_1319, %swap3A_1320, %swap3A_1321] {strides = array<i32>} : memref<4x100x256xf32, #tpu.memory_space<vmem>>, vector<16xf32>,
      tpu.vector_store %arg4[%swap3A_1319, %swap3A_1320, %swap3A_1321], %broadcast_in_dim3A_12 {strides = array<i32>} : memref<4x100x256xf32, #tpu.memory_space<vmem>>, vector<16xf32>,
      %swap3A_1323 = arith.constant 3 : i32
      %swap3A_1324 = arith.index_cast %swap3A_1323 : i32 to index
      %swap3A_1325 = arith.index_cast %scan3A_1273 : i32 to index
      %swap3A_1326 = arith.constant 160 : index
      %swap3A_1327 = tpu.vector_load %arg4[%swap3A_1324, %swap3A_1325, %swap3A_1326] {strides = array<i32>} : memref<4x100x256xf32, #tpu.memory_space<vmem>>, vector<16xf32>,
      tpu.vector_store %arg4[%swap3A_1324, %swap3A_1325, %swap3A_1326], %broadcast_in_dim3A_12 {strides = array<i32>} : memref<4x100x256xf32, #tpu.memory_space<vmem>>, vector<16xf32>,
      %swap3A_1328 = arith.constant 3 : i32
      %swap3A_1329 = arith.index_cast %swap3A_1328 : i32 to index
      %swap3A_1330 = arith.index_cast %scan3A_1273 : i32 to index
      %swap3A_1331 = arith.constant 176 : index
      %swap3A_1332 = tpu.vector_load %arg4[%swap3A_1329, %swap3A_1330, %swap3A_1331] {strides = array<i32>} : memref<4x100x256xf32, #tpu.memory_space<vmem>>, vector<16xf32>,
      tpu.vector_store %arg4[%swap3A_1329, %swap3A_1330, %swap3A_1331], %broadcast_in_dim3A_12 {strides = array<i32>} : memref<4x100x256xf32, #tpu.memory_space<vmem>>, vector<16xf32>,
      %swap3A_1333 = arith.constant 3 : i32
      %swap3A_1334 = arith.index_cast %swap3A_1333 : i32 to index
      %swap3A_1335 = arith.index_cast %scan3A_1273 : i32 to index
      %swap3A_1336 = arith.constant 192 : index
      %swap3A_1337 = tpu.vector_load %arg4[%swap3A_1334, %swap3A_1335, %swap3A_1336] {strides = array<i32>} : memref<4x100x256xf32, #tpu.memory_space<vmem>>, vector<16xf32>,
      tpu.vector_store %arg4[%swap3A_1334, %swap3A_1335, %swap3A_1336], %broadcast_in_dim3A_12 {strides = array<i32>} : memref<4x100x256xf32, #tpu.memory_space<vmem>>, vector<16xf32>,
      %swap3A_1338 = arith.constant 3 : i32
      %swap3A_1339 = arith.index_cast %swap3A_1338 : i32 to index
      %swap3A_1340 = arith.index_cast %scan3A_1273 : i32 to index
      %swap3A_1341 = arith.constant 208 : index
      %swap3A_1342 = tpu.vector_load %arg4[%swap3A_1339, %swap3A_1340, %swap3A_1341] {strides = array<i32>} : memref<4x100x256xf32, #tpu.memory_space<vmem>>, vector<16xf32>,
      tpu.vector_store %arg4[%swap3A_1339, %swap3A_1340, %swap3A_1341], %broadcast_in_dim3A_12 {strides = array<i32>} : memref<4x100x256xf32, #tpu.memory_space<vmem>>, vector<16xf32>,
      %swap3A_1343 = arith.constant 3 : i32
      %swap3A_1344 = arith.index_cast %swap3A_1343 : i32 to index
      %swap3A_1345 = arith.index_cast %scan3A_1273 : i32 to index
      %swap3A_1346 = arith.constant 224 : index
      %swap3A_1347 = tpu.vector_load %arg4[%swap3A_1344, %swap3A_1345, %swap3A_1346] {strides = array<i32>} : memref<4x100x256xf32, #tpu.memory_space<vmem>>, vector<16xf32>,
      tpu.vector_store %arg4[%swap3A_1344, %swap3A_1345, %swap3A_1346], %broadcast_in_dim3A_12 {strides = array<i32>} : memref<4x100x256xf32, #tpu.memory_space<vmem>>, vector<16xf32>,
      %swap3A_1348 = arith.constant 3 : i32
      %swap3A_1349 = arith.index_cast %swap3A_1348 : i32 to index
      %swap3A_1350 = arith.index_cast %scan3A_1273 : i32 to index
      %swap3A_1351 = arith.constant 240 : index
      %swap3A_1352 = tpu.vector_load %arg4[%swap3A_1349, %swap3A_1350, %swap3A_1351] {strides = array<i32>} : memref<4x100x256xf32, #tpu.memory_space<vmem>>, vector<16xf32>,
      tpu.vector_store %arg4[%swap3A_1349, %swap3A_1350, %swap3A_1351], %broadcast_in_dim3A_12 {strides = array<i32>} : memref<4x100x256xf32, #tpu.memory_space<vmem>>, vector<16xf32>,
    }
    %scan3A_959 = arith.constant 100 : i32
    %add3A_960 = arith.constant 768 : i32
    %add3A_961 = arith.addi %sub3A, %add3A_960 : i32
    %add3A_962 = arith.constant 0 : i32
    %add3A_963 = arith.addi %add3A_961, %add3A_962 : i32
    %get3A_964 = arith.index_cast %add3A_963 : i32 to index
    %get3A_965 = tpu.vector_load %arg5[%get3A_964] {strides = array<i32>} : memref<16384xi32, #tpu.memory_space<vmem>>, vector<16xi32>,
    %lt3A_966 = arith.constant 0 : i32
    %lt3A_967 = vector.broadcast %lt3A_966 : i32 to vector<16xi32>
    %lt3A_968 = arith.cmpi slt, %get3A_965, %lt3A_967 : vector<16xi32>
    %jit3A_969 = arith.constant 55 : i32
    %broadcast_in_dim3A_970 = vector.broadcast %jit3A_969 : i32 to vector<16xi32>
    %select_n3A_971 = arith.select %lt3A_968, %broadcast_in_dim3A_970, %get3A_965 : vector<16xi1>, vector<16xi32>
    %add3A_972 = arith.constant 0 : i32
    %add3A_973 = vector.broadcast %add3A_972 : i32 to vector<16xi32>
    %add3A_974 = arith.addi %add3A_973, %iota3A : vector<16xi32>
    %scatter3A_975 = arith.constant 3 : i32
    %scatter3A_976 = arith.constant 0 : i32
    %scatter3A_977 = arith.constant 0 : i32
    %scatter3A_978 = tpu.memref_slice %arg4[%scatter3A_975, %scatter3A_976, %scatter3A_977] : memref<4x100x256xf32, #tpu.memory_space<vmem>> -> memref<1x100x256xf32, #tpu.memory_space<vmem>>
    %scatter3A_979 = tpu.memref_squeeze %scatter3A_978 : memref<1x100x256xf32, #tpu.memory_space<vmem>> -> memref<100x256xf32, #tpu.memory_space<vmem>>
    tpu.vector_store_idx %scatter3A_979[%select_n3A_971, %add3A_974], %broadcast_in_dim3A_14 : memref<100x256xf32, #tpu.memory_space<vmem>>[vector<16xi32>, vector<16xi32>], vector<16xf32>,
    %add3A_980 = arith.constant 16 : i32
    %add3A_981 = arith.addi %add3A_961, %add3A_980 : i32
    %get3A_982 = arith.index_cast %add3A_981 : i32 to index
    %get3A_983 = tpu.vector_load %arg5[%get3A_982] {strides = array<i32>} : memref<16384xi32, #tpu.memory_space<vmem>>, vector<16xi32>,
    %lt3A_984 = arith.constant 0 : i32
    %lt3A_985 = vector.broadcast %lt3A_984 : i32 to vector<16xi32>
    %lt3A_986 = arith.cmpi slt, %get3A_983, %lt3A_985 : vector<16xi32>
    %jit3A_987 = arith.constant 55 : i32
    %broadcast_in_dim3A_988 = vector.broadcast %jit3A_987 : i32 to vector<16xi32>
    %select_n3A_989 = arith.select %lt3A_986, %broadcast_in_dim3A_988, %get3A_983 : vector<16xi1>, vector<16xi32>
    %add3A_990 = arith.constant 16 : i32
    %add3A_991 = vector.broadcast %add3A_990 : i32 to vector<16xi32>
    %add3A_992 = arith.addi %add3A_991, %iota3A : vector<16xi32>
    %scatter3A_993 = arith.constant 3 : i32
    %scatter3A_994 = arith.constant 0 : i32
    %scatter3A_995 = arith.constant 0 : i32
    %scatter3A_996 = tpu.memref_slice %arg4[%scatter3A_993, %scatter3A_994, %scatter3A_995] : memref<4x100x256xf32, #tpu.memory_space<vmem>> -> memref<1x100x256xf32, #tpu.memory_space<vmem>>
    %scatter3A_997 = tpu.memref_squeeze %scatter3A_996 : memref<1x100x256xf32, #tpu.memory_space<vmem>> -> memref<100x256xf32, #tpu.memory_space<vmem>>
    tpu.vector_store_idx %scatter3A_997[%select_n3A_989, %add3A_992], %broadcast_in_dim3A_14 : memref<100x256xf32, #tpu.memory_space<vmem>>[vector<16xi32>, vector<16xi32>], vector<16xf32>,
    %add3A_998 = arith.constant 32 : i32
    %add3A_999 = arith.addi %add3A_961, %add3A_998 : i32
    %get3A_1000 = arith.index_cast %add3A_999 : i32 to index
    %get3A_1001 = tpu.vector_load %arg5[%get3A_1000] {strides = array<i32>} : memref<16384xi32, #tpu.memory_space<vmem>>, vector<16xi32>,
    %lt3A_1002 = arith.constant 0 : i32
    %lt3A_1003 = vector.broadcast %lt3A_1002 : i32 to vector<16xi32>
    %lt3A_1004 = arith.cmpi slt, %get3A_1001, %lt3A_1003 : vector<16xi32>
    %jit3A_1005 = arith.constant 55 : i32
    %broadcast_in_dim3A_1006 = vector.broadcast %jit3A_1005 : i32 to vector<16xi32>
    %select_n3A_1007 = arith.select %lt3A_1004, %broadcast_in_dim3A_1006, %get3A_1001 : vector<16xi1>, vector<16xi32>
    %add3A_1008 = arith.constant 32 : i32
    %add3A_1009 = vector.broadcast %add3A_1008 : i32 to vector<16xi32>
    %add3A_1010 = arith.addi %add3A_1009, %iota3A : vector<16xi32>
    %scatter3A_1011 = arith.constant 3 : i32
    %scatter3A_1012 = arith.constant 0 : i32
    %scatter3A_1013 = arith.constant 0 : i32
    %scatter3A_1014 = tpu.memref_slice %arg4[%scatter3A_1011, %scatter3A_1012, %scatter3A_1013] : memref<4x100x256xf32, #tpu.memory_space<vmem>> -> memref<1x100x256xf32, #tpu.memory_space<vmem>>
    %scatter3A_1015 = tpu.memref_squeeze %scatter3A_1014 : memref<1x100x256xf32, #tpu.memory_space<vmem>> -> memref<100x256xf32, #tpu.memory_space<vmem>>
    tpu.vector_store_idx %scatter3A_1015[%select_n3A_1007, %add3A_1010], %broadcast_in_dim3A_14 : memref<100x256xf32, #tpu.memory_space<vmem>>[vector<16xi32>, vector<16xi32>], vector<16xf32>,
    %add3A_1016 = arith.constant 48 : i32
    %add3A_1017 = arith.addi %add3A_961, %add3A_1016 : i32
    %get3A_1018 = arith.index_cast %add3A_1017 : i32 to index
    %get3A_1019 = tpu.vector_load %arg5[%get3A_1018] {strides = array<i32>} : memref<16384xi32, #tpu.memory_space<vmem>>, vector<16xi32>,
    %lt3A_1020 = arith.constant 0 : i32
    %lt3A_1021 = vector.broadcast %lt3A_1020 : i32 to vector<16xi32>
    %lt3A_1022 = arith.cmpi slt, %get3A_1019, %lt3A_1021 : vector<16xi32>
    %jit3A_1023 = arith.constant 55 : i32
    %broadcast_in_dim3A_1024 = vector.broadcast %jit3A_1023 : i32 to vector<16xi32>
    %select_n3A_1025 = arith.select %lt3A_1022, %broadcast_in_dim3A_1024, %get3A_1019 : vector<16xi1>, vector<16xi32>
    %add3A_1026 = arith.constant 48 : i32
    %add3A_1027 = vector.broadcast %add3A_1026 : i32 to vector<16xi32>
    %add3A_1028 = arith.addi %add3A_1027, %iota3A : vector<16xi32>
    %scatter3A_1029 = arith.constant 3 : i32
    %scatter3A_1030 = arith.constant 0 : i32
    %scatter3A_1031 = arith.constant 0 : i32
    %scatter3A_1032 = tpu.memref_slice %arg4[%scatter3A_1029, %scatter3A_1030, %scatter3A_1031] : memref<4x100x256xf32, #tpu.memory_space<vmem>> -> memref<1x100x256xf32, #tpu.memory_space<vmem>>
    %scatter3A_1033 = tpu.memref_squeeze %scatter3A_1032 : memref<1x100x256xf32, #tpu.memory_space<vmem>> -> memref<100x256xf32, #tpu.memory_space<vmem>>
    tpu.vector_store_idx %scatter3A_1033[%select_n3A_1025, %add3A_1028], %broadcast_in_dim3A_14 : memref<100x256xf32, #tpu.memory_space<vmem>>[vector<16xi32>, vector<16xi32>], vector<16xf32>,
    %add3A_1034 = arith.constant 64 : i32
    %add3A_1035 = arith.addi %add3A_961, %add3A_1034 : i32
    %get3A_1036 = arith.index_cast %add3A_1035 : i32 to index
    %get3A_1037 = tpu.vector_load %arg5[%get3A_1036] {strides = array<i32>} : memref<16384xi32, #tpu.memory_space<vmem>>, vector<16xi32>,
    %lt3A_1038 = arith.constant 0 : i32
    %lt3A_1039 = vector.broadcast %lt3A_1038 : i32 to vector<16xi32>
    %lt3A_1040 = arith.cmpi slt, %get3A_1037, %lt3A_1039 : vector<16xi32>
    %jit3A_1041 = arith.constant 55 : i32
    %broadcast_in_dim3A_1042 = vector.broadcast %jit3A_1041 : i32 to vector<16xi32>
    %select_n3A_1043 = arith.select %lt3A_1040, %broadcast_in_dim3A_1042, %get3A_1037 : vector<16xi1>, vector<16xi32>
    %add3A_1044 = arith.constant 64 : i32
    %add3A_1045 = vector.broadcast %add3A_1044 : i32 to vector<16xi32>
    %add3A_1046 = arith.addi %add3A_1045, %iota3A : vector<16xi32>
    %scatter3A_1047 = arith.constant 3 : i32
    %scatter3A_1048 = arith.constant 0 : i32
    %scatter3A_1049 = arith.constant 0 : i32
    %scatter3A_1050 = tpu.memref_slice %arg4[%scatter3A_1047, %scatter3A_1048, %scatter3A_1049] : memref<4x100x256xf32, #tpu.memory_space<vmem>> -> memref<1x100x256xf32, #tpu.memory_space<vmem>>
    %scatter3A_1051 = tpu.memref_squeeze %scatter3A_1050 : memref<1x100x256xf32, #tpu.memory_space<vmem>> -> memref<100x256xf32, #tpu.memory_space<vmem>>
    tpu.vector_store_idx %scatter3A_1051[%select_n3A_1043, %add3A_1046], %broadcast_in_dim3A_14 : memref<100x256xf32, #tpu.memory_space<vmem>>[vector<16xi32>, vector<16xi32>], vector<16xf32>,
    %add3A_1052 = arith.constant 80 : i32
    %add3A_1053 = arith.addi %add3A_961, %add3A_1052 : i32
    %get3A_1054 = arith.index_cast %add3A_1053 : i32 to index
    %get3A_1055 = tpu.vector_load %arg5[%get3A_1054] {strides = array<i32>} : memref<16384xi32, #tpu.memory_space<vmem>>, vector<16xi32>,
    %lt3A_1056 = arith.constant 0 : i32
    %lt3A_1057 = vector.broadcast %lt3A_1056 : i32 to vector<16xi32>
    %lt3A_1058 = arith.cmpi slt, %get3A_1055, %lt3A_1057 : vector<16xi32>
    %jit3A_1059 = arith.constant 55 : i32
    %broadcast_in_dim3A_1060 = vector.broadcast %jit3A_1059 : i32 to vector<16xi32>
    %select_n3A_1061 = arith.select %lt3A_1058, %broadcast_in_dim3A_1060, %get3A_1055 : vector<16xi1>, vector<16xi32>
    %add3A_1062 = arith.constant 80 : i32
    %add3A_1063 = vector.broadcast %add3A_1062 : i32 to vector<16xi32>
    %add3A_1064 = arith.addi %add3A_1063, %iota3A : vector<16xi32>
    %scatter3A_1065 = arith.constant 3 : i32
    %scatter3A_1066 = arith.constant 0 : i32
    %scatter3A_1067 = arith.constant 0 : i32
    %scatter3A_1068 = tpu.memref_slice %arg4[%scatter3A_1065, %scatter3A_1066, %scatter3A_1067] : memref<4x100x256xf32, #tpu.memory_space<vmem>> -> memref<1x100x256xf32, #tpu.memory_space<vmem>>
    %scatter3A_1069 = tpu.memref_squeeze %scatter3A_1068 : memref<1x100x256xf32, #tpu.memory_space<vmem>> -> memref<100x256xf32, #tpu.memory_space<vmem>>
    tpu.vector_store_idx %scatter3A_1069[%select_n3A_1061, %add3A_1064], %broadcast_in_dim3A_14 : memref<100x256xf32, #tpu.memory_space<vmem>>[vector<16xi32>, vector<16xi32>], vector<16xf32>,
    %add3A_1070 = arith.constant 96 : i32
    %add3A_1071 = arith.addi %add3A_961, %add3A_1070 : i32
    %get3A_1072 = arith.index_cast %add3A_1071 : i32 to index
    %get3A_1073 = tpu.vector_load %arg5[%get3A_1072] {strides = array<i32>} : memref<16384xi32, #tpu.memory_space<vmem>>, vector<16xi32>,
    %lt3A_1074 = arith.constant 0 : i32
    %lt3A_1075 = vector.broadcast %lt3A_1074 : i32 to vector<16xi32>
    %lt3A_1076 = arith.cmpi slt, %get3A_1073, %lt3A_1075 : vector<16xi32>
    %jit3A_1077 = arith.constant 55 : i32
    %broadcast_in_dim3A_1078 = vector.broadcast %jit3A_1077 : i32 to vector<16xi32>
    %select_n3A_1079 = arith.select %lt3A_1076, %broadcast_in_dim3A_1078, %get3A_1073 : vector<16xi1>, vector<16xi32>
    %add3A_1080 = arith.constant 96 : i32
    %add3A_1081 = vector.broadcast %add3A_1080 : i32 to vector<16xi32>
    %add3A_1082 = arith.addi %add3A_1081, %iota3A : vector<16xi32>
    %scatter3A_1083 = arith.constant 3 : i32
    %scatter3A_1084 = arith.constant 0 : i32
    %scatter3A_1085 = arith.constant 0 : i32
    %scatter3A_1086 = tpu.memref_slice %arg4[%scatter3A_1083, %scatter3A_1084, %scatter3A_1085] : memref<4x100x256xf32, #tpu.memory_space<vmem>> -> memref<1x100x256xf32, #tpu.memory_space<vmem>>
    %scatter3A_1087 = tpu.memref_squeeze %scatter3A_1086 : memref<1x100x256xf32, #tpu.memory_space<vmem>> -> memref<100x256xf32, #tpu.memory_space<vmem>>
    tpu.vector_store_idx %scatter3A_1087[%select_n3A_1079, %add3A_1082], %broadcast_in_dim3A_14 : memref<100x256xf32, #tpu.memory_space<vmem>>[vector<16xi32>, vector<16xi32>], vector<16xf32>,
    %add3A_1088 = arith.constant 112 : i32
    %add3A_1089 = arith.addi %add3A_961, %add3A_1088 : i32
    %get3A_1090 = arith.index_cast %add3A_1089 : i32 to index
    %get3A_1091 = tpu.vector_load %arg5[%get3A_1090] {strides = array<i32>} : memref<16384xi32, #tpu.memory_space<vmem>>, vector<16xi32>,
    %lt3A_1092 = arith.constant 0 : i32
    %lt3A_1093 = vector.broadcast %lt3A_1092 : i32 to vector<16xi32>
    %lt3A_1094 = arith.cmpi slt, %get3A_1091, %lt3A_1093 : vector<16xi32>
    %jit3A_1095 = arith.constant 55 : i32
    %broadcast_in_dim3A_1096 = vector.broadcast %jit3A_1095 : i32 to vector<16xi32>
    %select_n3A_1097 = arith.select %lt3A_1094, %broadcast_in_dim3A_1096, %get3A_1091 : vector<16xi1>, vector<16xi32>
    %add3A_1098 = arith.constant 112 : i32
    %add3A_1099 = vector.broadcast %add3A_1098 : i32 to vector<16xi32>
    %add3A_1100 = arith.addi %add3A_1099, %iota3A : vector<16xi32>
    %scatter3A_1101 = arith.constant 3 : i32
    %scatter3A_1102 = arith.constant 0 : i32
    %scatter3A_1103 = arith.constant 0 : i32
    %scatter3A_1104 = tpu.memref_slice %arg4[%scatter3A_1101, %scatter3A_1102, %scatter3A_1103] : memref<4x100x256xf32, #tpu.memory_space<vmem>> -> memref<1x100x256xf32, #tpu.memory_space<vmem>>
    %scatter3A_1105 = tpu.memref_squeeze %scatter3A_1104 : memref<1x100x256xf32, #tpu.memory_space<vmem>> -> memref<100x256xf32, #tpu.memory_space<vmem>>
    tpu.vector_store_idx %scatter3A_1105[%select_n3A_1097, %add3A_1100], %broadcast_in_dim3A_14 : memref<100x256xf32, #tpu.memory_space<vmem>>[vector<16xi32>, vector<16xi32>], vector<16xf32>,
    %add3A_1106 = arith.constant 128 : i32
    %add3A_1107 = arith.addi %add3A_961, %add3A_1106 : i32
    %get3A_1108 = arith.index_cast %add3A_1107 : i32 to index
    %get3A_1109 = tpu.vector_load %arg5[%get3A_1108] {strides = array<i32>} : memref<16384xi32, #tpu.memory_space<vmem>>, vector<16xi32>,
    %lt3A_1110 = arith.constant 0 : i32
    %lt3A_1111 = vector.broadcast %lt3A_1110 : i32 to vector<16xi32>
    %lt3A_1112 = arith.cmpi slt, %get3A_1109, %lt3A_1111 : vector<16xi32>
    %jit3A_1113 = arith.constant 55 : i32
    %broadcast_in_dim3A_1114 = vector.broadcast %jit3A_1113 : i32 to vector<16xi32>
    %select_n3A_1115 = arith.select %lt3A_1112, %broadcast_in_dim3A_1114, %get3A_1109 : vector<16xi1>, vector<16xi32>
    %add3A_1116 = arith.constant 128 : i32
    %add3A_1117 = vector.broadcast %add3A_1116 : i32 to vector<16xi32>
    %add3A_1118 = arith.addi %add3A_1117, %iota3A : vector<16xi32>
    %scatter3A_1119 = arith.constant 3 : i32
    %scatter3A_1120 = arith.constant 0 : i32
    %scatter3A_1121 = arith.constant 0 : i32
    %scatter3A_1122 = tpu.memref_slice %arg4[%scatter3A_1119, %scatter3A_1120, %scatter3A_1121] : memref<4x100x256xf32, #tpu.memory_space<vmem>> -> memref<1x100x256xf32, #tpu.memory_space<vmem>>
    %scatter3A_1123 = tpu.memref_squeeze %scatter3A_1122 : memref<1x100x256xf32, #tpu.memory_space<vmem>> -> memref<100x256xf32, #tpu.memory_space<vmem>>
    tpu.vector_store_idx %scatter3A_1123[%select_n3A_1115, %add3A_1118], %broadcast_in_dim3A_14 : memref<100x256xf32, #tpu.memory_space<vmem>>[vector<16xi32>, vector<16xi32>], vector<16xf32>,
    %add3A_1124 = arith.constant 144 : i32
    %add3A_1125 = arith.addi %add3A_961, %add3A_1124 : i32
    %get3A_1126 = arith.index_cast %add3A_1125 : i32 to index
    %get3A_1127 = tpu.vector_load %arg5[%get3A_1126] {strides = array<i32>} : memref<16384xi32, #tpu.memory_space<vmem>>, vector<16xi32>,
    %lt3A_1128 = arith.constant 0 : i32
    %lt3A_1129 = vector.broadcast %lt3A_1128 : i32 to vector<16xi32>
    %lt3A_1130 = arith.cmpi slt, %get3A_1127, %lt3A_1129 : vector<16xi32>
    %jit3A_1131 = arith.constant 55 : i32
    %broadcast_in_dim3A_1132 = vector.broadcast %jit3A_1131 : i32 to vector<16xi32>
    %select_n3A_1133 = arith.select %lt3A_1130, %broadcast_in_dim3A_1132, %get3A_1127 : vector<16xi1>, vector<16xi32>
    %add3A_1134 = arith.constant 144 : i32
    %add3A_1135 = vector.broadcast %add3A_1134 : i32 to vector<16xi32>
    %add3A_1136 = arith.addi %add3A_1135, %iota3A : vector<16xi32>
    %scatter3A_1137 = arith.constant 3 : i32
    %scatter3A_1138 = arith.constant 0 : i32
    %scatter3A_1139 = arith.constant 0 : i32
    %scatter3A_1140 = tpu.memref_slice %arg4[%scatter3A_1137, %scatter3A_1138, %scatter3A_1139] : memref<4x100x256xf32, #tpu.memory_space<vmem>> -> memref<1x100x256xf32, #tpu.memory_space<vmem>>
    %scatter3A_1141 = tpu.memref_squeeze %scatter3A_1140 : memref<1x100x256xf32, #tpu.memory_space<vmem>> -> memref<100x256xf32, #tpu.memory_space<vmem>>
    tpu.vector_store_idx %scatter3A_1141[%select_n3A_1133, %add3A_1136], %broadcast_in_dim3A_14 : memref<100x256xf32, #tpu.memory_space<vmem>>[vector<16xi32>, vector<16xi32>], vector<16xf32>,
    %add3A_1142 = arith.constant 160 : i32
    %add3A_1143 = arith.addi %add3A_961, %add3A_1142 : i32
    %get3A_1144 = arith.index_cast %add3A_1143 : i32 to index
    %get3A_1145 = tpu.vector_load %arg5[%get3A_1144] {strides = array<i32>} : memref<16384xi32, #tpu.memory_space<vmem>>, vector<16xi32>,
    %lt3A_1146 = arith.constant 0 : i32
    %lt3A_1147 = vector.broadcast %lt3A_1146 : i32 to vector<16xi32>
    %lt3A_1148 = arith.cmpi slt, %get3A_1145, %lt3A_1147 : vector<16xi32>
    %jit3A_1149 = arith.constant 55 : i32
    %broadcast_in_dim3A_1150 = vector.broadcast %jit3A_1149 : i32 to vector<16xi32>
    %select_n3A_1151 = arith.select %lt3A_1148, %broadcast_in_dim3A_1150, %get3A_1145 : vector<16xi1>, vector<16xi32>
    %add3A_1152 = arith.constant 160 : i32
    %add3A_1153 = vector.broadcast %add3A_1152 : i32 to vector<16xi32>
    %add3A_1154 = arith.addi %add3A_1153, %iota3A : vector<16xi32>
    %scatter3A_1155 = arith.constant 3 : i32
    %scatter3A_1156 = arith.constant 0 : i32
    %scatter3A_1157 = arith.constant 0 : i32
    %scatter3A_1158 = tpu.memref_slice %arg4[%scatter3A_1155, %scatter3A_1156, %scatter3A_1157] : memref<4x100x256xf32, #tpu.memory_space<vmem>> -> memref<1x100x256xf32, #tpu.memory_space<vmem>>
    %scatter3A_1159 = tpu.memref_squeeze %scatter3A_1158 : memref<1x100x256xf32, #tpu.memory_space<vmem>> -> memref<100x256xf32, #tpu.memory_space<vmem>>
    tpu.vector_store_idx %scatter3A_1159[%select_n3A_1151, %add3A_1154], %broadcast_in_dim3A_14 : memref<100x256xf32, #tpu.memory_space<vmem>>[vector<16xi32>, vector<16xi32>], vector<16xf32>,
    %add3A_1160 = arith.constant 176 : i32
    %add3A_1161 = arith.addi %add3A_961, %add3A_1160 : i32
    %get3A_1162 = arith.index_cast %add3A_1161 : i32 to index
    %get3A_1163 = tpu.vector_load %arg5[%get3A_1162] {strides = array<i32>} : memref<16384xi32, #tpu.memory_space<vmem>>, vector<16xi32>,
    %lt3A_1164 = arith.constant 0 : i32
    %lt3A_1165 = vector.broadcast %lt3A_1164 : i32 to vector<16xi32>
    %lt3A_1166 = arith.cmpi slt, %get3A_1163, %lt3A_1165 : vector<16xi32>
    %jit3A_1167 = arith.constant 55 : i32
    %broadcast_in_dim3A_1168 = vector.broadcast %jit3A_1167 : i32 to vector<16xi32>
    %select_n3A_1169 = arith.select %lt3A_1166, %broadcast_in_dim3A_1168, %get3A_1163 : vector<16xi1>, vector<16xi32>
    %add3A_1170 = arith.constant 176 : i32
    %add3A_1171 = vector.broadcast %add3A_1170 : i32 to vector<16xi32>
    %add3A_1172 = arith.addi %add3A_1171, %iota3A : vector<16xi32>
    %scatter3A_1173 = arith.constant 3 : i32
    %scatter3A_1174 = arith.constant 0 : i32
    %scatter3A_1175 = arith.constant 0 : i32
    %scatter3A_1176 = tpu.memref_slice %arg4[%scatter3A_1173, %scatter3A_1174, %scatter3A_1175] : memref<4x100x256xf32, #tpu.memory_space<vmem>> -> memref<1x100x256xf32, #tpu.memory_space<vmem>>
    %scatter3A_1177 = tpu.memref_squeeze %scatter3A_1176 : memref<1x100x256xf32, #tpu.memory_space<vmem>> -> memref<100x256xf32, #tpu.memory_space<vmem>>
    tpu.vector_store_idx %scatter3A_1177[%select_n3A_1169, %add3A_1172], %broadcast_in_dim3A_14 : memref<100x256xf32, #tpu.memory_space<vmem>>[vector<16xi32>, vector<16xi32>], vector<16xf32>,
    %add3A_1178 = arith.constant 192 : i32
    %add3A_1179 = arith.addi %add3A_961, %add3A_1178 : i32
    %get3A_1180 = arith.index_cast %add3A_1179 : i32 to index
    %get3A_1181 = tpu.vector_load %arg5[%get3A_1180] {strides = array<i32>} : memref<16384xi32, #tpu.memory_space<vmem>>, vector<16xi32>,
    %lt3A_1182 = arith.constant 0 : i32
    %lt3A_1183 = vector.broadcast %lt3A_1182 : i32 to vector<16xi32>
    %lt3A_1184 = arith.cmpi slt, %get3A_1181, %lt3A_1183 : vector<16xi32>
    %jit3A_1185 = arith.constant 55 : i32
    %broadcast_in_dim3A_1186 = vector.broadcast %jit3A_1185 : i32 to vector<16xi32>
    %select_n3A_1187 = arith.select %lt3A_1184, %broadcast_in_dim3A_1186, %get3A_1181 : vector<16xi1>, vector<16xi32>
    %add3A_1188 = arith.constant 192 : i32
    %add3A_1189 = vector.broadcast %add3A_1188 : i32 to vector<16xi32>
    %add3A_1190 = arith.addi %add3A_1189, %iota3A : vector<16xi32>
    %scatter3A_1191 = arith.constant 3 : i32
    %scatter3A_1192 = arith.constant 0 : i32
    %scatter3A_1193 = arith.constant 0 : i32
    %scatter3A_1194 = tpu.memref_slice %arg4[%scatter3A_1191, %scatter3A_1192, %scatter3A_1193] : memref<4x100x256xf32, #tpu.memory_space<vmem>> -> memref<1x100x256xf32, #tpu.memory_space<vmem>>
    %scatter3A_1195 = tpu.memref_squeeze %scatter3A_1194 : memref<1x100x256xf32, #tpu.memory_space<vmem>> -> memref<100x256xf32, #tpu.memory_space<vmem>>
    tpu.vector_store_idx %scatter3A_1195[%select_n3A_1187, %add3A_1190], %broadcast_in_dim3A_14 : memref<100x256xf32, #tpu.memory_space<vmem>>[vector<16xi32>, vector<16xi32>], vector<16xf32>,
    %add3A_1196 = arith.constant 208 : i32
    %add3A_1197 = arith.addi %add3A_961, %add3A_1196 : i32
    %get3A_1198 = arith.index_cast %add3A_1197 : i32 to index
    %get3A_1199 = tpu.vector_load %arg5[%get3A_1198] {strides = array<i32>} : memref<16384xi32, #tpu.memory_space<vmem>>, vector<16xi32>,
    %lt3A_1200 = arith.constant 0 : i32
    %lt3A_1201 = vector.broadcast %lt3A_1200 : i32 to vector<16xi32>
    %lt3A_1202 = arith.cmpi slt, %get3A_1199, %lt3A_1201 : vector<16xi32>
    %jit3A_1203 = arith.constant 55 : i32
    %broadcast_in_dim3A_1204 = vector.broadcast %jit3A_1203 : i32 to vector<16xi32>
    %select_n3A_1205 = arith.select %lt3A_1202, %broadcast_in_dim3A_1204, %get3A_1199 : vector<16xi1>, vector<16xi32>
    %add3A_1206 = arith.constant 208 : i32
    %add3A_1207 = vector.broadcast %add3A_1206 : i32 to vector<16xi32>
    %add3A_1208 = arith.addi %add3A_1207, %iota3A : vector<16xi32>
    %scatter3A_1209 = arith.constant 3 : i32
    %scatter3A_1210 = arith.constant 0 : i32
    %scatter3A_1211 = arith.constant 0 : i32
    %scatter3A_1212 = tpu.memref_slice %arg4[%scatter3A_1209, %scatter3A_1210, %scatter3A_1211] : memref<4x100x256xf32, #tpu.memory_space<vmem>> -> memref<1x100x256xf32, #tpu.memory_space<vmem>>
    %scatter3A_1213 = tpu.memref_squeeze %scatter3A_1212 : memref<1x100x256xf32, #tpu.memory_space<vmem>> -> memref<100x256xf32, #tpu.memory_space<vmem>>
    tpu.vector_store_idx %scatter3A_1213[%select_n3A_1205, %add3A_1208], %broadcast_in_dim3A_14 : memref<100x256xf32, #tpu.memory_space<vmem>>[vector<16xi32>, vector<16xi32>], vector<16xf32>,
    %add3A_1214 = arith.constant 224 : i32
    %add3A_1215 = arith.addi %add3A_961, %add3A_1214 : i32
    %get3A_1216 = arith.index_cast %add3A_1215 : i32 to index
    %get3A_1217 = tpu.vector_load %arg5[%get3A_1216] {strides = array<i32>} : memref<16384xi32, #tpu.memory_space<vmem>>, vector<16xi32>,
    %lt3A_1218 = arith.constant 0 : i32
    %lt3A_1219 = vector.broadcast %lt3A_1218 : i32 to vector<16xi32>
    %lt3A_1220 = arith.cmpi slt, %get3A_1217, %lt3A_1219 : vector<16xi32>
    %jit3A_1221 = arith.constant 55 : i32
    %broadcast_in_dim3A_1222 = vector.broadcast %jit3A_1221 : i32 to vector<16xi32>
    %select_n3A_1223 = arith.select %lt3A_1220, %broadcast_in_dim3A_1222, %get3A_1217 : vector<16xi1>, vector<16xi32>
    %add3A_1224 = arith.constant 224 : i32
    %add3A_1225 = vector.broadcast %add3A_1224 : i32 to vector<16xi32>
    %add3A_1226 = arith.addi %add3A_1225, %iota3A : vector<16xi32>
    %scatter3A_1227 = arith.constant 3 : i32
    %scatter3A_1228 = arith.constant 0 : i32
    %scatter3A_1229 = arith.constant 0 : i32
    %scatter3A_1230 = tpu.memref_slice %arg4[%scatter3A_1227, %scatter3A_1228, %scatter3A_1229] : memref<4x100x256xf32, #tpu.memory_space<vmem>> -> memref<1x100x256xf32, #tpu.memory_space<vmem>>
    %scatter3A_1231 = tpu.memref_squeeze %scatter3A_1230 : memref<1x100x256xf32, #tpu.memory_space<vmem>> -> memref<100x256xf32, #tpu.memory_space<vmem>>
    tpu.vector_store_idx %scatter3A_1231[%select_n3A_1223, %add3A_1226], %broadcast_in_dim3A_14 : memref<100x256xf32, #tpu.memory_space<vmem>>[vector<16xi32>, vector<16xi32>], vector<16xf32>,
    %add3A_1232 = arith.constant 240 : i32
    %add3A_1233 = arith.addi %add3A_961, %add3A_1232 : i32
    %get3A_1234 = arith.index_cast %add3A_1233 : i32 to index
    %get3A_1235 = tpu.vector_load %arg5[%get3A_1234] {strides = array<i32>} : memref<16384xi32, #tpu.memory_space<vmem>>, vector<16xi32>,
    %lt3A_1236 = arith.constant 0 : i32
    %lt3A_1237 = vector.broadcast %lt3A_1236 : i32 to vector<16xi32>
    %lt3A_1238 = arith.cmpi slt, %get3A_1235, %lt3A_1237 : vector<16xi32>
    %jit3A_1239 = arith.constant 55 : i32
    %broadcast_in_dim3A_1240 = vector.broadcast %jit3A_1239 : i32 to vector<16xi32>
    %select_n3A_1241 = arith.select %lt3A_1238, %broadcast_in_dim3A_1240, %get3A_1235 : vector<16xi1>, vector<16xi32>
    %add3A_1242 = arith.constant 240 : i32
    %add3A_1243 = vector.broadcast %add3A_1242 : i32 to vector<16xi32>
    %add3A_1244 = arith.addi %add3A_1243, %iota3A : vector<16xi32>
    %scatter3A_1245 = arith.constant 3 : i32
    %scatter3A_1246 = arith.constant 0 : i32
    %scatter3A_1247 = arith.constant 0 : i32
    %scatter3A_1248 = tpu.memref_slice %arg4[%scatter3A_1245, %scatter3A_1246, %scatter3A_1247] : memref<4x100x256xf32, #tpu.memory_space<vmem>> -> memref<1x100x256xf32, #tpu.memory_space<vmem>>
    %scatter3A_1249 = tpu.memref_squeeze %scatter3A_1248 : memref<1x100x256xf32, #tpu.memory_space<vmem>> -> memref<100x256xf32, #tpu.memory_space<vmem>>
    tpu.vector_store_idx %scatter3A_1249[%select_n3A_1241, %add3A_1244], %broadcast_in_dim3A_14 : memref<100x256xf32, #tpu.memory_space<vmem>>[vector<16xi32>, vector<16xi32>], vector<16xf32>,
    %add3A_1250 = arith.constant 3 : i32
    %add3A_1251 = arith.addi %add3A_4, %add3A_1250 : i32
    %mul3A_1252 = arith.constant 256 : i32
    %mul3A_1253 = arith.muli %add3A_1251, %mul3A_1252 : i32
    %dma_start3A_1254 = arith.constant 3 : i32
    %dma_start3A_1255 = arith.constant 0 : i32
    %dma_start3A_1256 = arith.constant 0 : i32
    %dma_start3A_1257 = tpu.memref_slice %arg4[%dma_start3A_1254, %dma_start3A_1255, %dma_start3A_1256] : memref<4x100x256xf32, #tpu.memory_space<vmem>> -> memref<1x100x256xf32, #tpu.memory_space<vmem>>
    %dma_start3A_1258 = tpu.memref_squeeze %dma_start3A_1257 : memref<1x100x256xf32, #tpu.memory_space<vmem>> -> memref<100x256xf32, #tpu.memory_space<vmem>>
    %dma_start3A_1259 = arith.constant 0 : i32
    %dma_start3A_1260 = tpu.memref_slice %arg3[%dma_start3A_1259, %mul3A_1253] : memref<100x500000xf32, #tpu.memory_space<hbm>> -> memref<100x256xf32, #tpu.memory_space<hbm>>
    %dma_start3A_1261 = arith.constant 0 : i32
    %dma_start3A_1262 = tpu.memref_slice %arg3[%dma_start3A_1261, %mul3A_1253] : memref<100x500000xf32, #tpu.memory_space<hbm>> -> memref<100x256xf32, #tpu.memory_space<hbm>>
    %dma_start3A_1263 = arith.constant 0 : i32
    %dma_start3A_1264 = arith.constant 0 : i32
    %dma_start3A_1265 = tpu.memref_slice %arg4[%dma_start3A_1254, %dma_start3A_1263, %dma_start3A_1264] : memref<4x100x256xf32, #tpu.memory_space<vmem>> -> memref<1x100x256xf32, #tpu.memory_space<vmem>>
    %dma_start3A_1266 = tpu.memref_squeeze %dma_start3A_1265 : memref<1x100x256xf32, #tpu.memory_space<vmem>> -> memref<100x256xf32, #tpu.memory_space<vmem>>
    tpu.enqueue_dma source(%dma_start3A_1266 : memref<100x256xf32, #tpu.memory_space<vmem>>) target(%dma_start3A_1262 : memref<100x256xf32, #tpu.memory_space<hbm>>) target_semaphore(%arg10 : memref<!tpu.dma_semaphore, #tpu.memory_space<semaphore_mem>>)
    %scan3A_1267 = arith.constant 0 : i32
    %scan3A_1268 = arith.constant 0 : i32
    %scan3A_1269 = arith.constant 16 : i32
    %scan3A_1270 = arith.addi %scan3A_1268, %scan3A_1269 : i32
    %scan3A_1271 = arith.constant 1 : i32
    scf.for %scan3A_1273 = %scan3A_1268 to %scan3A_1270 step %scan3A_1271  : i32 {
      %mul3A_1274 = arith.constant 4 : i32
      %mul3A_1275 = arith.muli %mul3A_1274, %scan3A_1273 : i32
      %add3A_1276 = arith.constant 0 : i32
      %add3A_1277 = arith.addi %mul3A_1275, %add3A_1276 : i32
      %add3A_1278 = arith.constant 4 : i32
      %add3A_1279 = arith.addi %add3A_1277, %add3A_1278 : i32
      %sub3A_1280 = arith.constant 4 : i32
      %sub3A_1281 = arith.subi %add3A_1279, %sub3A_1280 : i32
      %lt3A_1282 = arith.cmpi slt, %sub3A_1281, %select_n3A : i32
      %convert_element_type3A = arith.extui %lt3A_1282 : i1 to i32
      %cond3A = arith.constant 0 : i32
      %cond3A_1283 = arith.cmpi ne, %convert_element_type3A, %cond3A : i32
      scf.if %cond3A_1283 {
        %sub3A_1336 = arith.constant 4 : i32
        %sub3A_1337 = arith.subi %add3A_1279, %sub3A_1336 : i32
        %add3A_1338 = arith.addi %add3A_4, %sub3A_1337 : i32
        %mul3A_1339 = arith.constant 256 : i32
        %mul3A_1340 = arith.muli %add3A_1338, %mul3A_1339 : i32
        %dma_wait3A_1341 = arith.constant 0 : i32
        %dma_wait3A_1342 = arith.constant 0 : i32
        %dma_wait3A_1343 = arith.constant 0 : i32
        %dma_wait3A_1344 = tpu.memref_slice %arg4[%dma_wait3A_1341, %dma_wait3A_1342, %dma_wait3A_1343] : memref<4x100x256xf32, #tpu.memory_space<vmem>> -> memref<1x100x256xf32, #tpu.memory_space<vmem>>
        %dma_wait3A_1345 = tpu.memref_squeeze %dma_wait3A_1344 : memref<1x100x256xf32, #tpu.memory_space<vmem>> -> memref<100x256xf32, #tpu.memory_space<vmem>>
        %dma_wait3A_1346 = arith.constant 0 : i32
        %dma_wait3A_1347 = tpu.memref_slice %arg3[%dma_wait3A_1346, %mul3A_1340] : memref<100x500000xf32, #tpu.memory_space<hbm>> -> memref<100x256xf32, #tpu.memory_space<hbm>>
        %dma_wait3A_1348 = arith.constant 0 : i32
        %dma_wait3A_1349 = tpu.memref_slice %arg3[%dma_wait3A_1348, %mul3A_1340] : memref<100x500000xf32, #tpu.memory_space<hbm>> -> memref<100x256xf32, #tpu.memory_space<hbm>>
        %dma_wait3A_1350 = arith.constant 0 : i32
        %dma_wait3A_1351 = arith.constant 0 : i32
        %dma_wait3A_1352 = tpu.memref_slice %arg4[%dma_wait3A_1341, %dma_wait3A_1350, %dma_wait3A_1351] : memref<4x100x256xf32, #tpu.memory_space<vmem>> -> memref<1x100x256xf32, #tpu.memory_space<vmem>>
        %dma_wait3A_1353 = tpu.memref_squeeze %dma_wait3A_1352 : memref<1x100x256xf32, #tpu.memory_space<vmem>> -> memref<100x256xf32, #tpu.memory_space<vmem>>
        tpu.wait_dma2 semaphore(%arg7 : memref<!tpu.dma_semaphore, #tpu.memory_space<semaphore_mem>>) src(%dma_wait3A_1353 : memref<100x256xf32, #tpu.memory_space<vmem>>) dst(%dma_wait3A_1349 : memref<100x256xf32, #tpu.memory_space<hbm>>)
        %mul3A_1354 = arith.constant 256 : i32
        %mul3A_1355 = arith.muli %sub3A_1337, %mul3A_1354 : i32
        %add3A_1356 = arith.addi %sub3A, %mul3A_1355 : i32
        %add3A_1357 = arith.constant 0 : i32
        %add3A_1358 = arith.addi %add3A_1356, %add3A_1357 : i32
        %get3A_1359 = arith.index_cast %add3A_1358 : i32 to index
        %get3A_1360 = tpu.vector_load %arg5[%get3A_1359] {strides = array<i32>} : memref<16384xi32, #tpu.memory_space<vmem>>, vector<16xi32>,
        %lt3A_1361 = arith.constant 0 : i32
        %lt3A_1362 = vector.broadcast %lt3A_1361 : i32 to vector<16xi32>
        %lt3A_1363 = arith.cmpi slt, %get3A_1360, %lt3A_1362 : vector<16xi32>
        %jit3A_1364 = arith.constant 55 : i32
        %broadcast_in_dim3A_1365 = vector.broadcast %jit3A_1364 : i32 to vector<16xi32>
        %select_n3A_1366 = arith.select %lt3A_1363, %broadcast_in_dim3A_1365, %get3A_1360 : vector<16xi1>, vector<16xi32>
        %add3A_1367 = arith.constant 0 : i32
        %add3A_1368 = vector.broadcast %add3A_1367 : i32 to vector<16xi32>
        %add3A_1369 = arith.addi %add3A_1368, %iota3A : vector<16xi32>
        %scatter3A_1370 = arith.constant 0 : i32
        %scatter3A_1371 = arith.constant 0 : i32
        %scatter3A_1372 = arith.constant 0 : i32
        %scatter3A_1373 = tpu.memref_slice %arg4[%scatter3A_1370, %scatter3A_1371, %scatter3A_1372] : memref<4x100x256xf32, #tpu.memory_space<vmem>> -> memref<1x100x256xf32, #tpu.memory_space<vmem>>
        %scatter3A_1374 = tpu.memref_squeeze %scatter3A_1373 : memref<1x100x256xf32, #tpu.memory_space<vmem>> -> memref<100x256xf32, #tpu.memory_space<vmem>>
        tpu.vector_store_idx %scatter3A_1374[%select_n3A_1366, %add3A_1369], %broadcast_in_dim3A_16 : memref<100x256xf32, #tpu.memory_space<vmem>>[vector<16xi32>, vector<16xi32>], vector<16xf32>,
        %add3A_1375 = arith.constant 16 : i32
        %add3A_1376 = arith.addi %add3A_1356, %add3A_1375 : i32
        %get3A_1377 = arith.index_cast %add3A_1376 : i32 to index
        %get3A_1378 = tpu.vector_load %arg5[%get3A_1377] {strides = array<i32>} : memref<16384xi32, #tpu.memory_space<vmem>>, vector<16xi32>,
        %lt3A_1379 = arith.constant 0 : i32
        %lt3A_1380 = vector.broadcast %lt3A_1379 : i32 to vector<16xi32>
        %lt3A_1381 = arith.cmpi slt, %get3A_1378, %lt3A_1380 : vector<16xi32>
        %jit3A_1382 = arith.constant 55 : i32
        %broadcast_in_dim3A_1383 = vector.broadcast %jit3A_1382 : i32 to vector<16xi32>
        %select_n3A_1384 = arith.select %lt3A_1381, %broadcast_in_dim3A_1383, %get3A_1378 : vector<16xi1>, vector<16xi32>
        %add3A_1385 = arith.constant 16 : i32
        %add3A_1386 = vector.broadcast %add3A_1385 : i32 to vector<16xi32>
        %add3A_1387 = arith.addi %add3A_1386, %iota3A : vector<16xi32>
        %scatter3A_1388 = arith.constant 0 : i32
        %scatter3A_1389 = arith.constant 0 : i32
        %scatter3A_1390 = arith.constant 0 : i32
        %scatter3A_1391 = tpu.memref_slice %arg4[%scatter3A_1388, %scatter3A_1389, %scatter3A_1390] : memref<4x100x256xf32, #tpu.memory_space<vmem>> -> memref<1x100x256xf32, #tpu.memory_space<vmem>>
        %scatter3A_1392 = tpu.memref_squeeze %scatter3A_1391 : memref<1x100x256xf32, #tpu.memory_space<vmem>> -> memref<100x256xf32, #tpu.memory_space<vmem>>
        tpu.vector_store_idx %scatter3A_1392[%select_n3A_1384, %add3A_1387], %broadcast_in_dim3A_16 : memref<100x256xf32, #tpu.memory_space<vmem>>[vector<16xi32>, vector<16xi32>], vector<16xf32>,
        %add3A_1393 = arith.constant 32 : i32
        %add3A_1394 = arith.addi %add3A_1356, %add3A_1393 : i32
        %get3A_1395 = arith.index_cast %add3A_1394 : i32 to index
        %get3A_1396 = tpu.vector_load %arg5[%get3A_1395] {strides = array<i32>} : memref<16384xi32, #tpu.memory_space<vmem>>, vector<16xi32>,
        %lt3A_1397 = arith.constant 0 : i32
        %lt3A_1398 = vector.broadcast %lt3A_1397 : i32 to vector<16xi32>
        %lt3A_1399 = arith.cmpi slt, %get3A_1396, %lt3A_1398 : vector<16xi32>
        %jit3A_1400 = arith.constant 55 : i32
        %broadcast_in_dim3A_1401 = vector.broadcast %jit3A_1400 : i32 to vector<16xi32>
        %select_n3A_1402 = arith.select %lt3A_1399, %broadcast_in_dim3A_1401, %get3A_1396 : vector<16xi1>, vector<16xi32>
        %add3A_1403 = arith.constant 32 : i32
        %add3A_1404 = vector.broadcast %add3A_1403 : i32 to vector<16xi32>
        %add3A_1405 = arith.addi %add3A_1404, %iota3A : vector<16xi32>
        %scatter3A_1406 = arith.constant 0 : i32
        %scatter3A_1407 = arith.constant 0 : i32
        %scatter3A_1408 = arith.constant 0 : i32
        %scatter3A_1409 = tpu.memref_slice %arg4[%scatter3A_1406, %scatter3A_1407, %scatter3A_1408] : memref<4x100x256xf32, #tpu.memory_space<vmem>> -> memref<1x100x256xf32, #tpu.memory_space<vmem>>
        %scatter3A_1410 = tpu.memref_squeeze %scatter3A_1409 : memref<1x100x256xf32, #tpu.memory_space<vmem>> -> memref<100x256xf32, #tpu.memory_space<vmem>>
        tpu.vector_store_idx %scatter3A_1410[%select_n3A_1402, %add3A_1405], %broadcast_in_dim3A_16 : memref<100x256xf32, #tpu.memory_space<vmem>>[vector<16xi32>, vector<16xi32>], vector<16xf32>,
        %add3A_1411 = arith.constant 48 : i32
        %add3A_1412 = arith.addi %add3A_1356, %add3A_1411 : i32
        %get3A_1413 = arith.index_cast %add3A_1412 : i32 to index
        %get3A_1414 = tpu.vector_load %arg5[%get3A_1413] {strides = array<i32>} : memref<16384xi32, #tpu.memory_space<vmem>>, vector<16xi32>,
        %lt3A_1415 = arith.constant 0 : i32
        %lt3A_1416 = vector.broadcast %lt3A_1415 : i32 to vector<16xi32>
        %lt3A_1417 = arith.cmpi slt, %get3A_1414, %lt3A_1416 : vector<16xi32>
        %jit3A_1418 = arith.constant 55 : i32
        %broadcast_in_dim3A_1419 = vector.broadcast %jit3A_1418 : i32 to vector<16xi32>
        %select_n3A_1420 = arith.select %lt3A_1417, %broadcast_in_dim3A_1419, %get3A_1414 : vector<16xi1>, vector<16xi32>
        %add3A_1421 = arith.constant 48 : i32
        %add3A_1422 = vector.broadcast %add3A_1421 : i32 to vector<16xi32>
        %add3A_1423 = arith.addi %add3A_1422, %iota3A : vector<16xi32>
        %scatter3A_1424 = arith.constant 0 : i32
        %scatter3A_1425 = arith.constant 0 : i32
        %scatter3A_1426 = arith.constant 0 : i32
        %scatter3A_1427 = tpu.memref_slice %arg4[%scatter3A_1424, %scatter3A_1425, %scatter3A_1426] : memref<4x100x256xf32, #tpu.memory_space<vmem>> -> memref<1x100x256xf32, #tpu.memory_space<vmem>>
        %scatter3A_1428 = tpu.memref_squeeze %scatter3A_1427 : memref<1x100x256xf32, #tpu.memory_space<vmem>> -> memref<100x256xf32, #tpu.memory_space<vmem>>
        tpu.vector_store_idx %scatter3A_1428[%select_n3A_1420, %add3A_1423], %broadcast_in_dim3A_16 : memref<100x256xf32, #tpu.memory_space<vmem>>[vector<16xi32>, vector<16xi32>], vector<16xf32>,
        %add3A_1429 = arith.constant 64 : i32
        %add3A_1430 = arith.addi %add3A_1356, %add3A_1429 : i32
        %get3A_1431 = arith.index_cast %add3A_1430 : i32 to index
        %get3A_1432 = tpu.vector_load %arg5[%get3A_1431] {strides = array<i32>} : memref<16384xi32, #tpu.memory_space<vmem>>, vector<16xi32>,
        %lt3A_1433 = arith.constant 0 : i32
        %lt3A_1434 = vector.broadcast %lt3A_1433 : i32 to vector<16xi32>
        %lt3A_1435 = arith.cmpi slt, %get3A_1432, %lt3A_1434 : vector<16xi32>
        %jit3A_1436 = arith.constant 55 : i32
        %broadcast_in_dim3A_1437 = vector.broadcast %jit3A_1436 : i32 to vector<16xi32>
        %select_n3A_1438 = arith.select %lt3A_1435, %broadcast_in_dim3A_1437, %get3A_1432 : vector<16xi1>, vector<16xi32>
        %add3A_1439 = arith.constant 64 : i32
        %add3A_1440 = vector.broadcast %add3A_1439 : i32 to vector<16xi32>
        %add3A_1441 = arith.addi %add3A_1440, %iota3A : vector<16xi32>
        %scatter3A_1442 = arith.constant 0 : i32
        %scatter3A_1443 = arith.constant 0 : i32
        %scatter3A_1444 = arith.constant 0 : i32
        %scatter3A_1445 = tpu.memref_slice %arg4[%scatter3A_1442, %scatter3A_1443, %scatter3A_1444] : memref<4x100x256xf32, #tpu.memory_space<vmem>> -> memref<1x100x256xf32, #tpu.memory_space<vmem>>
        %scatter3A_1446 = tpu.memref_squeeze %scatter3A_1445 : memref<1x100x256xf32, #tpu.memory_space<vmem>> -> memref<100x256xf32, #tpu.memory_space<vmem>>
        tpu.vector_store_idx %scatter3A_1446[%select_n3A_1438, %add3A_1441], %broadcast_in_dim3A_16 : memref<100x256xf32, #tpu.memory_space<vmem>>[vector<16xi32>, vector<16xi32>], vector<16xf32>,
        %add3A_1447 = arith.constant 80 : i32
        %add3A_1448 = arith.addi %add3A_1356, %add3A_1447 : i32
        %get3A_1449 = arith.index_cast %add3A_1448 : i32 to index
        %get3A_1450 = tpu.vector_load %arg5[%get3A_1449] {strides = array<i32>} : memref<16384xi32, #tpu.memory_space<vmem>>, vector<16xi32>,
        %lt3A_1451 = arith.constant 0 : i32
        %lt3A_1452 = vector.broadcast %lt3A_1451 : i32 to vector<16xi32>
        %lt3A_1453 = arith.cmpi slt, %get3A_1450, %lt3A_1452 : vector<16xi32>
        %jit3A_1454 = arith.constant 55 : i32
        %broadcast_in_dim3A_1455 = vector.broadcast %jit3A_1454 : i32 to vector<16xi32>
        %select_n3A_1456 = arith.select %lt3A_1453, %broadcast_in_dim3A_1455, %get3A_1450 : vector<16xi1>, vector<16xi32>
        %add3A_1457 = arith.constant 80 : i32
        %add3A_1458 = vector.broadcast %add3A_1457 : i32 to vector<16xi32>
        %add3A_1459 = arith.addi %add3A_1458, %iota3A : vector<16xi32>
        %scatter3A_1460 = arith.constant 0 : i32
        %scatter3A_1461 = arith.constant 0 : i32
        %scatter3A_1462 = arith.constant 0 : i32
        %scatter3A_1463 = tpu.memref_slice %arg4[%scatter3A_1460, %scatter3A_1461, %scatter3A_1462] : memref<4x100x256xf32, #tpu.memory_space<vmem>> -> memref<1x100x256xf32, #tpu.memory_space<vmem>>
        %scatter3A_1464 = tpu.memref_squeeze %scatter3A_1463 : memref<1x100x256xf32, #tpu.memory_space<vmem>> -> memref<100x256xf32, #tpu.memory_space<vmem>>
        tpu.vector_store_idx %scatter3A_1464[%select_n3A_1456, %add3A_1459], %broadcast_in_dim3A_16 : memref<100x256xf32, #tpu.memory_space<vmem>>[vector<16xi32>, vector<16xi32>], vector<16xf32>,
        %add3A_1465 = arith.constant 96 : i32
        %add3A_1466 = arith.addi %add3A_1356, %add3A_1465 : i32
        %get3A_1467 = arith.index_cast %add3A_1466 : i32 to index
        %get3A_1468 = tpu.vector_load %arg5[%get3A_1467] {strides = array<i32>} : memref<16384xi32, #tpu.memory_space<vmem>>, vector<16xi32>,
        %lt3A_1469 = arith.constant 0 : i32
        %lt3A_1470 = vector.broadcast %lt3A_1469 : i32 to vector<16xi32>
        %lt3A_1471 = arith.cmpi slt, %get3A_1468, %lt3A_1470 : vector<16xi32>
        %jit3A_1472 = arith.constant 55 : i32
        %broadcast_in_dim3A_1473 = vector.broadcast %jit3A_1472 : i32 to vector<16xi32>
        %select_n3A_1474 = arith.select %lt3A_1471, %broadcast_in_dim3A_1473, %get3A_1468 : vector<16xi1>, vector<16xi32>
        %add3A_1475 = arith.constant 96 : i32
        %add3A_1476 = vector.broadcast %add3A_1475 : i32 to vector<16xi32>
        %add3A_1477 = arith.addi %add3A_1476, %iota3A : vector<16xi32>
        %scatter3A_1478 = arith.constant 0 : i32
        %scatter3A_1479 = arith.constant 0 : i32
        %scatter3A_1480 = arith.constant 0 : i32
        %scatter3A_1481 = tpu.memref_slice %arg4[%scatter3A_1478, %scatter3A_1479, %scatter3A_1480] : memref<4x100x256xf32, #tpu.memory_space<vmem>> -> memref<1x100x256xf32, #tpu.memory_space<vmem>>
        %scatter3A_1482 = tpu.memref_squeeze %scatter3A_1481 : memref<1x100x256xf32, #tpu.memory_space<vmem>> -> memref<100x256xf32, #tpu.memory_space<vmem>>
        tpu.vector_store_idx %scatter3A_1482[%select_n3A_1474, %add3A_1477], %broadcast_in_dim3A_16 : memref<100x256xf32, #tpu.memory_space<vmem>>[vector<16xi32>, vector<16xi32>], vector<16xf32>,
        %add3A_1483 = arith.constant 112 : i32
        %add3A_1484 = arith.addi %add3A_1356, %add3A_1483 : i32
        %get3A_1485 = arith.index_cast %add3A_1484 : i32 to index
        %get3A_1486 = tpu.vector_load %arg5[%get3A_1485] {strides = array<i32>} : memref<16384xi32, #tpu.memory_space<vmem>>, vector<16xi32>,
        %lt3A_1487 = arith.constant 0 : i32
        %lt3A_1488 = vector.broadcast %lt3A_1487 : i32 to vector<16xi32>
        %lt3A_1489 = arith.cmpi slt, %get3A_1486, %lt3A_1488 : vector<16xi32>
        %jit3A_1490 = arith.constant 55 : i32
        %broadcast_in_dim3A_1491 = vector.broadcast %jit3A_1490 : i32 to vector<16xi32>
        %select_n3A_1492 = arith.select %lt3A_1489, %broadcast_in_dim3A_1491, %get3A_1486 : vector<16xi1>, vector<16xi32>
        %add3A_1493 = arith.constant 112 : i32
        %add3A_1494 = vector.broadcast %add3A_1493 : i32 to vector<16xi32>
        %add3A_1495 = arith.addi %add3A_1494, %iota3A : vector<16xi32>
        %scatter3A_1496 = arith.constant 0 : i32
        %scatter3A_1497 = arith.constant 0 : i32
        %scatter3A_1498 = arith.constant 0 : i32
        %scatter3A_1499 = tpu.memref_slice %arg4[%scatter3A_1496, %scatter3A_1497, %scatter3A_1498] : memref<4x100x256xf32, #tpu.memory_space<vmem>> -> memref<1x100x256xf32, #tpu.memory_space<vmem>>
        %scatter3A_1500 = tpu.memref_squeeze %scatter3A_1499 : memref<1x100x256xf32, #tpu.memory_space<vmem>> -> memref<100x256xf32, #tpu.memory_space<vmem>>
        tpu.vector_store_idx %scatter3A_1500[%select_n3A_1492, %add3A_1495], %broadcast_in_dim3A_16 : memref<100x256xf32, #tpu.memory_space<vmem>>[vector<16xi32>, vector<16xi32>], vector<16xf32>,
        %add3A_1501 = arith.constant 128 : i32
        %add3A_1502 = arith.addi %add3A_1356, %add3A_1501 : i32
        %get3A_1503 = arith.index_cast %add3A_1502 : i32 to index
        %get3A_1504 = tpu.vector_load %arg5[%get3A_1503] {strides = array<i32>} : memref<16384xi32, #tpu.memory_space<vmem>>, vector<16xi32>,
        %lt3A_1505 = arith.constant 0 : i32
        %lt3A_1506 = vector.broadcast %lt3A_1505 : i32 to vector<16xi32>
        %lt3A_1507 = arith.cmpi slt, %get3A_1504, %lt3A_1506 : vector<16xi32>
        %jit3A_1508 = arith.constant 55 : i32
        %broadcast_in_dim3A_1509 = vector.broadcast %jit3A_1508 : i32 to vector<16xi32>
        %select_n3A_1510 = arith.select %lt3A_1507, %broadcast_in_dim3A_1509, %get3A_1504 : vector<16xi1>, vector<16xi32>
        %add3A_1511 = arith.constant 128 : i32
        %add3A_1512 = vector.broadcast %add3A_1511 : i32 to vector<16xi32>
        %add3A_1513 = arith.addi %add3A_1512, %iota3A : vector<16xi32>
        %scatter3A_1514 = arith.constant 0 : i32
        %scatter3A_1515 = arith.constant 0 : i32
        %scatter3A_1516 = arith.constant 0 : i32
        %scatter3A_1517 = tpu.memref_slice %arg4[%scatter3A_1514, %scatter3A_1515, %scatter3A_1516] : memref<4x100x256xf32, #tpu.memory_space<vmem>> -> memref<1x100x256xf32, #tpu.memory_space<vmem>>
        %scatter3A_1518 = tpu.memref_squeeze %scatter3A_1517 : memref<1x100x256xf32, #tpu.memory_space<vmem>> -> memref<100x256xf32, #tpu.memory_space<vmem>>
        tpu.vector_store_idx %scatter3A_1518[%select_n3A_1510, %add3A_1513], %broadcast_in_dim3A_16 : memref<100x256xf32, #tpu.memory_space<vmem>>[vector<16xi32>, vector<16xi32>], vector<16xf32>,
        %add3A_1519 = arith.constant 144 : i32
        %add3A_1520 = arith.addi %add3A_1356, %add3A_1519 : i32
        %get3A_1521 = arith.index_cast %add3A_1520 : i32 to index
        %get3A_1522 = tpu.vector_load %arg5[%get3A_1521] {strides = array<i32>} : memref<16384xi32, #tpu.memory_space<vmem>>, vector<16xi32>,
        %lt3A_1523 = arith.constant 0 : i32
        %lt3A_1524 = vector.broadcast %lt3A_1523 : i32 to vector<16xi32>
        %lt3A_1525 = arith.cmpi slt, %get3A_1522, %lt3A_1524 : vector<16xi32>
        %jit3A_1526 = arith.constant 55 : i32
        %broadcast_in_dim3A_1527 = vector.broadcast %jit3A_1526 : i32 to vector<16xi32>
        %select_n3A_1528 = arith.select %lt3A_1525, %broadcast_in_dim3A_1527, %get3A_1522 : vector<16xi1>, vector<16xi32>
        %add3A_1529 = arith.constant 144 : i32
        %add3A_1530 = vector.broadcast %add3A_1529 : i32 to vector<16xi32>
        %add3A_1531 = arith.addi %add3A_1530, %iota3A : vector<16xi32>
        %scatter3A_1532 = arith.constant 0 : i32
        %scatter3A_1533 = arith.constant 0 : i32
        %scatter3A_1534 = arith.constant 0 : i32
        %scatter3A_1535 = tpu.memref_slice %arg4[%scatter3A_1532, %scatter3A_1533, %scatter3A_1534] : memref<4x100x256xf32, #tpu.memory_space<vmem>> -> memref<1x100x256xf32, #tpu.memory_space<vmem>>
        %scatter3A_1536 = tpu.memref_squeeze %scatter3A_1535 : memref<1x100x256xf32, #tpu.memory_space<vmem>> -> memref<100x256xf32, #tpu.memory_space<vmem>>
        tpu.vector_store_idx %scatter3A_1536[%select_n3A_1528, %add3A_1531], %broadcast_in_dim3A_16 : memref<100x256xf32, #tpu.memory_space<vmem>>[vector<16xi32>, vector<16xi32>], vector<16xf32>,
        %add3A_1537 = arith.constant 160 : i32
        %add3A_1538 = arith.addi %add3A_1356, %add3A_1537 : i32
        %get3A_1539 = arith.index_cast %add3A_1538 : i32 to index
        %get3A_1540 = tpu.vector_load %arg5[%get3A_1539] {strides = array<i32>} : memref<16384xi32, #tpu.memory_space<vmem>>, vector<16xi32>,
        %lt3A_1541 = arith.constant 0 : i32
        %lt3A_1542 = vector.broadcast %lt3A_1541 : i32 to vector<16xi32>
        %lt3A_1543 = arith.cmpi slt, %get3A_1540, %lt3A_1542 : vector<16xi32>
        %jit3A_1544 = arith.constant 55 : i32
        %broadcast_in_dim3A_1545 = vector.broadcast %jit3A_1544 : i32 to vector<16xi32>
        %select_n3A_1546 = arith.select %lt3A_1543, %broadcast_in_dim3A_1545, %get3A_1540 : vector<16xi1>, vector<16xi32>
        %add3A_1547 = arith.constant 160 : i32
        %add3A_1548 = vector.broadcast %add3A_1547 : i32 to vector<16xi32>
        %add3A_1549 = arith.addi %add3A_1548, %iota3A : vector<16xi32>
        %scatter3A_1550 = arith.constant 0 : i32
        %scatter3A_1551 = arith.constant 0 : i32
        %scatter3A_1552 = arith.constant 0 : i32
        %scatter3A_1553 = tpu.memref_slice %arg4[%scatter3A_1550, %scatter3A_1551, %scatter3A_1552] : memref<4x100x256xf32, #tpu.memory_space<vmem>> -> memref<1x100x256xf32, #tpu.memory_space<vmem>>
        %scatter3A_1554 = tpu.memref_squeeze %scatter3A_1553 : memref<1x100x256xf32, #tpu.memory_space<vmem>> -> memref<100x256xf32, #tpu.memory_space<vmem>>
        tpu.vector_store_idx %scatter3A_1554[%select_n3A_1546, %add3A_1549], %broadcast_in_dim3A_16 : memref<100x256xf32, #tpu.memory_space<vmem>>[vector<16xi32>, vector<16xi32>], vector<16xf32>,
        %add3A_1555 = arith.constant 176 : i32
        %add3A_1556 = arith.addi %add3A_1356, %add3A_1555 : i32
        %get3A_1557 = arith.index_cast %add3A_1556 : i32 to index
        %get3A_1558 = tpu.vector_load %arg5[%get3A_1557] {strides = array<i32>} : memref<16384xi32, #tpu.memory_space<vmem>>, vector<16xi32>,
        %lt3A_1559 = arith.constant 0 : i32
        %lt3A_1560 = vector.broadcast %lt3A_1559 : i32 to vector<16xi32>
        %lt3A_1561 = arith.cmpi slt, %get3A_1558, %lt3A_1560 : vector<16xi32>
        %jit3A_1562 = arith.constant 55 : i32
        %broadcast_in_dim3A_1563 = vector.broadcast %jit3A_1562 : i32 to vector<16xi32>
        %select_n3A_1564 = arith.select %lt3A_1561, %broadcast_in_dim3A_1563, %get3A_1558 : vector<16xi1>, vector<16xi32>
        %add3A_1565 = arith.constant 176 : i32
        %add3A_1566 = vector.broadcast %add3A_1565 : i32 to vector<16xi32>
        %add3A_1567 = arith.addi %add3A_1566, %iota3A : vector<16xi32>
        %scatter3A_1568 = arith.constant 0 : i32
        %scatter3A_1569 = arith.constant 0 : i32
        %scatter3A_1570 = arith.constant 0 : i32
        %scatter3A_1571 = tpu.memref_slice %arg4[%scatter3A_1568, %scatter3A_1569, %scatter3A_1570] : memref<4x100x256xf32, #tpu.memory_space<vmem>> -> memref<1x100x256xf32, #tpu.memory_space<vmem>>
        %scatter3A_1572 = tpu.memref_squeeze %scatter3A_1571 : memref<1x100x256xf32, #tpu.memory_space<vmem>> -> memref<100x256xf32, #tpu.memory_space<vmem>>
        tpu.vector_store_idx %scatter3A_1572[%select_n3A_1564, %add3A_1567], %broadcast_in_dim3A_16 : memref<100x256xf32, #tpu.memory_space<vmem>>[vector<16xi32>, vector<16xi32>], vector<16xf32>,
        %add3A_1573 = arith.constant 192 : i32
        %add3A_1574 = arith.addi %add3A_1356, %add3A_1573 : i32
        %get3A_1575 = arith.index_cast %add3A_1574 : i32 to index
        %get3A_1576 = tpu.vector_load %arg5[%get3A_1575] {strides = array<i32>} : memref<16384xi32, #tpu.memory_space<vmem>>, vector<16xi32>,
        %lt3A_1577 = arith.constant 0 : i32
        %lt3A_1578 = vector.broadcast %lt3A_1577 : i32 to vector<16xi32>
        %lt3A_1579 = arith.cmpi slt, %get3A_1576, %lt3A_1578 : vector<16xi32>
        %jit3A_1580 = arith.constant 55 : i32
        %broadcast_in_dim3A_1581 = vector.broadcast %jit3A_1580 : i32 to vector<16xi32>
        %select_n3A_1582 = arith.select %lt3A_1579, %broadcast_in_dim3A_1581, %get3A_1576 : vector<16xi1>, vector<16xi32>
        %add3A_1583 = arith.constant 192 : i32
        %add3A_1584 = vector.broadcast %add3A_1583 : i32 to vector<16xi32>
        %add3A_1585 = arith.addi %add3A_1584, %iota3A : vector<16xi32>
        %scatter3A_1586 = arith.constant 0 : i32
        %scatter3A_1587 = arith.constant 0 : i32
        %scatter3A_1588 = arith.constant 0 : i32
        %scatter3A_1589 = tpu.memref_slice %arg4[%scatter3A_1586, %scatter3A_1587, %scatter3A_1588] : memref<4x100x256xf32, #tpu.memory_space<vmem>> -> memref<1x100x256xf32, #tpu.memory_space<vmem>>
        %scatter3A_1590 = tpu.memref_squeeze %scatter3A_1589 : memref<1x100x256xf32, #tpu.memory_space<vmem>> -> memref<100x256xf32, #tpu.memory_space<vmem>>
        tpu.vector_store_idx %scatter3A_1590[%select_n3A_1582, %add3A_1585], %broadcast_in_dim3A_16 : memref<100x256xf32, #tpu.memory_space<vmem>>[vector<16xi32>, vector<16xi32>], vector<16xf32>,
        %add3A_1591 = arith.constant 208 : i32
        %add3A_1592 = arith.addi %add3A_1356, %add3A_1591 : i32
        %get3A_1593 = arith.index_cast %add3A_1592 : i32 to index
        %get3A_1594 = tpu.vector_load %arg5[%get3A_1593] {strides = array<i32>} : memref<16384xi32, #tpu.memory_space<vmem>>, vector<16xi32>,
        %lt3A_1595 = arith.constant 0 : i32
        %lt3A_1596 = vector.broadcast %lt3A_1595 : i32 to vector<16xi32>
        %lt3A_1597 = arith.cmpi slt, %get3A_1594, %lt3A_1596 : vector<16xi32>
        %jit3A_1598 = arith.constant 55 : i32
        %broadcast_in_dim3A_1599 = vector.broadcast %jit3A_1598 : i32 to vector<16xi32>
        %select_n3A_1600 = arith.select %lt3A_1597, %broadcast_in_dim3A_1599, %get3A_1594 : vector<16xi1>, vector<16xi32>
        %add3A_1601 = arith.constant 208 : i32
        %add3A_1602 = vector.broadcast %add3A_1601 : i32 to vector<16xi32>
        %add3A_1603 = arith.addi %add3A_1602, %iota3A : vector<16xi32>
        %scatter3A_1604 = arith.constant 0 : i32
        %scatter3A_1605 = arith.constant 0 : i32
        %scatter3A_1606 = arith.constant 0 : i32
        %scatter3A_1607 = tpu.memref_slice %arg4[%scatter3A_1604, %scatter3A_1605, %scatter3A_1606] : memref<4x100x256xf32, #tpu.memory_space<vmem>> -> memref<1x100x256xf32, #tpu.memory_space<vmem>>
        %scatter3A_1608 = tpu.memref_squeeze %scatter3A_1607 : memref<1x100x256xf32, #tpu.memory_space<vmem>> -> memref<100x256xf32, #tpu.memory_space<vmem>>
        tpu.vector_store_idx %scatter3A_1608[%select_n3A_1600, %add3A_1603], %broadcast_in_dim3A_16 : memref<100x256xf32, #tpu.memory_space<vmem>>[vector<16xi32>, vector<16xi32>], vector<16xf32>,
        %add3A_1609 = arith.constant 224 : i32
        %add3A_1610 = arith.addi %add3A_1356, %add3A_1609 : i32
        %get3A_1611 = arith.index_cast %add3A_1610 : i32 to index
        %get3A_1612 = tpu.vector_load %arg5[%get3A_1611] {strides = array<i32>} : memref<16384xi32, #tpu.memory_space<vmem>>, vector<16xi32>,
        %lt3A_1613 = arith.constant 0 : i32
        %lt3A_1614 = vector.broadcast %lt3A_1613 : i32 to vector<16xi32>
        %lt3A_1615 = arith.cmpi slt, %get3A_1612, %lt3A_1614 : vector<16xi32>
        %jit3A_1616 = arith.constant 55 : i32
        %broadcast_in_dim3A_1617 = vector.broadcast %jit3A_1616 : i32 to vector<16xi32>
        %select_n3A_1618 = arith.select %lt3A_1615, %broadcast_in_dim3A_1617, %get3A_1612 : vector<16xi1>, vector<16xi32>
        %add3A_1619 = arith.constant 224 : i32
        %add3A_1620 = vector.broadcast %add3A_1619 : i32 to vector<16xi32>
        %add3A_1621 = arith.addi %add3A_1620, %iota3A : vector<16xi32>
        %scatter3A_1622 = arith.constant 0 : i32
        %scatter3A_1623 = arith.constant 0 : i32
        %scatter3A_1624 = arith.constant 0 : i32
        %scatter3A_1625 = tpu.memref_slice %arg4[%scatter3A_1622, %scatter3A_1623, %scatter3A_1624] : memref<4x100x256xf32, #tpu.memory_space<vmem>> -> memref<1x100x256xf32, #tpu.memory_space<vmem>>
        %scatter3A_1626 = tpu.memref_squeeze %scatter3A_1625 : memref<1x100x256xf32, #tpu.memory_space<vmem>> -> memref<100x256xf32, #tpu.memory_space<vmem>>
        tpu.vector_store_idx %scatter3A_1626[%select_n3A_1618, %add3A_1621], %broadcast_in_dim3A_16 : memref<100x256xf32, #tpu.memory_space<vmem>>[vector<16xi32>, vector<16xi32>], vector<16xf32>,
        %add3A_1627 = arith.constant 240 : i32
        %add3A_1628 = arith.addi %add3A_1356, %add3A_1627 : i32
        %get3A_1629 = arith.index_cast %add3A_1628 : i32 to index
        %get3A_1630 = tpu.vector_load %arg5[%get3A_1629] {strides = array<i32>} : memref<16384xi32, #tpu.memory_space<vmem>>, vector<16xi32>,
        %lt3A_1631 = arith.constant 0 : i32
        %lt3A_1632 = vector.broadcast %lt3A_1631 : i32 to vector<16xi32>
        %lt3A_1633 = arith.cmpi slt, %get3A_1630, %lt3A_1632 : vector<16xi32>
        %jit3A_1634 = arith.constant 55 : i32
        %broadcast_in_dim3A_1635 = vector.broadcast %jit3A_1634 : i32 to vector<16xi32>
        %select_n3A_1636 = arith.select %lt3A_1633, %broadcast_in_dim3A_1635, %get3A_1630 : vector<16xi1>, vector<16xi32>
        %add3A_1637 = arith.constant 240 : i32
        %add3A_1638 = vector.broadcast %add3A_1637 : i32 to vector<16xi32>
        %add3A_1639 = arith.addi %add3A_1638, %iota3A : vector<16xi32>
        %scatter3A_1640 = arith.constant 0 : i32
        %scatter3A_1641 = arith.constant 0 : i32
        %scatter3A_1642 = arith.constant 0 : i32
        %scatter3A_1643 = tpu.memref_slice %arg4[%scatter3A_1640, %scatter3A_1641, %scatter3A_1642] : memref<4x100x256xf32, #tpu.memory_space<vmem>> -> memref<1x100x256xf32, #tpu.memory_space<vmem>>
        %scatter3A_1644 = tpu.memref_squeeze %scatter3A_1643 : memref<1x100x256xf32, #tpu.memory_space<vmem>> -> memref<100x256xf32, #tpu.memory_space<vmem>>
        tpu.vector_store_idx %scatter3A_1644[%select_n3A_1636, %add3A_1639], %broadcast_in_dim3A_16 : memref<100x256xf32, #tpu.memory_space<vmem>>[vector<16xi32>, vector<16xi32>], vector<16xf32>,
      } else {
      }
      %lt3A_1284 = arith.cmpi slt, %add3A_1279, %select_n3A : i32
      %convert_element_type3A_1285 = arith.extui %lt3A_1284 : i1 to i32
      %cond3A_1286 = arith.constant 0 : i32
      %cond3A_1287 = arith.cmpi ne, %convert_element_type3A_1285, %cond3A_1286 : i32
      scf.if %cond3A_1287 {
        %mul3A_1336 = arith.constant 256 : i32
        %mul3A_1337 = arith.muli %add3A_1279, %mul3A_1336 : i32
        %add3A_1338 = arith.addi %sub3A, %mul3A_1337 : i32
        %add3A_1339 = arith.constant 0 : i32
        %add3A_1340 = arith.addi %add3A_1338, %add3A_1339 : i32
        %get3A_1341 = arith.index_cast %add3A_1340 : i32 to index
        %get3A_1342 = tpu.vector_load %arg5[%get3A_1341] {strides = array<i32>} : memref<16384xi32, #tpu.memory_space<vmem>>, vector<16xi32>,
        %lt3A_1343 = arith.constant 0 : i32
        %lt3A_1344 = vector.broadcast %lt3A_1343 : i32 to vector<16xi32>
        %lt3A_1345 = arith.cmpi slt, %get3A_1342, %lt3A_1344 : vector<16xi32>
        %jit3A_1346 = arith.constant 55 : i32
        %broadcast_in_dim3A_1347 = vector.broadcast %jit3A_1346 : i32 to vector<16xi32>
        %select_n3A_1348 = arith.select %lt3A_1345, %broadcast_in_dim3A_1347, %get3A_1342 : vector<16xi1>, vector<16xi32>
        %add3A_1349 = arith.constant 0 : i32
        %add3A_1350 = vector.broadcast %add3A_1349 : i32 to vector<16xi32>
        %add3A_1351 = arith.addi %add3A_1350, %iota3A : vector<16xi32>
        %scatter3A_1352 = arith.constant 0 : i32
        %scatter3A_1353 = arith.constant 0 : i32
        %scatter3A_1354 = arith.constant 0 : i32
        %scatter3A_1355 = tpu.memref_slice %arg4[%scatter3A_1352, %scatter3A_1353, %scatter3A_1354] : memref<4x100x256xf32, #tpu.memory_space<vmem>> -> memref<1x100x256xf32, #tpu.memory_space<vmem>>
        %scatter3A_1356 = tpu.memref_squeeze %scatter3A_1355 : memref<1x100x256xf32, #tpu.memory_space<vmem>> -> memref<100x256xf32, #tpu.memory_space<vmem>>
        tpu.vector_store_idx %scatter3A_1356[%select_n3A_1348, %add3A_1351], %broadcast_in_dim3A_14 : memref<100x256xf32, #tpu.memory_space<vmem>>[vector<16xi32>, vector<16xi32>], vector<16xf32>,
        %add3A_1357 = arith.constant 16 : i32
        %add3A_1358 = arith.addi %add3A_1338, %add3A_1357 : i32
        %get3A_1359 = arith.index_cast %add3A_1358 : i32 to index
        %get3A_1360 = tpu.vector_load %arg5[%get3A_1359] {strides = array<i32>} : memref<16384xi32, #tpu.memory_space<vmem>>, vector<16xi32>,
        %lt3A_1361 = arith.constant 0 : i32
        %lt3A_1362 = vector.broadcast %lt3A_1361 : i32 to vector<16xi32>
        %lt3A_1363 = arith.cmpi slt, %get3A_1360, %lt3A_1362 : vector<16xi32>
        %jit3A_1364 = arith.constant 55 : i32
        %broadcast_in_dim3A_1365 = vector.broadcast %jit3A_1364 : i32 to vector<16xi32>
        %select_n3A_1366 = arith.select %lt3A_1363, %broadcast_in_dim3A_1365, %get3A_1360 : vector<16xi1>, vector<16xi32>
        %add3A_1367 = arith.constant 16 : i32
        %add3A_1368 = vector.broadcast %add3A_1367 : i32 to vector<16xi32>
        %add3A_1369 = arith.addi %add3A_1368, %iota3A : vector<16xi32>
        %scatter3A_1370 = arith.constant 0 : i32
        %scatter3A_1371 = arith.constant 0 : i32
        %scatter3A_1372 = arith.constant 0 : i32
        %scatter3A_1373 = tpu.memref_slice %arg4[%scatter3A_1370, %scatter3A_1371, %scatter3A_1372] : memref<4x100x256xf32, #tpu.memory_space<vmem>> -> memref<1x100x256xf32, #tpu.memory_space<vmem>>
        %scatter3A_1374 = tpu.memref_squeeze %scatter3A_1373 : memref<1x100x256xf32, #tpu.memory_space<vmem>> -> memref<100x256xf32, #tpu.memory_space<vmem>>
        tpu.vector_store_idx %scatter3A_1374[%select_n3A_1366, %add3A_1369], %broadcast_in_dim3A_14 : memref<100x256xf32, #tpu.memory_space<vmem>>[vector<16xi32>, vector<16xi32>], vector<16xf32>,
        %add3A_1375 = arith.constant 32 : i32
        %add3A_1376 = arith.addi %add3A_1338, %add3A_1375 : i32
        %get3A_1377 = arith.index_cast %add3A_1376 : i32 to index
        %get3A_1378 = tpu.vector_load %arg5[%get3A_1377] {strides = array<i32>} : memref<16384xi32, #tpu.memory_space<vmem>>, vector<16xi32>,
        %lt3A_1379 = arith.constant 0 : i32
        %lt3A_1380 = vector.broadcast %lt3A_1379 : i32 to vector<16xi32>
        %lt3A_1381 = arith.cmpi slt, %get3A_1378, %lt3A_1380 : vector<16xi32>
        %jit3A_1382 = arith.constant 55 : i32
        %broadcast_in_dim3A_1383 = vector.broadcast %jit3A_1382 : i32 to vector<16xi32>
        %select_n3A_1384 = arith.select %lt3A_1381, %broadcast_in_dim3A_1383, %get3A_1378 : vector<16xi1>, vector<16xi32>
        %add3A_1385 = arith.constant 32 : i32
        %add3A_1386 = vector.broadcast %add3A_1385 : i32 to vector<16xi32>
        %add3A_1387 = arith.addi %add3A_1386, %iota3A : vector<16xi32>
        %scatter3A_1388 = arith.constant 0 : i32
        %scatter3A_1389 = arith.constant 0 : i32
        %scatter3A_1390 = arith.constant 0 : i32
        %scatter3A_1391 = tpu.memref_slice %arg4[%scatter3A_1388, %scatter3A_1389, %scatter3A_1390] : memref<4x100x256xf32, #tpu.memory_space<vmem>> -> memref<1x100x256xf32, #tpu.memory_space<vmem>>
        %scatter3A_1392 = tpu.memref_squeeze %scatter3A_1391 : memref<1x100x256xf32, #tpu.memory_space<vmem>> -> memref<100x256xf32, #tpu.memory_space<vmem>>
        tpu.vector_store_idx %scatter3A_1392[%select_n3A_1384, %add3A_1387], %broadcast_in_dim3A_14 : memref<100x256xf32, #tpu.memory_space<vmem>>[vector<16xi32>, vector<16xi32>], vector<16xf32>,
        %add3A_1393 = arith.constant 48 : i32
        %add3A_1394 = arith.addi %add3A_1338, %add3A_1393 : i32
        %get3A_1395 = arith.index_cast %add3A_1394 : i32 to index
        %get3A_1396 = tpu.vector_load %arg5[%get3A_1395] {strides = array<i32>} : memref<16384xi32, #tpu.memory_space<vmem>>, vector<16xi32>,
        %lt3A_1397 = arith.constant 0 : i32
        %lt3A_1398 = vector.broadcast %lt3A_1397 : i32 to vector<16xi32>
        %lt3A_1399 = arith.cmpi slt, %get3A_1396, %lt3A_1398 : vector<16xi32>
        %jit3A_1400 = arith.constant 55 : i32
        %broadcast_in_dim3A_1401 = vector.broadcast %jit3A_1400 : i32 to vector<16xi32>
        %select_n3A_1402 = arith.select %lt3A_1399, %broadcast_in_dim3A_1401, %get3A_1396 : vector<16xi1>, vector<16xi32>
        %add3A_1403 = arith.constant 48 : i32
        %add3A_1404 = vector.broadcast %add3A_1403 : i32 to vector<16xi32>
        %add3A_1405 = arith.addi %add3A_1404, %iota3A : vector<16xi32>
        %scatter3A_1406 = arith.constant 0 : i32
        %scatter3A_1407 = arith.constant 0 : i32
        %scatter3A_1408 = arith.constant 0 : i32
        %scatter3A_1409 = tpu.memref_slice %arg4[%scatter3A_1406, %scatter3A_1407, %scatter3A_1408] : memref<4x100x256xf32, #tpu.memory_space<vmem>> -> memref<1x100x256xf32, #tpu.memory_space<vmem>>
        %scatter3A_1410 = tpu.memref_squeeze %scatter3A_1409 : memref<1x100x256xf32, #tpu.memory_space<vmem>> -> memref<100x256xf32, #tpu.memory_space<vmem>>
        tpu.vector_store_idx %scatter3A_1410[%select_n3A_1402, %add3A_1405], %broadcast_in_dim3A_14 : memref<100x256xf32, #tpu.memory_space<vmem>>[vector<16xi32>, vector<16xi32>], vector<16xf32>,
        %add3A_1411 = arith.constant 64 : i32
        %add3A_1412 = arith.addi %add3A_1338, %add3A_1411 : i32
        %get3A_1413 = arith.index_cast %add3A_1412 : i32 to index
        %get3A_1414 = tpu.vector_load %arg5[%get3A_1413] {strides = array<i32>} : memref<16384xi32, #tpu.memory_space<vmem>>, vector<16xi32>,
        %lt3A_1415 = arith.constant 0 : i32
        %lt3A_1416 = vector.broadcast %lt3A_1415 : i32 to vector<16xi32>
        %lt3A_1417 = arith.cmpi slt, %get3A_1414, %lt3A_1416 : vector<16xi32>
        %jit3A_1418 = arith.constant 55 : i32
        %broadcast_in_dim3A_1419 = vector.broadcast %jit3A_1418 : i32 to vector<16xi32>
        %select_n3A_1420 = arith.select %lt3A_1417, %broadcast_in_dim3A_1419, %get3A_1414 : vector<16xi1>, vector<16xi32>
        %add3A_1421 = arith.constant 64 : i32
        %add3A_1422 = vector.broadcast %add3A_1421 : i32 to vector<16xi32>
        %add3A_1423 = arith.addi %add3A_1422, %iota3A : vector<16xi32>
        %scatter3A_1424 = arith.constant 0 : i32
        %scatter3A_1425 = arith.constant 0 : i32
        %scatter3A_1426 = arith.constant 0 : i32
        %scatter3A_1427 = tpu.memref_slice %arg4[%scatter3A_1424, %scatter3A_1425, %scatter3A_1426] : memref<4x100x256xf32, #tpu.memory_space<vmem>> -> memref<1x100x256xf32, #tpu.memory_space<vmem>>
        %scatter3A_1428 = tpu.memref_squeeze %scatter3A_1427 : memref<1x100x256xf32, #tpu.memory_space<vmem>> -> memref<100x256xf32, #tpu.memory_space<vmem>>
        tpu.vector_store_idx %scatter3A_1428[%select_n3A_1420, %add3A_1423], %broadcast_in_dim3A_14 : memref<100x256xf32, #tpu.memory_space<vmem>>[vector<16xi32>, vector<16xi32>], vector<16xf32>,
        %add3A_1429 = arith.constant 80 : i32
        %add3A_1430 = arith.addi %add3A_1338, %add3A_1429 : i32
        %get3A_1431 = arith.index_cast %add3A_1430 : i32 to index
        %get3A_1432 = tpu.vector_load %arg5[%get3A_1431] {strides = array<i32>} : memref<16384xi32, #tpu.memory_space<vmem>>, vector<16xi32>,
        %lt3A_1433 = arith.constant 0 : i32
        %lt3A_1434 = vector.broadcast %lt3A_1433 : i32 to vector<16xi32>
        %lt3A_1435 = arith.cmpi slt, %get3A_1432, %lt3A_1434 : vector<16xi32>
        %jit3A_1436 = arith.constant 55 : i32
        %broadcast_in_dim3A_1437 = vector.broadcast %jit3A_1436 : i32 to vector<16xi32>
        %select_n3A_1438 = arith.select %lt3A_1435, %broadcast_in_dim3A_1437, %get3A_1432 : vector<16xi1>, vector<16xi32>
        %add3A_1439 = arith.constant 80 : i32
        %add3A_1440 = vector.broadcast %add3A_1439 : i32 to vector<16xi32>
        %add3A_1441 = arith.addi %add3A_1440, %iota3A : vector<16xi32>
        %scatter3A_1442 = arith.constant 0 : i32
        %scatter3A_1443 = arith.constant 0 : i32
        %scatter3A_1444 = arith.constant 0 : i32
        %scatter3A_1445 = tpu.memref_slice %arg4[%scatter3A_1442, %scatter3A_1443, %scatter3A_1444] : memref<4x100x256xf32, #tpu.memory_space<vmem>> -> memref<1x100x256xf32, #tpu.memory_space<vmem>>
        %scatter3A_1446 = tpu.memref_squeeze %scatter3A_1445 : memref<1x100x256xf32, #tpu.memory_space<vmem>> -> memref<100x256xf32, #tpu.memory_space<vmem>>
        tpu.vector_store_idx %scatter3A_1446[%select_n3A_1438, %add3A_1441], %broadcast_in_dim3A_14 : memref<100x256xf32, #tpu.memory_space<vmem>>[vector<16xi32>, vector<16xi32>], vector<16xf32>,
        %add3A_1447 = arith.constant 96 : i32
        %add3A_1448 = arith.addi %add3A_1338, %add3A_1447 : i32
        %get3A_1449 = arith.index_cast %add3A_1448 : i32 to index
        %get3A_1450 = tpu.vector_load %arg5[%get3A_1449] {strides = array<i32>} : memref<16384xi32, #tpu.memory_space<vmem>>, vector<16xi32>,
        %lt3A_1451 = arith.constant 0 : i32
        %lt3A_1452 = vector.broadcast %lt3A_1451 : i32 to vector<16xi32>
        %lt3A_1453 = arith.cmpi slt, %get3A_1450, %lt3A_1452 : vector<16xi32>
        %jit3A_1454 = arith.constant 55 : i32
        %broadcast_in_dim3A_1455 = vector.broadcast %jit3A_1454 : i32 to vector<16xi32>
        %select_n3A_1456 = arith.select %lt3A_1453, %broadcast_in_dim3A_1455, %get3A_1450 : vector<16xi1>, vector<16xi32>
        %add3A_1457 = arith.constant 96 : i32
        %add3A_1458 = vector.broadcast %add3A_1457 : i32 to vector<16xi32>
        %add3A_1459 = arith.addi %add3A_1458, %iota3A : vector<16xi32>
        %scatter3A_1460 = arith.constant 0 : i32
        %scatter3A_1461 = arith.constant 0 : i32
        %scatter3A_1462 = arith.constant 0 : i32
        %scatter3A_1463 = tpu.memref_slice %arg4[%scatter3A_1460, %scatter3A_1461, %scatter3A_1462] : memref<4x100x256xf32, #tpu.memory_space<vmem>> -> memref<1x100x256xf32, #tpu.memory_space<vmem>>
        %scatter3A_1464 = tpu.memref_squeeze %scatter3A_1463 : memref<1x100x256xf32, #tpu.memory_space<vmem>> -> memref<100x256xf32, #tpu.memory_space<vmem>>
        tpu.vector_store_idx %scatter3A_1464[%select_n3A_1456, %add3A_1459], %broadcast_in_dim3A_14 : memref<100x256xf32, #tpu.memory_space<vmem>>[vector<16xi32>, vector<16xi32>], vector<16xf32>,
        %add3A_1465 = arith.constant 112 : i32
        %add3A_1466 = arith.addi %add3A_1338, %add3A_1465 : i32
        %get3A_1467 = arith.index_cast %add3A_1466 : i32 to index
        %get3A_1468 = tpu.vector_load %arg5[%get3A_1467] {strides = array<i32>} : memref<16384xi32, #tpu.memory_space<vmem>>, vector<16xi32>,
        %lt3A_1469 = arith.constant 0 : i32
        %lt3A_1470 = vector.broadcast %lt3A_1469 : i32 to vector<16xi32>
        %lt3A_1471 = arith.cmpi slt, %get3A_1468, %lt3A_1470 : vector<16xi32>
        %jit3A_1472 = arith.constant 55 : i32
        %broadcast_in_dim3A_1473 = vector.broadcast %jit3A_1472 : i32 to vector<16xi32>
        %select_n3A_1474 = arith.select %lt3A_1471, %broadcast_in_dim3A_1473, %get3A_1468 : vector<16xi1>, vector<16xi32>
        %add3A_1475 = arith.constant 112 : i32
        %add3A_1476 = vector.broadcast %add3A_1475 : i32 to vector<16xi32>
        %add3A_1477 = arith.addi %add3A_1476, %iota3A : vector<16xi32>
        %scatter3A_1478 = arith.constant 0 : i32
        %scatter3A_1479 = arith.constant 0 : i32
        %scatter3A_1480 = arith.constant 0 : i32
        %scatter3A_1481 = tpu.memref_slice %arg4[%scatter3A_1478, %scatter3A_1479, %scatter3A_1480] : memref<4x100x256xf32, #tpu.memory_space<vmem>> -> memref<1x100x256xf32, #tpu.memory_space<vmem>>
        %scatter3A_1482 = tpu.memref_squeeze %scatter3A_1481 : memref<1x100x256xf32, #tpu.memory_space<vmem>> -> memref<100x256xf32, #tpu.memory_space<vmem>>
        tpu.vector_store_idx %scatter3A_1482[%select_n3A_1474, %add3A_1477], %broadcast_in_dim3A_14 : memref<100x256xf32, #tpu.memory_space<vmem>>[vector<16xi32>, vector<16xi32>], vector<16xf32>,
        %add3A_1483 = arith.constant 128 : i32
        %add3A_1484 = arith.addi %add3A_1338, %add3A_1483 : i32
        %get3A_1485 = arith.index_cast %add3A_1484 : i32 to index
        %get3A_1486 = tpu.vector_load %arg5[%get3A_1485] {strides = array<i32>} : memref<16384xi32, #tpu.memory_space<vmem>>, vector<16xi32>,
        %lt3A_1487 = arith.constant 0 : i32
        %lt3A_1488 = vector.broadcast %lt3A_1487 : i32 to vector<16xi32>
        %lt3A_1489 = arith.cmpi slt, %get3A_1486, %lt3A_1488 : vector<16xi32>
        %jit3A_1490 = arith.constant 55 : i32
        %broadcast_in_dim3A_1491 = vector.broadcast %jit3A_1490 : i32 to vector<16xi32>
        %select_n3A_1492 = arith.select %lt3A_1489, %broadcast_in_dim3A_1491, %get3A_1486 : vector<16xi1>, vector<16xi32>
        %add3A_1493 = arith.constant 128 : i32
        %add3A_1494 = vector.broadcast %add3A_1493 : i32 to vector<16xi32>
        %add3A_1495 = arith.addi %add3A_1494, %iota3A : vector<16xi32>
        %scatter3A_1496 = arith.constant 0 : i32
        %scatter3A_1497 = arith.constant 0 : i32
        %scatter3A_1498 = arith.constant 0 : i32
        %scatter3A_1499 = tpu.memref_slice %arg4[%scatter3A_1496, %scatter3A_1497, %scatter3A_1498] : memref<4x100x256xf32, #tpu.memory_space<vmem>> -> memref<1x100x256xf32, #tpu.memory_space<vmem>>
        %scatter3A_1500 = tpu.memref_squeeze %scatter3A_1499 : memref<1x100x256xf32, #tpu.memory_space<vmem>> -> memref<100x256xf32, #tpu.memory_space<vmem>>
        tpu.vector_store_idx %scatter3A_1500[%select_n3A_1492, %add3A_1495], %broadcast_in_dim3A_14 : memref<100x256xf32, #tpu.memory_space<vmem>>[vector<16xi32>, vector<16xi32>], vector<16xf32>,
        %add3A_1501 = arith.constant 144 : i32
        %add3A_1502 = arith.addi %add3A_1338, %add3A_1501 : i32
        %get3A_1503 = arith.index_cast %add3A_1502 : i32 to index
        %get3A_1504 = tpu.vector_load %arg5[%get3A_1503] {strides = array<i32>} : memref<16384xi32, #tpu.memory_space<vmem>>, vector<16xi32>,
        %lt3A_1505 = arith.constant 0 : i32
        %lt3A_1506 = vector.broadcast %lt3A_1505 : i32 to vector<16xi32>
        %lt3A_1507 = arith.cmpi slt, %get3A_1504, %lt3A_1506 : vector<16xi32>
        %jit3A_1508 = arith.constant 55 : i32
        %broadcast_in_dim3A_1509 = vector.broadcast %jit3A_1508 : i32 to vector<16xi32>
        %select_n3A_1510 = arith.select %lt3A_1507, %broadcast_in_dim3A_1509, %get3A_1504 : vector<16xi1>, vector<16xi32>
        %add3A_1511 = arith.constant 144 : i32
        %add3A_1512 = vector.broadcast %add3A_1511 : i32 to vector<16xi32>
        %add3A_1513 = arith.addi %add3A_1512, %iota3A : vector<16xi32>
        %scatter3A_1514 = arith.constant 0 : i32
        %scatter3A_1515 = arith.constant 0 : i32
        %scatter3A_1516 = arith.constant 0 : i32
        %scatter3A_1517 = tpu.memref_slice %arg4[%scatter3A_1514, %scatter3A_1515, %scatter3A_1516] : memref<4x100x256xf32, #tpu.memory_space<vmem>> -> memref<1x100x256xf32, #tpu.memory_space<vmem>>
        %scatter3A_1518 = tpu.memref_squeeze %scatter3A_1517 : memref<1x100x256xf32, #tpu.memory_space<vmem>> -> memref<100x256xf32, #tpu.memory_space<vmem>>
        tpu.vector_store_idx %scatter3A_1518[%select_n3A_1510, %add3A_1513], %broadcast_in_dim3A_14 : memref<100x256xf32, #tpu.memory_space<vmem>>[vector<16xi32>, vector<16xi32>], vector<16xf32>,
        %add3A_1519 = arith.constant 160 : i32
        %add3A_1520 = arith.addi %add3A_1338, %add3A_1519 : i32
        %get3A_1521 = arith.index_cast %add3A_1520 : i32 to index
        %get3A_1522 = tpu.vector_load %arg5[%get3A_1521] {strides = array<i32>} : memref<16384xi32, #tpu.memory_space<vmem>>, vector<16xi32>,
        %lt3A_1523 = arith.constant 0 : i32
        %lt3A_1524 = vector.broadcast %lt3A_1523 : i32 to vector<16xi32>
        %lt3A_1525 = arith.cmpi slt, %get3A_1522, %lt3A_1524 : vector<16xi32>
        %jit3A_1526 = arith.constant 55 : i32
        %broadcast_in_dim3A_1527 = vector.broadcast %jit3A_1526 : i32 to vector<16xi32>
        %select_n3A_1528 = arith.select %lt3A_1525, %broadcast_in_dim3A_1527, %get3A_1522 : vector<16xi1>, vector<16xi32>
        %add3A_1529 = arith.constant 160 : i32
        %add3A_1530 = vector.broadcast %add3A_1529 : i32 to vector<16xi32>
        %add3A_1531 = arith.addi %add3A_1530, %iota3A : vector<16xi32>
        %scatter3A_1532 = arith.constant 0 : i32
        %scatter3A_1533 = arith.constant 0 : i32
        %scatter3A_1534 = arith.constant 0 : i32
        %scatter3A_1535 = tpu.memref_slice %arg4[%scatter3A_1532, %scatter3A_1533, %scatter3A_1534] : memref<4x100x256xf32, #tpu.memory_space<vmem>> -> memref<1x100x256xf32, #tpu.memory_space<vmem>>
        %scatter3A_1536 = tpu.memref_squeeze %scatter3A_1535 : memref<1x100x256xf32, #tpu.memory_space<vmem>> -> memref<100x256xf32, #tpu.memory_space<vmem>>
        tpu.vector_store_idx %scatter3A_1536[%select_n3A_1528, %add3A_1531], %broadcast_in_dim3A_14 : memref<100x256xf32, #tpu.memory_space<vmem>>[vector<16xi32>, vector<16xi32>], vector<16xf32>,
        %add3A_1537 = arith.constant 176 : i32
        %add3A_1538 = arith.addi %add3A_1338, %add3A_1537 : i32
        %get3A_1539 = arith.index_cast %add3A_1538 : i32 to index
        %get3A_1540 = tpu.vector_load %arg5[%get3A_1539] {strides = array<i32>} : memref<16384xi32, #tpu.memory_space<vmem>>, vector<16xi32>,
        %lt3A_1541 = arith.constant 0 : i32
        %lt3A_1542 = vector.broadcast %lt3A_1541 : i32 to vector<16xi32>
        %lt3A_1543 = arith.cmpi slt, %get3A_1540, %lt3A_1542 : vector<16xi32>
        %jit3A_1544 = arith.constant 55 : i32
        %broadcast_in_dim3A_1545 = vector.broadcast %jit3A_1544 : i32 to vector<16xi32>
        %select_n3A_1546 = arith.select %lt3A_1543, %broadcast_in_dim3A_1545, %get3A_1540 : vector<16xi1>, vector<16xi32>
        %add3A_1547 = arith.constant 176 : i32
        %add3A_1548 = vector.broadcast %add3A_1547 : i32 to vector<16xi32>
        %add3A_1549 = arith.addi %add3A_1548, %iota3A : vector<16xi32>
        %scatter3A_1550 = arith.constant 0 : i32
        %scatter3A_1551 = arith.constant 0 : i32
        %scatter3A_1552 = arith.constant 0 : i32
        %scatter3A_1553 = tpu.memref_slice %arg4[%scatter3A_1550, %scatter3A_1551, %scatter3A_1552] : memref<4x100x256xf32, #tpu.memory_space<vmem>> -> memref<1x100x256xf32, #tpu.memory_space<vmem>>
        %scatter3A_1554 = tpu.memref_squeeze %scatter3A_1553 : memref<1x100x256xf32, #tpu.memory_space<vmem>> -> memref<100x256xf32, #tpu.memory_space<vmem>>
        tpu.vector_store_idx %scatter3A_1554[%select_n3A_1546, %add3A_1549], %broadcast_in_dim3A_14 : memref<100x256xf32, #tpu.memory_space<vmem>>[vector<16xi32>, vector<16xi32>], vector<16xf32>,
        %add3A_1555 = arith.constant 192 : i32
        %add3A_1556 = arith.addi %add3A_1338, %add3A_1555 : i32
        %get3A_1557 = arith.index_cast %add3A_1556 : i32 to index
        %get3A_1558 = tpu.vector_load %arg5[%get3A_1557] {strides = array<i32>} : memref<16384xi32, #tpu.memory_space<vmem>>, vector<16xi32>,
        %lt3A_1559 = arith.constant 0 : i32
        %lt3A_1560 = vector.broadcast %lt3A_1559 : i32 to vector<16xi32>
        %lt3A_1561 = arith.cmpi slt, %get3A_1558, %lt3A_1560 : vector<16xi32>
        %jit3A_1562 = arith.constant 55 : i32
        %broadcast_in_dim3A_1563 = vector.broadcast %jit3A_1562 : i32 to vector<16xi32>
        %select_n3A_1564 = arith.select %lt3A_1561, %broadcast_in_dim3A_1563, %get3A_1558 : vector<16xi1>, vector<16xi32>
        %add3A_1565 = arith.constant 192 : i32
        %add3A_1566 = vector.broadcast %add3A_1565 : i32 to vector<16xi32>
        %add3A_1567 = arith.addi %add3A_1566, %iota3A : vector<16xi32>
        %scatter3A_1568 = arith.constant 0 : i32
        %scatter3A_1569 = arith.constant 0 : i32
        %scatter3A_1570 = arith.constant 0 : i32
        %scatter3A_1571 = tpu.memref_slice %arg4[%scatter3A_1568, %scatter3A_1569, %scatter3A_1570] : memref<4x100x256xf32, #tpu.memory_space<vmem>> -> memref<1x100x256xf32, #tpu.memory_space<vmem>>
        %scatter3A_1572 = tpu.memref_squeeze %scatter3A_1571 : memref<1x100x256xf32, #tpu.memory_space<vmem>> -> memref<100x256xf32, #tpu.memory_space<vmem>>
        tpu.vector_store_idx %scatter3A_1572[%select_n3A_1564, %add3A_1567], %broadcast_in_dim3A_14 : memref<100x256xf32, #tpu.memory_space<vmem>>[vector<16xi32>, vector<16xi32>], vector<16xf32>,
        %add3A_1573 = arith.constant 208 : i32
        %add3A_1574 = arith.addi %add3A_1338, %add3A_1573 : i32
        %get3A_1575 = arith.index_cast %add3A_1574 : i32 to index
        %get3A_1576 = tpu.vector_load %arg5[%get3A_1575] {strides = array<i32>} : memref<16384xi32, #tpu.memory_space<vmem>>, vector<16xi32>,
        %lt3A_1577 = arith.constant 0 : i32
        %lt3A_1578 = vector.broadcast %lt3A_1577 : i32 to vector<16xi32>
        %lt3A_1579 = arith.cmpi slt, %get3A_1576, %lt3A_1578 : vector<16xi32>
        %jit3A_1580 = arith.constant 55 : i32
        %broadcast_in_dim3A_1581 = vector.broadcast %jit3A_1580 : i32 to vector<16xi32>
        %select_n3A_1582 = arith.select %lt3A_1579, %broadcast_in_dim3A_1581, %get3A_1576 : vector<16xi1>, vector<16xi32>
        %add3A_1583 = arith.constant 208 : i32
        %add3A_1584 = vector.broadcast %add3A_1583 : i32 to vector<16xi32>
        %add3A_1585 = arith.addi %add3A_1584, %iota3A : vector<16xi32>
        %scatter3A_1586 = arith.constant 0 : i32
        %scatter3A_1587 = arith.constant 0 : i32
        %scatter3A_1588 = arith.constant 0 : i32
        %scatter3A_1589 = tpu.memref_slice %arg4[%scatter3A_1586, %scatter3A_1587, %scatter3A_1588] : memref<4x100x256xf32, #tpu.memory_space<vmem>> -> memref<1x100x256xf32, #tpu.memory_space<vmem>>
        %scatter3A_1590 = tpu.memref_squeeze %scatter3A_1589 : memref<1x100x256xf32, #tpu.memory_space<vmem>> -> memref<100x256xf32, #tpu.memory_space<vmem>>
        tpu.vector_store_idx %scatter3A_1590[%select_n3A_1582, %add3A_1585], %broadcast_in_dim3A_14 : memref<100x256xf32, #tpu.memory_space<vmem>>[vector<16xi32>, vector<16xi32>], vector<16xf32>,
        %add3A_1591 = arith.constant 224 : i32
        %add3A_1592 = arith.addi %add3A_1338, %add3A_1591 : i32
        %get3A_1593 = arith.index_cast %add3A_1592 : i32 to index
        %get3A_1594 = tpu.vector_load %arg5[%get3A_1593] {strides = array<i32>} : memref<16384xi32, #tpu.memory_space<vmem>>, vector<16xi32>,
        %lt3A_1595 = arith.constant 0 : i32
        %lt3A_1596 = vector.broadcast %lt3A_1595 : i32 to vector<16xi32>
        %lt3A_1597 = arith.cmpi slt, %get3A_1594, %lt3A_1596 : vector<16xi32>
        %jit3A_1598 = arith.constant 55 : i32
        %broadcast_in_dim3A_1599 = vector.broadcast %jit3A_1598 : i32 to vector<16xi32>
        %select_n3A_1600 = arith.select %lt3A_1597, %broadcast_in_dim3A_1599, %get3A_1594 : vector<16xi1>, vector<16xi32>
        %add3A_1601 = arith.constant 224 : i32
        %add3A_1602 = vector.broadcast %add3A_1601 : i32 to vector<16xi32>
        %add3A_1603 = arith.addi %add3A_1602, %iota3A : vector<16xi32>
        %scatter3A_1604 = arith.constant 0 : i32
        %scatter3A_1605 = arith.constant 0 : i32
        %scatter3A_1606 = arith.constant 0 : i32
        %scatter3A_1607 = tpu.memref_slice %arg4[%scatter3A_1604, %scatter3A_1605, %scatter3A_1606] : memref<4x100x256xf32, #tpu.memory_space<vmem>> -> memref<1x100x256xf32, #tpu.memory_space<vmem>>
        %scatter3A_1608 = tpu.memref_squeeze %scatter3A_1607 : memref<1x100x256xf32, #tpu.memory_space<vmem>> -> memref<100x256xf32, #tpu.memory_space<vmem>>
        tpu.vector_store_idx %scatter3A_1608[%select_n3A_1600, %add3A_1603], %broadcast_in_dim3A_14 : memref<100x256xf32, #tpu.memory_space<vmem>>[vector<16xi32>, vector<16xi32>], vector<16xf32>,
        %add3A_1609 = arith.constant 240 : i32
        %add3A_1610 = arith.addi %add3A_1338, %add3A_1609 : i32
        %get3A_1611 = arith.index_cast %add3A_1610 : i32 to index
        %get3A_1612 = tpu.vector_load %arg5[%get3A_1611] {strides = array<i32>} : memref<16384xi32, #tpu.memory_space<vmem>>, vector<16xi32>,
        %lt3A_1613 = arith.constant 0 : i32
        %lt3A_1614 = vector.broadcast %lt3A_1613 : i32 to vector<16xi32>
        %lt3A_1615 = arith.cmpi slt, %get3A_1612, %lt3A_1614 : vector<16xi32>
        %jit3A_1616 = arith.constant 55 : i32
        %broadcast_in_dim3A_1617 = vector.broadcast %jit3A_1616 : i32 to vector<16xi32>
        %select_n3A_1618 = arith.select %lt3A_1615, %broadcast_in_dim3A_1617, %get3A_1612 : vector<16xi1>, vector<16xi32>
        %add3A_1619 = arith.constant 240 : i32
        %add3A_1620 = vector.broadcast %add3A_1619 : i32 to vector<16xi32>
        %add3A_1621 = arith.addi %add3A_1620, %iota3A : vector<16xi32>
        %scatter3A_1622 = arith.constant 0 : i32
        %scatter3A_1623 = arith.constant 0 : i32
        %scatter3A_1624 = arith.constant 0 : i32
        %scatter3A_1625 = tpu.memref_slice %arg4[%scatter3A_1622, %scatter3A_1623, %scatter3A_1624] : memref<4x100x256xf32, #tpu.memory_space<vmem>> -> memref<1x100x256xf32, #tpu.memory_space<vmem>>
        %scatter3A_1626 = tpu.memref_squeeze %scatter3A_1625 : memref<1x100x256xf32, #tpu.memory_space<vmem>> -> memref<100x256xf32, #tpu.memory_space<vmem>>
        tpu.vector_store_idx %scatter3A_1626[%select_n3A_1618, %add3A_1621], %broadcast_in_dim3A_14 : memref<100x256xf32, #tpu.memory_space<vmem>>[vector<16xi32>, vector<16xi32>], vector<16xf32>,
        %add3A_1627 = arith.addi %add3A_4, %add3A_1279 : i32
        %mul3A_1628 = arith.constant 256 : i32
        %mul3A_1629 = arith.muli %add3A_1627, %mul3A_1628 : i32
        %dma_start3A_1630 = arith.constant 0 : i32
        %dma_start3A_1631 = arith.constant 0 : i32
        %dma_start3A_1632 = arith.constant 0 : i32
        %dma_start3A_1633 = tpu.memref_slice %arg4[%dma_start3A_1630, %dma_start3A_1631, %dma_start3A_1632] : memref<4x100x256xf32, #tpu.memory_space<vmem>> -> memref<1x100x256xf32, #tpu.memory_space<vmem>>
        %dma_start3A_1634 = tpu.memref_squeeze %dma_start3A_1633 : memref<1x100x256xf32, #tpu.memory_space<vmem>> -> memref<100x256xf32, #tpu.memory_space<vmem>>
        %dma_start3A_1635 = arith.constant 0 : i32
        %dma_start3A_1636 = tpu.memref_slice %arg3[%dma_start3A_1635, %mul3A_1629] : memref<100x500000xf32, #tpu.memory_space<hbm>> -> memref<100x256xf32, #tpu.memory_space<hbm>>
        %dma_start3A_1637 = arith.constant 0 : i32
        %dma_start3A_1638 = tpu.memref_slice %arg3[%dma_start3A_1637, %mul3A_1629] : memref<100x500000xf32, #tpu.memory_space<hbm>> -> memref<100x256xf32, #tpu.memory_space<hbm>>
        %dma_start3A_1639 = arith.constant 0 : i32
        %dma_start3A_1640 = arith.constant 0 : i32
        %dma_start3A_1641 = tpu.memref_slice %arg4[%dma_start3A_1630, %dma_start3A_1639, %dma_start3A_1640] : memref<4x100x256xf32, #tpu.memory_space<vmem>> -> memref<1x100x256xf32, #tpu.memory_space<vmem>>
        %dma_start3A_1642 = tpu.memref_squeeze %dma_start3A_1641 : memref<1x100x256xf32, #tpu.memory_space<vmem>> -> memref<100x256xf32, #tpu.memory_space<vmem>>
        tpu.enqueue_dma source(%dma_start3A_1642 : memref<100x256xf32, #tpu.memory_space<vmem>>) target(%dma_start3A_1638 : memref<100x256xf32, #tpu.memory_space<hbm>>) target_semaphore(%arg7 : memref<!tpu.dma_semaphore, #tpu.memory_space<semaphore_mem>>)
      } else {
      }
      %mul3A_1288 = arith.constant 4 : i32
      %mul3A_1289 = arith.muli %mul3A_1288, %scan3A_1273 : i32
      %add3A_1290 = arith.constant 1 : i32
      %add3A_1291 = arith.addi %mul3A_1289, %add3A_1290 : i32
      %add3A_1292 = arith.constant 4 : i32
      %add3A_1293 = arith.addi %add3A_1291, %add3A_1292 : i32
      %sub3A_1294 = arith.constant 4 : i32
      %sub3A_1295 = arith.subi %add3A_1293, %sub3A_1294 : i32
      %lt3A_1296 = arith.cmpi slt, %sub3A_1295, %select_n3A : i32
      %convert_element_type3A_1297 = arith.extui %lt3A_1296 : i1 to i32
      %cond3A_1298 = arith.constant 0 : i32
      %cond3A_1299 = arith.cmpi ne, %convert_element_type3A_1297, %cond3A_1298 : i32
      scf.if %cond3A_1299 {
        %sub3A_1336 = arith.constant 4 : i32
        %sub3A_1337 = arith.subi %add3A_1293, %sub3A_1336 : i32
        %add3A_1338 = arith.addi %add3A_4, %sub3A_1337 : i32
        %mul3A_1339 = arith.constant 256 : i32
        %mul3A_1340 = arith.muli %add3A_1338, %mul3A_1339 : i32
        %dma_wait3A_1341 = arith.constant 1 : i32
        %dma_wait3A_1342 = arith.constant 0 : i32
        %dma_wait3A_1343 = arith.constant 0 : i32
        %dma_wait3A_1344 = tpu.memref_slice %arg4[%dma_wait3A_1341, %dma_wait3A_1342, %dma_wait3A_1343] : memref<4x100x256xf32, #tpu.memory_space<vmem>> -> memref<1x100x256xf32, #tpu.memory_space<vmem>>
        %dma_wait3A_1345 = tpu.memref_squeeze %dma_wait3A_1344 : memref<1x100x256xf32, #tpu.memory_space<vmem>> -> memref<100x256xf32, #tpu.memory_space<vmem>>
        %dma_wait3A_1346 = arith.constant 0 : i32
        %dma_wait3A_1347 = tpu.memref_slice %arg3[%dma_wait3A_1346, %mul3A_1340] : memref<100x500000xf32, #tpu.memory_space<hbm>> -> memref<100x256xf32, #tpu.memory_space<hbm>>
        %dma_wait3A_1348 = arith.constant 0 : i32
        %dma_wait3A_1349 = tpu.memref_slice %arg3[%dma_wait3A_1348, %mul3A_1340] : memref<100x500000xf32, #tpu.memory_space<hbm>> -> memref<100x256xf32, #tpu.memory_space<hbm>>
        %dma_wait3A_1350 = arith.constant 0 : i32
        %dma_wait3A_1351 = arith.constant 0 : i32
        %dma_wait3A_1352 = tpu.memref_slice %arg4[%dma_wait3A_1341, %dma_wait3A_1350, %dma_wait3A_1351] : memref<4x100x256xf32, #tpu.memory_space<vmem>> -> memref<1x100x256xf32, #tpu.memory_space<vmem>>
        %dma_wait3A_1353 = tpu.memref_squeeze %dma_wait3A_1352 : memref<1x100x256xf32, #tpu.memory_space<vmem>> -> memref<100x256xf32, #tpu.memory_space<vmem>>
        tpu.wait_dma2 semaphore(%arg8 : memref<!tpu.dma_semaphore, #tpu.memory_space<semaphore_mem>>) src(%dma_wait3A_1353 : memref<100x256xf32, #tpu.memory_space<vmem>>) dst(%dma_wait3A_1349 : memref<100x256xf32, #tpu.memory_space<hbm>>)
        %mul3A_1354 = arith.constant 256 : i32
        %mul3A_1355 = arith.muli %sub3A_1337, %mul3A_1354 : i32
        %add3A_1356 = arith.addi %sub3A, %mul3A_1355 : i32
        %add3A_1357 = arith.constant 0 : i32
        %add3A_1358 = arith.addi %add3A_1356, %add3A_1357 : i32
        %get3A_1359 = arith.index_cast %add3A_1358 : i32 to index
        %get3A_1360 = tpu.vector_load %arg5[%get3A_1359] {strides = array<i32>} : memref<16384xi32, #tpu.memory_space<vmem>>, vector<16xi32>,
        %lt3A_1361 = arith.constant 0 : i32
        %lt3A_1362 = vector.broadcast %lt3A_1361 : i32 to vector<16xi32>
        %lt3A_1363 = arith.cmpi slt, %get3A_1360, %lt3A_1362 : vector<16xi32>
        %jit3A_1364 = arith.constant 55 : i32
        %broadcast_in_dim3A_1365 = vector.broadcast %jit3A_1364 : i32 to vector<16xi32>
        %select_n3A_1366 = arith.select %lt3A_1363, %broadcast_in_dim3A_1365, %get3A_1360 : vector<16xi1>, vector<16xi32>
        %add3A_1367 = arith.constant 0 : i32
        %add3A_1368 = vector.broadcast %add3A_1367 : i32 to vector<16xi32>
        %add3A_1369 = arith.addi %add3A_1368, %iota3A : vector<16xi32>
        %scatter3A_1370 = arith.constant 1 : i32
        %scatter3A_1371 = arith.constant 0 : i32
        %scatter3A_1372 = arith.constant 0 : i32
        %scatter3A_1373 = tpu.memref_slice %arg4[%scatter3A_1370, %scatter3A_1371, %scatter3A_1372] : memref<4x100x256xf32, #tpu.memory_space<vmem>> -> memref<1x100x256xf32, #tpu.memory_space<vmem>>
        %scatter3A_1374 = tpu.memref_squeeze %scatter3A_1373 : memref<1x100x256xf32, #tpu.memory_space<vmem>> -> memref<100x256xf32, #tpu.memory_space<vmem>>
        tpu.vector_store_idx %scatter3A_1374[%select_n3A_1366, %add3A_1369], %broadcast_in_dim3A_16 : memref<100x256xf32, #tpu.memory_space<vmem>>[vector<16xi32>, vector<16xi32>], vector<16xf32>,
        %add3A_1375 = arith.constant 16 : i32
        %add3A_1376 = arith.addi %add3A_1356, %add3A_1375 : i32
        %get3A_1377 = arith.index_cast %add3A_1376 : i32 to index
        %get3A_1378 = tpu.vector_load %arg5[%get3A_1377] {strides = array<i32>} : memref<16384xi32, #tpu.memory_space<vmem>>, vector<16xi32>,
        %lt3A_1379 = arith.constant 0 : i32
        %lt3A_1380 = vector.broadcast %lt3A_1379 : i32 to vector<16xi32>
        %lt3A_1381 = arith.cmpi slt, %get3A_1378, %lt3A_1380 : vector<16xi32>
        %jit3A_1382 = arith.constant 55 : i32
        %broadcast_in_dim3A_1383 = vector.broadcast %jit3A_1382 : i32 to vector<16xi32>
        %select_n3A_1384 = arith.select %lt3A_1381, %broadcast_in_dim3A_1383, %get3A_1378 : vector<16xi1>, vector<16xi32>
        %add3A_1385 = arith.constant 16 : i32
        %add3A_1386 = vector.broadcast %add3A_1385 : i32 to vector<16xi32>
        %add3A_1387 = arith.addi %add3A_1386, %iota3A : vector<16xi32>
        %scatter3A_1388 = arith.constant 1 : i32
        %scatter3A_1389 = arith.constant 0 : i32
        %scatter3A_1390 = arith.constant 0 : i32
        %scatter3A_1391 = tpu.memref_slice %arg4[%scatter3A_1388, %scatter3A_1389, %scatter3A_1390] : memref<4x100x256xf32, #tpu.memory_space<vmem>> -> memref<1x100x256xf32, #tpu.memory_space<vmem>>
        %scatter3A_1392 = tpu.memref_squeeze %scatter3A_1391 : memref<1x100x256xf32, #tpu.memory_space<vmem>> -> memref<100x256xf32, #tpu.memory_space<vmem>>
        tpu.vector_store_idx %scatter3A_1392[%select_n3A_1384, %add3A_1387], %broadcast_in_dim3A_16 : memref<100x256xf32, #tpu.memory_space<vmem>>[vector<16xi32>, vector<16xi32>], vector<16xf32>,
        %add3A_1393 = arith.constant 32 : i32
        %add3A_1394 = arith.addi %add3A_1356, %add3A_1393 : i32
        %get3A_1395 = arith.index_cast %add3A_1394 : i32 to index
        %get3A_1396 = tpu.vector_load %arg5[%get3A_1395] {strides = array<i32>} : memref<16384xi32, #tpu.memory_space<vmem>>, vector<16xi32>,
        %lt3A_1397 = arith.constant 0 : i32
        %lt3A_1398 = vector.broadcast %lt3A_1397 : i32 to vector<16xi32>
        %lt3A_1399 = arith.cmpi slt, %get3A_1396, %lt3A_1398 : vector<16xi32>
        %jit3A_1400 = arith.constant 55 : i32
        %broadcast_in_dim3A_1401 = vector.broadcast %jit3A_1400 : i32 to vector<16xi32>
        %select_n3A_1402 = arith.select %lt3A_1399, %broadcast_in_dim3A_1401, %get3A_1396 : vector<16xi1>, vector<16xi32>
        %add3A_1403 = arith.constant 32 : i32
        %add3A_1404 = vector.broadcast %add3A_1403 : i32 to vector<16xi32>
        %add3A_1405 = arith.addi %add3A_1404, %iota3A : vector<16xi32>
        %scatter3A_1406 = arith.constant 1 : i32
        %scatter3A_1407 = arith.constant 0 : i32
        %scatter3A_1408 = arith.constant 0 : i32
        %scatter3A_1409 = tpu.memref_slice %arg4[%scatter3A_1406, %scatter3A_1407, %scatter3A_1408] : memref<4x100x256xf32, #tpu.memory_space<vmem>> -> memref<1x100x256xf32, #tpu.memory_space<vmem>>
        %scatter3A_1410 = tpu.memref_squeeze %scatter3A_1409 : memref<1x100x256xf32, #tpu.memory_space<vmem>> -> memref<100x256xf32, #tpu.memory_space<vmem>>
        tpu.vector_store_idx %scatter3A_1410[%select_n3A_1402, %add3A_1405], %broadcast_in_dim3A_16 : memref<100x256xf32, #tpu.memory_space<vmem>>[vector<16xi32>, vector<16xi32>], vector<16xf32>,
        %add3A_1411 = arith.constant 48 : i32
        %add3A_1412 = arith.addi %add3A_1356, %add3A_1411 : i32
        %get3A_1413 = arith.index_cast %add3A_1412 : i32 to index
        %get3A_1414 = tpu.vector_load %arg5[%get3A_1413] {strides = array<i32>} : memref<16384xi32, #tpu.memory_space<vmem>>, vector<16xi32>,
        %lt3A_1415 = arith.constant 0 : i32
        %lt3A_1416 = vector.broadcast %lt3A_1415 : i32 to vector<16xi32>
        %lt3A_1417 = arith.cmpi slt, %get3A_1414, %lt3A_1416 : vector<16xi32>
        %jit3A_1418 = arith.constant 55 : i32
        %broadcast_in_dim3A_1419 = vector.broadcast %jit3A_1418 : i32 to vector<16xi32>
        %select_n3A_1420 = arith.select %lt3A_1417, %broadcast_in_dim3A_1419, %get3A_1414 : vector<16xi1>, vector<16xi32>
        %add3A_1421 = arith.constant 48 : i32
        %add3A_1422 = vector.broadcast %add3A_1421 : i32 to vector<16xi32>
        %add3A_1423 = arith.addi %add3A_1422, %iota3A : vector<16xi32>
        %scatter3A_1424 = arith.constant 1 : i32
        %scatter3A_1425 = arith.constant 0 : i32
        %scatter3A_1426 = arith.constant 0 : i32
        %scatter3A_1427 = tpu.memref_slice %arg4[%scatter3A_1424, %scatter3A_1425, %scatter3A_1426] : memref<4x100x256xf32, #tpu.memory_space<vmem>> -> memref<1x100x256xf32, #tpu.memory_space<vmem>>
        %scatter3A_1428 = tpu.memref_squeeze %scatter3A_1427 : memref<1x100x256xf32, #tpu.memory_space<vmem>> -> memref<100x256xf32, #tpu.memory_space<vmem>>
        tpu.vector_store_idx %scatter3A_1428[%select_n3A_1420, %add3A_1423], %broadcast_in_dim3A_16 : memref<100x256xf32, #tpu.memory_space<vmem>>[vector<16xi32>, vector<16xi32>], vector<16xf32>,
        %add3A_1429 = arith.constant 64 : i32
        %add3A_1430 = arith.addi %add3A_1356, %add3A_1429 : i32
        %get3A_1431 = arith.index_cast %add3A_1430 : i32 to index
        %get3A_1432 = tpu.vector_load %arg5[%get3A_1431] {strides = array<i32>} : memref<16384xi32, #tpu.memory_space<vmem>>, vector<16xi32>,
        %lt3A_1433 = arith.constant 0 : i32
        %lt3A_1434 = vector.broadcast %lt3A_1433 : i32 to vector<16xi32>
        %lt3A_1435 = arith.cmpi slt, %get3A_1432, %lt3A_1434 : vector<16xi32>
        %jit3A_1436 = arith.constant 55 : i32
        %broadcast_in_dim3A_1437 = vector.broadcast %jit3A_1436 : i32 to vector<16xi32>
        %select_n3A_1438 = arith.select %lt3A_1435, %broadcast_in_dim3A_1437, %get3A_1432 : vector<16xi1>, vector<16xi32>
        %add3A_1439 = arith.constant 64 : i32
        %add3A_1440 = vector.broadcast %add3A_1439 : i32 to vector<16xi32>
        %add3A_1441 = arith.addi %add3A_1440, %iota3A : vector<16xi32>
        %scatter3A_1442 = arith.constant 1 : i32
        %scatter3A_1443 = arith.constant 0 : i32
        %scatter3A_1444 = arith.constant 0 : i32
        %scatter3A_1445 = tpu.memref_slice %arg4[%scatter3A_1442, %scatter3A_1443, %scatter3A_1444] : memref<4x100x256xf32, #tpu.memory_space<vmem>> -> memref<1x100x256xf32, #tpu.memory_space<vmem>>
        %scatter3A_1446 = tpu.memref_squeeze %scatter3A_1445 : memref<1x100x256xf32, #tpu.memory_space<vmem>> -> memref<100x256xf32, #tpu.memory_space<vmem>>
        tpu.vector_store_idx %scatter3A_1446[%select_n3A_1438, %add3A_1441], %broadcast_in_dim3A_16 : memref<100x256xf32, #tpu.memory_space<vmem>>[vector<16xi32>, vector<16xi32>], vector<16xf32>,
        %add3A_1447 = arith.constant 80 : i32
        %add3A_1448 = arith.addi %add3A_1356, %add3A_1447 : i32
        %get3A_1449 = arith.index_cast %add3A_1448 : i32 to index
        %get3A_1450 = tpu.vector_load %arg5[%get3A_1449] {strides = array<i32>} : memref<16384xi32, #tpu.memory_space<vmem>>, vector<16xi32>,
        %lt3A_1451 = arith.constant 0 : i32
        %lt3A_1452 = vector.broadcast %lt3A_1451 : i32 to vector<16xi32>
        %lt3A_1453 = arith.cmpi slt, %get3A_1450, %lt3A_1452 : vector<16xi32>
        %jit3A_1454 = arith.constant 55 : i32
        %broadcast_in_dim3A_1455 = vector.broadcast %jit3A_1454 : i32 to vector<16xi32>
        %select_n3A_1456 = arith.select %lt3A_1453, %broadcast_in_dim3A_1455, %get3A_1450 : vector<16xi1>, vector<16xi32>
        %add3A_1457 = arith.constant 80 : i32
        %add3A_1458 = vector.broadcast %add3A_1457 : i32 to vector<16xi32>
        %add3A_1459 = arith.addi %add3A_1458, %iota3A : vector<16xi32>
        %scatter3A_1460 = arith.constant 1 : i32
        %scatter3A_1461 = arith.constant 0 : i32
        %scatter3A_1462 = arith.constant 0 : i32
        %scatter3A_1463 = tpu.memref_slice %arg4[%scatter3A_1460, %scatter3A_1461, %scatter3A_1462] : memref<4x100x256xf32, #tpu.memory_space<vmem>> -> memref<1x100x256xf32, #tpu.memory_space<vmem>>
        %scatter3A_1464 = tpu.memref_squeeze %scatter3A_1463 : memref<1x100x256xf32, #tpu.memory_space<vmem>> -> memref<100x256xf32, #tpu.memory_space<vmem>>
        tpu.vector_store_idx %scatter3A_1464[%select_n3A_1456, %add3A_1459], %broadcast_in_dim3A_16 : memref<100x256xf32, #tpu.memory_space<vmem>>[vector<16xi32>, vector<16xi32>], vector<16xf32>,
        %add3A_1465 = arith.constant 96 : i32
        %add3A_1466 = arith.addi %add3A_1356, %add3A_1465 : i32
        %get3A_1467 = arith.index_cast %add3A_1466 : i32 to index
        %get3A_1468 = tpu.vector_load %arg5[%get3A_1467] {strides = array<i32>} : memref<16384xi32, #tpu.memory_space<vmem>>, vector<16xi32>,
        %lt3A_1469 = arith.constant 0 : i32
        %lt3A_1470 = vector.broadcast %lt3A_1469 : i32 to vector<16xi32>
        %lt3A_1471 = arith.cmpi slt, %get3A_1468, %lt3A_1470 : vector<16xi32>
        %jit3A_1472 = arith.constant 55 : i32
        %broadcast_in_dim3A_1473 = vector.broadcast %jit3A_1472 : i32 to vector<16xi32>
        %select_n3A_1474 = arith.select %lt3A_1471, %broadcast_in_dim3A_1473, %get3A_1468 : vector<16xi1>, vector<16xi32>
        %add3A_1475 = arith.constant 96 : i32
        %add3A_1476 = vector.broadcast %add3A_1475 : i32 to vector<16xi32>
        %add3A_1477 = arith.addi %add3A_1476, %iota3A : vector<16xi32>
        %scatter3A_1478 = arith.constant 1 : i32
        %scatter3A_1479 = arith.constant 0 : i32
        %scatter3A_1480 = arith.constant 0 : i32
        %scatter3A_1481 = tpu.memref_slice %arg4[%scatter3A_1478, %scatter3A_1479, %scatter3A_1480] : memref<4x100x256xf32, #tpu.memory_space<vmem>> -> memref<1x100x256xf32, #tpu.memory_space<vmem>>
        %scatter3A_1482 = tpu.memref_squeeze %scatter3A_1481 : memref<1x100x256xf32, #tpu.memory_space<vmem>> -> memref<100x256xf32, #tpu.memory_space<vmem>>
        tpu.vector_store_idx %scatter3A_1482[%select_n3A_1474, %add3A_1477], %broadcast_in_dim3A_16 : memref<100x256xf32, #tpu.memory_space<vmem>>[vector<16xi32>, vector<16xi32>], vector<16xf32>,
        %add3A_1483 = arith.constant 112 : i32
        %add3A_1484 = arith.addi %add3A_1356, %add3A_1483 : i32
        %get3A_1485 = arith.index_cast %add3A_1484 : i32 to index
        %get3A_1486 = tpu.vector_load %arg5[%get3A_1485] {strides = array<i32>} : memref<16384xi32, #tpu.memory_space<vmem>>, vector<16xi32>,
        %lt3A_1487 = arith.constant 0 : i32
        %lt3A_1488 = vector.broadcast %lt3A_1487 : i32 to vector<16xi32>
        %lt3A_1489 = arith.cmpi slt, %get3A_1486, %lt3A_1488 : vector<16xi32>
        %jit3A_1490 = arith.constant 55 : i32
        %broadcast_in_dim3A_1491 = vector.broadcast %jit3A_1490 : i32 to vector<16xi32>
        %select_n3A_1492 = arith.select %lt3A_1489, %broadcast_in_dim3A_1491, %get3A_1486 : vector<16xi1>, vector<16xi32>
        %add3A_1493 = arith.constant 112 : i32
        %add3A_1494 = vector.broadcast %add3A_1493 : i32 to vector<16xi32>
        %add3A_1495 = arith.addi %add3A_1494, %iota3A : vector<16xi32>
        %scatter3A_1496 = arith.constant 1 : i32
        %scatter3A_1497 = arith.constant 0 : i32
        %scatter3A_1498 = arith.constant 0 : i32
        %scatter3A_1499 = tpu.memref_slice %arg4[%scatter3A_1496, %scatter3A_1497, %scatter3A_1498] : memref<4x100x256xf32, #tpu.memory_space<vmem>> -> memref<1x100x256xf32, #tpu.memory_space<vmem>>
        %scatter3A_1500 = tpu.memref_squeeze %scatter3A_1499 : memref<1x100x256xf32, #tpu.memory_space<vmem>> -> memref<100x256xf32, #tpu.memory_space<vmem>>
        tpu.vector_store_idx %scatter3A_1500[%select_n3A_1492, %add3A_1495], %broadcast_in_dim3A_16 : memref<100x256xf32, #tpu.memory_space<vmem>>[vector<16xi32>, vector<16xi32>], vector<16xf32>,
        %add3A_1501 = arith.constant 128 : i32
        %add3A_1502 = arith.addi %add3A_1356, %add3A_1501 : i32
        %get3A_1503 = arith.index_cast %add3A_1502 : i32 to index
        %get3A_1504 = tpu.vector_load %arg5[%get3A_1503] {strides = array<i32>} : memref<16384xi32, #tpu.memory_space<vmem>>, vector<16xi32>,
        %lt3A_1505 = arith.constant 0 : i32
        %lt3A_1506 = vector.broadcast %lt3A_1505 : i32 to vector<16xi32>
        %lt3A_1507 = arith.cmpi slt, %get3A_1504, %lt3A_1506 : vector<16xi32>
        %jit3A_1508 = arith.constant 55 : i32
        %broadcast_in_dim3A_1509 = vector.broadcast %jit3A_1508 : i32 to vector<16xi32>
        %select_n3A_1510 = arith.select %lt3A_1507, %broadcast_in_dim3A_1509, %get3A_1504 : vector<16xi1>, vector<16xi32>
        %add3A_1511 = arith.constant 128 : i32
        %add3A_1512 = vector.broadcast %add3A_1511 : i32 to vector<16xi32>
        %add3A_1513 = arith.addi %add3A_1512, %iota3A : vector<16xi32>
        %scatter3A_1514 = arith.constant 1 : i32
        %scatter3A_1515 = arith.constant 0 : i32
        %scatter3A_1516 = arith.constant 0 : i32
        %scatter3A_1517 = tpu.memref_slice %arg4[%scatter3A_1514, %scatter3A_1515, %scatter3A_1516] : memref<4x100x256xf32, #tpu.memory_space<vmem>> -> memref<1x100x256xf32, #tpu.memory_space<vmem>>
        %scatter3A_1518 = tpu.memref_squeeze %scatter3A_1517 : memref<1x100x256xf32, #tpu.memory_space<vmem>> -> memref<100x256xf32, #tpu.memory_space<vmem>>
        tpu.vector_store_idx %scatter3A_1518[%select_n3A_1510, %add3A_1513], %broadcast_in_dim3A_16 : memref<100x256xf32, #tpu.memory_space<vmem>>[vector<16xi32>, vector<16xi32>], vector<16xf32>,
        %add3A_1519 = arith.constant 144 : i32
        %add3A_1520 = arith.addi %add3A_1356, %add3A_1519 : i32
        %get3A_1521 = arith.index_cast %add3A_1520 : i32 to index
        %get3A_1522 = tpu.vector_load %arg5[%get3A_1521] {strides = array<i32>} : memref<16384xi32, #tpu.memory_space<vmem>>, vector<16xi32>,
        %lt3A_1523 = arith.constant 0 : i32
        %lt3A_1524 = vector.broadcast %lt3A_1523 : i32 to vector<16xi32>
        %lt3A_1525 = arith.cmpi slt, %get3A_1522, %lt3A_1524 : vector<16xi32>
        %jit3A_1526 = arith.constant 55 : i32
        %broadcast_in_dim3A_1527 = vector.broadcast %jit3A_1526 : i32 to vector<16xi32>
        %select_n3A_1528 = arith.select %lt3A_1525, %broadcast_in_dim3A_1527, %get3A_1522 : vector<16xi1>, vector<16xi32>
        %add3A_1529 = arith.constant 144 : i32
        %add3A_1530 = vector.broadcast %add3A_1529 : i32 to vector<16xi32>
        %add3A_1531 = arith.addi %add3A_1530, %iota3A : vector<16xi32>
        %scatter3A_1532 = arith.constant 1 : i32
        %scatter3A_1533 = arith.constant 0 : i32
        %scatter3A_1534 = arith.constant 0 : i32
        %scatter3A_1535 = tpu.memref_slice %arg4[%scatter3A_1532, %scatter3A_1533, %scatter3A_1534] : memref<4x100x256xf32, #tpu.memory_space<vmem>> -> memref<1x100x256xf32, #tpu.memory_space<vmem>>
        %scatter3A_1536 = tpu.memref_squeeze %scatter3A_1535 : memref<1x100x256xf32, #tpu.memory_space<vmem>> -> memref<100x256xf32, #tpu.memory_space<vmem>>
        tpu.vector_store_idx %scatter3A_1536[%select_n3A_1528, %add3A_1531], %broadcast_in_dim3A_16 : memref<100x256xf32, #tpu.memory_space<vmem>>[vector<16xi32>, vector<16xi32>], vector<16xf32>,
        %add3A_1537 = arith.constant 160 : i32
        %add3A_1538 = arith.addi %add3A_1356, %add3A_1537 : i32
        %get3A_1539 = arith.index_cast %add3A_1538 : i32 to index
        %get3A_1540 = tpu.vector_load %arg5[%get3A_1539] {strides = array<i32>} : memref<16384xi32, #tpu.memory_space<vmem>>, vector<16xi32>,
        %lt3A_1541 = arith.constant 0 : i32
        %lt3A_1542 = vector.broadcast %lt3A_1541 : i32 to vector<16xi32>
        %lt3A_1543 = arith.cmpi slt, %get3A_1540, %lt3A_1542 : vector<16xi32>
        %jit3A_1544 = arith.constant 55 : i32
        %broadcast_in_dim3A_1545 = vector.broadcast %jit3A_1544 : i32 to vector<16xi32>
        %select_n3A_1546 = arith.select %lt3A_1543, %broadcast_in_dim3A_1545, %get3A_1540 : vector<16xi1>, vector<16xi32>
        %add3A_1547 = arith.constant 160 : i32
        %add3A_1548 = vector.broadcast %add3A_1547 : i32 to vector<16xi32>
        %add3A_1549 = arith.addi %add3A_1548, %iota3A : vector<16xi32>
        %scatter3A_1550 = arith.constant 1 : i32
        %scatter3A_1551 = arith.constant 0 : i32
        %scatter3A_1552 = arith.constant 0 : i32
        %scatter3A_1553 = tpu.memref_slice %arg4[%scatter3A_1550, %scatter3A_1551, %scatter3A_1552] : memref<4x100x256xf32, #tpu.memory_space<vmem>> -> memref<1x100x256xf32, #tpu.memory_space<vmem>>
        %scatter3A_1554 = tpu.memref_squeeze %scatter3A_1553 : memref<1x100x256xf32, #tpu.memory_space<vmem>> -> memref<100x256xf32, #tpu.memory_space<vmem>>
        tpu.vector_store_idx %scatter3A_1554[%select_n3A_1546, %add3A_1549], %broadcast_in_dim3A_16 : memref<100x256xf32, #tpu.memory_space<vmem>>[vector<16xi32>, vector<16xi32>], vector<16xf32>,
        %add3A_1555 = arith.constant 176 : i32
        %add3A_1556 = arith.addi %add3A_1356, %add3A_1555 : i32
        %get3A_1557 = arith.index_cast %add3A_1556 : i32 to index
        %get3A_1558 = tpu.vector_load %arg5[%get3A_1557] {strides = array<i32>} : memref<16384xi32, #tpu.memory_space<vmem>>, vector<16xi32>,
        %lt3A_1559 = arith.constant 0 : i32
        %lt3A_1560 = vector.broadcast %lt3A_1559 : i32 to vector<16xi32>
        %lt3A_1561 = arith.cmpi slt, %get3A_1558, %lt3A_1560 : vector<16xi32>
        %jit3A_1562 = arith.constant 55 : i32
        %broadcast_in_dim3A_1563 = vector.broadcast %jit3A_1562 : i32 to vector<16xi32>
        %select_n3A_1564 = arith.select %lt3A_1561, %broadcast_in_dim3A_1563, %get3A_1558 : vector<16xi1>, vector<16xi32>
        %add3A_1565 = arith.constant 176 : i32
        %add3A_1566 = vector.broadcast %add3A_1565 : i32 to vector<16xi32>
        %add3A_1567 = arith.addi %add3A_1566, %iota3A : vector<16xi32>
        %scatter3A_1568 = arith.constant 1 : i32
        %scatter3A_1569 = arith.constant 0 : i32
        %scatter3A_1570 = arith.constant 0 : i32
        %scatter3A_1571 = tpu.memref_slice %arg4[%scatter3A_1568, %scatter3A_1569, %scatter3A_1570] : memref<4x100x256xf32, #tpu.memory_space<vmem>> -> memref<1x100x256xf32, #tpu.memory_space<vmem>>
        %scatter3A_1572 = tpu.memref_squeeze %scatter3A_1571 : memref<1x100x256xf32, #tpu.memory_space<vmem>> -> memref<100x256xf32, #tpu.memory_space<vmem>>
        tpu.vector_store_idx %scatter3A_1572[%select_n3A_1564, %add3A_1567], %broadcast_in_dim3A_16 : memref<100x256xf32, #tpu.memory_space<vmem>>[vector<16xi32>, vector<16xi32>], vector<16xf32>,
        %add3A_1573 = arith.constant 192 : i32
        %add3A_1574 = arith.addi %add3A_1356, %add3A_1573 : i32
        %get3A_1575 = arith.index_cast %add3A_1574 : i32 to index
        %get3A_1576 = tpu.vector_load %arg5[%get3A_1575] {strides = array<i32>} : memref<16384xi32, #tpu.memory_space<vmem>>, vector<16xi32>,
        %lt3A_1577 = arith.constant 0 : i32
        %lt3A_1578 = vector.broadcast %lt3A_1577 : i32 to vector<16xi32>
        %lt3A_1579 = arith.cmpi slt, %get3A_1576, %lt3A_1578 : vector<16xi32>
        %jit3A_1580 = arith.constant 55 : i32
        %broadcast_in_dim3A_1581 = vector.broadcast %jit3A_1580 : i32 to vector<16xi32>
        %select_n3A_1582 = arith.select %lt3A_1579, %broadcast_in_dim3A_1581, %get3A_1576 : vector<16xi1>, vector<16xi32>
        %add3A_1583 = arith.constant 192 : i32
        %add3A_1584 = vector.broadcast %add3A_1583 : i32 to vector<16xi32>
        %add3A_1585 = arith.addi %add3A_1584, %iota3A : vector<16xi32>
        %scatter3A_1586 = arith.constant 1 : i32
        %scatter3A_1587 = arith.constant 0 : i32
        %scatter3A_1588 = arith.constant 0 : i32
        %scatter3A_1589 = tpu.memref_slice %arg4[%scatter3A_1586, %scatter3A_1587, %scatter3A_1588] : memref<4x100x256xf32, #tpu.memory_space<vmem>> -> memref<1x100x256xf32, #tpu.memory_space<vmem>>
        %scatter3A_1590 = tpu.memref_squeeze %scatter3A_1589 : memref<1x100x256xf32, #tpu.memory_space<vmem>> -> memref<100x256xf32, #tpu.memory_space<vmem>>
        tpu.vector_store_idx %scatter3A_1590[%select_n3A_1582, %add3A_1585], %broadcast_in_dim3A_16 : memref<100x256xf32, #tpu.memory_space<vmem>>[vector<16xi32>, vector<16xi32>], vector<16xf32>,
        %add3A_1591 = arith.constant 208 : i32
        %add3A_1592 = arith.addi %add3A_1356, %add3A_1591 : i32
        %get3A_1593 = arith.index_cast %add3A_1592 : i32 to index
        %get3A_1594 = tpu.vector_load %arg5[%get3A_1593] {strides = array<i32>} : memref<16384xi32, #tpu.memory_space<vmem>>, vector<16xi32>,
        %lt3A_1595 = arith.constant 0 : i32
        %lt3A_1596 = vector.broadcast %lt3A_1595 : i32 to vector<16xi32>
        %lt3A_1597 = arith.cmpi slt, %get3A_1594, %lt3A_1596 : vector<16xi32>
        %jit3A_1598 = arith.constant 55 : i32
        %broadcast_in_dim3A_1599 = vector.broadcast %jit3A_1598 : i32 to vector<16xi32>
        %select_n3A_1600 = arith.select %lt3A_1597, %broadcast_in_dim3A_1599, %get3A_1594 : vector<16xi1>, vector<16xi32>
        %add3A_1601 = arith.constant 208 : i32
        %add3A_1602 = vector.broadcast %add3A_1601 : i32 to vector<16xi32>
        %add3A_1603 = arith.addi %add3A_1602, %iota3A : vector<16xi32>
        %scatter3A_1604 = arith.constant 1 : i32
        %scatter3A_1605 = arith.constant 0 : i32
        %scatter3A_1606 = arith.constant 0 : i32
        %scatter3A_1607 = tpu.memref_slice %arg4[%scatter3A_1604, %scatter3A_1605, %scatter3A_1606] : memref<4x100x256xf32, #tpu.memory_space<vmem>> -> memref<1x100x256xf32, #tpu.memory_space<vmem>>
        %scatter3A_1608 = tpu.memref_squeeze %scatter3A_1607 : memref<1x100x256xf32, #tpu.memory_space<vmem>> -> memref<100x256xf32, #tpu.memory_space<vmem>>
        tpu.vector_store_idx %scatter3A_1608[%select_n3A_1600, %add3A_1603], %broadcast_in_dim3A_16 : memref<100x256xf32, #tpu.memory_space<vmem>>[vector<16xi32>, vector<16xi32>], vector<16xf32>,
        %add3A_1609 = arith.constant 224 : i32
        %add3A_1610 = arith.addi %add3A_1356, %add3A_1609 : i32
        %get3A_1611 = arith.index_cast %add3A_1610 : i32 to index
        %get3A_1612 = tpu.vector_load %arg5[%get3A_1611] {strides = array<i32>} : memref<16384xi32, #tpu.memory_space<vmem>>, vector<16xi32>,
        %lt3A_1613 = arith.constant 0 : i32
        %lt3A_1614 = vector.broadcast %lt3A_1613 : i32 to vector<16xi32>
        %lt3A_1615 = arith.cmpi slt, %get3A_1612, %lt3A_1614 : vector<16xi32>
        %jit3A_1616 = arith.constant 55 : i32
        %broadcast_in_dim3A_1617 = vector.broadcast %jit3A_1616 : i32 to vector<16xi32>
        %select_n3A_1618 = arith.select %lt3A_1615, %broadcast_in_dim3A_1617, %get3A_1612 : vector<16xi1>, vector<16xi32>
        %add3A_1619 = arith.constant 224 : i32
        %add3A_1620 = vector.broadcast %add3A_1619 : i32 to vector<16xi32>
        %add3A_1621 = arith.addi %add3A_1620, %iota3A : vector<16xi32>
        %scatter3A_1622 = arith.constant 1 : i32
        %scatter3A_1623 = arith.constant 0 : i32
        %scatter3A_1624 = arith.constant 0 : i32
        %scatter3A_1625 = tpu.memref_slice %arg4[%scatter3A_1622, %scatter3A_1623, %scatter3A_1624] : memref<4x100x256xf32, #tpu.memory_space<vmem>> -> memref<1x100x256xf32, #tpu.memory_space<vmem>>
        %scatter3A_1626 = tpu.memref_squeeze %scatter3A_1625 : memref<1x100x256xf32, #tpu.memory_space<vmem>> -> memref<100x256xf32, #tpu.memory_space<vmem>>
        tpu.vector_store_idx %scatter3A_1626[%select_n3A_1618, %add3A_1621], %broadcast_in_dim3A_16 : memref<100x256xf32, #tpu.memory_space<vmem>>[vector<16xi32>, vector<16xi32>], vector<16xf32>,
        %add3A_1627 = arith.constant 240 : i32
        %add3A_1628 = arith.addi %add3A_1356, %add3A_1627 : i32
        %get3A_1629 = arith.index_cast %add3A_1628 : i32 to index
        %get3A_1630 = tpu.vector_load %arg5[%get3A_1629] {strides = array<i32>} : memref<16384xi32, #tpu.memory_space<vmem>>, vector<16xi32>,
        %lt3A_1631 = arith.constant 0 : i32
        %lt3A_1632 = vector.broadcast %lt3A_1631 : i32 to vector<16xi32>
        %lt3A_1633 = arith.cmpi slt, %get3A_1630, %lt3A_1632 : vector<16xi32>
        %jit3A_1634 = arith.constant 55 : i32
        %broadcast_in_dim3A_1635 = vector.broadcast %jit3A_1634 : i32 to vector<16xi32>
        %select_n3A_1636 = arith.select %lt3A_1633, %broadcast_in_dim3A_1635, %get3A_1630 : vector<16xi1>, vector<16xi32>
        %add3A_1637 = arith.constant 240 : i32
        %add3A_1638 = vector.broadcast %add3A_1637 : i32 to vector<16xi32>
        %add3A_1639 = arith.addi %add3A_1638, %iota3A : vector<16xi32>
        %scatter3A_1640 = arith.constant 1 : i32
        %scatter3A_1641 = arith.constant 0 : i32
        %scatter3A_1642 = arith.constant 0 : i32
        %scatter3A_1643 = tpu.memref_slice %arg4[%scatter3A_1640, %scatter3A_1641, %scatter3A_1642] : memref<4x100x256xf32, #tpu.memory_space<vmem>> -> memref<1x100x256xf32, #tpu.memory_space<vmem>>
        %scatter3A_1644 = tpu.memref_squeeze %scatter3A_1643 : memref<1x100x256xf32, #tpu.memory_space<vmem>> -> memref<100x256xf32, #tpu.memory_space<vmem>>
        tpu.vector_store_idx %scatter3A_1644[%select_n3A_1636, %add3A_1639], %broadcast_in_dim3A_16 : memref<100x256xf32, #tpu.memory_space<vmem>>[vector<16xi32>, vector<16xi32>], vector<16xf32>,
      } else {
      }
      %lt3A_1300 = arith.cmpi slt, %add3A_1293, %select_n3A : i32
      %convert_element_type3A_1301 = arith.extui %lt3A_1300 : i1 to i32
      %cond3A_1302 = arith.constant 0 : i32
      %cond3A_1303 = arith.cmpi ne, %convert_element_type3A_1301, %cond3A_1302 : i32
      scf.if %cond3A_1303 {
        %mul3A_1336 = arith.constant 256 : i32
        %mul3A_1337 = arith.muli %add3A_1293, %mul3A_1336 : i32
        %add3A_1338 = arith.addi %sub3A, %mul3A_1337 : i32
        %add3A_1339 = arith.constant 0 : i32
        %add3A_1340 = arith.addi %add3A_1338, %add3A_1339 : i32
        %get3A_1341 = arith.index_cast %add3A_1340 : i32 to index
        %get3A_1342 = tpu.vector_load %arg5[%get3A_1341] {strides = array<i32>} : memref<16384xi32, #tpu.memory_space<vmem>>, vector<16xi32>,
        %lt3A_1343 = arith.constant 0 : i32
        %lt3A_1344 = vector.broadcast %lt3A_1343 : i32 to vector<16xi32>
        %lt3A_1345 = arith.cmpi slt, %get3A_1342, %lt3A_1344 : vector<16xi32>
        %jit3A_1346 = arith.constant 55 : i32
        %broadcast_in_dim3A_1347 = vector.broadcast %jit3A_1346 : i32 to vector<16xi32>
        %select_n3A_1348 = arith.select %lt3A_1345, %broadcast_in_dim3A_1347, %get3A_1342 : vector<16xi1>, vector<16xi32>
        %add3A_1349 = arith.constant 0 : i32
        %add3A_1350 = vector.broadcast %add3A_1349 : i32 to vector<16xi32>
        %add3A_1351 = arith.addi %add3A_1350, %iota3A : vector<16xi32>
        %scatter3A_1352 = arith.constant 1 : i32
        %scatter3A_1353 = arith.constant 0 : i32
        %scatter3A_1354 = arith.constant 0 : i32
        %scatter3A_1355 = tpu.memref_slice %arg4[%scatter3A_1352, %scatter3A_1353, %scatter3A_1354] : memref<4x100x256xf32, #tpu.memory_space<vmem>> -> memref<1x100x256xf32, #tpu.memory_space<vmem>>
        %scatter3A_1356 = tpu.memref_squeeze %scatter3A_1355 : memref<1x100x256xf32, #tpu.memory_space<vmem>> -> memref<100x256xf32, #tpu.memory_space<vmem>>
        tpu.vector_store_idx %scatter3A_1356[%select_n3A_1348, %add3A_1351], %broadcast_in_dim3A_14 : memref<100x256xf32, #tpu.memory_space<vmem>>[vector<16xi32>, vector<16xi32>], vector<16xf32>,
        %add3A_1357 = arith.constant 16 : i32
        %add3A_1358 = arith.addi %add3A_1338, %add3A_1357 : i32
        %get3A_1359 = arith.index_cast %add3A_1358 : i32 to index
        %get3A_1360 = tpu.vector_load %arg5[%get3A_1359] {strides = array<i32>} : memref<16384xi32, #tpu.memory_space<vmem>>, vector<16xi32>,
        %lt3A_1361 = arith.constant 0 : i32
        %lt3A_1362 = vector.broadcast %lt3A_1361 : i32 to vector<16xi32>
        %lt3A_1363 = arith.cmpi slt, %get3A_1360, %lt3A_1362 : vector<16xi32>
        %jit3A_1364 = arith.constant 55 : i32
        %broadcast_in_dim3A_1365 = vector.broadcast %jit3A_1364 : i32 to vector<16xi32>
        %select_n3A_1366 = arith.select %lt3A_1363, %broadcast_in_dim3A_1365, %get3A_1360 : vector<16xi1>, vector<16xi32>
        %add3A_1367 = arith.constant 16 : i32
        %add3A_1368 = vector.broadcast %add3A_1367 : i32 to vector<16xi32>
        %add3A_1369 = arith.addi %add3A_1368, %iota3A : vector<16xi32>
        %scatter3A_1370 = arith.constant 1 : i32
        %scatter3A_1371 = arith.constant 0 : i32
        %scatter3A_1372 = arith.constant 0 : i32
        %scatter3A_1373 = tpu.memref_slice %arg4[%scatter3A_1370, %scatter3A_1371, %scatter3A_1372] : memref<4x100x256xf32, #tpu.memory_space<vmem>> -> memref<1x100x256xf32, #tpu.memory_space<vmem>>
        %scatter3A_1374 = tpu.memref_squeeze %scatter3A_1373 : memref<1x100x256xf32, #tpu.memory_space<vmem>> -> memref<100x256xf32, #tpu.memory_space<vmem>>
        tpu.vector_store_idx %scatter3A_1374[%select_n3A_1366, %add3A_1369], %broadcast_in_dim3A_14 : memref<100x256xf32, #tpu.memory_space<vmem>>[vector<16xi32>, vector<16xi32>], vector<16xf32>,
        %add3A_1375 = arith.constant 32 : i32
        %add3A_1376 = arith.addi %add3A_1338, %add3A_1375 : i32
        %get3A_1377 = arith.index_cast %add3A_1376 : i32 to index
        %get3A_1378 = tpu.vector_load %arg5[%get3A_1377] {strides = array<i32>} : memref<16384xi32, #tpu.memory_space<vmem>>, vector<16xi32>,
        %lt3A_1379 = arith.constant 0 : i32
        %lt3A_1380 = vector.broadcast %lt3A_1379 : i32 to vector<16xi32>
        %lt3A_1381 = arith.cmpi slt, %get3A_1378, %lt3A_1380 : vector<16xi32>
        %jit3A_1382 = arith.constant 55 : i32
        %broadcast_in_dim3A_1383 = vector.broadcast %jit3A_1382 : i32 to vector<16xi32>
        %select_n3A_1384 = arith.select %lt3A_1381, %broadcast_in_dim3A_1383, %get3A_1378 : vector<16xi1>, vector<16xi32>
        %add3A_1385 = arith.constant 32 : i32
        %add3A_1386 = vector.broadcast %add3A_1385 : i32 to vector<16xi32>
        %add3A_1387 = arith.addi %add3A_1386, %iota3A : vector<16xi32>
        %scatter3A_1388 = arith.constant 1 : i32
        %scatter3A_1389 = arith.constant 0 : i32
        %scatter3A_1390 = arith.constant 0 : i32
        %scatter3A_1391 = tpu.memref_slice %arg4[%scatter3A_1388, %scatter3A_1389, %scatter3A_1390] : memref<4x100x256xf32, #tpu.memory_space<vmem>> -> memref<1x100x256xf32, #tpu.memory_space<vmem>>
        %scatter3A_1392 = tpu.memref_squeeze %scatter3A_1391 : memref<1x100x256xf32, #tpu.memory_space<vmem>> -> memref<100x256xf32, #tpu.memory_space<vmem>>
        tpu.vector_store_idx %scatter3A_1392[%select_n3A_1384, %add3A_1387], %broadcast_in_dim3A_14 : memref<100x256xf32, #tpu.memory_space<vmem>>[vector<16xi32>, vector<16xi32>], vector<16xf32>,
        %add3A_1393 = arith.constant 48 : i32
        %add3A_1394 = arith.addi %add3A_1338, %add3A_1393 : i32
        %get3A_1395 = arith.index_cast %add3A_1394 : i32 to index
        %get3A_1396 = tpu.vector_load %arg5[%get3A_1395] {strides = array<i32>} : memref<16384xi32, #tpu.memory_space<vmem>>, vector<16xi32>,
        %lt3A_1397 = arith.constant 0 : i32
        %lt3A_1398 = vector.broadcast %lt3A_1397 : i32 to vector<16xi32>
        %lt3A_1399 = arith.cmpi slt, %get3A_1396, %lt3A_1398 : vector<16xi32>
        %jit3A_1400 = arith.constant 55 : i32
        %broadcast_in_dim3A_1401 = vector.broadcast %jit3A_1400 : i32 to vector<16xi32>
        %select_n3A_1402 = arith.select %lt3A_1399, %broadcast_in_dim3A_1401, %get3A_1396 : vector<16xi1>, vector<16xi32>
        %add3A_1403 = arith.constant 48 : i32
        %add3A_1404 = vector.broadcast %add3A_1403 : i32 to vector<16xi32>
        %add3A_1405 = arith.addi %add3A_1404, %iota3A : vector<16xi32>
        %scatter3A_1406 = arith.constant 1 : i32
        %scatter3A_1407 = arith.constant 0 : i32
        %scatter3A_1408 = arith.constant 0 : i32
        %scatter3A_1409 = tpu.memref_slice %arg4[%scatter3A_1406, %scatter3A_1407, %scatter3A_1408] : memref<4x100x256xf32, #tpu.memory_space<vmem>> -> memref<1x100x256xf32, #tpu.memory_space<vmem>>
        %scatter3A_1410 = tpu.memref_squeeze %scatter3A_1409 : memref<1x100x256xf32, #tpu.memory_space<vmem>> -> memref<100x256xf32, #tpu.memory_space<vmem>>
        tpu.vector_store_idx %scatter3A_1410[%select_n3A_1402, %add3A_1405], %broadcast_in_dim3A_14 : memref<100x256xf32, #tpu.memory_space<vmem>>[vector<16xi32>, vector<16xi32>], vector<16xf32>,
        %add3A_1411 = arith.constant 64 : i32
        %add3A_1412 = arith.addi %add3A_1338, %add3A_1411 : i32
        %get3A_1413 = arith.index_cast %add3A_1412 : i32 to index
        %get3A_1414 = tpu.vector_load %arg5[%get3A_1413] {strides = array<i32>} : memref<16384xi32, #tpu.memory_space<vmem>>, vector<16xi32>,
        %lt3A_1415 = arith.constant 0 : i32
        %lt3A_1416 = vector.broadcast %lt3A_1415 : i32 to vector<16xi32>
        %lt3A_1417 = arith.cmpi slt, %get3A_1414, %lt3A_1416 : vector<16xi32>
        %jit3A_1418 = arith.constant 55 : i32
        %broadcast_in_dim3A_1419 = vector.broadcast %jit3A_1418 : i32 to vector<16xi32>
        %select_n3A_1420 = arith.select %lt3A_1417, %broadcast_in_dim3A_1419, %get3A_1414 : vector<16xi1>, vector<16xi32>
        %add3A_1421 = arith.constant 64 : i32
        %add3A_1422 = vector.broadcast %add3A_1421 : i32 to vector<16xi32>
        %add3A_1423 = arith.addi %add3A_1422, %iota3A : vector<16xi32>
        %scatter3A_1424 = arith.constant 1 : i32
        %scatter3A_1425 = arith.constant 0 : i32
        %scatter3A_1426 = arith.constant 0 : i32
        %scatter3A_1427 = tpu.memref_slice %arg4[%scatter3A_1424, %scatter3A_1425, %scatter3A_1426] : memref<4x100x256xf32, #tpu.memory_space<vmem>> -> memref<1x100x256xf32, #tpu.memory_space<vmem>>
        %scatter3A_1428 = tpu.memref_squeeze %scatter3A_1427 : memref<1x100x256xf32, #tpu.memory_space<vmem>> -> memref<100x256xf32, #tpu.memory_space<vmem>>
        tpu.vector_store_idx %scatter3A_1428[%select_n3A_1420, %add3A_1423], %broadcast_in_dim3A_14 : memref<100x256xf32, #tpu.memory_space<vmem>>[vector<16xi32>, vector<16xi32>], vector<16xf32>,
        %add3A_1429 = arith.constant 80 : i32
        %add3A_1430 = arith.addi %add3A_1338, %add3A_1429 : i32
        %get3A_1431 = arith.index_cast %add3A_1430 : i32 to index
        %get3A_1432 = tpu.vector_load %arg5[%get3A_1431] {strides = array<i32>} : memref<16384xi32, #tpu.memory_space<vmem>>, vector<16xi32>,
        %lt3A_1433 = arith.constant 0 : i32
        %lt3A_1434 = vector.broadcast %lt3A_1433 : i32 to vector<16xi32>
        %lt3A_1435 = arith.cmpi slt, %get3A_1432, %lt3A_1434 : vector<16xi32>
        %jit3A_1436 = arith.constant 55 : i32
        %broadcast_in_dim3A_1437 = vector.broadcast %jit3A_1436 : i32 to vector<16xi32>
        %select_n3A_1438 = arith.select %lt3A_1435, %broadcast_in_dim3A_1437, %get3A_1432 : vector<16xi1>, vector<16xi32>
        %add3A_1439 = arith.constant 80 : i32
        %add3A_1440 = vector.broadcast %add3A_1439 : i32 to vector<16xi32>
        %add3A_1441 = arith.addi %add3A_1440, %iota3A : vector<16xi32>
        %scatter3A_1442 = arith.constant 1 : i32
        %scatter3A_1443 = arith.constant 0 : i32
        %scatter3A_1444 = arith.constant 0 : i32
        %scatter3A_1445 = tpu.memref_slice %arg4[%scatter3A_1442, %scatter3A_1443, %scatter3A_1444] : memref<4x100x256xf32, #tpu.memory_space<vmem>> -> memref<1x100x256xf32, #tpu.memory_space<vmem>>
        %scatter3A_1446 = tpu.memref_squeeze %scatter3A_1445 : memref<1x100x256xf32, #tpu.memory_space<vmem>> -> memref<100x256xf32, #tpu.memory_space<vmem>>
        tpu.vector_store_idx %scatter3A_1446[%select_n3A_1438, %add3A_1441], %broadcast_in_dim3A_14 : memref<100x256xf32, #tpu.memory_space<vmem>>[vector<16xi32>, vector<16xi32>], vector<16xf32>,
        %add3A_1447 = arith.constant 96 : i32
        %add3A_1448 = arith.addi %add3A_1338, %add3A_1447 : i32
        %get3A_1449 = arith.index_cast %add3A_1448 : i32 to index
        %get3A_1450 = tpu.vector_load %arg5[%get3A_1449] {strides = array<i32>} : memref<16384xi32, #tpu.memory_space<vmem>>, vector<16xi32>,
        %lt3A_1451 = arith.constant 0 : i32
        %lt3A_1452 = vector.broadcast %lt3A_1451 : i32 to vector<16xi32>
        %lt3A_1453 = arith.cmpi slt, %get3A_1450, %lt3A_1452 : vector<16xi32>
        %jit3A_1454 = arith.constant 55 : i32
        %broadcast_in_dim3A_1455 = vector.broadcast %jit3A_1454 : i32 to vector<16xi32>
        %select_n3A_1456 = arith.select %lt3A_1453, %broadcast_in_dim3A_1455, %get3A_1450 : vector<16xi1>, vector<16xi32>
        %add3A_1457 = arith.constant 96 : i32
        %add3A_1458 = vector.broadcast %add3A_1457 : i32 to vector<16xi32>
        %add3A_1459 = arith.addi %add3A_1458, %iota3A : vector<16xi32>
        %scatter3A_1460 = arith.constant 1 : i32
        %scatter3A_1461 = arith.constant 0 : i32
        %scatter3A_1462 = arith.constant 0 : i32
        %scatter3A_1463 = tpu.memref_slice %arg4[%scatter3A_1460, %scatter3A_1461, %scatter3A_1462] : memref<4x100x256xf32, #tpu.memory_space<vmem>> -> memref<1x100x256xf32, #tpu.memory_space<vmem>>
        %scatter3A_1464 = tpu.memref_squeeze %scatter3A_1463 : memref<1x100x256xf32, #tpu.memory_space<vmem>> -> memref<100x256xf32, #tpu.memory_space<vmem>>
        tpu.vector_store_idx %scatter3A_1464[%select_n3A_1456, %add3A_1459], %broadcast_in_dim3A_14 : memref<100x256xf32, #tpu.memory_space<vmem>>[vector<16xi32>, vector<16xi32>], vector<16xf32>,
        %add3A_1465 = arith.constant 112 : i32
        %add3A_1466 = arith.addi %add3A_1338, %add3A_1465 : i32
        %get3A_1467 = arith.index_cast %add3A_1466 : i32 to index
        %get3A_1468 = tpu.vector_load %arg5[%get3A_1467] {strides = array<i32>} : memref<16384xi32, #tpu.memory_space<vmem>>, vector<16xi32>,
        %lt3A_1469 = arith.constant 0 : i32
        %lt3A_1470 = vector.broadcast %lt3A_1469 : i32 to vector<16xi32>
        %lt3A_1471 = arith.cmpi slt, %get3A_1468, %lt3A_1470 : vector<16xi32>
        %jit3A_1472 = arith.constant 55 : i32
        %broadcast_in_dim3A_1473 = vector.broadcast %jit3A_1472 : i32 to vector<16xi32>
        %select_n3A_1474 = arith.select %lt3A_1471, %broadcast_in_dim3A_1473, %get3A_1468 : vector<16xi1>, vector<16xi32>
        %add3A_1475 = arith.constant 112 : i32
        %add3A_1476 = vector.broadcast %add3A_1475 : i32 to vector<16xi32>
        %add3A_1477 = arith.addi %add3A_1476, %iota3A : vector<16xi32>
        %scatter3A_1478 = arith.constant 1 : i32
        %scatter3A_1479 = arith.constant 0 : i32
        %scatter3A_1480 = arith.constant 0 : i32
        %scatter3A_1481 = tpu.memref_slice %arg4[%scatter3A_1478, %scatter3A_1479, %scatter3A_1480] : memref<4x100x256xf32, #tpu.memory_space<vmem>> -> memref<1x100x256xf32, #tpu.memory_space<vmem>>
        %scatter3A_1482 = tpu.memref_squeeze %scatter3A_1481 : memref<1x100x256xf32, #tpu.memory_space<vmem>> -> memref<100x256xf32, #tpu.memory_space<vmem>>
        tpu.vector_store_idx %scatter3A_1482[%select_n3A_1474, %add3A_1477], %broadcast_in_dim3A_14 : memref<100x256xf32, #tpu.memory_space<vmem>>[vector<16xi32>, vector<16xi32>], vector<16xf32>,
        %add3A_1483 = arith.constant 128 : i32
        %add3A_1484 = arith.addi %add3A_1338, %add3A_1483 : i32
        %get3A_1485 = arith.index_cast %add3A_1484 : i32 to index
        %get3A_1486 = tpu.vector_load %arg5[%get3A_1485] {strides = array<i32>} : memref<16384xi32, #tpu.memory_space<vmem>>, vector<16xi32>,
        %lt3A_1487 = arith.constant 0 : i32
        %lt3A_1488 = vector.broadcast %lt3A_1487 : i32 to vector<16xi32>
        %lt3A_1489 = arith.cmpi slt, %get3A_1486, %lt3A_1488 : vector<16xi32>
        %jit3A_1490 = arith.constant 55 : i32
        %broadcast_in_dim3A_1491 = vector.broadcast %jit3A_1490 : i32 to vector<16xi32>
        %select_n3A_1492 = arith.select %lt3A_1489, %broadcast_in_dim3A_1491, %get3A_1486 : vector<16xi1>, vector<16xi32>
        %add3A_1493 = arith.constant 128 : i32
        %add3A_1494 = vector.broadcast %add3A_1493 : i32 to vector<16xi32>
        %add3A_1495 = arith.addi %add3A_1494, %iota3A : vector<16xi32>
        %scatter3A_1496 = arith.constant 1 : i32
        %scatter3A_1497 = arith.constant 0 : i32
        %scatter3A_1498 = arith.constant 0 : i32
        %scatter3A_1499 = tpu.memref_slice %arg4[%scatter3A_1496, %scatter3A_1497, %scatter3A_1498] : memref<4x100x256xf32, #tpu.memory_space<vmem>> -> memref<1x100x256xf32, #tpu.memory_space<vmem>>
        %scatter3A_1500 = tpu.memref_squeeze %scatter3A_1499 : memref<1x100x256xf32, #tpu.memory_space<vmem>> -> memref<100x256xf32, #tpu.memory_space<vmem>>
        tpu.vector_store_idx %scatter3A_1500[%select_n3A_1492, %add3A_1495], %broadcast_in_dim3A_14 : memref<100x256xf32, #tpu.memory_space<vmem>>[vector<16xi32>, vector<16xi32>], vector<16xf32>,
        %add3A_1501 = arith.constant 144 : i32
        %add3A_1502 = arith.addi %add3A_1338, %add3A_1501 : i32
        %get3A_1503 = arith.index_cast %add3A_1502 : i32 to index
        %get3A_1504 = tpu.vector_load %arg5[%get3A_1503] {strides = array<i32>} : memref<16384xi32, #tpu.memory_space<vmem>>, vector<16xi32>,
        %lt3A_1505 = arith.constant 0 : i32
        %lt3A_1506 = vector.broadcast %lt3A_1505 : i32 to vector<16xi32>
        %lt3A_1507 = arith.cmpi slt, %get3A_1504, %lt3A_1506 : vector<16xi32>
        %jit3A_1508 = arith.constant 55 : i32
        %broadcast_in_dim3A_1509 = vector.broadcast %jit3A_1508 : i32 to vector<16xi32>
        %select_n3A_1510 = arith.select %lt3A_1507, %broadcast_in_dim3A_1509, %get3A_1504 : vector<16xi1>, vector<16xi32>
        %add3A_1511 = arith.constant 144 : i32
        %add3A_1512 = vector.broadcast %add3A_1511 : i32 to vector<16xi32>
        %add3A_1513 = arith.addi %add3A_1512, %iota3A : vector<16xi32>
        %scatter3A_1514 = arith.constant 1 : i32
        %scatter3A_1515 = arith.constant 0 : i32
        %scatter3A_1516 = arith.constant 0 : i32
        %scatter3A_1517 = tpu.memref_slice %arg4[%scatter3A_1514, %scatter3A_1515, %scatter3A_1516] : memref<4x100x256xf32, #tpu.memory_space<vmem>> -> memref<1x100x256xf32, #tpu.memory_space<vmem>>
        %scatter3A_1518 = tpu.memref_squeeze %scatter3A_1517 : memref<1x100x256xf32, #tpu.memory_space<vmem>> -> memref<100x256xf32, #tpu.memory_space<vmem>>
        tpu.vector_store_idx %scatter3A_1518[%select_n3A_1510, %add3A_1513], %broadcast_in_dim3A_14 : memref<100x256xf32, #tpu.memory_space<vmem>>[vector<16xi32>, vector<16xi32>], vector<16xf32>,
        %add3A_1519 = arith.constant 160 : i32
        %add3A_1520 = arith.addi %add3A_1338, %add3A_1519 : i32
        %get3A_1521 = arith.index_cast %add3A_1520 : i32 to index
        %get3A_1522 = tpu.vector_load %arg5[%get3A_1521] {strides = array<i32>} : memref<16384xi32, #tpu.memory_space<vmem>>, vector<16xi32>,
        %lt3A_1523 = arith.constant 0 : i32
        %lt3A_1524 = vector.broadcast %lt3A_1523 : i32 to vector<16xi32>
        %lt3A_1525 = arith.cmpi slt, %get3A_1522, %lt3A_1524 : vector<16xi32>
        %jit3A_1526 = arith.constant 55 : i32
        %broadcast_in_dim3A_1527 = vector.broadcast %jit3A_1526 : i32 to vector<16xi32>
        %select_n3A_1528 = arith.select %lt3A_1525, %broadcast_in_dim3A_1527, %get3A_1522 : vector<16xi1>, vector<16xi32>
        %add3A_1529 = arith.constant 160 : i32
        %add3A_1530 = vector.broadcast %add3A_1529 : i32 to vector<16xi32>
        %add3A_1531 = arith.addi %add3A_1530, %iota3A : vector<16xi32>
        %scatter3A_1532 = arith.constant 1 : i32
        %scatter3A_1533 = arith.constant 0 : i32
        %scatter3A_1534 = arith.constant 0 : i32
        %scatter3A_1535 = tpu.memref_slice %arg4[%scatter3A_1532, %scatter3A_1533, %scatter3A_1534] : memref<4x100x256xf32, #tpu.memory_space<vmem>> -> memref<1x100x256xf32, #tpu.memory_space<vmem>>
        %scatter3A_1536 = tpu.memref_squeeze %scatter3A_1535 : memref<1x100x256xf32, #tpu.memory_space<vmem>> -> memref<100x256xf32, #tpu.memory_space<vmem>>
        tpu.vector_store_idx %scatter3A_1536[%select_n3A_1528, %add3A_1531], %broadcast_in_dim3A_14 : memref<100x256xf32, #tpu.memory_space<vmem>>[vector<16xi32>, vector<16xi32>], vector<16xf32>,
        %add3A_1537 = arith.constant 176 : i32
        %add3A_1538 = arith.addi %add3A_1338, %add3A_1537 : i32
        %get3A_1539 = arith.index_cast %add3A_1538 : i32 to index
        %get3A_1540 = tpu.vector_load %arg5[%get3A_1539] {strides = array<i32>} : memref<16384xi32, #tpu.memory_space<vmem>>, vector<16xi32>,
        %lt3A_1541 = arith.constant 0 : i32
        %lt3A_1542 = vector.broadcast %lt3A_1541 : i32 to vector<16xi32>
        %lt3A_1543 = arith.cmpi slt, %get3A_1540, %lt3A_1542 : vector<16xi32>
        %jit3A_1544 = arith.constant 55 : i32
        %broadcast_in_dim3A_1545 = vector.broadcast %jit3A_1544 : i32 to vector<16xi32>
        %select_n3A_1546 = arith.select %lt3A_1543, %broadcast_in_dim3A_1545, %get3A_1540 : vector<16xi1>, vector<16xi32>
        %add3A_1547 = arith.constant 176 : i32
        %add3A_1548 = vector.broadcast %add3A_1547 : i32 to vector<16xi32>
        %add3A_1549 = arith.addi %add3A_1548, %iota3A : vector<16xi32>
        %scatter3A_1550 = arith.constant 1 : i32
        %scatter3A_1551 = arith.constant 0 : i32
        %scatter3A_1552 = arith.constant 0 : i32
        %scatter3A_1553 = tpu.memref_slice %arg4[%scatter3A_1550, %scatter3A_1551, %scatter3A_1552] : memref<4x100x256xf32, #tpu.memory_space<vmem>> -> memref<1x100x256xf32, #tpu.memory_space<vmem>>
        %scatter3A_1554 = tpu.memref_squeeze %scatter3A_1553 : memref<1x100x256xf32, #tpu.memory_space<vmem>> -> memref<100x256xf32, #tpu.memory_space<vmem>>
        tpu.vector_store_idx %scatter3A_1554[%select_n3A_1546, %add3A_1549], %broadcast_in_dim3A_14 : memref<100x256xf32, #tpu.memory_space<vmem>>[vector<16xi32>, vector<16xi32>], vector<16xf32>,
        %add3A_1555 = arith.constant 192 : i32
        %add3A_1556 = arith.addi %add3A_1338, %add3A_1555 : i32
        %get3A_1557 = arith.index_cast %add3A_1556 : i32 to index
        %get3A_1558 = tpu.vector_load %arg5[%get3A_1557] {strides = array<i32>} : memref<16384xi32, #tpu.memory_space<vmem>>, vector<16xi32>,
        %lt3A_1559 = arith.constant 0 : i32
        %lt3A_1560 = vector.broadcast %lt3A_1559 : i32 to vector<16xi32>
        %lt3A_1561 = arith.cmpi slt, %get3A_1558, %lt3A_1560 : vector<16xi32>
        %jit3A_1562 = arith.constant 55 : i32
        %broadcast_in_dim3A_1563 = vector.broadcast %jit3A_1562 : i32 to vector<16xi32>
        %select_n3A_1564 = arith.select %lt3A_1561, %broadcast_in_dim3A_1563, %get3A_1558 : vector<16xi1>, vector<16xi32>
        %add3A_1565 = arith.constant 192 : i32
        %add3A_1566 = vector.broadcast %add3A_1565 : i32 to vector<16xi32>
        %add3A_1567 = arith.addi %add3A_1566, %iota3A : vector<16xi32>
        %scatter3A_1568 = arith.constant 1 : i32
        %scatter3A_1569 = arith.constant 0 : i32
        %scatter3A_1570 = arith.constant 0 : i32
        %scatter3A_1571 = tpu.memref_slice %arg4[%scatter3A_1568, %scatter3A_1569, %scatter3A_1570] : memref<4x100x256xf32, #tpu.memory_space<vmem>> -> memref<1x100x256xf32, #tpu.memory_space<vmem>>
        %scatter3A_1572 = tpu.memref_squeeze %scatter3A_1571 : memref<1x100x256xf32, #tpu.memory_space<vmem>> -> memref<100x256xf32, #tpu.memory_space<vmem>>
        tpu.vector_store_idx %scatter3A_1572[%select_n3A_1564, %add3A_1567], %broadcast_in_dim3A_14 : memref<100x256xf32, #tpu.memory_space<vmem>>[vector<16xi32>, vector<16xi32>], vector<16xf32>,
        %add3A_1573 = arith.constant 208 : i32
        %add3A_1574 = arith.addi %add3A_1338, %add3A_1573 : i32
        %get3A_1575 = arith.index_cast %add3A_1574 : i32 to index
        %get3A_1576 = tpu.vector_load %arg5[%get3A_1575] {strides = array<i32>} : memref<16384xi32, #tpu.memory_space<vmem>>, vector<16xi32>,
        %lt3A_1577 = arith.constant 0 : i32
        %lt3A_1578 = vector.broadcast %lt3A_1577 : i32 to vector<16xi32>
        %lt3A_1579 = arith.cmpi slt, %get3A_1576, %lt3A_1578 : vector<16xi32>
        %jit3A_1580 = arith.constant 55 : i32
        %broadcast_in_dim3A_1581 = vector.broadcast %jit3A_1580 : i32 to vector<16xi32>
        %select_n3A_1582 = arith.select %lt3A_1579, %broadcast_in_dim3A_1581, %get3A_1576 : vector<16xi1>, vector<16xi32>
        %add3A_1583 = arith.constant 208 : i32
        %add3A_1584 = vector.broadcast %add3A_1583 : i32 to vector<16xi32>
        %add3A_1585 = arith.addi %add3A_1584, %iota3A : vector<16xi32>
        %scatter3A_1586 = arith.constant 1 : i32
        %scatter3A_1587 = arith.constant 0 : i32
        %scatter3A_1588 = arith.constant 0 : i32
        %scatter3A_1589 = tpu.memref_slice %arg4[%scatter3A_1586, %scatter3A_1587, %scatter3A_1588] : memref<4x100x256xf32, #tpu.memory_space<vmem>> -> memref<1x100x256xf32, #tpu.memory_space<vmem>>
        %scatter3A_1590 = tpu.memref_squeeze %scatter3A_1589 : memref<1x100x256xf32, #tpu.memory_space<vmem>> -> memref<100x256xf32, #tpu.memory_space<vmem>>
        tpu.vector_store_idx %scatter3A_1590[%select_n3A_1582, %add3A_1585], %broadcast_in_dim3A_14 : memref<100x256xf32, #tpu.memory_space<vmem>>[vector<16xi32>, vector<16xi32>], vector<16xf32>,
        %add3A_1591 = arith.constant 224 : i32
        %add3A_1592 = arith.addi %add3A_1338, %add3A_1591 : i32
        %get3A_1593 = arith.index_cast %add3A_1592 : i32 to index
        %get3A_1594 = tpu.vector_load %arg5[%get3A_1593] {strides = array<i32>} : memref<16384xi32, #tpu.memory_space<vmem>>, vector<16xi32>,
        %lt3A_1595 = arith.constant 0 : i32
        %lt3A_1596 = vector.broadcast %lt3A_1595 : i32 to vector<16xi32>
        %lt3A_1597 = arith.cmpi slt, %get3A_1594, %lt3A_1596 : vector<16xi32>
        %jit3A_1598 = arith.constant 55 : i32
        %broadcast_in_dim3A_1599 = vector.broadcast %jit3A_1598 : i32 to vector<16xi32>
        %select_n3A_1600 = arith.select %lt3A_1597, %broadcast_in_dim3A_1599, %get3A_1594 : vector<16xi1>, vector<16xi32>
        %add3A_1601 = arith.constant 224 : i32
        %add3A_1602 = vector.broadcast %add3A_1601 : i32 to vector<16xi32>
        %add3A_1603 = arith.addi %add3A_1602, %iota3A : vector<16xi32>
        %scatter3A_1604 = arith.constant 1 : i32
        %scatter3A_1605 = arith.constant 0 : i32
        %scatter3A_1606 = arith.constant 0 : i32
        %scatter3A_1607 = tpu.memref_slice %arg4[%scatter3A_1604, %scatter3A_1605, %scatter3A_1606] : memref<4x100x256xf32, #tpu.memory_space<vmem>> -> memref<1x100x256xf32, #tpu.memory_space<vmem>>
        %scatter3A_1608 = tpu.memref_squeeze %scatter3A_1607 : memref<1x100x256xf32, #tpu.memory_space<vmem>> -> memref<100x256xf32, #tpu.memory_space<vmem>>
        tpu.vector_store_idx %scatter3A_1608[%select_n3A_1600, %add3A_1603], %broadcast_in_dim3A_14 : memref<100x256xf32, #tpu.memory_space<vmem>>[vector<16xi32>, vector<16xi32>], vector<16xf32>,
        %add3A_1609 = arith.constant 240 : i32
        %add3A_1610 = arith.addi %add3A_1338, %add3A_1609 : i32
        %get3A_1611 = arith.index_cast %add3A_1610 : i32 to index
        %get3A_1612 = tpu.vector_load %arg5[%get3A_1611] {strides = array<i32>} : memref<16384xi32, #tpu.memory_space<vmem>>, vector<16xi32>,
        %lt3A_1613 = arith.constant 0 : i32
        %lt3A_1614 = vector.broadcast %lt3A_1613 : i32 to vector<16xi32>
        %lt3A_1615 = arith.cmpi slt, %get3A_1612, %lt3A_1614 : vector<16xi32>
        %jit3A_1616 = arith.constant 55 : i32
        %broadcast_in_dim3A_1617 = vector.broadcast %jit3A_1616 : i32 to vector<16xi32>
        %select_n3A_1618 = arith.select %lt3A_1615, %broadcast_in_dim3A_1617, %get3A_1612 : vector<16xi1>, vector<16xi32>
        %add3A_1619 = arith.constant 240 : i32
        %add3A_1620 = vector.broadcast %add3A_1619 : i32 to vector<16xi32>
        %add3A_1621 = arith.addi %add3A_1620, %iota3A : vector<16xi32>
        %scatter3A_1622 = arith.constant 1 : i32
        %scatter3A_1623 = arith.constant 0 : i32
        %scatter3A_1624 = arith.constant 0 : i32
        %scatter3A_1625 = tpu.memref_slice %arg4[%scatter3A_1622, %scatter3A_1623, %scatter3A_1624] : memref<4x100x256xf32, #tpu.memory_space<vmem>> -> memref<1x100x256xf32, #tpu.memory_space<vmem>>
        %scatter3A_1626 = tpu.memref_squeeze %scatter3A_1625 : memref<1x100x256xf32, #tpu.memory_space<vmem>> -> memref<100x256xf32, #tpu.memory_space<vmem>>
        tpu.vector_store_idx %scatter3A_1626[%select_n3A_1618, %add3A_1621], %broadcast_in_dim3A_14 : memref<100x256xf32, #tpu.memory_space<vmem>>[vector<16xi32>, vector<16xi32>], vector<16xf32>,
        %add3A_1627 = arith.addi %add3A_4, %add3A_1293 : i32
        %mul3A_1628 = arith.constant 256 : i32
        %mul3A_1629 = arith.muli %add3A_1627, %mul3A_1628 : i32
        %dma_start3A_1630 = arith.constant 1 : i32
        %dma_start3A_1631 = arith.constant 0 : i32
        %dma_start3A_1632 = arith.constant 0 : i32
        %dma_start3A_1633 = tpu.memref_slice %arg4[%dma_start3A_1630, %dma_start3A_1631, %dma_start3A_1632] : memref<4x100x256xf32, #tpu.memory_space<vmem>> -> memref<1x100x256xf32, #tpu.memory_space<vmem>>
        %dma_start3A_1634 = tpu.memref_squeeze %dma_start3A_1633 : memref<1x100x256xf32, #tpu.memory_space<vmem>> -> memref<100x256xf32, #tpu.memory_space<vmem>>
        %dma_start3A_1635 = arith.constant 0 : i32
        %dma_start3A_1636 = tpu.memref_slice %arg3[%dma_start3A_1635, %mul3A_1629] : memref<100x500000xf32, #tpu.memory_space<hbm>> -> memref<100x256xf32, #tpu.memory_space<hbm>>
        %dma_start3A_1637 = arith.constant 0 : i32
        %dma_start3A_1638 = tpu.memref_slice %arg3[%dma_start3A_1637, %mul3A_1629] : memref<100x500000xf32, #tpu.memory_space<hbm>> -> memref<100x256xf32, #tpu.memory_space<hbm>>
        %dma_start3A_1639 = arith.constant 0 : i32
        %dma_start3A_1640 = arith.constant 0 : i32
        %dma_start3A_1641 = tpu.memref_slice %arg4[%dma_start3A_1630, %dma_start3A_1639, %dma_start3A_1640] : memref<4x100x256xf32, #tpu.memory_space<vmem>> -> memref<1x100x256xf32, #tpu.memory_space<vmem>>
        %dma_start3A_1642 = tpu.memref_squeeze %dma_start3A_1641 : memref<1x100x256xf32, #tpu.memory_space<vmem>> -> memref<100x256xf32, #tpu.memory_space<vmem>>
        tpu.enqueue_dma source(%dma_start3A_1642 : memref<100x256xf32, #tpu.memory_space<vmem>>) target(%dma_start3A_1638 : memref<100x256xf32, #tpu.memory_space<hbm>>) target_semaphore(%arg8 : memref<!tpu.dma_semaphore, #tpu.memory_space<semaphore_mem>>)
      } else {
      }
      %mul3A_1304 = arith.constant 4 : i32
      %mul3A_1305 = arith.muli %mul3A_1304, %scan3A_1273 : i32
      %add3A_1306 = arith.constant 2 : i32
      %add3A_1307 = arith.addi %mul3A_1305, %add3A_1306 : i32
      %add3A_1308 = arith.constant 4 : i32
      %add3A_1309 = arith.addi %add3A_1307, %add3A_1308 : i32
      %sub3A_1310 = arith.constant 4 : i32
      %sub3A_1311 = arith.subi %add3A_1309, %sub3A_1310 : i32
      %lt3A_1312 = arith.cmpi slt, %sub3A_1311, %select_n3A : i32
      %convert_element_type3A_1313 = arith.extui %lt3A_1312 : i1 to i32
      %cond3A_1314 = arith.constant 0 : i32
      %cond3A_1315 = arith.cmpi ne, %convert_element_type3A_1313, %cond3A_1314 : i32
      scf.if %cond3A_1315 {
        %sub3A_1336 = arith.constant 4 : i32
        %sub3A_1337 = arith.subi %add3A_1309, %sub3A_1336 : i32
        %add3A_1338 = arith.addi %add3A_4, %sub3A_1337 : i32
        %mul3A_1339 = arith.constant 256 : i32
        %mul3A_1340 = arith.muli %add3A_1338, %mul3A_1339 : i32
        %dma_wait3A_1341 = arith.constant 2 : i32
        %dma_wait3A_1342 = arith.constant 0 : i32
        %dma_wait3A_1343 = arith.constant 0 : i32
        %dma_wait3A_1344 = tpu.memref_slice %arg4[%dma_wait3A_1341, %dma_wait3A_1342, %dma_wait3A_1343] : memref<4x100x256xf32, #tpu.memory_space<vmem>> -> memref<1x100x256xf32, #tpu.memory_space<vmem>>
        %dma_wait3A_1345 = tpu.memref_squeeze %dma_wait3A_1344 : memref<1x100x256xf32, #tpu.memory_space<vmem>> -> memref<100x256xf32, #tpu.memory_space<vmem>>
        %dma_wait3A_1346 = arith.constant 0 : i32
        %dma_wait3A_1347 = tpu.memref_slice %arg3[%dma_wait3A_1346, %mul3A_1340] : memref<100x500000xf32, #tpu.memory_space<hbm>> -> memref<100x256xf32, #tpu.memory_space<hbm>>
        %dma_wait3A_1348 = arith.constant 0 : i32
        %dma_wait3A_1349 = tpu.memref_slice %arg3[%dma_wait3A_1348, %mul3A_1340] : memref<100x500000xf32, #tpu.memory_space<hbm>> -> memref<100x256xf32, #tpu.memory_space<hbm>>
        %dma_wait3A_1350 = arith.constant 0 : i32
        %dma_wait3A_1351 = arith.constant 0 : i32
        %dma_wait3A_1352 = tpu.memref_slice %arg4[%dma_wait3A_1341, %dma_wait3A_1350, %dma_wait3A_1351] : memref<4x100x256xf32, #tpu.memory_space<vmem>> -> memref<1x100x256xf32, #tpu.memory_space<vmem>>
        %dma_wait3A_1353 = tpu.memref_squeeze %dma_wait3A_1352 : memref<1x100x256xf32, #tpu.memory_space<vmem>> -> memref<100x256xf32, #tpu.memory_space<vmem>>
        tpu.wait_dma2 semaphore(%arg9 : memref<!tpu.dma_semaphore, #tpu.memory_space<semaphore_mem>>) src(%dma_wait3A_1353 : memref<100x256xf32, #tpu.memory_space<vmem>>) dst(%dma_wait3A_1349 : memref<100x256xf32, #tpu.memory_space<hbm>>)
        %mul3A_1354 = arith.constant 256 : i32
        %mul3A_1355 = arith.muli %sub3A_1337, %mul3A_1354 : i32
        %add3A_1356 = arith.addi %sub3A, %mul3A_1355 : i32
        %add3A_1357 = arith.constant 0 : i32
        %add3A_1358 = arith.addi %add3A_1356, %add3A_1357 : i32
        %get3A_1359 = arith.index_cast %add3A_1358 : i32 to index
        %get3A_1360 = tpu.vector_load %arg5[%get3A_1359] {strides = array<i32>} : memref<16384xi32, #tpu.memory_space<vmem>>, vector<16xi32>,
        %lt3A_1361 = arith.constant 0 : i32
        %lt3A_1362 = vector.broadcast %lt3A_1361 : i32 to vector<16xi32>
        %lt3A_1363 = arith.cmpi slt, %get3A_1360, %lt3A_1362 : vector<16xi32>
        %jit3A_1364 = arith.constant 55 : i32
        %broadcast_in_dim3A_1365 = vector.broadcast %jit3A_1364 : i32 to vector<16xi32>
        %select_n3A_1366 = arith.select %lt3A_1363, %broadcast_in_dim3A_1365, %get3A_1360 : vector<16xi1>, vector<16xi32>
        %add3A_1367 = arith.constant 0 : i32
        %add3A_1368 = vector.broadcast %add3A_1367 : i32 to vector<16xi32>
        %add3A_1369 = arith.addi %add3A_1368, %iota3A : vector<16xi32>
        %scatter3A_1370 = arith.constant 2 : i32
        %scatter3A_1371 = arith.constant 0 : i32
        %scatter3A_1372 = arith.constant 0 : i32
        %scatter3A_1373 = tpu.memref_slice %arg4[%scatter3A_1370, %scatter3A_1371, %scatter3A_1372] : memref<4x100x256xf32, #tpu.memory_space<vmem>> -> memref<1x100x256xf32, #tpu.memory_space<vmem>>
        %scatter3A_1374 = tpu.memref_squeeze %scatter3A_1373 : memref<1x100x256xf32, #tpu.memory_space<vmem>> -> memref<100x256xf32, #tpu.memory_space<vmem>>
        tpu.vector_store_idx %scatter3A_1374[%select_n3A_1366, %add3A_1369], %broadcast_in_dim3A_16 : memref<100x256xf32, #tpu.memory_space<vmem>>[vector<16xi32>, vector<16xi32>], vector<16xf32>,
        %add3A_1375 = arith.constant 16 : i32
        %add3A_1376 = arith.addi %add3A_1356, %add3A_1375 : i32
        %get3A_1377 = arith.index_cast %add3A_1376 : i32 to index
        %get3A_1378 = tpu.vector_load %arg5[%get3A_1377] {strides = array<i32>} : memref<16384xi32, #tpu.memory_space<vmem>>, vector<16xi32>,
        %lt3A_1379 = arith.constant 0 : i32
        %lt3A_1380 = vector.broadcast %lt3A_1379 : i32 to vector<16xi32>
        %lt3A_1381 = arith.cmpi slt, %get3A_1378, %lt3A_1380 : vector<16xi32>
        %jit3A_1382 = arith.constant 55 : i32
        %broadcast_in_dim3A_1383 = vector.broadcast %jit3A_1382 : i32 to vector<16xi32>
        %select_n3A_1384 = arith.select %lt3A_1381, %broadcast_in_dim3A_1383, %get3A_1378 : vector<16xi1>, vector<16xi32>
        %add3A_1385 = arith.constant 16 : i32
        %add3A_1386 = vector.broadcast %add3A_1385 : i32 to vector<16xi32>
        %add3A_1387 = arith.addi %add3A_1386, %iota3A : vector<16xi32>
        %scatter3A_1388 = arith.constant 2 : i32
        %scatter3A_1389 = arith.constant 0 : i32
        %scatter3A_1390 = arith.constant 0 : i32
        %scatter3A_1391 = tpu.memref_slice %arg4[%scatter3A_1388, %scatter3A_1389, %scatter3A_1390] : memref<4x100x256xf32, #tpu.memory_space<vmem>> -> memref<1x100x256xf32, #tpu.memory_space<vmem>>
        %scatter3A_1392 = tpu.memref_squeeze %scatter3A_1391 : memref<1x100x256xf32, #tpu.memory_space<vmem>> -> memref<100x256xf32, #tpu.memory_space<vmem>>
        tpu.vector_store_idx %scatter3A_1392[%select_n3A_1384, %add3A_1387], %broadcast_in_dim3A_16 : memref<100x256xf32, #tpu.memory_space<vmem>>[vector<16xi32>, vector<16xi32>], vector<16xf32>,
        %add3A_1393 = arith.constant 32 : i32
        %add3A_1394 = arith.addi %add3A_1356, %add3A_1393 : i32
        %get3A_1395 = arith.index_cast %add3A_1394 : i32 to index
        %get3A_1396 = tpu.vector_load %arg5[%get3A_1395] {strides = array<i32>} : memref<16384xi32, #tpu.memory_space<vmem>>, vector<16xi32>,
        %lt3A_1397 = arith.constant 0 : i32
        %lt3A_1398 = vector.broadcast %lt3A_1397 : i32 to vector<16xi32>
        %lt3A_1399 = arith.cmpi slt, %get3A_1396, %lt3A_1398 : vector<16xi32>
        %jit3A_1400 = arith.constant 55 : i32
        %broadcast_in_dim3A_1401 = vector.broadcast %jit3A_1400 : i32 to vector<16xi32>
        %select_n3A_1402 = arith.select %lt3A_1399, %broadcast_in_dim3A_1401, %get3A_1396 : vector<16xi1>, vector<16xi32>
        %add3A_1403 = arith.constant 32 : i32
        %add3A_1404 = vector.broadcast %add3A_1403 : i32 to vector<16xi32>
        %add3A_1405 = arith.addi %add3A_1404, %iota3A : vector<16xi32>
        %scatter3A_1406 = arith.constant 2 : i32
        %scatter3A_1407 = arith.constant 0 : i32
        %scatter3A_1408 = arith.constant 0 : i32
        %scatter3A_1409 = tpu.memref_slice %arg4[%scatter3A_1406, %scatter3A_1407, %scatter3A_1408] : memref<4x100x256xf32, #tpu.memory_space<vmem>> -> memref<1x100x256xf32, #tpu.memory_space<vmem>>
        %scatter3A_1410 = tpu.memref_squeeze %scatter3A_1409 : memref<1x100x256xf32, #tpu.memory_space<vmem>> -> memref<100x256xf32, #tpu.memory_space<vmem>>
        tpu.vector_store_idx %scatter3A_1410[%select_n3A_1402, %add3A_1405], %broadcast_in_dim3A_16 : memref<100x256xf32, #tpu.memory_space<vmem>>[vector<16xi32>, vector<16xi32>], vector<16xf32>,
        %add3A_1411 = arith.constant 48 : i32
        %add3A_1412 = arith.addi %add3A_1356, %add3A_1411 : i32
        %get3A_1413 = arith.index_cast %add3A_1412 : i32 to index
        %get3A_1414 = tpu.vector_load %arg5[%get3A_1413] {strides = array<i32>} : memref<16384xi32, #tpu.memory_space<vmem>>, vector<16xi32>,
        %lt3A_1415 = arith.constant 0 : i32
        %lt3A_1416 = vector.broadcast %lt3A_1415 : i32 to vector<16xi32>
        %lt3A_1417 = arith.cmpi slt, %get3A_1414, %lt3A_1416 : vector<16xi32>
        %jit3A_1418 = arith.constant 55 : i32
        %broadcast_in_dim3A_1419 = vector.broadcast %jit3A_1418 : i32 to vector<16xi32>
        %select_n3A_1420 = arith.select %lt3A_1417, %broadcast_in_dim3A_1419, %get3A_1414 : vector<16xi1>, vector<16xi32>
        %add3A_1421 = arith.constant 48 : i32
        %add3A_1422 = vector.broadcast %add3A_1421 : i32 to vector<16xi32>
        %add3A_1423 = arith.addi %add3A_1422, %iota3A : vector<16xi32>
        %scatter3A_1424 = arith.constant 2 : i32
        %scatter3A_1425 = arith.constant 0 : i32
        %scatter3A_1426 = arith.constant 0 : i32
        %scatter3A_1427 = tpu.memref_slice %arg4[%scatter3A_1424, %scatter3A_1425, %scatter3A_1426] : memref<4x100x256xf32, #tpu.memory_space<vmem>> -> memref<1x100x256xf32, #tpu.memory_space<vmem>>
        %scatter3A_1428 = tpu.memref_squeeze %scatter3A_1427 : memref<1x100x256xf32, #tpu.memory_space<vmem>> -> memref<100x256xf32, #tpu.memory_space<vmem>>
        tpu.vector_store_idx %scatter3A_1428[%select_n3A_1420, %add3A_1423], %broadcast_in_dim3A_16 : memref<100x256xf32, #tpu.memory_space<vmem>>[vector<16xi32>, vector<16xi32>], vector<16xf32>,
        %add3A_1429 = arith.constant 64 : i32
        %add3A_1430 = arith.addi %add3A_1356, %add3A_1429 : i32
        %get3A_1431 = arith.index_cast %add3A_1430 : i32 to index
        %get3A_1432 = tpu.vector_load %arg5[%get3A_1431] {strides = array<i32>} : memref<16384xi32, #tpu.memory_space<vmem>>, vector<16xi32>,
        %lt3A_1433 = arith.constant 0 : i32
        %lt3A_1434 = vector.broadcast %lt3A_1433 : i32 to vector<16xi32>
        %lt3A_1435 = arith.cmpi slt, %get3A_1432, %lt3A_1434 : vector<16xi32>
        %jit3A_1436 = arith.constant 55 : i32
        %broadcast_in_dim3A_1437 = vector.broadcast %jit3A_1436 : i32 to vector<16xi32>
        %select_n3A_1438 = arith.select %lt3A_1435, %broadcast_in_dim3A_1437, %get3A_1432 : vector<16xi1>, vector<16xi32>
        %add3A_1439 = arith.constant 64 : i32
        %add3A_1440 = vector.broadcast %add3A_1439 : i32 to vector<16xi32>
        %add3A_1441 = arith.addi %add3A_1440, %iota3A : vector<16xi32>
        %scatter3A_1442 = arith.constant 2 : i32
        %scatter3A_1443 = arith.constant 0 : i32
        %scatter3A_1444 = arith.constant 0 : i32
        %scatter3A_1445 = tpu.memref_slice %arg4[%scatter3A_1442, %scatter3A_1443, %scatter3A_1444] : memref<4x100x256xf32, #tpu.memory_space<vmem>> -> memref<1x100x256xf32, #tpu.memory_space<vmem>>
        %scatter3A_1446 = tpu.memref_squeeze %scatter3A_1445 : memref<1x100x256xf32, #tpu.memory_space<vmem>> -> memref<100x256xf32, #tpu.memory_space<vmem>>
        tpu.vector_store_idx %scatter3A_1446[%select_n3A_1438, %add3A_1441], %broadcast_in_dim3A_16 : memref<100x256xf32, #tpu.memory_space<vmem>>[vector<16xi32>, vector<16xi32>], vector<16xf32>,
        %add3A_1447 = arith.constant 80 : i32
        %add3A_1448 = arith.addi %add3A_1356, %add3A_1447 : i32
        %get3A_1449 = arith.index_cast %add3A_1448 : i32 to index
        %get3A_1450 = tpu.vector_load %arg5[%get3A_1449] {strides = array<i32>} : memref<16384xi32, #tpu.memory_space<vmem>>, vector<16xi32>,
        %lt3A_1451 = arith.constant 0 : i32
        %lt3A_1452 = vector.broadcast %lt3A_1451 : i32 to vector<16xi32>
        %lt3A_1453 = arith.cmpi slt, %get3A_1450, %lt3A_1452 : vector<16xi32>
        %jit3A_1454 = arith.constant 55 : i32
        %broadcast_in_dim3A_1455 = vector.broadcast %jit3A_1454 : i32 to vector<16xi32>
        %select_n3A_1456 = arith.select %lt3A_1453, %broadcast_in_dim3A_1455, %get3A_1450 : vector<16xi1>, vector<16xi32>
        %add3A_1457 = arith.constant 80 : i32
        %add3A_1458 = vector.broadcast %add3A_1457 : i32 to vector<16xi32>
        %add3A_1459 = arith.addi %add3A_1458, %iota3A : vector<16xi32>
        %scatter3A_1460 = arith.constant 2 : i32
        %scatter3A_1461 = arith.constant 0 : i32
        %scatter3A_1462 = arith.constant 0 : i32
        %scatter3A_1463 = tpu.memref_slice %arg4[%scatter3A_1460, %scatter3A_1461, %scatter3A_1462] : memref<4x100x256xf32, #tpu.memory_space<vmem>> -> memref<1x100x256xf32, #tpu.memory_space<vmem>>
        %scatter3A_1464 = tpu.memref_squeeze %scatter3A_1463 : memref<1x100x256xf32, #tpu.memory_space<vmem>> -> memref<100x256xf32, #tpu.memory_space<vmem>>
        tpu.vector_store_idx %scatter3A_1464[%select_n3A_1456, %add3A_1459], %broadcast_in_dim3A_16 : memref<100x256xf32, #tpu.memory_space<vmem>>[vector<16xi32>, vector<16xi32>], vector<16xf32>,
        %add3A_1465 = arith.constant 96 : i32
        %add3A_1466 = arith.addi %add3A_1356, %add3A_1465 : i32
        %get3A_1467 = arith.index_cast %add3A_1466 : i32 to index
        %get3A_1468 = tpu.vector_load %arg5[%get3A_1467] {strides = array<i32>} : memref<16384xi32, #tpu.memory_space<vmem>>, vector<16xi32>,
        %lt3A_1469 = arith.constant 0 : i32
        %lt3A_1470 = vector.broadcast %lt3A_1469 : i32 to vector<16xi32>
        %lt3A_1471 = arith.cmpi slt, %get3A_1468, %lt3A_1470 : vector<16xi32>
        %jit3A_1472 = arith.constant 55 : i32
        %broadcast_in_dim3A_1473 = vector.broadcast %jit3A_1472 : i32 to vector<16xi32>
        %select_n3A_1474 = arith.select %lt3A_1471, %broadcast_in_dim3A_1473, %get3A_1468 : vector<16xi1>, vector<16xi32>
        %add3A_1475 = arith.constant 96 : i32
        %add3A_1476 = vector.broadcast %add3A_1475 : i32 to vector<16xi32>
        %add3A_1477 = arith.addi %add3A_1476, %iota3A : vector<16xi32>
        %scatter3A_1478 = arith.constant 2 : i32
        %scatter3A_1479 = arith.constant 0 : i32
        %scatter3A_1480 = arith.constant 0 : i32
        %scatter3A_1481 = tpu.memref_slice %arg4[%scatter3A_1478, %scatter3A_1479, %scatter3A_1480] : memref<4x100x256xf32, #tpu.memory_space<vmem>> -> memref<1x100x256xf32, #tpu.memory_space<vmem>>
        %scatter3A_1482 = tpu.memref_squeeze %scatter3A_1481 : memref<1x100x256xf32, #tpu.memory_space<vmem>> -> memref<100x256xf32, #tpu.memory_space<vmem>>
        tpu.vector_store_idx %scatter3A_1482[%select_n3A_1474, %add3A_1477], %broadcast_in_dim3A_16 : memref<100x256xf32, #tpu.memory_space<vmem>>[vector<16xi32>, vector<16xi32>], vector<16xf32>,
        %add3A_1483 = arith.constant 112 : i32
        %add3A_1484 = arith.addi %add3A_1356, %add3A_1483 : i32
        %get3A_1485 = arith.index_cast %add3A_1484 : i32 to index
        %get3A_1486 = tpu.vector_load %arg5[%get3A_1485] {strides = array<i32>} : memref<16384xi32, #tpu.memory_space<vmem>>, vector<16xi32>,
        %lt3A_1487 = arith.constant 0 : i32
        %lt3A_1488 = vector.broadcast %lt3A_1487 : i32 to vector<16xi32>
        %lt3A_1489 = arith.cmpi slt, %get3A_1486, %lt3A_1488 : vector<16xi32>
        %jit3A_1490 = arith.constant 55 : i32
        %broadcast_in_dim3A_1491 = vector.broadcast %jit3A_1490 : i32 to vector<16xi32>
        %select_n3A_1492 = arith.select %lt3A_1489, %broadcast_in_dim3A_1491, %get3A_1486 : vector<16xi1>, vector<16xi32>
        %add3A_1493 = arith.constant 112 : i32
        %add3A_1494 = vector.broadcast %add3A_1493 : i32 to vector<16xi32>
        %add3A_1495 = arith.addi %add3A_1494, %iota3A : vector<16xi32>
        %scatter3A_1496 = arith.constant 2 : i32
        %scatter3A_1497 = arith.constant 0 : i32
        %scatter3A_1498 = arith.constant 0 : i32
        %scatter3A_1499 = tpu.memref_slice %arg4[%scatter3A_1496, %scatter3A_1497, %scatter3A_1498] : memref<4x100x256xf32, #tpu.memory_space<vmem>> -> memref<1x100x256xf32, #tpu.memory_space<vmem>>
        %scatter3A_1500 = tpu.memref_squeeze %scatter3A_1499 : memref<1x100x256xf32, #tpu.memory_space<vmem>> -> memref<100x256xf32, #tpu.memory_space<vmem>>
        tpu.vector_store_idx %scatter3A_1500[%select_n3A_1492, %add3A_1495], %broadcast_in_dim3A_16 : memref<100x256xf32, #tpu.memory_space<vmem>>[vector<16xi32>, vector<16xi32>], vector<16xf32>,
        %add3A_1501 = arith.constant 128 : i32
        %add3A_1502 = arith.addi %add3A_1356, %add3A_1501 : i32
        %get3A_1503 = arith.index_cast %add3A_1502 : i32 to index
        %get3A_1504 = tpu.vector_load %arg5[%get3A_1503] {strides = array<i32>} : memref<16384xi32, #tpu.memory_space<vmem>>, vector<16xi32>,
        %lt3A_1505 = arith.constant 0 : i32
        %lt3A_1506 = vector.broadcast %lt3A_1505 : i32 to vector<16xi32>
        %lt3A_1507 = arith.cmpi slt, %get3A_1504, %lt3A_1506 : vector<16xi32>
        %jit3A_1508 = arith.constant 55 : i32
        %broadcast_in_dim3A_1509 = vector.broadcast %jit3A_1508 : i32 to vector<16xi32>
        %select_n3A_1510 = arith.select %lt3A_1507, %broadcast_in_dim3A_1509, %get3A_1504 : vector<16xi1>, vector<16xi32>
        %add3A_1511 = arith.constant 128 : i32
        %add3A_1512 = vector.broadcast %add3A_1511 : i32 to vector<16xi32>
        %add3A_1513 = arith.addi %add3A_1512, %iota3A : vector<16xi32>
        %scatter3A_1514 = arith.constant 2 : i32
        %scatter3A_1515 = arith.constant 0 : i32
        %scatter3A_1516 = arith.constant 0 : i32
        %scatter3A_1517 = tpu.memref_slice %arg4[%scatter3A_1514, %scatter3A_1515, %scatter3A_1516] : memref<4x100x256xf32, #tpu.memory_space<vmem>> -> memref<1x100x256xf32, #tpu.memory_space<vmem>>
        %scatter3A_1518 = tpu.memref_squeeze %scatter3A_1517 : memref<1x100x256xf32, #tpu.memory_space<vmem>> -> memref<100x256xf32, #tpu.memory_space<vmem>>
        tpu.vector_store_idx %scatter3A_1518[%select_n3A_1510, %add3A_1513], %broadcast_in_dim3A_16 : memref<100x256xf32, #tpu.memory_space<vmem>>[vector<16xi32>, vector<16xi32>], vector<16xf32>,
        %add3A_1519 = arith.constant 144 : i32
        %add3A_1520 = arith.addi %add3A_1356, %add3A_1519 : i32
        %get3A_1521 = arith.index_cast %add3A_1520 : i32 to index
        %get3A_1522 = tpu.vector_load %arg5[%get3A_1521] {strides = array<i32>} : memref<16384xi32, #tpu.memory_space<vmem>>, vector<16xi32>,
        %lt3A_1523 = arith.constant 0 : i32
        %lt3A_1524 = vector.broadcast %lt3A_1523 : i32 to vector<16xi32>
        %lt3A_1525 = arith.cmpi slt, %get3A_1522, %lt3A_1524 : vector<16xi32>
        %jit3A_1526 = arith.constant 55 : i32
        %broadcast_in_dim3A_1527 = vector.broadcast %jit3A_1526 : i32 to vector<16xi32>
        %select_n3A_1528 = arith.select %lt3A_1525, %broadcast_in_dim3A_1527, %get3A_1522 : vector<16xi1>, vector<16xi32>
        %add3A_1529 = arith.constant 144 : i32
        %add3A_1530 = vector.broadcast %add3A_1529 : i32 to vector<16xi32>
        %add3A_1531 = arith.addi %add3A_1530, %iota3A : vector<16xi32>
        %scatter3A_1532 = arith.constant 2 : i32
        %scatter3A_1533 = arith.constant 0 : i32
        %scatter3A_1534 = arith.constant 0 : i32
        %scatter3A_1535 = tpu.memref_slice %arg4[%scatter3A_1532, %scatter3A_1533, %scatter3A_1534] : memref<4x100x256xf32, #tpu.memory_space<vmem>> -> memref<1x100x256xf32, #tpu.memory_space<vmem>>
        %scatter3A_1536 = tpu.memref_squeeze %scatter3A_1535 : memref<1x100x256xf32, #tpu.memory_space<vmem>> -> memref<100x256xf32, #tpu.memory_space<vmem>>
        tpu.vector_store_idx %scatter3A_1536[%select_n3A_1528, %add3A_1531], %broadcast_in_dim3A_16 : memref<100x256xf32, #tpu.memory_space<vmem>>[vector<16xi32>, vector<16xi32>], vector<16xf32>,
        %add3A_1537 = arith.constant 160 : i32
        %add3A_1538 = arith.addi %add3A_1356, %add3A_1537 : i32
        %get3A_1539 = arith.index_cast %add3A_1538 : i32 to index
        %get3A_1540 = tpu.vector_load %arg5[%get3A_1539] {strides = array<i32>} : memref<16384xi32, #tpu.memory_space<vmem>>, vector<16xi32>,
        %lt3A_1541 = arith.constant 0 : i32
        %lt3A_1542 = vector.broadcast %lt3A_1541 : i32 to vector<16xi32>
        %lt3A_1543 = arith.cmpi slt, %get3A_1540, %lt3A_1542 : vector<16xi32>
        %jit3A_1544 = arith.constant 55 : i32
        %broadcast_in_dim3A_1545 = vector.broadcast %jit3A_1544 : i32 to vector<16xi32>
        %select_n3A_1546 = arith.select %lt3A_1543, %broadcast_in_dim3A_1545, %get3A_1540 : vector<16xi1>, vector<16xi32>
        %add3A_1547 = arith.constant 160 : i32
        %add3A_1548 = vector.broadcast %add3A_1547 : i32 to vector<16xi32>
        %add3A_1549 = arith.addi %add3A_1548, %iota3A : vector<16xi32>
        %scatter3A_1550 = arith.constant 2 : i32
        %scatter3A_1551 = arith.constant 0 : i32
        %scatter3A_1552 = arith.constant 0 : i32
        %scatter3A_1553 = tpu.memref_slice %arg4[%scatter3A_1550, %scatter3A_1551, %scatter3A_1552] : memref<4x100x256xf32, #tpu.memory_space<vmem>> -> memref<1x100x256xf32, #tpu.memory_space<vmem>>
        %scatter3A_1554 = tpu.memref_squeeze %scatter3A_1553 : memref<1x100x256xf32, #tpu.memory_space<vmem>> -> memref<100x256xf32, #tpu.memory_space<vmem>>
        tpu.vector_store_idx %scatter3A_1554[%select_n3A_1546, %add3A_1549], %broadcast_in_dim3A_16 : memref<100x256xf32, #tpu.memory_space<vmem>>[vector<16xi32>, vector<16xi32>], vector<16xf32>,
        %add3A_1555 = arith.constant 176 : i32
        %add3A_1556 = arith.addi %add3A_1356, %add3A_1555 : i32
        %get3A_1557 = arith.index_cast %add3A_1556 : i32 to index
        %get3A_1558 = tpu.vector_load %arg5[%get3A_1557] {strides = array<i32>} : memref<16384xi32, #tpu.memory_space<vmem>>, vector<16xi32>,
        %lt3A_1559 = arith.constant 0 : i32
        %lt3A_1560 = vector.broadcast %lt3A_1559 : i32 to vector<16xi32>
        %lt3A_1561 = arith.cmpi slt, %get3A_1558, %lt3A_1560 : vector<16xi32>
        %jit3A_1562 = arith.constant 55 : i32
        %broadcast_in_dim3A_1563 = vector.broadcast %jit3A_1562 : i32 to vector<16xi32>
        %select_n3A_1564 = arith.select %lt3A_1561, %broadcast_in_dim3A_1563, %get3A_1558 : vector<16xi1>, vector<16xi32>
        %add3A_1565 = arith.constant 176 : i32
        %add3A_1566 = vector.broadcast %add3A_1565 : i32 to vector<16xi32>
        %add3A_1567 = arith.addi %add3A_1566, %iota3A : vector<16xi32>
        %scatter3A_1568 = arith.constant 2 : i32
        %scatter3A_1569 = arith.constant 0 : i32
        %scatter3A_1570 = arith.constant 0 : i32
        %scatter3A_1571 = tpu.memref_slice %arg4[%scatter3A_1568, %scatter3A_1569, %scatter3A_1570] : memref<4x100x256xf32, #tpu.memory_space<vmem>> -> memref<1x100x256xf32, #tpu.memory_space<vmem>>
        %scatter3A_1572 = tpu.memref_squeeze %scatter3A_1571 : memref<1x100x256xf32, #tpu.memory_space<vmem>> -> memref<100x256xf32, #tpu.memory_space<vmem>>
        tpu.vector_store_idx %scatter3A_1572[%select_n3A_1564, %add3A_1567], %broadcast_in_dim3A_16 : memref<100x256xf32, #tpu.memory_space<vmem>>[vector<16xi32>, vector<16xi32>], vector<16xf32>,
        %add3A_1573 = arith.constant 192 : i32
        %add3A_1574 = arith.addi %add3A_1356, %add3A_1573 : i32
        %get3A_1575 = arith.index_cast %add3A_1574 : i32 to index
        %get3A_1576 = tpu.vector_load %arg5[%get3A_1575] {strides = array<i32>} : memref<16384xi32, #tpu.memory_space<vmem>>, vector<16xi32>,
        %lt3A_1577 = arith.constant 0 : i32
        %lt3A_1578 = vector.broadcast %lt3A_1577 : i32 to vector<16xi32>
        %lt3A_1579 = arith.cmpi slt, %get3A_1576, %lt3A_1578 : vector<16xi32>
        %jit3A_1580 = arith.constant 55 : i32
        %broadcast_in_dim3A_1581 = vector.broadcast %jit3A_1580 : i32 to vector<16xi32>
        %select_n3A_1582 = arith.select %lt3A_1579, %broadcast_in_dim3A_1581, %get3A_1576 : vector<16xi1>, vector<16xi32>
        %add3A_1583 = arith.constant 192 : i32
        %add3A_1584 = vector.broadcast %add3A_1583 : i32 to vector<16xi32>
        %add3A_1585 = arith.addi %add3A_1584, %iota3A : vector<16xi32>
        %scatter3A_1586 = arith.constant 2 : i32
        %scatter3A_1587 = arith.constant 0 : i32
        %scatter3A_1588 = arith.constant 0 : i32
        %scatter3A_1589 = tpu.memref_slice %arg4[%scatter3A_1586, %scatter3A_1587, %scatter3A_1588] : memref<4x100x256xf32, #tpu.memory_space<vmem>> -> memref<1x100x256xf32, #tpu.memory_space<vmem>>
        %scatter3A_1590 = tpu.memref_squeeze %scatter3A_1589 : memref<1x100x256xf32, #tpu.memory_space<vmem>> -> memref<100x256xf32, #tpu.memory_space<vmem>>
        tpu.vector_store_idx %scatter3A_1590[%select_n3A_1582, %add3A_1585], %broadcast_in_dim3A_16 : memref<100x256xf32, #tpu.memory_space<vmem>>[vector<16xi32>, vector<16xi32>], vector<16xf32>,
        %add3A_1591 = arith.constant 208 : i32
        %add3A_1592 = arith.addi %add3A_1356, %add3A_1591 : i32
        %get3A_1593 = arith.index_cast %add3A_1592 : i32 to index
        %get3A_1594 = tpu.vector_load %arg5[%get3A_1593] {strides = array<i32>} : memref<16384xi32, #tpu.memory_space<vmem>>, vector<16xi32>,
        %lt3A_1595 = arith.constant 0 : i32
        %lt3A_1596 = vector.broadcast %lt3A_1595 : i32 to vector<16xi32>
        %lt3A_1597 = arith.cmpi slt, %get3A_1594, %lt3A_1596 : vector<16xi32>
        %jit3A_1598 = arith.constant 55 : i32
        %broadcast_in_dim3A_1599 = vector.broadcast %jit3A_1598 : i32 to vector<16xi32>
        %select_n3A_1600 = arith.select %lt3A_1597, %broadcast_in_dim3A_1599, %get3A_1594 : vector<16xi1>, vector<16xi32>
        %add3A_1601 = arith.constant 208 : i32
        %add3A_1602 = vector.broadcast %add3A_1601 : i32 to vector<16xi32>
        %add3A_1603 = arith.addi %add3A_1602, %iota3A : vector<16xi32>
        %scatter3A_1604 = arith.constant 2 : i32
        %scatter3A_1605 = arith.constant 0 : i32
        %scatter3A_1606 = arith.constant 0 : i32
        %scatter3A_1607 = tpu.memref_slice %arg4[%scatter3A_1604, %scatter3A_1605, %scatter3A_1606] : memref<4x100x256xf32, #tpu.memory_space<vmem>> -> memref<1x100x256xf32, #tpu.memory_space<vmem>>
        %scatter3A_1608 = tpu.memref_squeeze %scatter3A_1607 : memref<1x100x256xf32, #tpu.memory_space<vmem>> -> memref<100x256xf32, #tpu.memory_space<vmem>>
        tpu.vector_store_idx %scatter3A_1608[%select_n3A_1600, %add3A_1603], %broadcast_in_dim3A_16 : memref<100x256xf32, #tpu.memory_space<vmem>>[vector<16xi32>, vector<16xi32>], vector<16xf32>,
        %add3A_1609 = arith.constant 224 : i32
        %add3A_1610 = arith.addi %add3A_1356, %add3A_1609 : i32
        %get3A_1611 = arith.index_cast %add3A_1610 : i32 to index
        %get3A_1612 = tpu.vector_load %arg5[%get3A_1611] {strides = array<i32>} : memref<16384xi32, #tpu.memory_space<vmem>>, vector<16xi32>,
        %lt3A_1613 = arith.constant 0 : i32
        %lt3A_1614 = vector.broadcast %lt3A_1613 : i32 to vector<16xi32>
        %lt3A_1615 = arith.cmpi slt, %get3A_1612, %lt3A_1614 : vector<16xi32>
        %jit3A_1616 = arith.constant 55 : i32
        %broadcast_in_dim3A_1617 = vector.broadcast %jit3A_1616 : i32 to vector<16xi32>
        %select_n3A_1618 = arith.select %lt3A_1615, %broadcast_in_dim3A_1617, %get3A_1612 : vector<16xi1>, vector<16xi32>
        %add3A_1619 = arith.constant 224 : i32
        %add3A_1620 = vector.broadcast %add3A_1619 : i32 to vector<16xi32>
        %add3A_1621 = arith.addi %add3A_1620, %iota3A : vector<16xi32>
        %scatter3A_1622 = arith.constant 2 : i32
        %scatter3A_1623 = arith.constant 0 : i32
        %scatter3A_1624 = arith.constant 0 : i32
        %scatter3A_1625 = tpu.memref_slice %arg4[%scatter3A_1622, %scatter3A_1623, %scatter3A_1624] : memref<4x100x256xf32, #tpu.memory_space<vmem>> -> memref<1x100x256xf32, #tpu.memory_space<vmem>>
        %scatter3A_1626 = tpu.memref_squeeze %scatter3A_1625 : memref<1x100x256xf32, #tpu.memory_space<vmem>> -> memref<100x256xf32, #tpu.memory_space<vmem>>
        tpu.vector_store_idx %scatter3A_1626[%select_n3A_1618, %add3A_1621], %broadcast_in_dim3A_16 : memref<100x256xf32, #tpu.memory_space<vmem>>[vector<16xi32>, vector<16xi32>], vector<16xf32>,
        %add3A_1627 = arith.constant 240 : i32
        %add3A_1628 = arith.addi %add3A_1356, %add3A_1627 : i32
        %get3A_1629 = arith.index_cast %add3A_1628 : i32 to index
        %get3A_1630 = tpu.vector_load %arg5[%get3A_1629] {strides = array<i32>} : memref<16384xi32, #tpu.memory_space<vmem>>, vector<16xi32>,
        %lt3A_1631 = arith.constant 0 : i32
        %lt3A_1632 = vector.broadcast %lt3A_1631 : i32 to vector<16xi32>
        %lt3A_1633 = arith.cmpi slt, %get3A_1630, %lt3A_1632 : vector<16xi32>
        %jit3A_1634 = arith.constant 55 : i32
        %broadcast_in_dim3A_1635 = vector.broadcast %jit3A_1634 : i32 to vector<16xi32>
        %select_n3A_1636 = arith.select %lt3A_1633, %broadcast_in_dim3A_1635, %get3A_1630 : vector<16xi1>, vector<16xi32>
        %add3A_1637 = arith.constant 240 : i32
        %add3A_1638 = vector.broadcast %add3A_1637 : i32 to vector<16xi32>
        %add3A_1639 = arith.addi %add3A_1638, %iota3A : vector<16xi32>
        %scatter3A_1640 = arith.constant 2 : i32
        %scatter3A_1641 = arith.constant 0 : i32
        %scatter3A_1642 = arith.constant 0 : i32
        %scatter3A_1643 = tpu.memref_slice %arg4[%scatter3A_1640, %scatter3A_1641, %scatter3A_1642] : memref<4x100x256xf32, #tpu.memory_space<vmem>> -> memref<1x100x256xf32, #tpu.memory_space<vmem>>
        %scatter3A_1644 = tpu.memref_squeeze %scatter3A_1643 : memref<1x100x256xf32, #tpu.memory_space<vmem>> -> memref<100x256xf32, #tpu.memory_space<vmem>>
        tpu.vector_store_idx %scatter3A_1644[%select_n3A_1636, %add3A_1639], %broadcast_in_dim3A_16 : memref<100x256xf32, #tpu.memory_space<vmem>>[vector<16xi32>, vector<16xi32>], vector<16xf32>,
      } else {
      }
      %lt3A_1316 = arith.cmpi slt, %add3A_1309, %select_n3A : i32
      %convert_element_type3A_1317 = arith.extui %lt3A_1316 : i1 to i32
      %cond3A_1318 = arith.constant 0 : i32
      %cond3A_1319 = arith.cmpi ne, %convert_element_type3A_1317, %cond3A_1318 : i32
      scf.if %cond3A_1319 {
        %mul3A_1336 = arith.constant 256 : i32
        %mul3A_1337 = arith.muli %add3A_1309, %mul3A_1336 : i32
        %add3A_1338 = arith.addi %sub3A, %mul3A_1337 : i32
        %add3A_1339 = arith.constant 0 : i32
        %add3A_1340 = arith.addi %add3A_1338, %add3A_1339 : i32
        %get3A_1341 = arith.index_cast %add3A_1340 : i32 to index
        %get3A_1342 = tpu.vector_load %arg5[%get3A_1341] {strides = array<i32>} : memref<16384xi32, #tpu.memory_space<vmem>>, vector<16xi32>,
        %lt3A_1343 = arith.constant 0 : i32
        %lt3A_1344 = vector.broadcast %lt3A_1343 : i32 to vector<16xi32>
        %lt3A_1345 = arith.cmpi slt, %get3A_1342, %lt3A_1344 : vector<16xi32>
        %jit3A_1346 = arith.constant 55 : i32
        %broadcast_in_dim3A_1347 = vector.broadcast %jit3A_1346 : i32 to vector<16xi32>
        %select_n3A_1348 = arith.select %lt3A_1345, %broadcast_in_dim3A_1347, %get3A_1342 : vector<16xi1>, vector<16xi32>
        %add3A_1349 = arith.constant 0 : i32
        %add3A_1350 = vector.broadcast %add3A_1349 : i32 to vector<16xi32>
        %add3A_1351 = arith.addi %add3A_1350, %iota3A : vector<16xi32>
        %scatter3A_1352 = arith.constant 2 : i32
        %scatter3A_1353 = arith.constant 0 : i32
        %scatter3A_1354 = arith.constant 0 : i32
        %scatter3A_1355 = tpu.memref_slice %arg4[%scatter3A_1352, %scatter3A_1353, %scatter3A_1354] : memref<4x100x256xf32, #tpu.memory_space<vmem>> -> memref<1x100x256xf32, #tpu.memory_space<vmem>>
        %scatter3A_1356 = tpu.memref_squeeze %scatter3A_1355 : memref<1x100x256xf32, #tpu.memory_space<vmem>> -> memref<100x256xf32, #tpu.memory_space<vmem>>
        tpu.vector_store_idx %scatter3A_1356[%select_n3A_1348, %add3A_1351], %broadcast_in_dim3A_14 : memref<100x256xf32, #tpu.memory_space<vmem>>[vector<16xi32>, vector<16xi32>], vector<16xf32>,
        %add3A_1357 = arith.constant 16 : i32
        %add3A_1358 = arith.addi %add3A_1338, %add3A_1357 : i32
        %get3A_1359 = arith.index_cast %add3A_1358 : i32 to index
        %get3A_1360 = tpu.vector_load %arg5[%get3A_1359] {strides = array<i32>} : memref<16384xi32, #tpu.memory_space<vmem>>, vector<16xi32>,
        %lt3A_1361 = arith.constant 0 : i32
        %lt3A_1362 = vector.broadcast %lt3A_1361 : i32 to vector<16xi32>
        %lt3A_1363 = arith.cmpi slt, %get3A_1360, %lt3A_1362 : vector<16xi32>
        %jit3A_1364 = arith.constant 55 : i32
        %broadcast_in_dim3A_1365 = vector.broadcast %jit3A_1364 : i32 to vector<16xi32>
        %select_n3A_1366 = arith.select %lt3A_1363, %broadcast_in_dim3A_1365, %get3A_1360 : vector<16xi1>, vector<16xi32>
        %add3A_1367 = arith.constant 16 : i32
        %add3A_1368 = vector.broadcast %add3A_1367 : i32 to vector<16xi32>
        %add3A_1369 = arith.addi %add3A_1368, %iota3A : vector<16xi32>
        %scatter3A_1370 = arith.constant 2 : i32
        %scatter3A_1371 = arith.constant 0 : i32
        %scatter3A_1372 = arith.constant 0 : i32
        %scatter3A_1373 = tpu.memref_slice %arg4[%scatter3A_1370, %scatter3A_1371, %scatter3A_1372] : memref<4x100x256xf32, #tpu.memory_space<vmem>> -> memref<1x100x256xf32, #tpu.memory_space<vmem>>
        %scatter3A_1374 = tpu.memref_squeeze %scatter3A_1373 : memref<1x100x256xf32, #tpu.memory_space<vmem>> -> memref<100x256xf32, #tpu.memory_space<vmem>>
        tpu.vector_store_idx %scatter3A_1374[%select_n3A_1366, %add3A_1369], %broadcast_in_dim3A_14 : memref<100x256xf32, #tpu.memory_space<vmem>>[vector<16xi32>, vector<16xi32>], vector<16xf32>,
        %add3A_1375 = arith.constant 32 : i32
        %add3A_1376 = arith.addi %add3A_1338, %add3A_1375 : i32
        %get3A_1377 = arith.index_cast %add3A_1376 : i32 to index
        %get3A_1378 = tpu.vector_load %arg5[%get3A_1377] {strides = array<i32>} : memref<16384xi32, #tpu.memory_space<vmem>>, vector<16xi32>,
        %lt3A_1379 = arith.constant 0 : i32
        %lt3A_1380 = vector.broadcast %lt3A_1379 : i32 to vector<16xi32>
        %lt3A_1381 = arith.cmpi slt, %get3A_1378, %lt3A_1380 : vector<16xi32>
        %jit3A_1382 = arith.constant 55 : i32
        %broadcast_in_dim3A_1383 = vector.broadcast %jit3A_1382 : i32 to vector<16xi32>
        %select_n3A_1384 = arith.select %lt3A_1381, %broadcast_in_dim3A_1383, %get3A_1378 : vector<16xi1>, vector<16xi32>
        %add3A_1385 = arith.constant 32 : i32
        %add3A_1386 = vector.broadcast %add3A_1385 : i32 to vector<16xi32>
        %add3A_1387 = arith.addi %add3A_1386, %iota3A : vector<16xi32>
        %scatter3A_1388 = arith.constant 2 : i32
        %scatter3A_1389 = arith.constant 0 : i32
        %scatter3A_1390 = arith.constant 0 : i32
        %scatter3A_1391 = tpu.memref_slice %arg4[%scatter3A_1388, %scatter3A_1389, %scatter3A_1390] : memref<4x100x256xf32, #tpu.memory_space<vmem>> -> memref<1x100x256xf32, #tpu.memory_space<vmem>>
        %scatter3A_1392 = tpu.memref_squeeze %scatter3A_1391 : memref<1x100x256xf32, #tpu.memory_space<vmem>> -> memref<100x256xf32, #tpu.memory_space<vmem>>
        tpu.vector_store_idx %scatter3A_1392[%select_n3A_1384, %add3A_1387], %broadcast_in_dim3A_14 : memref<100x256xf32, #tpu.memory_space<vmem>>[vector<16xi32>, vector<16xi32>], vector<16xf32>,
        %add3A_1393 = arith.constant 48 : i32
        %add3A_1394 = arith.addi %add3A_1338, %add3A_1393 : i32
        %get3A_1395 = arith.index_cast %add3A_1394 : i32 to index
        %get3A_1396 = tpu.vector_load %arg5[%get3A_1395] {strides = array<i32>} : memref<16384xi32, #tpu.memory_space<vmem>>, vector<16xi32>,
        %lt3A_1397 = arith.constant 0 : i32
        %lt3A_1398 = vector.broadcast %lt3A_1397 : i32 to vector<16xi32>
        %lt3A_1399 = arith.cmpi slt, %get3A_1396, %lt3A_1398 : vector<16xi32>
        %jit3A_1400 = arith.constant 55 : i32
        %broadcast_in_dim3A_1401 = vector.broadcast %jit3A_1400 : i32 to vector<16xi32>
        %select_n3A_1402 = arith.select %lt3A_1399, %broadcast_in_dim3A_1401, %get3A_1396 : vector<16xi1>, vector<16xi32>
        %add3A_1403 = arith.constant 48 : i32
        %add3A_1404 = vector.broadcast %add3A_1403 : i32 to vector<16xi32>
        %add3A_1405 = arith.addi %add3A_1404, %iota3A : vector<16xi32>
        %scatter3A_1406 = arith.constant 2 : i32
        %scatter3A_1407 = arith.constant 0 : i32
        %scatter3A_1408 = arith.constant 0 : i32
        %scatter3A_1409 = tpu.memref_slice %arg4[%scatter3A_1406, %scatter3A_1407, %scatter3A_1408] : memref<4x100x256xf32, #tpu.memory_space<vmem>> -> memref<1x100x256xf32, #tpu.memory_space<vmem>>
        %scatter3A_1410 = tpu.memref_squeeze %scatter3A_1409 : memref<1x100x256xf32, #tpu.memory_space<vmem>> -> memref<100x256xf32, #tpu.memory_space<vmem>>
        tpu.vector_store_idx %scatter3A_1410[%select_n3A_1402, %add3A_1405], %broadcast_in_dim3A_14 : memref<100x256xf32, #tpu.memory_space<vmem>>[vector<16xi32>, vector<16xi32>], vector<16xf32>,
        %add3A_1411 = arith.constant 64 : i32
        %add3A_1412 = arith.addi %add3A_1338, %add3A_1411 : i32
        %get3A_1413 = arith.index_cast %add3A_1412 : i32 to index
        %get3A_1414 = tpu.vector_load %arg5[%get3A_1413] {strides = array<i32>} : memref<16384xi32, #tpu.memory_space<vmem>>, vector<16xi32>,
        %lt3A_1415 = arith.constant 0 : i32
        %lt3A_1416 = vector.broadcast %lt3A_1415 : i32 to vector<16xi32>
        %lt3A_1417 = arith.cmpi slt, %get3A_1414, %lt3A_1416 : vector<16xi32>
        %jit3A_1418 = arith.constant 55 : i32
        %broadcast_in_dim3A_1419 = vector.broadcast %jit3A_1418 : i32 to vector<16xi32>
        %select_n3A_1420 = arith.select %lt3A_1417, %broadcast_in_dim3A_1419, %get3A_1414 : vector<16xi1>, vector<16xi32>
        %add3A_1421 = arith.constant 64 : i32
        %add3A_1422 = vector.broadcast %add3A_1421 : i32 to vector<16xi32>
        %add3A_1423 = arith.addi %add3A_1422, %iota3A : vector<16xi32>
        %scatter3A_1424 = arith.constant 2 : i32
        %scatter3A_1425 = arith.constant 0 : i32
        %scatter3A_1426 = arith.constant 0 : i32
        %scatter3A_1427 = tpu.memref_slice %arg4[%scatter3A_1424, %scatter3A_1425, %scatter3A_1426] : memref<4x100x256xf32, #tpu.memory_space<vmem>> -> memref<1x100x256xf32, #tpu.memory_space<vmem>>
        %scatter3A_1428 = tpu.memref_squeeze %scatter3A_1427 : memref<1x100x256xf32, #tpu.memory_space<vmem>> -> memref<100x256xf32, #tpu.memory_space<vmem>>
        tpu.vector_store_idx %scatter3A_1428[%select_n3A_1420, %add3A_1423], %broadcast_in_dim3A_14 : memref<100x256xf32, #tpu.memory_space<vmem>>[vector<16xi32>, vector<16xi32>], vector<16xf32>,
        %add3A_1429 = arith.constant 80 : i32
        %add3A_1430 = arith.addi %add3A_1338, %add3A_1429 : i32
        %get3A_1431 = arith.index_cast %add3A_1430 : i32 to index
        %get3A_1432 = tpu.vector_load %arg5[%get3A_1431] {strides = array<i32>} : memref<16384xi32, #tpu.memory_space<vmem>>, vector<16xi32>,
        %lt3A_1433 = arith.constant 0 : i32
        %lt3A_1434 = vector.broadcast %lt3A_1433 : i32 to vector<16xi32>
        %lt3A_1435 = arith.cmpi slt, %get3A_1432, %lt3A_1434 : vector<16xi32>
        %jit3A_1436 = arith.constant 55 : i32
        %broadcast_in_dim3A_1437 = vector.broadcast %jit3A_1436 : i32 to vector<16xi32>
        %select_n3A_1438 = arith.select %lt3A_1435, %broadcast_in_dim3A_1437, %get3A_1432 : vector<16xi1>, vector<16xi32>
        %add3A_1439 = arith.constant 80 : i32
        %add3A_1440 = vector.broadcast %add3A_1439 : i32 to vector<16xi32>
        %add3A_1441 = arith.addi %add3A_1440, %iota3A : vector<16xi32>
        %scatter3A_1442 = arith.constant 2 : i32
        %scatter3A_1443 = arith.constant 0 : i32
        %scatter3A_1444 = arith.constant 0 : i32
        %scatter3A_1445 = tpu.memref_slice %arg4[%scatter3A_1442, %scatter3A_1443, %scatter3A_1444] : memref<4x100x256xf32, #tpu.memory_space<vmem>> -> memref<1x100x256xf32, #tpu.memory_space<vmem>>
        %scatter3A_1446 = tpu.memref_squeeze %scatter3A_1445 : memref<1x100x256xf32, #tpu.memory_space<vmem>> -> memref<100x256xf32, #tpu.memory_space<vmem>>
        tpu.vector_store_idx %scatter3A_1446[%select_n3A_1438, %add3A_1441], %broadcast_in_dim3A_14 : memref<100x256xf32, #tpu.memory_space<vmem>>[vector<16xi32>, vector<16xi32>], vector<16xf32>,
        %add3A_1447 = arith.constant 96 : i32
        %add3A_1448 = arith.addi %add3A_1338, %add3A_1447 : i32
        %get3A_1449 = arith.index_cast %add3A_1448 : i32 to index
        %get3A_1450 = tpu.vector_load %arg5[%get3A_1449] {strides = array<i32>} : memref<16384xi32, #tpu.memory_space<vmem>>, vector<16xi32>,
        %lt3A_1451 = arith.constant 0 : i32
        %lt3A_1452 = vector.broadcast %lt3A_1451 : i32 to vector<16xi32>
        %lt3A_1453 = arith.cmpi slt, %get3A_1450, %lt3A_1452 : vector<16xi32>
        %jit3A_1454 = arith.constant 55 : i32
        %broadcast_in_dim3A_1455 = vector.broadcast %jit3A_1454 : i32 to vector<16xi32>
        %select_n3A_1456 = arith.select %lt3A_1453, %broadcast_in_dim3A_1455, %get3A_1450 : vector<16xi1>, vector<16xi32>
        %add3A_1457 = arith.constant 96 : i32
        %add3A_1458 = vector.broadcast %add3A_1457 : i32 to vector<16xi32>
        %add3A_1459 = arith.addi %add3A_1458, %iota3A : vector<16xi32>
        %scatter3A_1460 = arith.constant 2 : i32
        %scatter3A_1461 = arith.constant 0 : i32
        %scatter3A_1462 = arith.constant 0 : i32
        %scatter3A_1463 = tpu.memref_slice %arg4[%scatter3A_1460, %scatter3A_1461, %scatter3A_1462] : memref<4x100x256xf32, #tpu.memory_space<vmem>> -> memref<1x100x256xf32, #tpu.memory_space<vmem>>
        %scatter3A_1464 = tpu.memref_squeeze %scatter3A_1463 : memref<1x100x256xf32, #tpu.memory_space<vmem>> -> memref<100x256xf32, #tpu.memory_space<vmem>>
        tpu.vector_store_idx %scatter3A_1464[%select_n3A_1456, %add3A_1459], %broadcast_in_dim3A_14 : memref<100x256xf32, #tpu.memory_space<vmem>>[vector<16xi32>, vector<16xi32>], vector<16xf32>,
        %add3A_1465 = arith.constant 112 : i32
        %add3A_1466 = arith.addi %add3A_1338, %add3A_1465 : i32
        %get3A_1467 = arith.index_cast %add3A_1466 : i32 to index
        %get3A_1468 = tpu.vector_load %arg5[%get3A_1467] {strides = array<i32>} : memref<16384xi32, #tpu.memory_space<vmem>>, vector<16xi32>,
        %lt3A_1469 = arith.constant 0 : i32
        %lt3A_1470 = vector.broadcast %lt3A_1469 : i32 to vector<16xi32>
        %lt3A_1471 = arith.cmpi slt, %get3A_1468, %lt3A_1470 : vector<16xi32>
        %jit3A_1472 = arith.constant 55 : i32
        %broadcast_in_dim3A_1473 = vector.broadcast %jit3A_1472 : i32 to vector<16xi32>
        %select_n3A_1474 = arith.select %lt3A_1471, %broadcast_in_dim3A_1473, %get3A_1468 : vector<16xi1>, vector<16xi32>
        %add3A_1475 = arith.constant 112 : i32
        %add3A_1476 = vector.broadcast %add3A_1475 : i32 to vector<16xi32>
        %add3A_1477 = arith.addi %add3A_1476, %iota3A : vector<16xi32>
        %scatter3A_1478 = arith.constant 2 : i32
        %scatter3A_1479 = arith.constant 0 : i32
        %scatter3A_1480 = arith.constant 0 : i32
        %scatter3A_1481 = tpu.memref_slice %arg4[%scatter3A_1478, %scatter3A_1479, %scatter3A_1480] : memref<4x100x256xf32, #tpu.memory_space<vmem>> -> memref<1x100x256xf32, #tpu.memory_space<vmem>>
        %scatter3A_1482 = tpu.memref_squeeze %scatter3A_1481 : memref<1x100x256xf32, #tpu.memory_space<vmem>> -> memref<100x256xf32, #tpu.memory_space<vmem>>
        tpu.vector_store_idx %scatter3A_1482[%select_n3A_1474, %add3A_1477], %broadcast_in_dim3A_14 : memref<100x256xf32, #tpu.memory_space<vmem>>[vector<16xi32>, vector<16xi32>], vector<16xf32>,
        %add3A_1483 = arith.constant 128 : i32
        %add3A_1484 = arith.addi %add3A_1338, %add3A_1483 : i32
        %get3A_1485 = arith.index_cast %add3A_1484 : i32 to index
        %get3A_1486 = tpu.vector_load %arg5[%get3A_1485] {strides = array<i32>} : memref<16384xi32, #tpu.memory_space<vmem>>, vector<16xi32>,
        %lt3A_1487 = arith.constant 0 : i32
        %lt3A_1488 = vector.broadcast %lt3A_1487 : i32 to vector<16xi32>
        %lt3A_1489 = arith.cmpi slt, %get3A_1486, %lt3A_1488 : vector<16xi32>
        %jit3A_1490 = arith.constant 55 : i32
        %broadcast_in_dim3A_1491 = vector.broadcast %jit3A_1490 : i32 to vector<16xi32>
        %select_n3A_1492 = arith.select %lt3A_1489, %broadcast_in_dim3A_1491, %get3A_1486 : vector<16xi1>, vector<16xi32>
        %add3A_1493 = arith.constant 128 : i32
        %add3A_1494 = vector.broadcast %add3A_1493 : i32 to vector<16xi32>
        %add3A_1495 = arith.addi %add3A_1494, %iota3A : vector<16xi32>
        %scatter3A_1496 = arith.constant 2 : i32
        %scatter3A_1497 = arith.constant 0 : i32
        %scatter3A_1498 = arith.constant 0 : i32
        %scatter3A_1499 = tpu.memref_slice %arg4[%scatter3A_1496, %scatter3A_1497, %scatter3A_1498] : memref<4x100x256xf32, #tpu.memory_space<vmem>> -> memref<1x100x256xf32, #tpu.memory_space<vmem>>
        %scatter3A_1500 = tpu.memref_squeeze %scatter3A_1499 : memref<1x100x256xf32, #tpu.memory_space<vmem>> -> memref<100x256xf32, #tpu.memory_space<vmem>>
        tpu.vector_store_idx %scatter3A_1500[%select_n3A_1492, %add3A_1495], %broadcast_in_dim3A_14 : memref<100x256xf32, #tpu.memory_space<vmem>>[vector<16xi32>, vector<16xi32>], vector<16xf32>,
        %add3A_1501 = arith.constant 144 : i32
        %add3A_1502 = arith.addi %add3A_1338, %add3A_1501 : i32
        %get3A_1503 = arith.index_cast %add3A_1502 : i32 to index
        %get3A_1504 = tpu.vector_load %arg5[%get3A_1503] {strides = array<i32>} : memref<16384xi32, #tpu.memory_space<vmem>>, vector<16xi32>,
        %lt3A_1505 = arith.constant 0 : i32
        %lt3A_1506 = vector.broadcast %lt3A_1505 : i32 to vector<16xi32>
        %lt3A_1507 = arith.cmpi slt, %get3A_1504, %lt3A_1506 : vector<16xi32>
        %jit3A_1508 = arith.constant 55 : i32
        %broadcast_in_dim3A_1509 = vector.broadcast %jit3A_1508 : i32 to vector<16xi32>
        %select_n3A_1510 = arith.select %lt3A_1507, %broadcast_in_dim3A_1509, %get3A_1504 : vector<16xi1>, vector<16xi32>
        %add3A_1511 = arith.constant 144 : i32
        %add3A_1512 = vector.broadcast %add3A_1511 : i32 to vector<16xi32>
        %add3A_1513 = arith.addi %add3A_1512, %iota3A : vector<16xi32>
        %scatter3A_1514 = arith.constant 2 : i32
        %scatter3A_1515 = arith.constant 0 : i32
        %scatter3A_1516 = arith.constant 0 : i32
        %scatter3A_1517 = tpu.memref_slice %arg4[%scatter3A_1514, %scatter3A_1515, %scatter3A_1516] : memref<4x100x256xf32, #tpu.memory_space<vmem>> -> memref<1x100x256xf32, #tpu.memory_space<vmem>>
        %scatter3A_1518 = tpu.memref_squeeze %scatter3A_1517 : memref<1x100x256xf32, #tpu.memory_space<vmem>> -> memref<100x256xf32, #tpu.memory_space<vmem>>
        tpu.vector_store_idx %scatter3A_1518[%select_n3A_1510, %add3A_1513], %broadcast_in_dim3A_14 : memref<100x256xf32, #tpu.memory_space<vmem>>[vector<16xi32>, vector<16xi32>], vector<16xf32>,
        %add3A_1519 = arith.constant 160 : i32
        %add3A_1520 = arith.addi %add3A_1338, %add3A_1519 : i32
        %get3A_1521 = arith.index_cast %add3A_1520 : i32 to index
        %get3A_1522 = tpu.vector_load %arg5[%get3A_1521] {strides = array<i32>} : memref<16384xi32, #tpu.memory_space<vmem>>, vector<16xi32>,
        %lt3A_1523 = arith.constant 0 : i32
        %lt3A_1524 = vector.broadcast %lt3A_1523 : i32 to vector<16xi32>
        %lt3A_1525 = arith.cmpi slt, %get3A_1522, %lt3A_1524 : vector<16xi32>
        %jit3A_1526 = arith.constant 55 : i32
        %broadcast_in_dim3A_1527 = vector.broadcast %jit3A_1526 : i32 to vector<16xi32>
        %select_n3A_1528 = arith.select %lt3A_1525, %broadcast_in_dim3A_1527, %get3A_1522 : vector<16xi1>, vector<16xi32>
        %add3A_1529 = arith.constant 160 : i32
        %add3A_1530 = vector.broadcast %add3A_1529 : i32 to vector<16xi32>
        %add3A_1531 = arith.addi %add3A_1530, %iota3A : vector<16xi32>
        %scatter3A_1532 = arith.constant 2 : i32
        %scatter3A_1533 = arith.constant 0 : i32
        %scatter3A_1534 = arith.constant 0 : i32
        %scatter3A_1535 = tpu.memref_slice %arg4[%scatter3A_1532, %scatter3A_1533, %scatter3A_1534] : memref<4x100x256xf32, #tpu.memory_space<vmem>> -> memref<1x100x256xf32, #tpu.memory_space<vmem>>
        %scatter3A_1536 = tpu.memref_squeeze %scatter3A_1535 : memref<1x100x256xf32, #tpu.memory_space<vmem>> -> memref<100x256xf32, #tpu.memory_space<vmem>>
        tpu.vector_store_idx %scatter3A_1536[%select_n3A_1528, %add3A_1531], %broadcast_in_dim3A_14 : memref<100x256xf32, #tpu.memory_space<vmem>>[vector<16xi32>, vector<16xi32>], vector<16xf32>,
        %add3A_1537 = arith.constant 176 : i32
        %add3A_1538 = arith.addi %add3A_1338, %add3A_1537 : i32
        %get3A_1539 = arith.index_cast %add3A_1538 : i32 to index
        %get3A_1540 = tpu.vector_load %arg5[%get3A_1539] {strides = array<i32>} : memref<16384xi32, #tpu.memory_space<vmem>>, vector<16xi32>,
        %lt3A_1541 = arith.constant 0 : i32
        %lt3A_1542 = vector.broadcast %lt3A_1541 : i32 to vector<16xi32>
        %lt3A_1543 = arith.cmpi slt, %get3A_1540, %lt3A_1542 : vector<16xi32>
        %jit3A_1544 = arith.constant 55 : i32
        %broadcast_in_dim3A_1545 = vector.broadcast %jit3A_1544 : i32 to vector<16xi32>
        %select_n3A_1546 = arith.select %lt3A_1543, %broadcast_in_dim3A_1545, %get3A_1540 : vector<16xi1>, vector<16xi32>
        %add3A_1547 = arith.constant 176 : i32
        %add3A_1548 = vector.broadcast %add3A_1547 : i32 to vector<16xi32>
        %add3A_1549 = arith.addi %add3A_1548, %iota3A : vector<16xi32>
        %scatter3A_1550 = arith.constant 2 : i32
        %scatter3A_1551 = arith.constant 0 : i32
        %scatter3A_1552 = arith.constant 0 : i32
        %scatter3A_1553 = tpu.memref_slice %arg4[%scatter3A_1550, %scatter3A_1551, %scatter3A_1552] : memref<4x100x256xf32, #tpu.memory_space<vmem>> -> memref<1x100x256xf32, #tpu.memory_space<vmem>>
        %scatter3A_1554 = tpu.memref_squeeze %scatter3A_1553 : memref<1x100x256xf32, #tpu.memory_space<vmem>> -> memref<100x256xf32, #tpu.memory_space<vmem>>
        tpu.vector_store_idx %scatter3A_1554[%select_n3A_1546, %add3A_1549], %broadcast_in_dim3A_14 : memref<100x256xf32, #tpu.memory_space<vmem>>[vector<16xi32>, vector<16xi32>], vector<16xf32>,
        %add3A_1555 = arith.constant 192 : i32
        %add3A_1556 = arith.addi %add3A_1338, %add3A_1555 : i32
        %get3A_1557 = arith.index_cast %add3A_1556 : i32 to index
        %get3A_1558 = tpu.vector_load %arg5[%get3A_1557] {strides = array<i32>} : memref<16384xi32, #tpu.memory_space<vmem>>, vector<16xi32>,
        %lt3A_1559 = arith.constant 0 : i32
        %lt3A_1560 = vector.broadcast %lt3A_1559 : i32 to vector<16xi32>
        %lt3A_1561 = arith.cmpi slt, %get3A_1558, %lt3A_1560 : vector<16xi32>
        %jit3A_1562 = arith.constant 55 : i32
        %broadcast_in_dim3A_1563 = vector.broadcast %jit3A_1562 : i32 to vector<16xi32>
        %select_n3A_1564 = arith.select %lt3A_1561, %broadcast_in_dim3A_1563, %get3A_1558 : vector<16xi1>, vector<16xi32>
        %add3A_1565 = arith.constant 192 : i32
        %add3A_1566 = vector.broadcast %add3A_1565 : i32 to vector<16xi32>
        %add3A_1567 = arith.addi %add3A_1566, %iota3A : vector<16xi32>
        %scatter3A_1568 = arith.constant 2 : i32
        %scatter3A_1569 = arith.constant 0 : i32
        %scatter3A_1570 = arith.constant 0 : i32
        %scatter3A_1571 = tpu.memref_slice %arg4[%scatter3A_1568, %scatter3A_1569, %scatter3A_1570] : memref<4x100x256xf32, #tpu.memory_space<vmem>> -> memref<1x100x256xf32, #tpu.memory_space<vmem>>
        %scatter3A_1572 = tpu.memref_squeeze %scatter3A_1571 : memref<1x100x256xf32, #tpu.memory_space<vmem>> -> memref<100x256xf32, #tpu.memory_space<vmem>>
        tpu.vector_store_idx %scatter3A_1572[%select_n3A_1564, %add3A_1567], %broadcast_in_dim3A_14 : memref<100x256xf32, #tpu.memory_space<vmem>>[vector<16xi32>, vector<16xi32>], vector<16xf32>,
        %add3A_1573 = arith.constant 208 : i32
        %add3A_1574 = arith.addi %add3A_1338, %add3A_1573 : i32
        %get3A_1575 = arith.index_cast %add3A_1574 : i32 to index
        %get3A_1576 = tpu.vector_load %arg5[%get3A_1575] {strides = array<i32>} : memref<16384xi32, #tpu.memory_space<vmem>>, vector<16xi32>,
        %lt3A_1577 = arith.constant 0 : i32
        %lt3A_1578 = vector.broadcast %lt3A_1577 : i32 to vector<16xi32>
        %lt3A_1579 = arith.cmpi slt, %get3A_1576, %lt3A_1578 : vector<16xi32>
        %jit3A_1580 = arith.constant 55 : i32
        %broadcast_in_dim3A_1581 = vector.broadcast %jit3A_1580 : i32 to vector<16xi32>
        %select_n3A_1582 = arith.select %lt3A_1579, %broadcast_in_dim3A_1581, %get3A_1576 : vector<16xi1>, vector<16xi32>
        %add3A_1583 = arith.constant 208 : i32
        %add3A_1584 = vector.broadcast %add3A_1583 : i32 to vector<16xi32>
        %add3A_1585 = arith.addi %add3A_1584, %iota3A : vector<16xi32>
        %scatter3A_1586 = arith.constant 2 : i32
        %scatter3A_1587 = arith.constant 0 : i32
        %scatter3A_1588 = arith.constant 0 : i32
        %scatter3A_1589 = tpu.memref_slice %arg4[%scatter3A_1586, %scatter3A_1587, %scatter3A_1588] : memref<4x100x256xf32, #tpu.memory_space<vmem>> -> memref<1x100x256xf32, #tpu.memory_space<vmem>>
        %scatter3A_1590 = tpu.memref_squeeze %scatter3A_1589 : memref<1x100x256xf32, #tpu.memory_space<vmem>> -> memref<100x256xf32, #tpu.memory_space<vmem>>
        tpu.vector_store_idx %scatter3A_1590[%select_n3A_1582, %add3A_1585], %broadcast_in_dim3A_14 : memref<100x256xf32, #tpu.memory_space<vmem>>[vector<16xi32>, vector<16xi32>], vector<16xf32>,
        %add3A_1591 = arith.constant 224 : i32
        %add3A_1592 = arith.addi %add3A_1338, %add3A_1591 : i32
        %get3A_1593 = arith.index_cast %add3A_1592 : i32 to index
        %get3A_1594 = tpu.vector_load %arg5[%get3A_1593] {strides = array<i32>} : memref<16384xi32, #tpu.memory_space<vmem>>, vector<16xi32>,
        %lt3A_1595 = arith.constant 0 : i32
        %lt3A_1596 = vector.broadcast %lt3A_1595 : i32 to vector<16xi32>
        %lt3A_1597 = arith.cmpi slt, %get3A_1594, %lt3A_1596 : vector<16xi32>
        %jit3A_1598 = arith.constant 55 : i32
        %broadcast_in_dim3A_1599 = vector.broadcast %jit3A_1598 : i32 to vector<16xi32>
        %select_n3A_1600 = arith.select %lt3A_1597, %broadcast_in_dim3A_1599, %get3A_1594 : vector<16xi1>, vector<16xi32>
        %add3A_1601 = arith.constant 224 : i32
        %add3A_1602 = vector.broadcast %add3A_1601 : i32 to vector<16xi32>
        %add3A_1603 = arith.addi %add3A_1602, %iota3A : vector<16xi32>
        %scatter3A_1604 = arith.constant 2 : i32
        %scatter3A_1605 = arith.constant 0 : i32
        %scatter3A_1606 = arith.constant 0 : i32
        %scatter3A_1607 = tpu.memref_slice %arg4[%scatter3A_1604, %scatter3A_1605, %scatter3A_1606] : memref<4x100x256xf32, #tpu.memory_space<vmem>> -> memref<1x100x256xf32, #tpu.memory_space<vmem>>
        %scatter3A_1608 = tpu.memref_squeeze %scatter3A_1607 : memref<1x100x256xf32, #tpu.memory_space<vmem>> -> memref<100x256xf32, #tpu.memory_space<vmem>>
        tpu.vector_store_idx %scatter3A_1608[%select_n3A_1600, %add3A_1603], %broadcast_in_dim3A_14 : memref<100x256xf32, #tpu.memory_space<vmem>>[vector<16xi32>, vector<16xi32>], vector<16xf32>,
        %add3A_1609 = arith.constant 240 : i32
        %add3A_1610 = arith.addi %add3A_1338, %add3A_1609 : i32
        %get3A_1611 = arith.index_cast %add3A_1610 : i32 to index
        %get3A_1612 = tpu.vector_load %arg5[%get3A_1611] {strides = array<i32>} : memref<16384xi32, #tpu.memory_space<vmem>>, vector<16xi32>,
        %lt3A_1613 = arith.constant 0 : i32
        %lt3A_1614 = vector.broadcast %lt3A_1613 : i32 to vector<16xi32>
        %lt3A_1615 = arith.cmpi slt, %get3A_1612, %lt3A_1614 : vector<16xi32>
        %jit3A_1616 = arith.constant 55 : i32
        %broadcast_in_dim3A_1617 = vector.broadcast %jit3A_1616 : i32 to vector<16xi32>
        %select_n3A_1618 = arith.select %lt3A_1615, %broadcast_in_dim3A_1617, %get3A_1612 : vector<16xi1>, vector<16xi32>
        %add3A_1619 = arith.constant 240 : i32
        %add3A_1620 = vector.broadcast %add3A_1619 : i32 to vector<16xi32>
        %add3A_1621 = arith.addi %add3A_1620, %iota3A : vector<16xi32>
        %scatter3A_1622 = arith.constant 2 : i32
        %scatter3A_1623 = arith.constant 0 : i32
        %scatter3A_1624 = arith.constant 0 : i32
        %scatter3A_1625 = tpu.memref_slice %arg4[%scatter3A_1622, %scatter3A_1623, %scatter3A_1624] : memref<4x100x256xf32, #tpu.memory_space<vmem>> -> memref<1x100x256xf32, #tpu.memory_space<vmem>>
        %scatter3A_1626 = tpu.memref_squeeze %scatter3A_1625 : memref<1x100x256xf32, #tpu.memory_space<vmem>> -> memref<100x256xf32, #tpu.memory_space<vmem>>
        tpu.vector_store_idx %scatter3A_1626[%select_n3A_1618, %add3A_1621], %broadcast_in_dim3A_14 : memref<100x256xf32, #tpu.memory_space<vmem>>[vector<16xi32>, vector<16xi32>], vector<16xf32>,
        %add3A_1627 = arith.addi %add3A_4, %add3A_1309 : i32
        %mul3A_1628 = arith.constant 256 : i32
        %mul3A_1629 = arith.muli %add3A_1627, %mul3A_1628 : i32
        %dma_start3A_1630 = arith.constant 2 : i32
        %dma_start3A_1631 = arith.constant 0 : i32
        %dma_start3A_1632 = arith.constant 0 : i32
        %dma_start3A_1633 = tpu.memref_slice %arg4[%dma_start3A_1630, %dma_start3A_1631, %dma_start3A_1632] : memref<4x100x256xf32, #tpu.memory_space<vmem>> -> memref<1x100x256xf32, #tpu.memory_space<vmem>>
        %dma_start3A_1634 = tpu.memref_squeeze %dma_start3A_1633 : memref<1x100x256xf32, #tpu.memory_space<vmem>> -> memref<100x256xf32, #tpu.memory_space<vmem>>
        %dma_start3A_1635 = arith.constant 0 : i32
        %dma_start3A_1636 = tpu.memref_slice %arg3[%dma_start3A_1635, %mul3A_1629] : memref<100x500000xf32, #tpu.memory_space<hbm>> -> memref<100x256xf32, #tpu.memory_space<hbm>>
        %dma_start3A_1637 = arith.constant 0 : i32
        %dma_start3A_1638 = tpu.memref_slice %arg3[%dma_start3A_1637, %mul3A_1629] : memref<100x500000xf32, #tpu.memory_space<hbm>> -> memref<100x256xf32, #tpu.memory_space<hbm>>
        %dma_start3A_1639 = arith.constant 0 : i32
        %dma_start3A_1640 = arith.constant 0 : i32
        %dma_start3A_1641 = tpu.memref_slice %arg4[%dma_start3A_1630, %dma_start3A_1639, %dma_start3A_1640] : memref<4x100x256xf32, #tpu.memory_space<vmem>> -> memref<1x100x256xf32, #tpu.memory_space<vmem>>
        %dma_start3A_1642 = tpu.memref_squeeze %dma_start3A_1641 : memref<1x100x256xf32, #tpu.memory_space<vmem>> -> memref<100x256xf32, #tpu.memory_space<vmem>>
        tpu.enqueue_dma source(%dma_start3A_1642 : memref<100x256xf32, #tpu.memory_space<vmem>>) target(%dma_start3A_1638 : memref<100x256xf32, #tpu.memory_space<hbm>>) target_semaphore(%arg9 : memref<!tpu.dma_semaphore, #tpu.memory_space<semaphore_mem>>)
      } else {
      }
      %mul3A_1320 = arith.constant 4 : i32
      %mul3A_1321 = arith.muli %mul3A_1320, %scan3A_1273 : i32
      %add3A_1322 = arith.constant 3 : i32
      %add3A_1323 = arith.addi %mul3A_1321, %add3A_1322 : i32
      %add3A_1324 = arith.constant 4 : i32
      %add3A_1325 = arith.addi %add3A_1323, %add3A_1324 : i32
      %sub3A_1326 = arith.constant 4 : i32
      %sub3A_1327 = arith.subi %add3A_1325, %sub3A_1326 : i32
      %lt3A_1328 = arith.cmpi slt, %sub3A_1327, %select_n3A : i32
      %convert_element_type3A_1329 = arith.extui %lt3A_1328 : i1 to i32
      %cond3A_1330 = arith.constant 0 : i32
      %cond3A_1331 = arith.cmpi ne, %convert_element_type3A_1329, %cond3A_1330 : i32
      scf.if %cond3A_1331 {
        %sub3A_1336 = arith.constant 4 : i32
        %sub3A_1337 = arith.subi %add3A_1325, %sub3A_1336 : i32
        %add3A_1338 = arith.addi %add3A_4, %sub3A_1337 : i32
        %mul3A_1339 = arith.constant 256 : i32
        %mul3A_1340 = arith.muli %add3A_1338, %mul3A_1339 : i32
        %dma_wait3A_1341 = arith.constant 3 : i32
        %dma_wait3A_1342 = arith.constant 0 : i32
        %dma_wait3A_1343 = arith.constant 0 : i32
        %dma_wait3A_1344 = tpu.memref_slice %arg4[%dma_wait3A_1341, %dma_wait3A_1342, %dma_wait3A_1343] : memref<4x100x256xf32, #tpu.memory_space<vmem>> -> memref<1x100x256xf32, #tpu.memory_space<vmem>>
        %dma_wait3A_1345 = tpu.memref_squeeze %dma_wait3A_1344 : memref<1x100x256xf32, #tpu.memory_space<vmem>> -> memref<100x256xf32, #tpu.memory_space<vmem>>
        %dma_wait3A_1346 = arith.constant 0 : i32
        %dma_wait3A_1347 = tpu.memref_slice %arg3[%dma_wait3A_1346, %mul3A_1340] : memref<100x500000xf32, #tpu.memory_space<hbm>> -> memref<100x256xf32, #tpu.memory_space<hbm>>
        %dma_wait3A_1348 = arith.constant 0 : i32
        %dma_wait3A_1349 = tpu.memref_slice %arg3[%dma_wait3A_1348, %mul3A_1340] : memref<100x500000xf32, #tpu.memory_space<hbm>> -> memref<100x256xf32, #tpu.memory_space<hbm>>
        %dma_wait3A_1350 = arith.constant 0 : i32
        %dma_wait3A_1351 = arith.constant 0 : i32
        %dma_wait3A_1352 = tpu.memref_slice %arg4[%dma_wait3A_1341, %dma_wait3A_1350, %dma_wait3A_1351] : memref<4x100x256xf32, #tpu.memory_space<vmem>> -> memref<1x100x256xf32, #tpu.memory_space<vmem>>
        %dma_wait3A_1353 = tpu.memref_squeeze %dma_wait3A_1352 : memref<1x100x256xf32, #tpu.memory_space<vmem>> -> memref<100x256xf32, #tpu.memory_space<vmem>>
        tpu.wait_dma2 semaphore(%arg10 : memref<!tpu.dma_semaphore, #tpu.memory_space<semaphore_mem>>) src(%dma_wait3A_1353 : memref<100x256xf32, #tpu.memory_space<vmem>>) dst(%dma_wait3A_1349 : memref<100x256xf32, #tpu.memory_space<hbm>>)
        %mul3A_1354 = arith.constant 256 : i32
        %mul3A_1355 = arith.muli %sub3A_1337, %mul3A_1354 : i32
        %add3A_1356 = arith.addi %sub3A, %mul3A_1355 : i32
        %add3A_1357 = arith.constant 0 : i32
        %add3A_1358 = arith.addi %add3A_1356, %add3A_1357 : i32
        %get3A_1359 = arith.index_cast %add3A_1358 : i32 to index
        %get3A_1360 = tpu.vector_load %arg5[%get3A_1359] {strides = array<i32>} : memref<16384xi32, #tpu.memory_space<vmem>>, vector<16xi32>,
        %lt3A_1361 = arith.constant 0 : i32
        %lt3A_1362 = vector.broadcast %lt3A_1361 : i32 to vector<16xi32>
        %lt3A_1363 = arith.cmpi slt, %get3A_1360, %lt3A_1362 : vector<16xi32>
        %jit3A_1364 = arith.constant 55 : i32
        %broadcast_in_dim3A_1365 = vector.broadcast %jit3A_1364 : i32 to vector<16xi32>
        %select_n3A_1366 = arith.select %lt3A_1363, %broadcast_in_dim3A_1365, %get3A_1360 : vector<16xi1>, vector<16xi32>
        %add3A_1367 = arith.constant 0 : i32
        %add3A_1368 = vector.broadcast %add3A_1367 : i32 to vector<16xi32>
        %add3A_1369 = arith.addi %add3A_1368, %iota3A : vector<16xi32>
        %scatter3A_1370 = arith.constant 3 : i32
        %scatter3A_1371 = arith.constant 0 : i32
        %scatter3A_1372 = arith.constant 0 : i32
        %scatter3A_1373 = tpu.memref_slice %arg4[%scatter3A_1370, %scatter3A_1371, %scatter3A_1372] : memref<4x100x256xf32, #tpu.memory_space<vmem>> -> memref<1x100x256xf32, #tpu.memory_space<vmem>>
        %scatter3A_1374 = tpu.memref_squeeze %scatter3A_1373 : memref<1x100x256xf32, #tpu.memory_space<vmem>> -> memref<100x256xf32, #tpu.memory_space<vmem>>
        tpu.vector_store_idx %scatter3A_1374[%select_n3A_1366, %add3A_1369], %broadcast_in_dim3A_16 : memref<100x256xf32, #tpu.memory_space<vmem>>[vector<16xi32>, vector<16xi32>], vector<16xf32>,
        %add3A_1375 = arith.constant 16 : i32
        %add3A_1376 = arith.addi %add3A_1356, %add3A_1375 : i32
        %get3A_1377 = arith.index_cast %add3A_1376 : i32 to index
        %get3A_1378 = tpu.vector_load %arg5[%get3A_1377] {strides = array<i32>} : memref<16384xi32, #tpu.memory_space<vmem>>, vector<16xi32>,
        %lt3A_1379 = arith.constant 0 : i32
        %lt3A_1380 = vector.broadcast %lt3A_1379 : i32 to vector<16xi32>
        %lt3A_1381 = arith.cmpi slt, %get3A_1378, %lt3A_1380 : vector<16xi32>
        %jit3A_1382 = arith.constant 55 : i32
        %broadcast_in_dim3A_1383 = vector.broadcast %jit3A_1382 : i32 to vector<16xi32>
        %select_n3A_1384 = arith.select %lt3A_1381, %broadcast_in_dim3A_1383, %get3A_1378 : vector<16xi1>, vector<16xi32>
        %add3A_1385 = arith.constant 16 : i32
        %add3A_1386 = vector.broadcast %add3A_1385 : i32 to vector<16xi32>
        %add3A_1387 = arith.addi %add3A_1386, %iota3A : vector<16xi32>
        %scatter3A_1388 = arith.constant 3 : i32
        %scatter3A_1389 = arith.constant 0 : i32
        %scatter3A_1390 = arith.constant 0 : i32
        %scatter3A_1391 = tpu.memref_slice %arg4[%scatter3A_1388, %scatter3A_1389, %scatter3A_1390] : memref<4x100x256xf32, #tpu.memory_space<vmem>> -> memref<1x100x256xf32, #tpu.memory_space<vmem>>
        %scatter3A_1392 = tpu.memref_squeeze %scatter3A_1391 : memref<1x100x256xf32, #tpu.memory_space<vmem>> -> memref<100x256xf32, #tpu.memory_space<vmem>>
        tpu.vector_store_idx %scatter3A_1392[%select_n3A_1384, %add3A_1387], %broadcast_in_dim3A_16 : memref<100x256xf32, #tpu.memory_space<vmem>>[vector<16xi32>, vector<16xi32>], vector<16xf32>,
        %add3A_1393 = arith.constant 32 : i32
        %add3A_1394 = arith.addi %add3A_1356, %add3A_1393 : i32
        %get3A_1395 = arith.index_cast %add3A_1394 : i32 to index
        %get3A_1396 = tpu.vector_load %arg5[%get3A_1395] {strides = array<i32>} : memref<16384xi32, #tpu.memory_space<vmem>>, vector<16xi32>,
        %lt3A_1397 = arith.constant 0 : i32
        %lt3A_1398 = vector.broadcast %lt3A_1397 : i32 to vector<16xi32>
        %lt3A_1399 = arith.cmpi slt, %get3A_1396, %lt3A_1398 : vector<16xi32>
        %jit3A_1400 = arith.constant 55 : i32
        %broadcast_in_dim3A_1401 = vector.broadcast %jit3A_1400 : i32 to vector<16xi32>
        %select_n3A_1402 = arith.select %lt3A_1399, %broadcast_in_dim3A_1401, %get3A_1396 : vector<16xi1>, vector<16xi32>
        %add3A_1403 = arith.constant 32 : i32
        %add3A_1404 = vector.broadcast %add3A_1403 : i32 to vector<16xi32>
        %add3A_1405 = arith.addi %add3A_1404, %iota3A : vector<16xi32>
        %scatter3A_1406 = arith.constant 3 : i32
        %scatter3A_1407 = arith.constant 0 : i32
        %scatter3A_1408 = arith.constant 0 : i32
        %scatter3A_1409 = tpu.memref_slice %arg4[%scatter3A_1406, %scatter3A_1407, %scatter3A_1408] : memref<4x100x256xf32, #tpu.memory_space<vmem>> -> memref<1x100x256xf32, #tpu.memory_space<vmem>>
        %scatter3A_1410 = tpu.memref_squeeze %scatter3A_1409 : memref<1x100x256xf32, #tpu.memory_space<vmem>> -> memref<100x256xf32, #tpu.memory_space<vmem>>
        tpu.vector_store_idx %scatter3A_1410[%select_n3A_1402, %add3A_1405], %broadcast_in_dim3A_16 : memref<100x256xf32, #tpu.memory_space<vmem>>[vector<16xi32>, vector<16xi32>], vector<16xf32>,
        %add3A_1411 = arith.constant 48 : i32
        %add3A_1412 = arith.addi %add3A_1356, %add3A_1411 : i32
        %get3A_1413 = arith.index_cast %add3A_1412 : i32 to index
        %get3A_1414 = tpu.vector_load %arg5[%get3A_1413] {strides = array<i32>} : memref<16384xi32, #tpu.memory_space<vmem>>, vector<16xi32>,
        %lt3A_1415 = arith.constant 0 : i32
        %lt3A_1416 = vector.broadcast %lt3A_1415 : i32 to vector<16xi32>
        %lt3A_1417 = arith.cmpi slt, %get3A_1414, %lt3A_1416 : vector<16xi32>
        %jit3A_1418 = arith.constant 55 : i32
        %broadcast_in_dim3A_1419 = vector.broadcast %jit3A_1418 : i32 to vector<16xi32>
        %select_n3A_1420 = arith.select %lt3A_1417, %broadcast_in_dim3A_1419, %get3A_1414 : vector<16xi1>, vector<16xi32>
        %add3A_1421 = arith.constant 48 : i32
        %add3A_1422 = vector.broadcast %add3A_1421 : i32 to vector<16xi32>
        %add3A_1423 = arith.addi %add3A_1422, %iota3A : vector<16xi32>
        %scatter3A_1424 = arith.constant 3 : i32
        %scatter3A_1425 = arith.constant 0 : i32
        %scatter3A_1426 = arith.constant 0 : i32
        %scatter3A_1427 = tpu.memref_slice %arg4[%scatter3A_1424, %scatter3A_1425, %scatter3A_1426] : memref<4x100x256xf32, #tpu.memory_space<vmem>> -> memref<1x100x256xf32, #tpu.memory_space<vmem>>
        %scatter3A_1428 = tpu.memref_squeeze %scatter3A_1427 : memref<1x100x256xf32, #tpu.memory_space<vmem>> -> memref<100x256xf32, #tpu.memory_space<vmem>>
        tpu.vector_store_idx %scatter3A_1428[%select_n3A_1420, %add3A_1423], %broadcast_in_dim3A_16 : memref<100x256xf32, #tpu.memory_space<vmem>>[vector<16xi32>, vector<16xi32>], vector<16xf32>,
        %add3A_1429 = arith.constant 64 : i32
        %add3A_1430 = arith.addi %add3A_1356, %add3A_1429 : i32
        %get3A_1431 = arith.index_cast %add3A_1430 : i32 to index
        %get3A_1432 = tpu.vector_load %arg5[%get3A_1431] {strides = array<i32>} : memref<16384xi32, #tpu.memory_space<vmem>>, vector<16xi32>,
        %lt3A_1433 = arith.constant 0 : i32
        %lt3A_1434 = vector.broadcast %lt3A_1433 : i32 to vector<16xi32>
        %lt3A_1435 = arith.cmpi slt, %get3A_1432, %lt3A_1434 : vector<16xi32>
        %jit3A_1436 = arith.constant 55 : i32
        %broadcast_in_dim3A_1437 = vector.broadcast %jit3A_1436 : i32 to vector<16xi32>
        %select_n3A_1438 = arith.select %lt3A_1435, %broadcast_in_dim3A_1437, %get3A_1432 : vector<16xi1>, vector<16xi32>
        %add3A_1439 = arith.constant 64 : i32
        %add3A_1440 = vector.broadcast %add3A_1439 : i32 to vector<16xi32>
        %add3A_1441 = arith.addi %add3A_1440, %iota3A : vector<16xi32>
        %scatter3A_1442 = arith.constant 3 : i32
        %scatter3A_1443 = arith.constant 0 : i32
        %scatter3A_1444 = arith.constant 0 : i32
        %scatter3A_1445 = tpu.memref_slice %arg4[%scatter3A_1442, %scatter3A_1443, %scatter3A_1444] : memref<4x100x256xf32, #tpu.memory_space<vmem>> -> memref<1x100x256xf32, #tpu.memory_space<vmem>>
        %scatter3A_1446 = tpu.memref_squeeze %scatter3A_1445 : memref<1x100x256xf32, #tpu.memory_space<vmem>> -> memref<100x256xf32, #tpu.memory_space<vmem>>
        tpu.vector_store_idx %scatter3A_1446[%select_n3A_1438, %add3A_1441], %broadcast_in_dim3A_16 : memref<100x256xf32, #tpu.memory_space<vmem>>[vector<16xi32>, vector<16xi32>], vector<16xf32>,
        %add3A_1447 = arith.constant 80 : i32
        %add3A_1448 = arith.addi %add3A_1356, %add3A_1447 : i32
        %get3A_1449 = arith.index_cast %add3A_1448 : i32 to index
        %get3A_1450 = tpu.vector_load %arg5[%get3A_1449] {strides = array<i32>} : memref<16384xi32, #tpu.memory_space<vmem>>, vector<16xi32>,
        %lt3A_1451 = arith.constant 0 : i32
        %lt3A_1452 = vector.broadcast %lt3A_1451 : i32 to vector<16xi32>
        %lt3A_1453 = arith.cmpi slt, %get3A_1450, %lt3A_1452 : vector<16xi32>
        %jit3A_1454 = arith.constant 55 : i32
        %broadcast_in_dim3A_1455 = vector.broadcast %jit3A_1454 : i32 to vector<16xi32>
        %select_n3A_1456 = arith.select %lt3A_1453, %broadcast_in_dim3A_1455, %get3A_1450 : vector<16xi1>, vector<16xi32>
        %add3A_1457 = arith.constant 80 : i32
        %add3A_1458 = vector.broadcast %add3A_1457 : i32 to vector<16xi32>
        %add3A_1459 = arith.addi %add3A_1458, %iota3A : vector<16xi32>
        %scatter3A_1460 = arith.constant 3 : i32
        %scatter3A_1461 = arith.constant 0 : i32
        %scatter3A_1462 = arith.constant 0 : i32
        %scatter3A_1463 = tpu.memref_slice %arg4[%scatter3A_1460, %scatter3A_1461, %scatter3A_1462] : memref<4x100x256xf32, #tpu.memory_space<vmem>> -> memref<1x100x256xf32, #tpu.memory_space<vmem>>
        %scatter3A_1464 = tpu.memref_squeeze %scatter3A_1463 : memref<1x100x256xf32, #tpu.memory_space<vmem>> -> memref<100x256xf32, #tpu.memory_space<vmem>>
        tpu.vector_store_idx %scatter3A_1464[%select_n3A_1456, %add3A_1459], %broadcast_in_dim3A_16 : memref<100x256xf32, #tpu.memory_space<vmem>>[vector<16xi32>, vector<16xi32>], vector<16xf32>,
        %add3A_1465 = arith.constant 96 : i32
        %add3A_1466 = arith.addi %add3A_1356, %add3A_1465 : i32
        %get3A_1467 = arith.index_cast %add3A_1466 : i32 to index
        %get3A_1468 = tpu.vector_load %arg5[%get3A_1467] {strides = array<i32>} : memref<16384xi32, #tpu.memory_space<vmem>>, vector<16xi32>,
        %lt3A_1469 = arith.constant 0 : i32
        %lt3A_1470 = vector.broadcast %lt3A_1469 : i32 to vector<16xi32>
        %lt3A_1471 = arith.cmpi slt, %get3A_1468, %lt3A_1470 : vector<16xi32>
        %jit3A_1472 = arith.constant 55 : i32
        %broadcast_in_dim3A_1473 = vector.broadcast %jit3A_1472 : i32 to vector<16xi32>
        %select_n3A_1474 = arith.select %lt3A_1471, %broadcast_in_dim3A_1473, %get3A_1468 : vector<16xi1>, vector<16xi32>
        %add3A_1475 = arith.constant 96 : i32
        %add3A_1476 = vector.broadcast %add3A_1475 : i32 to vector<16xi32>
        %add3A_1477 = arith.addi %add3A_1476, %iota3A : vector<16xi32>
        %scatter3A_1478 = arith.constant 3 : i32
        %scatter3A_1479 = arith.constant 0 : i32
        %scatter3A_1480 = arith.constant 0 : i32
        %scatter3A_1481 = tpu.memref_slice %arg4[%scatter3A_1478, %scatter3A_1479, %scatter3A_1480] : memref<4x100x256xf32, #tpu.memory_space<vmem>> -> memref<1x100x256xf32, #tpu.memory_space<vmem>>
        %scatter3A_1482 = tpu.memref_squeeze %scatter3A_1481 : memref<1x100x256xf32, #tpu.memory_space<vmem>> -> memref<100x256xf32, #tpu.memory_space<vmem>>
        tpu.vector_store_idx %scatter3A_1482[%select_n3A_1474, %add3A_1477], %broadcast_in_dim3A_16 : memref<100x256xf32, #tpu.memory_space<vmem>>[vector<16xi32>, vector<16xi32>], vector<16xf32>,
        %add3A_1483 = arith.constant 112 : i32
        %add3A_1484 = arith.addi %add3A_1356, %add3A_1483 : i32
        %get3A_1485 = arith.index_cast %add3A_1484 : i32 to index
        %get3A_1486 = tpu.vector_load %arg5[%get3A_1485] {strides = array<i32>} : memref<16384xi32, #tpu.memory_space<vmem>>, vector<16xi32>,
        %lt3A_1487 = arith.constant 0 : i32
        %lt3A_1488 = vector.broadcast %lt3A_1487 : i32 to vector<16xi32>
        %lt3A_1489 = arith.cmpi slt, %get3A_1486, %lt3A_1488 : vector<16xi32>
        %jit3A_1490 = arith.constant 55 : i32
        %broadcast_in_dim3A_1491 = vector.broadcast %jit3A_1490 : i32 to vector<16xi32>
        %select_n3A_1492 = arith.select %lt3A_1489, %broadcast_in_dim3A_1491, %get3A_1486 : vector<16xi1>, vector<16xi32>
        %add3A_1493 = arith.constant 112 : i32
        %add3A_1494 = vector.broadcast %add3A_1493 : i32 to vector<16xi32>
        %add3A_1495 = arith.addi %add3A_1494, %iota3A : vector<16xi32>
        %scatter3A_1496 = arith.constant 3 : i32
        %scatter3A_1497 = arith.constant 0 : i32
        %scatter3A_1498 = arith.constant 0 : i32
        %scatter3A_1499 = tpu.memref_slice %arg4[%scatter3A_1496, %scatter3A_1497, %scatter3A_1498] : memref<4x100x256xf32, #tpu.memory_space<vmem>> -> memref<1x100x256xf32, #tpu.memory_space<vmem>>
        %scatter3A_1500 = tpu.memref_squeeze %scatter3A_1499 : memref<1x100x256xf32, #tpu.memory_space<vmem>> -> memref<100x256xf32, #tpu.memory_space<vmem>>
        tpu.vector_store_idx %scatter3A_1500[%select_n3A_1492, %add3A_1495], %broadcast_in_dim3A_16 : memref<100x256xf32, #tpu.memory_space<vmem>>[vector<16xi32>, vector<16xi32>], vector<16xf32>,
        %add3A_1501 = arith.constant 128 : i32
        %add3A_1502 = arith.addi %add3A_1356, %add3A_1501 : i32
        %get3A_1503 = arith.index_cast %add3A_1502 : i32 to index
        %get3A_1504 = tpu.vector_load %arg5[%get3A_1503] {strides = array<i32>} : memref<16384xi32, #tpu.memory_space<vmem>>, vector<16xi32>,
        %lt3A_1505 = arith.constant 0 : i32
        %lt3A_1506 = vector.broadcast %lt3A_1505 : i32 to vector<16xi32>
        %lt3A_1507 = arith.cmpi slt, %get3A_1504, %lt3A_1506 : vector<16xi32>
        %jit3A_1508 = arith.constant 55 : i32
        %broadcast_in_dim3A_1509 = vector.broadcast %jit3A_1508 : i32 to vector<16xi32>
        %select_n3A_1510 = arith.select %lt3A_1507, %broadcast_in_dim3A_1509, %get3A_1504 : vector<16xi1>, vector<16xi32>
        %add3A_1511 = arith.constant 128 : i32
        %add3A_1512 = vector.broadcast %add3A_1511 : i32 to vector<16xi32>
        %add3A_1513 = arith.addi %add3A_1512, %iota3A : vector<16xi32>
        %scatter3A_1514 = arith.constant 3 : i32
        %scatter3A_1515 = arith.constant 0 : i32
        %scatter3A_1516 = arith.constant 0 : i32
        %scatter3A_1517 = tpu.memref_slice %arg4[%scatter3A_1514, %scatter3A_1515, %scatter3A_1516] : memref<4x100x256xf32, #tpu.memory_space<vmem>> -> memref<1x100x256xf32, #tpu.memory_space<vmem>>
        %scatter3A_1518 = tpu.memref_squeeze %scatter3A_1517 : memref<1x100x256xf32, #tpu.memory_space<vmem>> -> memref<100x256xf32, #tpu.memory_space<vmem>>
        tpu.vector_store_idx %scatter3A_1518[%select_n3A_1510, %add3A_1513], %broadcast_in_dim3A_16 : memref<100x256xf32, #tpu.memory_space<vmem>>[vector<16xi32>, vector<16xi32>], vector<16xf32>,
        %add3A_1519 = arith.constant 144 : i32
        %add3A_1520 = arith.addi %add3A_1356, %add3A_1519 : i32
        %get3A_1521 = arith.index_cast %add3A_1520 : i32 to index
        %get3A_1522 = tpu.vector_load %arg5[%get3A_1521] {strides = array<i32>} : memref<16384xi32, #tpu.memory_space<vmem>>, vector<16xi32>,
        %lt3A_1523 = arith.constant 0 : i32
        %lt3A_1524 = vector.broadcast %lt3A_1523 : i32 to vector<16xi32>
        %lt3A_1525 = arith.cmpi slt, %get3A_1522, %lt3A_1524 : vector<16xi32>
        %jit3A_1526 = arith.constant 55 : i32
        %broadcast_in_dim3A_1527 = vector.broadcast %jit3A_1526 : i32 to vector<16xi32>
        %select_n3A_1528 = arith.select %lt3A_1525, %broadcast_in_dim3A_1527, %get3A_1522 : vector<16xi1>, vector<16xi32>
        %add3A_1529 = arith.constant 144 : i32
        %add3A_1530 = vector.broadcast %add3A_1529 : i32 to vector<16xi32>
        %add3A_1531 = arith.addi %add3A_1530, %iota3A : vector<16xi32>
        %scatter3A_1532 = arith.constant 3 : i32
        %scatter3A_1533 = arith.constant 0 : i32
        %scatter3A_1534 = arith.constant 0 : i32
        %scatter3A_1535 = tpu.memref_slice %arg4[%scatter3A_1532, %scatter3A_1533, %scatter3A_1534] : memref<4x100x256xf32, #tpu.memory_space<vmem>> -> memref<1x100x256xf32, #tpu.memory_space<vmem>>
        %scatter3A_1536 = tpu.memref_squeeze %scatter3A_1535 : memref<1x100x256xf32, #tpu.memory_space<vmem>> -> memref<100x256xf32, #tpu.memory_space<vmem>>
        tpu.vector_store_idx %scatter3A_1536[%select_n3A_1528, %add3A_1531], %broadcast_in_dim3A_16 : memref<100x256xf32, #tpu.memory_space<vmem>>[vector<16xi32>, vector<16xi32>], vector<16xf32>,
        %add3A_1537 = arith.constant 160 : i32
        %add3A_1538 = arith.addi %add3A_1356, %add3A_1537 : i32
        %get3A_1539 = arith.index_cast %add3A_1538 : i32 to index
        %get3A_1540 = tpu.vector_load %arg5[%get3A_1539] {strides = array<i32>} : memref<16384xi32, #tpu.memory_space<vmem>>, vector<16xi32>,
        %lt3A_1541 = arith.constant 0 : i32
        %lt3A_1542 = vector.broadcast %lt3A_1541 : i32 to vector<16xi32>
        %lt3A_1543 = arith.cmpi slt, %get3A_1540, %lt3A_1542 : vector<16xi32>
        %jit3A_1544 = arith.constant 55 : i32
        %broadcast_in_dim3A_1545 = vector.broadcast %jit3A_1544 : i32 to vector<16xi32>
        %select_n3A_1546 = arith.select %lt3A_1543, %broadcast_in_dim3A_1545, %get3A_1540 : vector<16xi1>, vector<16xi32>
        %add3A_1547 = arith.constant 160 : i32
        %add3A_1548 = vector.broadcast %add3A_1547 : i32 to vector<16xi32>
        %add3A_1549 = arith.addi %add3A_1548, %iota3A : vector<16xi32>
        %scatter3A_1550 = arith.constant 3 : i32
        %scatter3A_1551 = arith.constant 0 : i32
        %scatter3A_1552 = arith.constant 0 : i32
        %scatter3A_1553 = tpu.memref_slice %arg4[%scatter3A_1550, %scatter3A_1551, %scatter3A_1552] : memref<4x100x256xf32, #tpu.memory_space<vmem>> -> memref<1x100x256xf32, #tpu.memory_space<vmem>>
        %scatter3A_1554 = tpu.memref_squeeze %scatter3A_1553 : memref<1x100x256xf32, #tpu.memory_space<vmem>> -> memref<100x256xf32, #tpu.memory_space<vmem>>
        tpu.vector_store_idx %scatter3A_1554[%select_n3A_1546, %add3A_1549], %broadcast_in_dim3A_16 : memref<100x256xf32, #tpu.memory_space<vmem>>[vector<16xi32>, vector<16xi32>], vector<16xf32>,
        %add3A_1555 = arith.constant 176 : i32
        %add3A_1556 = arith.addi %add3A_1356, %add3A_1555 : i32
        %get3A_1557 = arith.index_cast %add3A_1556 : i32 to index
        %get3A_1558 = tpu.vector_load %arg5[%get3A_1557] {strides = array<i32>} : memref<16384xi32, #tpu.memory_space<vmem>>, vector<16xi32>,
        %lt3A_1559 = arith.constant 0 : i32
        %lt3A_1560 = vector.broadcast %lt3A_1559 : i32 to vector<16xi32>
        %lt3A_1561 = arith.cmpi slt, %get3A_1558, %lt3A_1560 : vector<16xi32>
        %jit3A_1562 = arith.constant 55 : i32
        %broadcast_in_dim3A_1563 = vector.broadcast %jit3A_1562 : i32 to vector<16xi32>
        %select_n3A_1564 = arith.select %lt3A_1561, %broadcast_in_dim3A_1563, %get3A_1558 : vector<16xi1>, vector<16xi32>
        %add3A_1565 = arith.constant 176 : i32
        %add3A_1566 = vector.broadcast %add3A_1565 : i32 to vector<16xi32>
        %add3A_1567 = arith.addi %add3A_1566, %iota3A : vector<16xi32>
        %scatter3A_1568 = arith.constant 3 : i32
        %scatter3A_1569 = arith.constant 0 : i32
        %scatter3A_1570 = arith.constant 0 : i32
        %scatter3A_1571 = tpu.memref_slice %arg4[%scatter3A_1568, %scatter3A_1569, %scatter3A_1570] : memref<4x100x256xf32, #tpu.memory_space<vmem>> -> memref<1x100x256xf32, #tpu.memory_space<vmem>>
        %scatter3A_1572 = tpu.memref_squeeze %scatter3A_1571 : memref<1x100x256xf32, #tpu.memory_space<vmem>> -> memref<100x256xf32, #tpu.memory_space<vmem>>
        tpu.vector_store_idx %scatter3A_1572[%select_n3A_1564, %add3A_1567], %broadcast_in_dim3A_16 : memref<100x256xf32, #tpu.memory_space<vmem>>[vector<16xi32>, vector<16xi32>], vector<16xf32>,
        %add3A_1573 = arith.constant 192 : i32
        %add3A_1574 = arith.addi %add3A_1356, %add3A_1573 : i32
        %get3A_1575 = arith.index_cast %add3A_1574 : i32 to index
        %get3A_1576 = tpu.vector_load %arg5[%get3A_1575] {strides = array<i32>} : memref<16384xi32, #tpu.memory_space<vmem>>, vector<16xi32>,
        %lt3A_1577 = arith.constant 0 : i32
        %lt3A_1578 = vector.broadcast %lt3A_1577 : i32 to vector<16xi32>
        %lt3A_1579 = arith.cmpi slt, %get3A_1576, %lt3A_1578 : vector<16xi32>
        %jit3A_1580 = arith.constant 55 : i32
        %broadcast_in_dim3A_1581 = vector.broadcast %jit3A_1580 : i32 to vector<16xi32>
        %select_n3A_1582 = arith.select %lt3A_1579, %broadcast_in_dim3A_1581, %get3A_1576 : vector<16xi1>, vector<16xi32>
        %add3A_1583 = arith.constant 192 : i32
        %add3A_1584 = vector.broadcast %add3A_1583 : i32 to vector<16xi32>
        %add3A_1585 = arith.addi %add3A_1584, %iota3A : vector<16xi32>
        %scatter3A_1586 = arith.constant 3 : i32
        %scatter3A_1587 = arith.constant 0 : i32
        %scatter3A_1588 = arith.constant 0 : i32
        %scatter3A_1589 = tpu.memref_slice %arg4[%scatter3A_1586, %scatter3A_1587, %scatter3A_1588] : memref<4x100x256xf32, #tpu.memory_space<vmem>> -> memref<1x100x256xf32, #tpu.memory_space<vmem>>
        %scatter3A_1590 = tpu.memref_squeeze %scatter3A_1589 : memref<1x100x256xf32, #tpu.memory_space<vmem>> -> memref<100x256xf32, #tpu.memory_space<vmem>>
        tpu.vector_store_idx %scatter3A_1590[%select_n3A_1582, %add3A_1585], %broadcast_in_dim3A_16 : memref<100x256xf32, #tpu.memory_space<vmem>>[vector<16xi32>, vector<16xi32>], vector<16xf32>,
        %add3A_1591 = arith.constant 208 : i32
        %add3A_1592 = arith.addi %add3A_1356, %add3A_1591 : i32
        %get3A_1593 = arith.index_cast %add3A_1592 : i32 to index
        %get3A_1594 = tpu.vector_load %arg5[%get3A_1593] {strides = array<i32>} : memref<16384xi32, #tpu.memory_space<vmem>>, vector<16xi32>,
        %lt3A_1595 = arith.constant 0 : i32
        %lt3A_1596 = vector.broadcast %lt3A_1595 : i32 to vector<16xi32>
        %lt3A_1597 = arith.cmpi slt, %get3A_1594, %lt3A_1596 : vector<16xi32>
        %jit3A_1598 = arith.constant 55 : i32
        %broadcast_in_dim3A_1599 = vector.broadcast %jit3A_1598 : i32 to vector<16xi32>
        %select_n3A_1600 = arith.select %lt3A_1597, %broadcast_in_dim3A_1599, %get3A_1594 : vector<16xi1>, vector<16xi32>
        %add3A_1601 = arith.constant 208 : i32
        %add3A_1602 = vector.broadcast %add3A_1601 : i32 to vector<16xi32>
        %add3A_1603 = arith.addi %add3A_1602, %iota3A : vector<16xi32>
        %scatter3A_1604 = arith.constant 3 : i32
        %scatter3A_1605 = arith.constant 0 : i32
        %scatter3A_1606 = arith.constant 0 : i32
        %scatter3A_1607 = tpu.memref_slice %arg4[%scatter3A_1604, %scatter3A_1605, %scatter3A_1606] : memref<4x100x256xf32, #tpu.memory_space<vmem>> -> memref<1x100x256xf32, #tpu.memory_space<vmem>>
        %scatter3A_1608 = tpu.memref_squeeze %scatter3A_1607 : memref<1x100x256xf32, #tpu.memory_space<vmem>> -> memref<100x256xf32, #tpu.memory_space<vmem>>
        tpu.vector_store_idx %scatter3A_1608[%select_n3A_1600, %add3A_1603], %broadcast_in_dim3A_16 : memref<100x256xf32, #tpu.memory_space<vmem>>[vector<16xi32>, vector<16xi32>], vector<16xf32>,
        %add3A_1609 = arith.constant 224 : i32
        %add3A_1610 = arith.addi %add3A_1356, %add3A_1609 : i32
        %get3A_1611 = arith.index_cast %add3A_1610 : i32 to index
        %get3A_1612 = tpu.vector_load %arg5[%get3A_1611] {strides = array<i32>} : memref<16384xi32, #tpu.memory_space<vmem>>, vector<16xi32>,
        %lt3A_1613 = arith.constant 0 : i32
        %lt3A_1614 = vector.broadcast %lt3A_1613 : i32 to vector<16xi32>
        %lt3A_1615 = arith.cmpi slt, %get3A_1612, %lt3A_1614 : vector<16xi32>
        %jit3A_1616 = arith.constant 55 : i32
        %broadcast_in_dim3A_1617 = vector.broadcast %jit3A_1616 : i32 to vector<16xi32>
        %select_n3A_1618 = arith.select %lt3A_1615, %broadcast_in_dim3A_1617, %get3A_1612 : vector<16xi1>, vector<16xi32>
        %add3A_1619 = arith.constant 224 : i32
        %add3A_1620 = vector.broadcast %add3A_1619 : i32 to vector<16xi32>
        %add3A_1621 = arith.addi %add3A_1620, %iota3A : vector<16xi32>
        %scatter3A_1622 = arith.constant 3 : i32
        %scatter3A_1623 = arith.constant 0 : i32
        %scatter3A_1624 = arith.constant 0 : i32
        %scatter3A_1625 = tpu.memref_slice %arg4[%scatter3A_1622, %scatter3A_1623, %scatter3A_1624] : memref<4x100x256xf32, #tpu.memory_space<vmem>> -> memref<1x100x256xf32, #tpu.memory_space<vmem>>
        %scatter3A_1626 = tpu.memref_squeeze %scatter3A_1625 : memref<1x100x256xf32, #tpu.memory_space<vmem>> -> memref<100x256xf32, #tpu.memory_space<vmem>>
        tpu.vector_store_idx %scatter3A_1626[%select_n3A_1618, %add3A_1621], %broadcast_in_dim3A_16 : memref<100x256xf32, #tpu.memory_space<vmem>>[vector<16xi32>, vector<16xi32>], vector<16xf32>,
        %add3A_1627 = arith.constant 240 : i32
        %add3A_1628 = arith.addi %add3A_1356, %add3A_1627 : i32
        %get3A_1629 = arith.index_cast %add3A_1628 : i32 to index
        %get3A_1630 = tpu.vector_load %arg5[%get3A_1629] {strides = array<i32>} : memref<16384xi32, #tpu.memory_space<vmem>>, vector<16xi32>,
        %lt3A_1631 = arith.constant 0 : i32
        %lt3A_1632 = vector.broadcast %lt3A_1631 : i32 to vector<16xi32>
        %lt3A_1633 = arith.cmpi slt, %get3A_1630, %lt3A_1632 : vector<16xi32>
        %jit3A_1634 = arith.constant 55 : i32
        %broadcast_in_dim3A_1635 = vector.broadcast %jit3A_1634 : i32 to vector<16xi32>
        %select_n3A_1636 = arith.select %lt3A_1633, %broadcast_in_dim3A_1635, %get3A_1630 : vector<16xi1>, vector<16xi32>
        %add3A_1637 = arith.constant 240 : i32
        %add3A_1638 = vector.broadcast %add3A_1637 : i32 to vector<16xi32>
        %add3A_1639 = arith.addi %add3A_1638, %iota3A : vector<16xi32>
        %scatter3A_1640 = arith.constant 3 : i32
        %scatter3A_1641 = arith.constant 0 : i32
        %scatter3A_1642 = arith.constant 0 : i32
        %scatter3A_1643 = tpu.memref_slice %arg4[%scatter3A_1640, %scatter3A_1641, %scatter3A_1642] : memref<4x100x256xf32, #tpu.memory_space<vmem>> -> memref<1x100x256xf32, #tpu.memory_space<vmem>>
        %scatter3A_1644 = tpu.memref_squeeze %scatter3A_1643 : memref<1x100x256xf32, #tpu.memory_space<vmem>> -> memref<100x256xf32, #tpu.memory_space<vmem>>
        tpu.vector_store_idx %scatter3A_1644[%select_n3A_1636, %add3A_1639], %broadcast_in_dim3A_16 : memref<100x256xf32, #tpu.memory_space<vmem>>[vector<16xi32>, vector<16xi32>], vector<16xf32>,
      } else {
      }
      %lt3A_1332 = arith.cmpi slt, %add3A_1325, %select_n3A : i32
      %convert_element_type3A_1333 = arith.extui %lt3A_1332 : i1 to i32
      %cond3A_1334 = arith.constant 0 : i32
      %cond3A_1335 = arith.cmpi ne, %convert_element_type3A_1333, %cond3A_1334 : i32
      scf.if %cond3A_1335 {
        %mul3A_1336 = arith.constant 256 : i32
        %mul3A_1337 = arith.muli %add3A_1325, %mul3A_1336 : i32
        %add3A_1338 = arith.addi %sub3A, %mul3A_1337 : i32
        %add3A_1339 = arith.constant 0 : i32
        %add3A_1340 = arith.addi %add3A_1338, %add3A_1339 : i32
        %get3A_1341 = arith.index_cast %add3A_1340 : i32 to index
        %get3A_1342 = tpu.vector_load %arg5[%get3A_1341] {strides = array<i32>} : memref<16384xi32, #tpu.memory_space<vmem>>, vector<16xi32>,
        %lt3A_1343 = arith.constant 0 : i32
        %lt3A_1344 = vector.broadcast %lt3A_1343 : i32 to vector<16xi32>
        %lt3A_1345 = arith.cmpi slt, %get3A_1342, %lt3A_1344 : vector<16xi32>
        %jit3A_1346 = arith.constant 55 : i32
        %broadcast_in_dim3A_1347 = vector.broadcast %jit3A_1346 : i32 to vector<16xi32>
        %select_n3A_1348 = arith.select %lt3A_1345, %broadcast_in_dim3A_1347, %get3A_1342 : vector<16xi1>, vector<16xi32>
        %add3A_1349 = arith.constant 0 : i32
        %add3A_1350 = vector.broadcast %add3A_1349 : i32 to vector<16xi32>
        %add3A_1351 = arith.addi %add3A_1350, %iota3A : vector<16xi32>
        %scatter3A_1352 = arith.constant 3 : i32
        %scatter3A_1353 = arith.constant 0 : i32
        %scatter3A_1354 = arith.constant 0 : i32
        %scatter3A_1355 = tpu.memref_slice %arg4[%scatter3A_1352, %scatter3A_1353, %scatter3A_1354] : memref<4x100x256xf32, #tpu.memory_space<vmem>> -> memref<1x100x256xf32, #tpu.memory_space<vmem>>
        %scatter3A_1356 = tpu.memref_squeeze %scatter3A_1355 : memref<1x100x256xf32, #tpu.memory_space<vmem>> -> memref<100x256xf32, #tpu.memory_space<vmem>>
        tpu.vector_store_idx %scatter3A_1356[%select_n3A_1348, %add3A_1351], %broadcast_in_dim3A_14 : memref<100x256xf32, #tpu.memory_space<vmem>>[vector<16xi32>, vector<16xi32>], vector<16xf32>,
        %add3A_1357 = arith.constant 16 : i32
        %add3A_1358 = arith.addi %add3A_1338, %add3A_1357 : i32
        %get3A_1359 = arith.index_cast %add3A_1358 : i32 to index
        %get3A_1360 = tpu.vector_load %arg5[%get3A_1359] {strides = array<i32>} : memref<16384xi32, #tpu.memory_space<vmem>>, vector<16xi32>,
        %lt3A_1361 = arith.constant 0 : i32
        %lt3A_1362 = vector.broadcast %lt3A_1361 : i32 to vector<16xi32>
        %lt3A_1363 = arith.cmpi slt, %get3A_1360, %lt3A_1362 : vector<16xi32>
        %jit3A_1364 = arith.constant 55 : i32
        %broadcast_in_dim3A_1365 = vector.broadcast %jit3A_1364 : i32 to vector<16xi32>
        %select_n3A_1366 = arith.select %lt3A_1363, %broadcast_in_dim3A_1365, %get3A_1360 : vector<16xi1>, vector<16xi32>
        %add3A_1367 = arith.constant 16 : i32
        %add3A_1368 = vector.broadcast %add3A_1367 : i32 to vector<16xi32>
        %add3A_1369 = arith.addi %add3A_1368, %iota3A : vector<16xi32>
        %scatter3A_1370 = arith.constant 3 : i32
        %scatter3A_1371 = arith.constant 0 : i32
        %scatter3A_1372 = arith.constant 0 : i32
        %scatter3A_1373 = tpu.memref_slice %arg4[%scatter3A_1370, %scatter3A_1371, %scatter3A_1372] : memref<4x100x256xf32, #tpu.memory_space<vmem>> -> memref<1x100x256xf32, #tpu.memory_space<vmem>>
        %scatter3A_1374 = tpu.memref_squeeze %scatter3A_1373 : memref<1x100x256xf32, #tpu.memory_space<vmem>> -> memref<100x256xf32, #tpu.memory_space<vmem>>
        tpu.vector_store_idx %scatter3A_1374[%select_n3A_1366, %add3A_1369], %broadcast_in_dim3A_14 : memref<100x256xf32, #tpu.memory_space<vmem>>[vector<16xi32>, vector<16xi32>], vector<16xf32>,
        %add3A_1375 = arith.constant 32 : i32
        %add3A_1376 = arith.addi %add3A_1338, %add3A_1375 : i32
        %get3A_1377 = arith.index_cast %add3A_1376 : i32 to index
        %get3A_1378 = tpu.vector_load %arg5[%get3A_1377] {strides = array<i32>} : memref<16384xi32, #tpu.memory_space<vmem>>, vector<16xi32>,
        %lt3A_1379 = arith.constant 0 : i32
        %lt3A_1380 = vector.broadcast %lt3A_1379 : i32 to vector<16xi32>
        %lt3A_1381 = arith.cmpi slt, %get3A_1378, %lt3A_1380 : vector<16xi32>
        %jit3A_1382 = arith.constant 55 : i32
        %broadcast_in_dim3A_1383 = vector.broadcast %jit3A_1382 : i32 to vector<16xi32>
        %select_n3A_1384 = arith.select %lt3A_1381, %broadcast_in_dim3A_1383, %get3A_1378 : vector<16xi1>, vector<16xi32>
        %add3A_1385 = arith.constant 32 : i32
        %add3A_1386 = vector.broadcast %add3A_1385 : i32 to vector<16xi32>
        %add3A_1387 = arith.addi %add3A_1386, %iota3A : vector<16xi32>
        %scatter3A_1388 = arith.constant 3 : i32
        %scatter3A_1389 = arith.constant 0 : i32
        %scatter3A_1390 = arith.constant 0 : i32
        %scatter3A_1391 = tpu.memref_slice %arg4[%scatter3A_1388, %scatter3A_1389, %scatter3A_1390] : memref<4x100x256xf32, #tpu.memory_space<vmem>> -> memref<1x100x256xf32, #tpu.memory_space<vmem>>
        %scatter3A_1392 = tpu.memref_squeeze %scatter3A_1391 : memref<1x100x256xf32, #tpu.memory_space<vmem>> -> memref<100x256xf32, #tpu.memory_space<vmem>>
        tpu.vector_store_idx %scatter3A_1392[%select_n3A_1384, %add3A_1387], %broadcast_in_dim3A_14 : memref<100x256xf32, #tpu.memory_space<vmem>>[vector<16xi32>, vector<16xi32>], vector<16xf32>,
        %add3A_1393 = arith.constant 48 : i32
        %add3A_1394 = arith.addi %add3A_1338, %add3A_1393 : i32
        %get3A_1395 = arith.index_cast %add3A_1394 : i32 to index
        %get3A_1396 = tpu.vector_load %arg5[%get3A_1395] {strides = array<i32>} : memref<16384xi32, #tpu.memory_space<vmem>>, vector<16xi32>,
        %lt3A_1397 = arith.constant 0 : i32
        %lt3A_1398 = vector.broadcast %lt3A_1397 : i32 to vector<16xi32>
        %lt3A_1399 = arith.cmpi slt, %get3A_1396, %lt3A_1398 : vector<16xi32>
        %jit3A_1400 = arith.constant 55 : i32
        %broadcast_in_dim3A_1401 = vector.broadcast %jit3A_1400 : i32 to vector<16xi32>
        %select_n3A_1402 = arith.select %lt3A_1399, %broadcast_in_dim3A_1401, %get3A_1396 : vector<16xi1>, vector<16xi32>
        %add3A_1403 = arith.constant 48 : i32
        %add3A_1404 = vector.broadcast %add3A_1403 : i32 to vector<16xi32>
        %add3A_1405 = arith.addi %add3A_1404, %iota3A : vector<16xi32>
        %scatter3A_1406 = arith.constant 3 : i32
        %scatter3A_1407 = arith.constant 0 : i32
        %scatter3A_1408 = arith.constant 0 : i32
        %scatter3A_1409 = tpu.memref_slice %arg4[%scatter3A_1406, %scatter3A_1407, %scatter3A_1408] : memref<4x100x256xf32, #tpu.memory_space<vmem>> -> memref<1x100x256xf32, #tpu.memory_space<vmem>>
        %scatter3A_1410 = tpu.memref_squeeze %scatter3A_1409 : memref<1x100x256xf32, #tpu.memory_space<vmem>> -> memref<100x256xf32, #tpu.memory_space<vmem>>
        tpu.vector_store_idx %scatter3A_1410[%select_n3A_1402, %add3A_1405], %broadcast_in_dim3A_14 : memref<100x256xf32, #tpu.memory_space<vmem>>[vector<16xi32>, vector<16xi32>], vector<16xf32>,
        %add3A_1411 = arith.constant 64 : i32
        %add3A_1412 = arith.addi %add3A_1338, %add3A_1411 : i32
        %get3A_1413 = arith.index_cast %add3A_1412 : i32 to index
        %get3A_1414 = tpu.vector_load %arg5[%get3A_1413] {strides = array<i32>} : memref<16384xi32, #tpu.memory_space<vmem>>, vector<16xi32>,
        %lt3A_1415 = arith.constant 0 : i32
        %lt3A_1416 = vector.broadcast %lt3A_1415 : i32 to vector<16xi32>
        %lt3A_1417 = arith.cmpi slt, %get3A_1414, %lt3A_1416 : vector<16xi32>
        %jit3A_1418 = arith.constant 55 : i32
        %broadcast_in_dim3A_1419 = vector.broadcast %jit3A_1418 : i32 to vector<16xi32>
        %select_n3A_1420 = arith.select %lt3A_1417, %broadcast_in_dim3A_1419, %get3A_1414 : vector<16xi1>, vector<16xi32>
        %add3A_1421 = arith.constant 64 : i32
        %add3A_1422 = vector.broadcast %add3A_1421 : i32 to vector<16xi32>
        %add3A_1423 = arith.addi %add3A_1422, %iota3A : vector<16xi32>
        %scatter3A_1424 = arith.constant 3 : i32
        %scatter3A_1425 = arith.constant 0 : i32
        %scatter3A_1426 = arith.constant 0 : i32
        %scatter3A_1427 = tpu.memref_slice %arg4[%scatter3A_1424, %scatter3A_1425, %scatter3A_1426] : memref<4x100x256xf32, #tpu.memory_space<vmem>> -> memref<1x100x256xf32, #tpu.memory_space<vmem>>
        %scatter3A_1428 = tpu.memref_squeeze %scatter3A_1427 : memref<1x100x256xf32, #tpu.memory_space<vmem>> -> memref<100x256xf32, #tpu.memory_space<vmem>>
        tpu.vector_store_idx %scatter3A_1428[%select_n3A_1420, %add3A_1423], %broadcast_in_dim3A_14 : memref<100x256xf32, #tpu.memory_space<vmem>>[vector<16xi32>, vector<16xi32>], vector<16xf32>,
        %add3A_1429 = arith.constant 80 : i32
        %add3A_1430 = arith.addi %add3A_1338, %add3A_1429 : i32
        %get3A_1431 = arith.index_cast %add3A_1430 : i32 to index
        %get3A_1432 = tpu.vector_load %arg5[%get3A_1431] {strides = array<i32>} : memref<16384xi32, #tpu.memory_space<vmem>>, vector<16xi32>,
        %lt3A_1433 = arith.constant 0 : i32
        %lt3A_1434 = vector.broadcast %lt3A_1433 : i32 to vector<16xi32>
        %lt3A_1435 = arith.cmpi slt, %get3A_1432, %lt3A_1434 : vector<16xi32>
        %jit3A_1436 = arith.constant 55 : i32
        %broadcast_in_dim3A_1437 = vector.broadcast %jit3A_1436 : i32 to vector<16xi32>
        %select_n3A_1438 = arith.select %lt3A_1435, %broadcast_in_dim3A_1437, %get3A_1432 : vector<16xi1>, vector<16xi32>
        %add3A_1439 = arith.constant 80 : i32
        %add3A_1440 = vector.broadcast %add3A_1439 : i32 to vector<16xi32>
        %add3A_1441 = arith.addi %add3A_1440, %iota3A : vector<16xi32>
        %scatter3A_1442 = arith.constant 3 : i32
        %scatter3A_1443 = arith.constant 0 : i32
        %scatter3A_1444 = arith.constant 0 : i32
        %scatter3A_1445 = tpu.memref_slice %arg4[%scatter3A_1442, %scatter3A_1443, %scatter3A_1444] : memref<4x100x256xf32, #tpu.memory_space<vmem>> -> memref<1x100x256xf32, #tpu.memory_space<vmem>>
        %scatter3A_1446 = tpu.memref_squeeze %scatter3A_1445 : memref<1x100x256xf32, #tpu.memory_space<vmem>> -> memref<100x256xf32, #tpu.memory_space<vmem>>
        tpu.vector_store_idx %scatter3A_1446[%select_n3A_1438, %add3A_1441], %broadcast_in_dim3A_14 : memref<100x256xf32, #tpu.memory_space<vmem>>[vector<16xi32>, vector<16xi32>], vector<16xf32>,
        %add3A_1447 = arith.constant 96 : i32
        %add3A_1448 = arith.addi %add3A_1338, %add3A_1447 : i32
        %get3A_1449 = arith.index_cast %add3A_1448 : i32 to index
        %get3A_1450 = tpu.vector_load %arg5[%get3A_1449] {strides = array<i32>} : memref<16384xi32, #tpu.memory_space<vmem>>, vector<16xi32>,
        %lt3A_1451 = arith.constant 0 : i32
        %lt3A_1452 = vector.broadcast %lt3A_1451 : i32 to vector<16xi32>
        %lt3A_1453 = arith.cmpi slt, %get3A_1450, %lt3A_1452 : vector<16xi32>
        %jit3A_1454 = arith.constant 55 : i32
        %broadcast_in_dim3A_1455 = vector.broadcast %jit3A_1454 : i32 to vector<16xi32>
        %select_n3A_1456 = arith.select %lt3A_1453, %broadcast_in_dim3A_1455, %get3A_1450 : vector<16xi1>, vector<16xi32>
        %add3A_1457 = arith.constant 96 : i32
        %add3A_1458 = vector.broadcast %add3A_1457 : i32 to vector<16xi32>
        %add3A_1459 = arith.addi %add3A_1458, %iota3A : vector<16xi32>
        %scatter3A_1460 = arith.constant 3 : i32
        %scatter3A_1461 = arith.constant 0 : i32
        %scatter3A_1462 = arith.constant 0 : i32
        %scatter3A_1463 = tpu.memref_slice %arg4[%scatter3A_1460, %scatter3A_1461, %scatter3A_1462] : memref<4x100x256xf32, #tpu.memory_space<vmem>> -> memref<1x100x256xf32, #tpu.memory_space<vmem>>
        %scatter3A_1464 = tpu.memref_squeeze %scatter3A_1463 : memref<1x100x256xf32, #tpu.memory_space<vmem>> -> memref<100x256xf32, #tpu.memory_space<vmem>>
        tpu.vector_store_idx %scatter3A_1464[%select_n3A_1456, %add3A_1459], %broadcast_in_dim3A_14 : memref<100x256xf32, #tpu.memory_space<vmem>>[vector<16xi32>, vector<16xi32>], vector<16xf32>,
        %add3A_1465 = arith.constant 112 : i32
        %add3A_1466 = arith.addi %add3A_1338, %add3A_1465 : i32
        %get3A_1467 = arith.index_cast %add3A_1466 : i32 to index
        %get3A_1468 = tpu.vector_load %arg5[%get3A_1467] {strides = array<i32>} : memref<16384xi32, #tpu.memory_space<vmem>>, vector<16xi32>,
        %lt3A_1469 = arith.constant 0 : i32
        %lt3A_1470 = vector.broadcast %lt3A_1469 : i32 to vector<16xi32>
        %lt3A_1471 = arith.cmpi slt, %get3A_1468, %lt3A_1470 : vector<16xi32>
        %jit3A_1472 = arith.constant 55 : i32
        %broadcast_in_dim3A_1473 = vector.broadcast %jit3A_1472 : i32 to vector<16xi32>
        %select_n3A_1474 = arith.select %lt3A_1471, %broadcast_in_dim3A_1473, %get3A_1468 : vector<16xi1>, vector<16xi32>
        %add3A_1475 = arith.constant 112 : i32
        %add3A_1476 = vector.broadcast %add3A_1475 : i32 to vector<16xi32>
        %add3A_1477 = arith.addi %add3A_1476, %iota3A : vector<16xi32>
        %scatter3A_1478 = arith.constant 3 : i32
        %scatter3A_1479 = arith.constant 0 : i32
        %scatter3A_1480 = arith.constant 0 : i32
        %scatter3A_1481 = tpu.memref_slice %arg4[%scatter3A_1478, %scatter3A_1479, %scatter3A_1480] : memref<4x100x256xf32, #tpu.memory_space<vmem>> -> memref<1x100x256xf32, #tpu.memory_space<vmem>>
        %scatter3A_1482 = tpu.memref_squeeze %scatter3A_1481 : memref<1x100x256xf32, #tpu.memory_space<vmem>> -> memref<100x256xf32, #tpu.memory_space<vmem>>
        tpu.vector_store_idx %scatter3A_1482[%select_n3A_1474, %add3A_1477], %broadcast_in_dim3A_14 : memref<100x256xf32, #tpu.memory_space<vmem>>[vector<16xi32>, vector<16xi32>], vector<16xf32>,
        %add3A_1483 = arith.constant 128 : i32
        %add3A_1484 = arith.addi %add3A_1338, %add3A_1483 : i32
        %get3A_1485 = arith.index_cast %add3A_1484 : i32 to index
        %get3A_1486 = tpu.vector_load %arg5[%get3A_1485] {strides = array<i32>} : memref<16384xi32, #tpu.memory_space<vmem>>, vector<16xi32>,
        %lt3A_1487 = arith.constant 0 : i32
        %lt3A_1488 = vector.broadcast %lt3A_1487 : i32 to vector<16xi32>
        %lt3A_1489 = arith.cmpi slt, %get3A_1486, %lt3A_1488 : vector<16xi32>
        %jit3A_1490 = arith.constant 55 : i32
        %broadcast_in_dim3A_1491 = vector.broadcast %jit3A_1490 : i32 to vector<16xi32>
        %select_n3A_1492 = arith.select %lt3A_1489, %broadcast_in_dim3A_1491, %get3A_1486 : vector<16xi1>, vector<16xi32>
        %add3A_1493 = arith.constant 128 : i32
        %add3A_1494 = vector.broadcast %add3A_1493 : i32 to vector<16xi32>
        %add3A_1495 = arith.addi %add3A_1494, %iota3A : vector<16xi32>
        %scatter3A_1496 = arith.constant 3 : i32
        %scatter3A_1497 = arith.constant 0 : i32
        %scatter3A_1498 = arith.constant 0 : i32
        %scatter3A_1499 = tpu.memref_slice %arg4[%scatter3A_1496, %scatter3A_1497, %scatter3A_1498] : memref<4x100x256xf32, #tpu.memory_space<vmem>> -> memref<1x100x256xf32, #tpu.memory_space<vmem>>
        %scatter3A_1500 = tpu.memref_squeeze %scatter3A_1499 : memref<1x100x256xf32, #tpu.memory_space<vmem>> -> memref<100x256xf32, #tpu.memory_space<vmem>>
        tpu.vector_store_idx %scatter3A_1500[%select_n3A_1492, %add3A_1495], %broadcast_in_dim3A_14 : memref<100x256xf32, #tpu.memory_space<vmem>>[vector<16xi32>, vector<16xi32>], vector<16xf32>,
        %add3A_1501 = arith.constant 144 : i32
        %add3A_1502 = arith.addi %add3A_1338, %add3A_1501 : i32
        %get3A_1503 = arith.index_cast %add3A_1502 : i32 to index
        %get3A_1504 = tpu.vector_load %arg5[%get3A_1503] {strides = array<i32>} : memref<16384xi32, #tpu.memory_space<vmem>>, vector<16xi32>,
        %lt3A_1505 = arith.constant 0 : i32
        %lt3A_1506 = vector.broadcast %lt3A_1505 : i32 to vector<16xi32>
        %lt3A_1507 = arith.cmpi slt, %get3A_1504, %lt3A_1506 : vector<16xi32>
        %jit3A_1508 = arith.constant 55 : i32
        %broadcast_in_dim3A_1509 = vector.broadcast %jit3A_1508 : i32 to vector<16xi32>
        %select_n3A_1510 = arith.select %lt3A_1507, %broadcast_in_dim3A_1509, %get3A_1504 : vector<16xi1>, vector<16xi32>
        %add3A_1511 = arith.constant 144 : i32
        %add3A_1512 = vector.broadcast %add3A_1511 : i32 to vector<16xi32>
        %add3A_1513 = arith.addi %add3A_1512, %iota3A : vector<16xi32>
        %scatter3A_1514 = arith.constant 3 : i32
        %scatter3A_1515 = arith.constant 0 : i32
        %scatter3A_1516 = arith.constant 0 : i32
        %scatter3A_1517 = tpu.memref_slice %arg4[%scatter3A_1514, %scatter3A_1515, %scatter3A_1516] : memref<4x100x256xf32, #tpu.memory_space<vmem>> -> memref<1x100x256xf32, #tpu.memory_space<vmem>>
        %scatter3A_1518 = tpu.memref_squeeze %scatter3A_1517 : memref<1x100x256xf32, #tpu.memory_space<vmem>> -> memref<100x256xf32, #tpu.memory_space<vmem>>
        tpu.vector_store_idx %scatter3A_1518[%select_n3A_1510, %add3A_1513], %broadcast_in_dim3A_14 : memref<100x256xf32, #tpu.memory_space<vmem>>[vector<16xi32>, vector<16xi32>], vector<16xf32>,
        %add3A_1519 = arith.constant 160 : i32
        %add3A_1520 = arith.addi %add3A_1338, %add3A_1519 : i32
        %get3A_1521 = arith.index_cast %add3A_1520 : i32 to index
        %get3A_1522 = tpu.vector_load %arg5[%get3A_1521] {strides = array<i32>} : memref<16384xi32, #tpu.memory_space<vmem>>, vector<16xi32>,
        %lt3A_1523 = arith.constant 0 : i32
        %lt3A_1524 = vector.broadcast %lt3A_1523 : i32 to vector<16xi32>
        %lt3A_1525 = arith.cmpi slt, %get3A_1522, %lt3A_1524 : vector<16xi32>
        %jit3A_1526 = arith.constant 55 : i32
        %broadcast_in_dim3A_1527 = vector.broadcast %jit3A_1526 : i32 to vector<16xi32>
        %select_n3A_1528 = arith.select %lt3A_1525, %broadcast_in_dim3A_1527, %get3A_1522 : vector<16xi1>, vector<16xi32>
        %add3A_1529 = arith.constant 160 : i32
        %add3A_1530 = vector.broadcast %add3A_1529 : i32 to vector<16xi32>
        %add3A_1531 = arith.addi %add3A_1530, %iota3A : vector<16xi32>
        %scatter3A_1532 = arith.constant 3 : i32
        %scatter3A_1533 = arith.constant 0 : i32
        %scatter3A_1534 = arith.constant 0 : i32
        %scatter3A_1535 = tpu.memref_slice %arg4[%scatter3A_1532, %scatter3A_1533, %scatter3A_1534] : memref<4x100x256xf32, #tpu.memory_space<vmem>> -> memref<1x100x256xf32, #tpu.memory_space<vmem>>
        %scatter3A_1536 = tpu.memref_squeeze %scatter3A_1535 : memref<1x100x256xf32, #tpu.memory_space<vmem>> -> memref<100x256xf32, #tpu.memory_space<vmem>>
        tpu.vector_store_idx %scatter3A_1536[%select_n3A_1528, %add3A_1531], %broadcast_in_dim3A_14 : memref<100x256xf32, #tpu.memory_space<vmem>>[vector<16xi32>, vector<16xi32>], vector<16xf32>,
        %add3A_1537 = arith.constant 176 : i32
        %add3A_1538 = arith.addi %add3A_1338, %add3A_1537 : i32
        %get3A_1539 = arith.index_cast %add3A_1538 : i32 to index
        %get3A_1540 = tpu.vector_load %arg5[%get3A_1539] {strides = array<i32>} : memref<16384xi32, #tpu.memory_space<vmem>>, vector<16xi32>,
        %lt3A_1541 = arith.constant 0 : i32
        %lt3A_1542 = vector.broadcast %lt3A_1541 : i32 to vector<16xi32>
        %lt3A_1543 = arith.cmpi slt, %get3A_1540, %lt3A_1542 : vector<16xi32>
        %jit3A_1544 = arith.constant 55 : i32
        %broadcast_in_dim3A_1545 = vector.broadcast %jit3A_1544 : i32 to vector<16xi32>
        %select_n3A_1546 = arith.select %lt3A_1543, %broadcast_in_dim3A_1545, %get3A_1540 : vector<16xi1>, vector<16xi32>
        %add3A_1547 = arith.constant 176 : i32
        %add3A_1548 = vector.broadcast %add3A_1547 : i32 to vector<16xi32>
        %add3A_1549 = arith.addi %add3A_1548, %iota3A : vector<16xi32>
        %scatter3A_1550 = arith.constant 3 : i32
        %scatter3A_1551 = arith.constant 0 : i32
        %scatter3A_1552 = arith.constant 0 : i32
        %scatter3A_1553 = tpu.memref_slice %arg4[%scatter3A_1550, %scatter3A_1551, %scatter3A_1552] : memref<4x100x256xf32, #tpu.memory_space<vmem>> -> memref<1x100x256xf32, #tpu.memory_space<vmem>>
        %scatter3A_1554 = tpu.memref_squeeze %scatter3A_1553 : memref<1x100x256xf32, #tpu.memory_space<vmem>> -> memref<100x256xf32, #tpu.memory_space<vmem>>
        tpu.vector_store_idx %scatter3A_1554[%select_n3A_1546, %add3A_1549], %broadcast_in_dim3A_14 : memref<100x256xf32, #tpu.memory_space<vmem>>[vector<16xi32>, vector<16xi32>], vector<16xf32>,
        %add3A_1555 = arith.constant 192 : i32
        %add3A_1556 = arith.addi %add3A_1338, %add3A_1555 : i32
        %get3A_1557 = arith.index_cast %add3A_1556 : i32 to index
        %get3A_1558 = tpu.vector_load %arg5[%get3A_1557] {strides = array<i32>} : memref<16384xi32, #tpu.memory_space<vmem>>, vector<16xi32>,
        %lt3A_1559 = arith.constant 0 : i32
        %lt3A_1560 = vector.broadcast %lt3A_1559 : i32 to vector<16xi32>
        %lt3A_1561 = arith.cmpi slt, %get3A_1558, %lt3A_1560 : vector<16xi32>
        %jit3A_1562 = arith.constant 55 : i32
        %broadcast_in_dim3A_1563 = vector.broadcast %jit3A_1562 : i32 to vector<16xi32>
        %select_n3A_1564 = arith.select %lt3A_1561, %broadcast_in_dim3A_1563, %get3A_1558 : vector<16xi1>, vector<16xi32>
        %add3A_1565 = arith.constant 192 : i32
        %add3A_1566 = vector.broadcast %add3A_1565 : i32 to vector<16xi32>
        %add3A_1567 = arith.addi %add3A_1566, %iota3A : vector<16xi32>
        %scatter3A_1568 = arith.constant 3 : i32
        %scatter3A_1569 = arith.constant 0 : i32
        %scatter3A_1570 = arith.constant 0 : i32
        %scatter3A_1571 = tpu.memref_slice %arg4[%scatter3A_1568, %scatter3A_1569, %scatter3A_1570] : memref<4x100x256xf32, #tpu.memory_space<vmem>> -> memref<1x100x256xf32, #tpu.memory_space<vmem>>
        %scatter3A_1572 = tpu.memref_squeeze %scatter3A_1571 : memref<1x100x256xf32, #tpu.memory_space<vmem>> -> memref<100x256xf32, #tpu.memory_space<vmem>>
        tpu.vector_store_idx %scatter3A_1572[%select_n3A_1564, %add3A_1567], %broadcast_in_dim3A_14 : memref<100x256xf32, #tpu.memory_space<vmem>>[vector<16xi32>, vector<16xi32>], vector<16xf32>,
        %add3A_1573 = arith.constant 208 : i32
        %add3A_1574 = arith.addi %add3A_1338, %add3A_1573 : i32
        %get3A_1575 = arith.index_cast %add3A_1574 : i32 to index
        %get3A_1576 = tpu.vector_load %arg5[%get3A_1575] {strides = array<i32>} : memref<16384xi32, #tpu.memory_space<vmem>>, vector<16xi32>,
        %lt3A_1577 = arith.constant 0 : i32
        %lt3A_1578 = vector.broadcast %lt3A_1577 : i32 to vector<16xi32>
        %lt3A_1579 = arith.cmpi slt, %get3A_1576, %lt3A_1578 : vector<16xi32>
        %jit3A_1580 = arith.constant 55 : i32
        %broadcast_in_dim3A_1581 = vector.broadcast %jit3A_1580 : i32 to vector<16xi32>
        %select_n3A_1582 = arith.select %lt3A_1579, %broadcast_in_dim3A_1581, %get3A_1576 : vector<16xi1>, vector<16xi32>
        %add3A_1583 = arith.constant 208 : i32
        %add3A_1584 = vector.broadcast %add3A_1583 : i32 to vector<16xi32>
        %add3A_1585 = arith.addi %add3A_1584, %iota3A : vector<16xi32>
        %scatter3A_1586 = arith.constant 3 : i32
        %scatter3A_1587 = arith.constant 0 : i32
        %scatter3A_1588 = arith.constant 0 : i32
        %scatter3A_1589 = tpu.memref_slice %arg4[%scatter3A_1586, %scatter3A_1587, %scatter3A_1588] : memref<4x100x256xf32, #tpu.memory_space<vmem>> -> memref<1x100x256xf32, #tpu.memory_space<vmem>>
        %scatter3A_1590 = tpu.memref_squeeze %scatter3A_1589 : memref<1x100x256xf32, #tpu.memory_space<vmem>> -> memref<100x256xf32, #tpu.memory_space<vmem>>
        tpu.vector_store_idx %scatter3A_1590[%select_n3A_1582, %add3A_1585], %broadcast_in_dim3A_14 : memref<100x256xf32, #tpu.memory_space<vmem>>[vector<16xi32>, vector<16xi32>], vector<16xf32>,
        %add3A_1591 = arith.constant 224 : i32
        %add3A_1592 = arith.addi %add3A_1338, %add3A_1591 : i32
        %get3A_1593 = arith.index_cast %add3A_1592 : i32 to index
        %get3A_1594 = tpu.vector_load %arg5[%get3A_1593] {strides = array<i32>} : memref<16384xi32, #tpu.memory_space<vmem>>, vector<16xi32>,
        %lt3A_1595 = arith.constant 0 : i32
        %lt3A_1596 = vector.broadcast %lt3A_1595 : i32 to vector<16xi32>
        %lt3A_1597 = arith.cmpi slt, %get3A_1594, %lt3A_1596 : vector<16xi32>
        %jit3A_1598 = arith.constant 55 : i32
        %broadcast_in_dim3A_1599 = vector.broadcast %jit3A_1598 : i32 to vector<16xi32>
        %select_n3A_1600 = arith.select %lt3A_1597, %broadcast_in_dim3A_1599, %get3A_1594 : vector<16xi1>, vector<16xi32>
        %add3A_1601 = arith.constant 224 : i32
        %add3A_1602 = vector.broadcast %add3A_1601 : i32 to vector<16xi32>
        %add3A_1603 = arith.addi %add3A_1602, %iota3A : vector<16xi32>
        %scatter3A_1604 = arith.constant 3 : i32
        %scatter3A_1605 = arith.constant 0 : i32
        %scatter3A_1606 = arith.constant 0 : i32
        %scatter3A_1607 = tpu.memref_slice %arg4[%scatter3A_1604, %scatter3A_1605, %scatter3A_1606] : memref<4x100x256xf32, #tpu.memory_space<vmem>> -> memref<1x100x256xf32, #tpu.memory_space<vmem>>
        %scatter3A_1608 = tpu.memref_squeeze %scatter3A_1607 : memref<1x100x256xf32, #tpu.memory_space<vmem>> -> memref<100x256xf32, #tpu.memory_space<vmem>>
        tpu.vector_store_idx %scatter3A_1608[%select_n3A_1600, %add3A_1603], %broadcast_in_dim3A_14 : memref<100x256xf32, #tpu.memory_space<vmem>>[vector<16xi32>, vector<16xi32>], vector<16xf32>,
        %add3A_1609 = arith.constant 240 : i32
        %add3A_1610 = arith.addi %add3A_1338, %add3A_1609 : i32
        %get3A_1611 = arith.index_cast %add3A_1610 : i32 to index
        %get3A_1612 = tpu.vector_load %arg5[%get3A_1611] {strides = array<i32>} : memref<16384xi32, #tpu.memory_space<vmem>>, vector<16xi32>,
        %lt3A_1613 = arith.constant 0 : i32
        %lt3A_1614 = vector.broadcast %lt3A_1613 : i32 to vector<16xi32>
        %lt3A_1615 = arith.cmpi slt, %get3A_1612, %lt3A_1614 : vector<16xi32>
        %jit3A_1616 = arith.constant 55 : i32
        %broadcast_in_dim3A_1617 = vector.broadcast %jit3A_1616 : i32 to vector<16xi32>
        %select_n3A_1618 = arith.select %lt3A_1615, %broadcast_in_dim3A_1617, %get3A_1612 : vector<16xi1>, vector<16xi32>
        %add3A_1619 = arith.constant 240 : i32
        %add3A_1620 = vector.broadcast %add3A_1619 : i32 to vector<16xi32>
        %add3A_1621 = arith.addi %add3A_1620, %iota3A : vector<16xi32>
        %scatter3A_1622 = arith.constant 3 : i32
        %scatter3A_1623 = arith.constant 0 : i32
        %scatter3A_1624 = arith.constant 0 : i32
        %scatter3A_1625 = tpu.memref_slice %arg4[%scatter3A_1622, %scatter3A_1623, %scatter3A_1624] : memref<4x100x256xf32, #tpu.memory_space<vmem>> -> memref<1x100x256xf32, #tpu.memory_space<vmem>>
        %scatter3A_1626 = tpu.memref_squeeze %scatter3A_1625 : memref<1x100x256xf32, #tpu.memory_space<vmem>> -> memref<100x256xf32, #tpu.memory_space<vmem>>
        tpu.vector_store_idx %scatter3A_1626[%select_n3A_1618, %add3A_1621], %broadcast_in_dim3A_14 : memref<100x256xf32, #tpu.memory_space<vmem>>[vector<16xi32>, vector<16xi32>], vector<16xf32>,
        %add3A_1627 = arith.addi %add3A_4, %add3A_1325 : i32
        %mul3A_1628 = arith.constant 256 : i32
        %mul3A_1629 = arith.muli %add3A_1627, %mul3A_1628 : i32
        %dma_start3A_1630 = arith.constant 3 : i32
        %dma_start3A_1631 = arith.constant 0 : i32
        %dma_start3A_1632 = arith.constant 0 : i32
        %dma_start3A_1633 = tpu.memref_slice %arg4[%dma_start3A_1630, %dma_start3A_1631, %dma_start3A_1632] : memref<4x100x256xf32, #tpu.memory_space<vmem>> -> memref<1x100x256xf32, #tpu.memory_space<vmem>>
        %dma_start3A_1634 = tpu.memref_squeeze %dma_start3A_1633 : memref<1x100x256xf32, #tpu.memory_space<vmem>> -> memref<100x256xf32, #tpu.memory_space<vmem>>
        %dma_start3A_1635 = arith.constant 0 : i32
        %dma_start3A_1636 = tpu.memref_slice %arg3[%dma_start3A_1635, %mul3A_1629] : memref<100x500000xf32, #tpu.memory_space<hbm>> -> memref<100x256xf32, #tpu.memory_space<hbm>>
        %dma_start3A_1637 = arith.constant 0 : i32
        %dma_start3A_1638 = tpu.memref_slice %arg3[%dma_start3A_1637, %mul3A_1629] : memref<100x500000xf32, #tpu.memory_space<hbm>> -> memref<100x256xf32, #tpu.memory_space<hbm>>
        %dma_start3A_1639 = arith.constant 0 : i32
        %dma_start3A_1640 = arith.constant 0 : i32
        %dma_start3A_1641 = tpu.memref_slice %arg4[%dma_start3A_1630, %dma_start3A_1639, %dma_start3A_1640] : memref<4x100x256xf32, #tpu.memory_space<vmem>> -> memref<1x100x256xf32, #tpu.memory_space<vmem>>
        %dma_start3A_1642 = tpu.memref_squeeze %dma_start3A_1641 : memref<1x100x256xf32, #tpu.memory_space<vmem>> -> memref<100x256xf32, #tpu.memory_space<vmem>>
        tpu.enqueue_dma source(%dma_start3A_1642 : memref<100x256xf32, #tpu.memory_space<vmem>>) target(%dma_start3A_1638 : memref<100x256xf32, #tpu.memory_space<hbm>>) target_semaphore(%arg10 : memref<!tpu.dma_semaphore, #tpu.memory_space<semaphore_mem>>)
      } else {
      }
    }
    %scan3A_1272 = arith.constant 16 : i32
    return
  }
}

module attributes {stable_mosaic.version = 14 : i64} {
  func.func @_tail_body(%arg0: memref<1x32xi32, #tpu.memory_space<vmem>>, %arg1: memref<100x32xf32, #tpu.memory_space<vmem>>) attributes {dimension_semantics = [], scalar_prefetch = 0 : i64, scratch_operands = 0 : i64, tpu.core_type = #tpu.core_type<tc>} {
    %get3A = arith.constant 0 : index
    %get3A_0 = arith.constant 0 : index
    %get3A_1 = vector.load %arg0[%get3A, %get3A_0] : memref<1x32xi32, #tpu.memory_space<vmem>>, vector<1x32xi32>
    %lt3A = arith.constant 0 : i32
    %lt3A_2 = vector.broadcast %lt3A : i32 to vector<1x32xi32>
    %lt3A_3 = arith.cmpi slt, %get3A_1, %lt3A_2 : vector<1x32xi32>
    %jit3A = arith.constant 55 : i32
    %broadcast_in_dim3A = vector.broadcast %jit3A : i32 to vector<1x32xi32>
    %select_n3A = arith.select %lt3A_3, %broadcast_in_dim3A, %get3A_1 : vector<1x32xi1>, vector<1x32xi32>
    %iota3A = tpu.iota {dimensions = array<i32: 0>} : vector<100x32xi32>
    %eq3A = vector.broadcast %select_n3A : vector<1x32xi32> to vector<100x32xi32>
    %eq3A_4 = arith.cmpi eq, %iota3A, %eq3A : vector<100x32xi32>
    %convert_element_type3A = arith.extui %eq3A_4 : vector<100x32xi1> to vector<100x32xi32>
    %convert_element_type3A_5 = arith.sitofp %convert_element_type3A : vector<100x32xi32> to vector<100x32xf32>
    %swap3A = arith.constant 0 : index
    %swap3A_6 = arith.constant 0 : index
    %swap3A_7 = vector.load %arg1[%swap3A, %swap3A_6] : memref<100x32xf32, #tpu.memory_space<vmem>>, vector<100x32xf32>
    tpu.vector_store %arg1[%swap3A, %swap3A_6], %convert_element_type3A_5 {strides = array<i32>} : memref<100x32xf32, #tpu.memory_space<vmem>>, vector<100x32xf32>,
    return
  }
}

</mosaic_0001>

<sc_bundles>
// kernel: kernel.4.cloned.1.call-start
scs
__scs_entry_jumppad:
0x0: {  	(pc) =	sbr.rel $0x88, $3  }
0x1: {  	(tag) =	ssettag $0x0;
	lr =	simm.s32 $0x1  }
0x2: {  	[smem:$0x3FA0] =	sst lr;
	_ =	strace $0xD0000000  }
0x3: {  	_ = 	snop  }
0x4: {  	_ = 	snop  }
0x5: {  	_ = 	snop  }
0x6: {  	_ = 	snop  }
0x7: {  	_ = 	snop  }
__scs_overlays_trampoline_lowered:
0x8: {  	[smem:$0x3FAF] =	sst s0  }
0x9: {  	[smem:$0x3FB0] =	sst s1  }
0xa: {  	[smem:$0x3FB1] =	sst s2  }
0xb: {  	[smem:$0x3FB2] =	sst s3  }
0xc: {  	[smem:$0x3FB3] =	sst s4  }
0xd: {  	[smem:$0x3FB4] =	sst s5  }
0xe: {  	[smem:$0x3FB5] =	sst s6  }
0xf: {  	[smem:$0x3FB6] =	sst s7  }
0x10: {  	[smem:$0x3FB7] =	sst s8  }
0x11: {  	[smem:$0x3FB8] =	sst s9;
	s0 =	simm.s32 @!p0 $0x0  }
0x12: {  	s1 =	sld [smem:$0x3F9E];
	s0 =	simm.s32 @p0 $0x1  }
0x13: {  	[smem:$0x3FB9] =	sst s0;
	s0 =	simm.s32 @!p1 $0x0  }
0x14: {  	s2 =	sld [smem:$0x3F9D];
	s0 =	simm.s32 @p1 $0x1  }
0x15: {  	[smem:$0x3FBA] =	sst s0;
	s0 =	simm.s32 @!p2 $0x0  }
0x16: {  	s3 =	sld [smem:$0x3FDB];
	s0 =	simm.s32 @p2 $0x1  }
0x17: {  	s4 =	simm.s32 $0x1BF5;
	[smem:$0x3FBC] =	sst s0  }
0x18: {  	s0 =	sld [smem:$0x3F9F];
	_ =	swait.ge [sflag:s4], $0x0  }
0x19: {  	s7 =	sld [smem:$0x3FA0]  }
0x1a: {  	s8 =	sadd.s32 $0xFFFFE003, lr  }
0x1b: {  	s9 =	sadd.s32 $0xFFFFFEF7, lr;
	s5 =	simm.s32 $0xFFFFFFFF;
	p2 =	slt.u32 s8, $0xFFFFF086  }
0x1c: {  	p1 =	slt.u32 s9, $0xF7A;
	s5 =	simm.s32 @!p2 $0x0  }
0x1d: {  	s5 =	simm.s32 @p1 $0x1;
	p0 =	seq.s32 s7, s2  }
0x1e: {  	s7 =	smul.u32 @!p0 $0xF7A, s2;
	p2 =	seq.s32 @!p0 s5, $0x0  }
0x1f: {  	s9 =	smul.u32 $0xF7A, s1;
	s8 =	simm.s32 @!p0 $0x1BF5;
	p2 =	por !p2, p0  }
0x20: {  	[sflag:s8] =	ssyncset.s32 @!p0 $0xFFFFF086;
	s6 =	sadd.s32 @!p0 s3, s7;
	s7 =	simm.s32 @!p0 $0x108  }
0x21: {  	s3 =	sadd.s32 s3, s9;
	s6 =	sadd.s32 @!p0 $0x88, s6;
	s7 =	simm.s32 @p2 $0x1082  }
0x22: {  	[simem:s7], [sflag:s8] =	dma.local @!p0 [hbm:s6], $0xF7A  }
0x23: {  	s9 =	sor.u32 $0xD0000000, s2;
	s6 =	simm.s32 $0x108;
	_ =	swait.ge @!p0 [sflag:s8], $0x0  }
0x24: {  	s3 =	sadd.s32 $0x88, s3;
	s6 =	simm.s32 @!p1 $0x1082;
	[sflag:s4] =	ssyncset.s32 $0xFFFFF086  }
0x25: {  	[simem:s6], [sflag:s4] =	dma.local [hbm:s3], $0xF7A  }
0x26: {  	[smem:$0x3FA0] =	sst s1;
	(tag) =	ssettag s2;
	_ =	strace s9  }
0x27: {  	s1 =	sld [smem:$0x3FB0]  }
0x28: {  	s2 =	sld [smem:$0x3FB1]  }
0x29: {  	s4 =	sld [smem:$0x3FB3]  }
0x2a: {  	p0 =	seq.s32 s5, $0x0;
	s5 =	sld [smem:$0x3FB4]  }
0x2b: {  	s6 =	sld [smem:$0x3FB5]  }
0x2c: {  	s7 =	sld [smem:$0x3FB6]  }
0x2d: {  	s3 =	simm.s32 $0x108;
	s8 =	sld [smem:$0x3FB7]  }
0x2e: {  	s3 =	simm.s32 @!p0 $0x1082;
	s9 =	sld [smem:$0x3FB8]  }
0x2f: {  	lr =	sadd.s32 s0, s3;
	s0 =	sld [smem:$0x3FAF]  }
0x30: {  	s3 =	sld [smem:$0x3FB2]  }
0x31: {  	[smem:$0x3FBB] =	sst s10  }
0x32: {  	s10 =	sld [smem:$0x3FB9];
	_ =	sdelay $0x3  }
0x33: {  	p0 =	seq.s32 s10, $0x1;
	s10 =	sld [smem:$0x3FBB];
	_ =	sdelay $0x3  }
0x34: {  	[smem:$0x3FBB] =	sst s10  }
0x35: {  	s10 =	sld [smem:$0x3FBA];
	_ =	sdelay $0x3  }
0x36: {  	p1 =	seq.s32 s10, $0x1;
	s10 =	sld [smem:$0x3FBB];
	_ =	sdelay $0x3  }
0x37: {  	[smem:$0x3FBB] =	sst s10  }
0x38: {  	s10 =	sld [smem:$0x3FBC]  }
0x39: {  	_ = 	snop;
	(pc) =	sbr.ind lr, $3  }
0x3a: {  	_ = 	snop  }
0x3b: {  	_ = 	snop  }
0x3c: {  	p2 =	seq.s32 s10, $0x1;
	s10 =	sld [smem:$0x3FBB]  }
0x3d: {  	_ =	shalt  }
0x3e: {  	_ =	shalt  }
0x3f: {  	_ =	shalt  }
0x40: {  	_ =	shalt  }
0x41: {  	_ =	shalt  }
0x42: {  	_ =	shalt  }
0x43: {  	_ =	shalt  }
0x44: {  	_ =	shalt  }
0x45: {  	_ =	shalt  }
0x46: {  	_ =	shalt  }
0x47: {  	_ =	shalt  }
0x48: {  	_ =	shalt  }
0x49: {  	_ =	shalt  }
0x4a: {  	_ =	shalt  }
0x4b: {  	_ =	shalt  }
0x4c: {  	_ =	shalt  }
0x4d: {  	_ =	shalt  }
0x4e: {  	_ =	shalt  }
0x4f: {  	_ =	shalt  }
0x50: {  	_ =	shalt  }
0x51: {  	_ =	shalt  }
0x52: {  	_ =	shalt  }
0x53: {  	_ =	shalt  }
0x54: {  	_ =	shalt  }
0x55: {  	_ =	shalt  }
0x56: {  	_ =	shalt  }
0x57: {  	_ =	shalt  }
0x58: {  	_ =	shalt  }
0x59: {  	_ =	shalt  }
0x5a: {  	_ =	shalt  }
0x5b: {  	_ =	shalt  }
0x5c: {  	_ =	shalt  }
0x5d: {  	_ =	shalt  }
0x5e: {  	_ =	shalt  }
0x5f: {  	_ =	shalt  }
0x60: {  	_ =	shalt  }
0x61: {  	_ =	shalt  }
0x62: {  	_ =	shalt  }
0x63: {  	_ =	shalt  }
0x64: {  	_ =	shalt  }
0x65: {  	_ =	shalt  }
0x66: {  	_ =	shalt  }
0x67: {  	_ =	shalt  }
0x68: {  	_ =	shalt  }
0x69: {  	_ =	shalt  }
0x6a: {  	_ =	shalt  }
0x6b: {  	_ =	shalt  }
0x6c: {  	_ =	shalt  }
0x6d: {  	_ =	shalt  }
0x6e: {  	_ =	shalt  }
0x6f: {  	_ =	shalt  }
0x70: {  	_ =	shalt  }
0x71: {  	_ =	shalt  }
0x72: {  	_ =	shalt  }
0x73: {  	_ =	shalt  }
0x74: {  	_ =	shalt  }
0x75: {  	_ =	shalt  }
0x76: {  	_ =	shalt  }
0x77: {  	_ =	shalt  }
0x78: {  	_ =	shalt  }
0x79: {  	_ =	shalt  }
0x7a: {  	_ =	shalt  }
0x7b: {  	_ =	shalt  }
0x7c: {  	_ =	shalt  }
0x7d: {  	_ =	shalt  }
0x7e: {  	_ =	shalt  }
0x7f: {  	_ =	shalt  }
0x80: {  	_ =	shalt  }
0x81: {  	_ =	shalt  }
0x82: {  	_ =	shalt  }
0x83: {  	_ =	shalt  }
0x84: {  	_ =	shalt  }
0x85: {  	_ =	shalt  }
0x86: {  	_ =	shalt  }
0x87: {  	_ =	shalt  }
.Lfunc_end0:
.L_simem_size_0:
called_computation_lowered:
.L_overlay_start_0:
0x88: {  	s2 =	sld [smem:$0x3FD9]  }
0x89: {  	s3 =	sld [smem:$0x3FFE];
	_ =	sdelay $0x1  }
0x8a: {  	s1 =	srdreg.scid  }
0x8b: {  	s0 =	sand.u32 $0x1, s1  }
0x8c: {  	s18 =	sshll.u32 s0, $0xA;
	s2 =	sadd.s32 s3, s2  }
0x8d: {  	s2 =	sadd.s32 s2, s18  }
0x8e: {  	[smem:$0x3FC7] =	sst s2  }
0x8f: {  	_ = 	snop  }
0x90: {  	s2 =	sld [smem:$0x3FC9]  }
0x91: {  	s19 =	sld [smem:$0x3FD0];
	(tm) =	ssettm $0x1  }
0x92: {  	s4 =	sld [smem:$0x3FFB];
	_ =	sdelay $0x3  }
0x93: {  	_ =	strace s4  }
0x94: {  	s4 =	sld [smem:$0x3FFC];
	_ =	sdelay $0x3  }
0x95: {  	_ =	strace s4  }
0x96: {  	s4 =	sld [smem:$0x3FFD];
	_ =	sdelay $0x3  }
0x97: {  	_ =	strace s4  }
0x98: {  	_ =	strace $0x8FFFFFFF  }
0x99: {  	s20 =	sld [smem:$0x3FDB];
	_ =	sdelay $0x1  }
0x9a: {  	s5 =	simm.s32 $_scs_section_size  }
0x9b: {  	s6 =	simm.s32 $_size__tile_overlayer_lowered;
	s7 =	simm.s32 $_tile_overlayer_lowered  }
0x9c: {  	s23 =	simm.s32 $0x1BFF;
	s22 =	sshll.u32 s7, $0x1;
	s4 =	sadd.s32 s5, s20  }
0x9d: {  	s8 =	simm.s32 $0x0;
	s21 =	sshll.u32 s6, $0x1;
	s6 =	sadd.s32 s22, s4  }
0x9e: {  	[timem:s8], [sflag:s23] =	dma.local [hbm:s6], s21  }
0x9f: {  	_ =	swait.ge [sflag:s23], s21  }
0xa0: {  	s5 =	ssub.s32 $0x0, s21;
	[sflag:s23] =	ssyncset.done $0x0  }
0xa1: {  	[sflag:s23] =	ssyncadd.s32 s5;
	_ =	sdelay $0x1  }
0xa2: {  	s24 =	simm.s32 $0x1B8B  }
0xa3: {  	_ =	swait.ge [sflag:s24], $0x1  }
0xa4: {  	[sflag:s24] =	ssyncset.done $0x0  }
0xa5: {  	s25 =	simm.s32 $0x1B8E;
	[sflag:s24] =	ssyncadd.s32 $0xFFFFFFFF  }
0xa6: {  	s26 =	simm.s32 $execute0_lowered;
	[smem:$0x3FD2] =	sst s25  }
0xa7: {  	s5 =	sshll.u32 s26, $0x1;
	_ =	strace $0x80000046;
	[dreg:$0x1] =	wrdreg $0xFFFFFFFF  }
0xa8: {  	s28 =	simm.s32 $_size_execute0_lowered;
	s4 =	sadd.s32 s4, s5;
	[dreg:$0x0] =	wrdreg $0x0  }
0xa9: {  	s5 =	sshll.u32 s28, $0x1;
	[dreg:$0x2] =	wrdreg s4  }
0xaa: {  	[dreg:$0x3] =	wrdreg s5  }
0xab: {  	[dreg:$0x4] =	wrdreg $0xC0  }
0xac: {  	_ =	task [dreg:s8], $0x5FFFF  }
0xad: {  	[dreg:$0x1] =	wrdreg $0xFFFFFFFF  }
0xae: {  	[dreg:$0x0] =	wrdreg $0x60  }
0xaf: {  	[dreg:$0x2] =	wrdreg s2  }
0xb0: {  	[dreg:$0x3] =	wrdreg s19  }
0xb1: {  	[dreg:$0x4] =	wrdreg $0x9  }
0xb2: {  	_ =	task.clear_ibuf [dreg:s8], $0x5FFFF;
	_ =	strace $0x90000046  }
0xb3: {  	s29 =	simm.s32 $0x9;
	_ =	strace $0x80000048  }
0xb4: {  	_ =	swait.ge [sflag:s29], $0x1  }
0xb5: {  	[sflag:s29] =	ssyncadd.s32 $0xFFFFFFFF  }
0xb6: {  	_ =	strace $0x90000048  }
0xb7: {  	_ =	sfence  }
0xb8: {  	s30 =	sld [smem:$0x0];
	_ =	sdelay $0x2  }
0xb9: {  	s31 =	sshll.u32 s1, $0xD;
	s1 =	sshrl.u32 s1, $0x2  }
0xba: {  	s3 =	sand.u32 $0x4000, s31;
	s1 =	sadd.s32 s1, s30  }
0xbb: {  	s0 =	sor.u32 s3, s0;
	s1 =	sshll.u32 s1, $0x11  }
0xbc: {  	s0 =	sor.u32 s1, s0  }
0xbd: {  	s0 =	sadd.s32 $0x8F2B, s0  }
0xbe: {  	[sflag:s0] =	ssyncadd.remote.s32 $0x1  }
0xbf: {  	_ =	sfence.sel $0xFFFF  }
0xc0: {  	[dreg:$0x0] =	wrdreg $0xFFFFFFFF;
	(pc) =	sbr.abs _section_cstart, $3  }
0xc1: {  	[dreg:$0x1] =	wrdreg $0xFFFFFFFF  }
0xc2: {  	_ =	task.clear_ibuf [dreg:s8], $0x2FFFF;
	_ =	strace $0x9FFFFFFF  }
0xc3: {  	(tm) =	ssettm $0x7FFFFFFF  }
tec
execute0_lowered:
.L_overlay_start_1:
0x0: {  	(tag) =	ssettag $0x1  }
0x1: {  	s1 =	rddreg [dreg:$0x0]  }
0x2: {  	s0 =	rddreg [dreg:$0x1];
	s2 =	srdreg.scid  }
0x3: {  	s17 =	stileid.u32;
	s9 =	simm.s32 $0x1;
	s28 =	simm.s32 $0x4  }
0x4: {  	s29 =	simm.s32 $0x5;
	s30 =	simm.s32 $0x0;
	s6 =	sand.u32 $0x1, s2  }
0x5: {  	s2 =	simm.s32 $0x0;
	s4 =	sshll.u32 s17, $0x1;
	s14 =	smul.u32 $0x7A, s17  }
0x6: {  	s3 =	ssub.s32 $0x2, s6;
	s4 =	sor.u32 s6, s4;
	s11 =	smul.u32 $0x3D, s6  }
0x7: {  	[smem:$0x7FF] =	sst s2;
	s5 =	sshrl.u32 s3, $0x1;
	s7 =	smul.u32 $0x3D, s4  }
0x8: {  	p0 =	sne.s32 s4, $0x0;
	_ =	strace $0x80000047;
	s10 =	ssub.s32 s3, s5  }
0x9: {  	s9 =	simm.s32 @!p0 $0x0;
	p0 =	seq.s32 s4, $0x0;
	s3 =	simm.s32 $0x3E  }
0xa: {  	s4 =	simm.s32 $0x1;
	s11 =	sadd.s32 s11, s14;
	s13 =	sadd.s32 s9, s7  }
0xb: {  	s3 =	simm.s32 @!p0 $0x3D;
	s15 =	sadd.s32 s9, s11;
	s8 =	sshll.u32 s13, $0x8  }
0xc: {  	s23 =	sshll.u32 s9, $0xA;
	s12 =	smin.u32 s8, $0x76120;
	s7 =	sadd.s32 s0, s8  }
0xd: {  	s9 =	sshll.u32 s9, $0x8;
	s5 =	ssub.s32 s8, s12;
	s16 =	sadd.s32 $0x100, s7  }
0xe: {  	s12 =	sshrl.u32 s12, $0x3;
	s18 =	sadd.s32 $0x200, s7;
	[dreg:$0x4] =	wrdreg s16  }
0xf: {  	s20 =	sadd.s32 $0x300, s7;
	s1 =	sadd.s32 s1, s12;
	[dreg:$0x5] =	wrdreg s18  }
0x10: {  	s8 =	sand.u32 $0x60, s5;
	[dreg:$0x6] =	wrdreg s20;
	s16 =	smul.u32 $0xF400, s6  }
0x11: {  	s12 =	smax.u32 s10, $0x1;
	s6 =	smul.u32 $0x3D00, s6;
	s20 =	simm.s32 $0x800  }
0x12: {  	[dreg:$0x3] =	wrdreg s1;
	s1 =	sshll.u32 s15, $0x8;
	s15 =	smul.u32 $0x1E800, s17  }
0x13: {  	s17 =	smul.u32 $0x7A00, s17;
	s19 =	sadd.s32 $0x700, s1;
	s21 =	smin.u32 s1, $0x76120  }
0x14: {  	s24 =	sadd.s32 $0x600, s1;
	s18 =	sadd.s32 $0x500, s1;
	s11 =	sand.u32 $0x1FFF00, s19  }
0x15: {  	s14 =	ssub.s32 s1, s21;
	s22 =	sadd.s32 s16, s15;
	s25 =	sshll.u32 s21, $0x2  }
0x16: {  	v0 =	vlaneseq.u32;
	s16 =	sand.u32 $0x1FFF00, s24;
	s26 =	sand.u32 $0x1FFF00, s18;
	s1 =	sadd.s32 s1, s0  }
0x17: {  	v1 =	vimm.f32 $0.0e+00;
	v10 =	vimm.f32 $1.000000000e+00;
	v2 =	vor.u32 $0x10, v0;
	s6 =	sadd.s32 s6, s17;
	s24 =	simm.s32 $0x13800;
	s13 =	sadd.s32 s11, s0  }
.Ltmp0:
0x18: {  	v3 =	vor.u32 $0x20, v0;
	v4 =	vor.u32 $0x30, v0;
	v5 =	vor.u32 $0x40, v0;
	s11 =	sadd.s32 s23, s22;
	s15 =	sadd.s32 s16, s0;
	(pc) =	sbr.rel .LBB2_1-.Ltmp0, $4  }
0x19: {  	v6 =	vor.u32 $0x50, v0;
	v7 =	vor.u32 $0x60, v0;
	v8 =	vor.u32 $0x70, v0;
	s16 =	sadd.s32 s26, s0;
	s17 =	sadd.s32 $0x400, s1;
	s11 =	ssub.s32 s11, s25  }
0x1a: {  	v9 =	vor.u32 $0x400, v0;
	v11 =	vor.u32 $0x410, v0;
	v12 =	vor.u32 $0x420, v0;
	s31 =	sadd.s32 s9, s6;
	s22 =	simm.s32 $0x6800;
	s11 =	sshra.s32 s11, $0x2  }
0x1b: {  	v13 =	vor.u32 $0x430, v0;
	v14 =	vor.u32 $0x440, v0;
	v16 =	vor.u32 $0x450, v0;
	s23 =	simm.s32 $0xD000;
	s26 =	simm.s32 $0x3;
	s11 =	sadd.s32 $0x1A000, s11  }
0x1c: {  	v17 =	vor.u32 $0x460, v0;
	v18 =	vor.u32 $0x470, v0;
	s18 =	ssub.s32 s31, s21;
	s21 =	simm.s32 $0x3D0C00;
	s25 =	simm.s32 $0x2;
	v15 =	vmov s11  }
.LBB2_27:
0x1d: {  	s30 =	sadd.s32 $0x1, s30  }
0x1e: {  	p0 =	sne.s32 s30, s12  }
.Ltmp1:
0x1f: {  	_ = 	snop;
	(pc) =	sbr.rel @!p0 .LBB2_28-.Ltmp1, $1  }
0x20: {  	_ =	sdelay $0x3  }
.LBB2_1:
0x21: {  	s0 =	rddreg [dreg:$0x3]  }
0x22: {  	s1 =	simm.s32 $0x1A000;
	s19 =	sand.u32 $0x7800, s2;
	s31 =	sand.u32 $0x380, s2  }
0x23: {  	[tilespmem:s1], [sflag:$0x1] =	stream.linear.gather [hbm4b:s0+s2], $0x4000, $0x38;
	[tilespmem:$0x1E000] =	vst v63  }
0x24: {  	s0 =	sor.u32 s31, s19  }
0x25: {  	[tilespmem:s0+$0x470] =	vst v1  }
0x26: {  	[tilespmem:s0+$0x0] =	vst v1  }
0x27: {  	[tilespmem:s0+$0x10] =	vst v1  }
0x28: {  	[tilespmem:s0+$0x20] =	vst v1  }
0x29: {  	[tilespmem:s0+$0x30] =	vst v1  }
0x2a: {  	[tilespmem:s0+$0x40] =	vst v1  }
0x2b: {  	[tilespmem:s0+$0x50] =	vst v1  }
0x2c: {  	[tilespmem:s0+$0x60] =	vst v1  }
0x2d: {  	[tilespmem:s0+$0x70] =	vst v1  }
0x2e: {  	[tilespmem:s0+$0x400] =	vst v1  }
0x2f: {  	[tilespmem:s0+$0x410] =	vst v1  }
0x30: {  	[tilespmem:s0+$0x420] =	vst v1  }
0x31: {  	[tilespmem:s0+$0x430] =	vst v1  }
0x32: {  	s6 =	simm.s32 $0x100;
	s1 =	simm.s32 $0x80;
	[tilespmem:s0+$0x440] =	vst v1  }
0x33: {  	s9 =	sand.u32 $0x7800, s6;
	s6 =	simm.s32 $0x200;
	s10 =	sand.u32 $0x380, s1;
	[tilespmem:s0+$0x450] =	vst v1  }
.LBB2_2:
0x34: {  	p0 =	sne.s32 s6, $0x6300;
	[tilespmem:s0+$0x460] =	vst v1;
	s0 =	sor.u32 s10, s9  }
0x35: {  	[tilespmem:s0+$0x470] =	vst v1  }
0x36: {  	[tilespmem:s0+$0x0] =	vst v1  }
0x37: {  	[tilespmem:s0+$0x10] =	vst v1  }
0x38: {  	[tilespmem:s0+$0x20] =	vst v1  }
0x39: {  	[tilespmem:s0+$0x30] =	vst v1  }
0x3a: {  	[tilespmem:s0+$0x40] =	vst v1  }
0x3b: {  	[tilespmem:s0+$0x50] =	vst v1  }
0x3c: {  	[tilespmem:s0+$0x60] =	vst v1  }
0x3d: {  	[tilespmem:s0+$0x70] =	vst v1  }
0x3e: {  	[tilespmem:s0+$0x400] =	vst v1  }
.Ltmp2:
0x3f: {  	[tilespmem:s0+$0x410] =	vst v1;
	(pc) =	sbr.rel @p0 .LBB2_2-.Ltmp2, $4  }
0x40: {  	[tilespmem:s0+$0x420] =	vst v1  }
0x41: {  	[tilespmem:s0+$0x430] =	vst v1  }
0x42: {  	s1 =	sadd.s32 $0x80, s1;
	[tilespmem:s0+$0x440] =	vst v1  }
0x43: {  	s9 =	sand.u32 $0x7800, s6;
	s6 =	sadd.s32 $0x100, s6;
	s10 =	sand.u32 $0x380, s1;
	[tilespmem:s0+$0x450] =	vst v1  }
0x44: {  	s1 =	sor.u32 s10, s9;
	[tilespmem:s0+$0x460] =	vst v1  }
0x45: {  	[tilespmem:s1+$0x470] =	vst v1  }
0x46: {  	[tilespmem:s1+$0x0] =	vst v1  }
0x47: {  	[tilespmem:s1+$0x10] =	vst v1  }
0x48: {  	[tilespmem:s1+$0x20] =	vst v1  }
0x49: {  	[tilespmem:s1+$0x30] =	vst v1  }
0x4a: {  	[tilespmem:s1+$0x40] =	vst v1  }
0x4b: {  	[tilespmem:s1+$0x50] =	vst v1  }
0x4c: {  	[tilespmem:s1+$0x60] =	vst v1  }
0x4d: {  	[tilespmem:s1+$0x70] =	vst v1  }
0x4e: {  	[tilespmem:s1+$0x400] =	vst v1  }
0x4f: {  	[tilespmem:s1+$0x410] =	vst v1  }
0x50: {  	[tilespmem:s1+$0x420] =	vst v1  }
0x51: {  	[tilespmem:s1+$0x430] =	vst v1  }
0x52: {  	[tilespmem:s1+$0x440] =	vst v1  }
0x53: {  	[tilespmem:s1+$0x450] =	vst v1  }
0x54: {  	[tilespmem:s1+$0x460] =	vst v1  }
0x55: {  	_ =	swait.ge [sflag:s4], $0x4000  }
0x56: {  	[sflag:s4] =	ssyncset.done $0x0  }
0x57: {  	[sflag:s4] =	ssyncadd.s32 $0xFFFFC000  }
0x58: {  	v19 =	vld [tilespmem:s5+$0x1A000];
	_ =	sdelay $0x4  }
0x59: {  	vm0 =	vlt.s32 v19, $0x0  }
0x5a: {  	v19 =	vsel vm0, $0x37, v19  }
0x5b: {  	v20 =	vshll.u32 v19, $0x8;
	v19 =	vshll.u32 v19, $0x7  }
0x5c: {  	v20 =	vand.u32 $0xFFFFF800, v20;
	v19 =	vand.u32 $0x380, v19  }
0x5d: {  	v19 =	vor.u32 v20, v19  }
0x5e: {  	v19 =	vor.u32 v0, v19;
	_ =	sdelay $0x3  }
0x5f: {  	s19 =	simm.s32 $0x0  }
0x60: {  	[tilespmem:v19+s19+$0x0] =	vst.idx.msk $0xffff, v10  }
0x61: {  	v19 =	vld [tilespmem:s5+$0x1A010];
	_ =	sdelay $0x4  }
0x62: {  	vm13 =	vlt.s32 v19, $0x0  }
0x63: {  	v19 =	vsel vm13, $0x37, v19  }
0x64: {  	v20 =	vshll.u32 v19, $0x8;
	v19 =	vshll.u32 v19, $0x7  }
0x65: {  	v20 =	vand.u32 $0xFFFFF800, v20;
	v19 =	vand.u32 $0x380, v19  }
0x66: {  	v19 =	vor.u32 v20, v19  }
0x67: {  	v19 =	vor.u32 v2, v19;
	_ =	sdelay $0x4  }
0x68: {  	[tilespmem:v19+s19+$0x0] =	vst.idx.msk $0xffff, v10  }
0x69: {  	v19 =	vld [tilespmem:s5+$0x1A020];
	_ =	sdelay $0x4  }
0x6a: {  	vm14 =	vlt.s32 v19, $0x0  }
0x6b: {  	v19 =	vsel vm14, $0x37, v19  }
0x6c: {  	v20 =	vshll.u32 v19, $0x8;
	v19 =	vshll.u32 v19, $0x7  }
0x6d: {  	v20 =	vand.u32 $0xFFFFF800, v20;
	v19 =	vand.u32 $0x380, v19  }
0x6e: {  	v19 =	vor.u32 v20, v19  }
0x6f: {  	v19 =	vor.u32 v3, v19;
	_ =	sdelay $0x4  }
0x70: {  	[tilespmem:v19+s19+$0x0] =	vst.idx.msk $0xffff, v10  }
0x71: {  	v19 =	vld [tilespmem:s5+$0x1A030];
	_ =	sdelay $0x4  }
0x72: {  	vm15 =	vlt.s32 v19, $0x0  }
0x73: {  	v19 =	vsel vm15, $0x37, v19  }
0x74: {  	v20 =	vshll.u32 v19, $0x8;
	v19 =	vshll.u32 v19, $0x7  }
0x75: {  	v20 =	vand.u32 $0xFFFFF800, v20;
	v19 =	vand.u32 $0x380, v19  }
0x76: {  	v19 =	vor.u32 v20, v19  }
0x77: {  	v19 =	vor.u32 v4, v19;
	_ =	sdelay $0x4  }
0x78: {  	[tilespmem:v19+s19+$0x0] =	vst.idx.msk $0xffff, v10  }
0x79: {  	v19 =	vld [tilespmem:s5+$0x1A040];
	_ =	sdelay $0x4  }
0x7a: {  	vm4 =	vlt.s32 v19, $0x0  }
0x7b: {  	v19 =	vsel vm4, $0x37, v19  }
0x7c: {  	v20 =	vshll.u32 v19, $0x8;
	v19 =	vshll.u32 v19, $0x7  }
0x7d: {  	v20 =	vand.u32 $0xFFFFF800, v20;
	v19 =	vand.u32 $0x380, v19  }
0x7e: {  	v19 =	vor.u32 v20, v19  }
0x7f: {  	v19 =	vor.u32 v5, v19;
	_ =	sdelay $0x4  }
0x80: {  	[tilespmem:v19+s19+$0x0] =	vst.idx.msk $0xffff, v10  }
0x81: {  	v19 =	vld [tilespmem:s5+$0x1A050];
	_ =	sdelay $0x4  }
0x82: {  	vm5 =	vlt.s32 v19, $0x0  }
0x83: {  	v19 =	vsel vm5, $0x37, v19  }
0x84: {  	v20 =	vshll.u32 v19, $0x8;
	v19 =	vshll.u32 v19, $0x7  }
0x85: {  	v20 =	vand.u32 $0xFFFFF800, v20;
	v19 =	vand.u32 $0x380, v19  }
0x86: {  	v19 =	vor.u32 v20, v19  }
0x87: {  	v19 =	vor.u32 v6, v19;
	_ =	sdelay $0x4  }
0x88: {  	[tilespmem:v19+s19+$0x0] =	vst.idx.msk $0xffff, v10  }
0x89: {  	v19 =	vld [tilespmem:s5+$0x1A060];
	_ =	sdelay $0x4  }
0x8a: {  	vm6 =	vlt.s32 v19, $0x0  }
0x8b: {  	v19 =	vsel vm6, $0x37, v19  }
0x8c: {  	v20 =	vshll.u32 v19, $0x8;
	v19 =	vshll.u32 v19, $0x7  }
0x8d: {  	v20 =	vand.u32 $0xFFFFF800, v20;
	v19 =	vand.u32 $0x380, v19  }
0x8e: {  	v19 =	vor.u32 v20, v19  }
0x8f: {  	v19 =	vor.u32 v7, v19;
	_ =	sdelay $0x4  }
0x90: {  	[tilespmem:v19+s19+$0x0] =	vst.idx.msk $0xffff, v10  }
0x91: {  	v19 =	vld [tilespmem:s5+$0x1A070];
	_ =	sdelay $0x4  }
0x92: {  	vm7 =	vlt.s32 v19, $0x0  }
0x93: {  	v19 =	vsel vm7, $0x37, v19  }
0x94: {  	v20 =	vshll.u32 v19, $0x8;
	v19 =	vshll.u32 v19, $0x7  }
0x95: {  	v20 =	vand.u32 $0xFFFFF800, v20;
	v19 =	vand.u32 $0x380, v19  }
0x96: {  	v19 =	vor.u32 v20, v19  }
0x97: {  	v19 =	vor.u32 v8, v19;
	_ =	sdelay $0x4  }
0x98: {  	[tilespmem:v19+s19+$0x0] =	vst.idx.msk $0xffff, v10  }
0x99: {  	v19 =	vld [tilespmem:s5+$0x1A080];
	_ =	sdelay $0x4  }
0x9a: {  	vm8 =	vlt.s32 v19, $0x0  }
0x9b: {  	v19 =	vsel vm8, $0x37, v19  }
0x9c: {  	v20 =	vshll.u32 v19, $0x8;
	v19 =	vshll.u32 v19, $0x7  }
0x9d: {  	v20 =	vand.u32 $0xFFFFF800, v20;
	v19 =	vand.u32 $0x380, v19  }
0x9e: {  	v19 =	vor.u32 v19, v20  }
0x9f: {  	v19 =	vor.u32 v9, v19;
	_ =	sdelay $0x4  }
0xa0: {  	[tilespmem:v19+s19+$0x0] =	vst.idx.msk $0xffff, v10  }
0xa1: {  	v19 =	vld [tilespmem:s5+$0x1A090];
	_ =	sdelay $0x4  }
0xa2: {  	vm9 =	vlt.s32 v19, $0x0  }
0xa3: {  	v19 =	vsel vm9, $0x37, v19  }
0xa4: {  	v20 =	vshll.u32 v19, $0x8;
	v19 =	vshll.u32 v19, $0x7  }
0xa5: {  	v20 =	vand.u32 $0xFFFFF800, v20;
	v19 =	vand.u32 $0x380, v19  }
0xa6: {  	v19 =	vor.u32 v19, v20  }
0xa7: {  	v19 =	vor.u32 v11, v19;
	_ =	sdelay $0x4  }
0xa8: {  	[tilespmem:v19+s19+$0x0] =	vst.idx.msk $0xffff, v10  }
0xa9: {  	v19 =	vld [tilespmem:s5+$0x1A0A0];
	_ =	sdelay $0x4  }
0xaa: {  	vm10 =	vlt.s32 v19, $0x0  }
0xab: {  	v19 =	vsel vm10, $0x37, v19  }
0xac: {  	v20 =	vshll.u32 v19, $0x8;
	v19 =	vshll.u32 v19, $0x7  }
0xad: {  	v20 =	vand.u32 $0xFFFFF800, v20;
	v19 =	vand.u32 $0x380, v19  }
0xae: {  	v19 =	vor.u32 v19, v20  }
0xaf: {  	v19 =	vor.u32 v12, v19;
	_ =	sdelay $0x4  }
0xb0: {  	[tilespmem:v19+s19+$0x0] =	vst.idx.msk $0xffff, v10  }
0xb1: {  	v19 =	vld [tilespmem:s5+$0x1A0B0];
	_ =	sdelay $0x4  }
0xb2: {  	vm11 =	vlt.s32 v19, $0x0  }
0xb3: {  	v19 =	vsel vm11, $0x37, v19  }
0xb4: {  	v20 =	vshll.u32 v19, $0x8;
	v19 =	vshll.u32 v19, $0x7  }
0xb5: {  	v20 =	vand.u32 $0xFFFFF800, v20;
	v19 =	vand.u32 $0x380, v19  }
0xb6: {  	v19 =	vor.u32 v19, v20  }
0xb7: {  	v19 =	vor.u32 v13, v19;
	_ =	sdelay $0x4  }
0xb8: {  	[tilespmem:v19+s19+$0x0] =	vst.idx.msk $0xffff, v10  }
0xb9: {  	v19 =	vld [tilespmem:s5+$0x1A0C0];
	_ =	sdelay $0x4  }
0xba: {  	vm12 =	vlt.s32 v19, $0x0  }
0xbb: {  	v19 =	vsel vm12, $0x37, v19  }
0xbc: {  	v20 =	vshll.u32 v19, $0x8;
	v19 =	vshll.u32 v19, $0x7  }
0xbd: {  	v20 =	vand.u32 $0xFFFFF800, v20;
	v19 =	vand.u32 $0x380, v19  }
0xbe: {  	v19 =	vor.u32 v19, v20  }
0xbf: {  	v19 =	vor.u32 v14, v19;
	_ =	sdelay $0x4  }
0xc0: {  	[tilespmem:v19+s19+$0x0] =	vst.idx.msk $0xffff, v10  }
0xc1: {  	v19 =	vld [tilespmem:s5+$0x1A0D0];
	_ =	sdelay $0x4  }
0xc2: {  	vm13 =	vlt.s32 v19, $0x0  }
0xc3: {  	v19 =	vsel vm13, $0x37, v19  }
0xc4: {  	v20 =	vshll.u32 v19, $0x8;
	v19 =	vshll.u32 v19, $0x7  }
0xc5: {  	v20 =	vand.u32 $0xFFFFF800, v20;
	v19 =	vand.u32 $0x380, v19  }
0xc6: {  	v19 =	vor.u32 v19, v20  }
0xc7: {  	v19 =	vor.u32 v16, v19;
	_ =	sdelay $0x4  }
0xc8: {  	[tilespmem:v19+s19+$0x0] =	vst.idx.msk $0xffff, v10  }
0xc9: {  	v19 =	vld [tilespmem:s5+$0x1A0E0];
	_ =	sdelay $0x4  }
0xca: {  	vm14 =	vlt.s32 v19, $0x0  }
0xcb: {  	v19 =	vsel vm14, $0x37, v19  }
0xcc: {  	v20 =	vshll.u32 v19, $0x8;
	v19 =	vshll.u32 v19, $0x7  }
0xcd: {  	v20 =	vand.u32 $0xFFFFF800, v20;
	v19 =	vand.u32 $0x380, v19  }
0xce: {  	v19 =	vor.u32 v19, v20  }
0xcf: {  	v19 =	vor.u32 v17, v19;
	_ =	sdelay $0x4  }
0xd0: {  	[tilespmem:v19+s19+$0x0] =	vst.idx.msk $0xffff, v10  }
0xd1: {  	v19 =	vld [tilespmem:s5+$0x1A0F0];
	_ =	sdelay $0x4  }
0xd2: {  	vm15 =	vlt.s32 v19, $0x0  }
0xd3: {  	v19 =	vsel vm15, $0x37, v19  }
0xd4: {  	v20 =	vshll.u32 v19, $0x8;
	v19 =	vshll.u32 v19, $0x7  }
0xd5: {  	v20 =	vand.u32 $0xFFFFF800, v20;
	v19 =	vand.u32 $0x380, v19  }
0xd6: {  	v19 =	vor.u32 v19, v20  }
0xd7: {  	v19 =	vor.u32 v18, v19;
	_ =	sdelay $0x3  }
0xd8: {  	s31 =	sand.u32 $0x7800, s19;
	s0 =	sand.u32 $0x380, s19  }
0xd9: {  	s0 =	sor.u32 s0, s31;
	[tilespmem:v19+s19+$0x0] =	vst.idx.msk $0xffff, v10  }
0xda: {  	[hbm4b:s7+s20] =	stream.strided.scatter [tilespmem:s19], [sflag:$0x2], $0x6800, s21, s20, $0x38;
	[tilespmem:$0x1E000] =	vst v63  }
0xdb: {  	[tilespmem:s0+$0x6C70] =	vst v1  }
0xdc: {  	[tilespmem:s0+$0x6800] =	vst v1  }
0xdd: {  	[tilespmem:s0+$0x6810] =	vst v1  }
0xde: {  	[tilespmem:s0+$0x6820] =	vst v1  }
0xdf: {  	[tilespmem:s0+$0x6830] =	vst v1  }
0xe0: {  	[tilespmem:s0+$0x6840] =	vst v1  }
0xe1: {  	[tilespmem:s0+$0x6850] =	vst v1  }
0xe2: {  	[tilespmem:s0+$0x6860] =	vst v1  }
0xe3: {  	[tilespmem:s0+$0x6870] =	vst v1  }
0xe4: {  	[tilespmem:s0+$0x6C00] =	vst v1  }
0xe5: {  	[tilespmem:s0+$0x6C10] =	vst v1  }
0xe6: {  	[tilespmem:s0+$0x6C20] =	vst v1  }
0xe7: {  	[tilespmem:s0+$0x6C30] =	vst v1  }
0xe8: {  	s6 =	simm.s32 $0x100;
	s1 =	simm.s32 $0x80;
	[tilespmem:s0+$0x6C40] =	vst v1  }
0xe9: {  	s9 =	sand.u32 $0x7800, s6;
	s6 =	simm.s32 $0x200;
	s10 =	sand.u32 $0x380, s1;
	[tilespmem:s0+$0x6C50] =	vst v1  }
.LBB2_4:
0xea: {  	p0 =	sne.s32 s6, $0x6300;
	[tilespmem:s0+$0x6C60] =	vst v1;
	s0 =	sor.u32 s10, s9  }
0xeb: {  	[tilespmem:s0+$0x6C70] =	vst v1  }
0xec: {  	[tilespmem:s0+$0x6800] =	vst v1  }
0xed: {  	[tilespmem:s0+$0x6810] =	vst v1  }
0xee: {  	[tilespmem:s0+$0x6820] =	vst v1  }
0xef: {  	[tilespmem:s0+$0x6830] =	vst v1  }
0xf0: {  	[tilespmem:s0+$0x6840] =	vst v1  }
0xf1: {  	[tilespmem:s0+$0x6850] =	vst v1  }
0xf2: {  	[tilespmem:s0+$0x6860] =	vst v1  }
0xf3: {  	[tilespmem:s0+$0x6870] =	vst v1  }
0xf4: {  	[tilespmem:s0+$0x6C00] =	vst v1  }
.Ltmp3:
0xf5: {  	[tilespmem:s0+$0x6C10] =	vst v1;
	(pc) =	sbr.rel @p0 .LBB2_4-.Ltmp3, $4  }
0xf6: {  	[tilespmem:s0+$0x6C20] =	vst v1  }
0xf7: {  	[tilespmem:s0+$0x6C30] =	vst v1  }
0xf8: {  	s1 =	sadd.s32 $0x80, s1;
	[tilespmem:s0+$0x6C40] =	vst v1  }
0xf9: {  	s9 =	sand.u32 $0x7800, s6;
	s6 =	sadd.s32 $0x100, s6;
	s10 =	sand.u32 $0x380, s1;
	[tilespmem:s0+$0x6C50] =	vst v1  }
0xfa: {  	s1 =	sor.u32 s10, s9;
	[tilespmem:s0+$0x6C60] =	vst v1  }
0xfb: {  	[tilespmem:s1+$0x6C70] =	vst v1  }
0xfc: {  	[tilespmem:s1+$0x6800] =	vst v1  }
0xfd: {  	[tilespmem:s1+$0x6810] =	vst v1  }
0xfe: {  	[tilespmem:s1+$0x6820] =	vst v1  }
0xff: {  	[tilespmem:s1+$0x6830] =	vst v1  }
0x100: {  	[tilespmem:s1+$0x6840] =	vst v1  }
0x101: {  	[tilespmem:s1+$0x6850] =	vst v1  }
0x102: {  	[tilespmem:s1+$0x6860] =	vst v1  }
0x103: {  	[tilespmem:s1+$0x6870] =	vst v1  }
0x104: {  	[tilespmem:s1+$0x6C00] =	vst v1  }
0x105: {  	[tilespmem:s1+$0x6C10] =	vst v1  }
0x106: {  	[tilespmem:s1+$0x6C20] =	vst v1  }
0x107: {  	[tilespmem:s1+$0x6C30] =	vst v1  }
0x108: {  	[tilespmem:s1+$0x6C40] =	vst v1  }
0x109: {  	[tilespmem:s1+$0x6C50] =	vst v1  }
0x10a: {  	[tilespmem:s1+$0x6C60] =	vst v1  }
0x10b: {  	v19 =	vld [tilespmem:s5+$0x1A100];
	_ =	sdelay $0x4  }
0x10c: {  	vm0 =	vlt.s32 v19, $0x0  }
0x10d: {  	v19 =	vsel vm0, $0x37, v19  }
0x10e: {  	v20 =	vshll.u32 v19, $0x8;
	v19 =	vshll.u32 v19, $0x7  }
0x10f: {  	v20 =	vand.u32 $0xFFFFF800, v20;
	v19 =	vand.u32 $0x380, v19  }
0x110: {  	v19 =	vor.u32 v20, v19  }
0x111: {  	v19 =	vor.u32 v0, v19;
	_ =	sdelay $0x4  }
0x112: {  	[tilespmem:v19+s22+$0x0] =	vst.idx.msk $0xffff, v10  }
0x113: {  	v19 =	vld [tilespmem:s5+$0x1A110];
	_ =	sdelay $0x4  }
0x114: {  	vm13 =	vlt.s32 v19, $0x0  }
0x115: {  	v19 =	vsel vm13, $0x37, v19  }
0x116: {  	v20 =	vshll.u32 v19, $0x8;
	v19 =	vshll.u32 v19, $0x7  }
0x117: {  	v20 =	vand.u32 $0xFFFFF800, v20;
	v19 =	vand.u32 $0x380, v19  }
0x118: {  	v19 =	vor.u32 v20, v19  }
0x119: {  	v19 =	vor.u32 v2, v19;
	_ =	sdelay $0x4  }
0x11a: {  	[tilespmem:v19+s22+$0x0] =	vst.idx.msk $0xffff, v10  }
0x11b: {  	v19 =	vld [tilespmem:s5+$0x1A120];
	_ =	sdelay $0x4  }
0x11c: {  	vm14 =	vlt.s32 v19, $0x0  }
0x11d: {  	v19 =	vsel vm14, $0x37, v19  }
0x11e: {  	v20 =	vshll.u32 v19, $0x8;
	v19 =	vshll.u32 v19, $0x7  }
0x11f: {  	v20 =	vand.u32 $0xFFFFF800, v20;
	v19 =	vand.u32 $0x380, v19  }
0x120: {  	v19 =	vor.u32 v20, v19  }
0x121: {  	v19 =	vor.u32 v3, v19;
	_ =	sdelay $0x4  }
0x122: {  	[tilespmem:v19+s22+$0x0] =	vst.idx.msk $0xffff, v10  }
0x123: {  	v19 =	vld [tilespmem:s5+$0x1A130];
	_ =	sdelay $0x4  }
0x124: {  	vm15 =	vlt.s32 v19, $0x0  }
0x125: {  	v19 =	vsel vm15, $0x37, v19  }
0x126: {  	v20 =	vshll.u32 v19, $0x8;
	v19 =	vshll.u32 v19, $0x7  }
0x127: {  	v20 =	vand.u32 $0xFFFFF800, v20;
	v19 =	vand.u32 $0x380, v19  }
0x128: {  	v19 =	vor.u32 v20, v19  }
0x129: {  	v19 =	vor.u32 v4, v19;
	_ =	sdelay $0x4  }
0x12a: {  	[tilespmem:v19+s22+$0x0] =	vst.idx.msk $0xffff, v10  }
0x12b: {  	v19 =	vld [tilespmem:s5+$0x1A140];
	_ =	sdelay $0x4  }
0x12c: {  	vm4 =	vlt.s32 v19, $0x0  }
0x12d: {  	v19 =	vsel vm4, $0x37, v19  }
0x12e: {  	v20 =	vshll.u32 v19, $0x8;
	v19 =	vshll.u32 v19, $0x7  }
0x12f: {  	v20 =	vand.u32 $0xFFFFF800, v20;
	v19 =	vand.u32 $0x380, v19  }
0x130: {  	v19 =	vor.u32 v20, v19  }
0x131: {  	v19 =	vor.u32 v5, v19;
	_ =	sdelay $0x4  }
0x132: {  	[tilespmem:v19+s22+$0x0] =	vst.idx.msk $0xffff, v10  }
0x133: {  	v19 =	vld [tilespmem:s5+$0x1A150];
	_ =	sdelay $0x4  }
0x134: {  	vm5 =	vlt.s32 v19, $0x0  }
0x135: {  	v19 =	vsel vm5, $0x37, v19  }
0x136: {  	v20 =	vshll.u32 v19, $0x8;
	v19 =	vshll.u32 v19, $0x7  }
0x137: {  	v20 =	vand.u32 $0xFFFFF800, v20;
	v19 =	vand.u32 $0x380, v19  }
0x138: {  	v19 =	vor.u32 v20, v19  }
0x139: {  	v19 =	vor.u32 v6, v19;
	_ =	sdelay $0x4  }
0x13a: {  	[tilespmem:v19+s22+$0x0] =	vst.idx.msk $0xffff, v10  }
0x13b: {  	v19 =	vld [tilespmem:s5+$0x1A160];
	_ =	sdelay $0x4  }
0x13c: {  	vm6 =	vlt.s32 v19, $0x0  }
0x13d: {  	v19 =	vsel vm6, $0x37, v19  }
0x13e: {  	v20 =	vshll.u32 v19, $0x8;
	v19 =	vshll.u32 v19, $0x7  }
0x13f: {  	v20 =	vand.u32 $0xFFFFF800, v20;
	v19 =	vand.u32 $0x380, v19  }
0x140: {  	v19 =	vor.u32 v20, v19  }
0x141: {  	v19 =	vor.u32 v7, v19;
	_ =	sdelay $0x4  }
0x142: {  	[tilespmem:v19+s22+$0x0] =	vst.idx.msk $0xffff, v10  }
0x143: {  	v19 =	vld [tilespmem:s5+$0x1A170];
	_ =	sdelay $0x4  }
0x144: {  	vm7 =	vlt.s32 v19, $0x0  }
0x145: {  	v19 =	vsel vm7, $0x37, v19  }
0x146: {  	v20 =	vshll.u32 v19, $0x8;
	v19 =	vshll.u32 v19, $0x7  }
0x147: {  	v20 =	vand.u32 $0xFFFFF800, v20;
	v19 =	vand.u32 $0x380, v19  }
0x148: {  	v19 =	vor.u32 v20, v19  }
0x149: {  	v19 =	vor.u32 v8, v19;
	_ =	sdelay $0x4  }
0x14a: {  	[tilespmem:v19+s22+$0x0] =	vst.idx.msk $0xffff, v10  }
0x14b: {  	v19 =	vld [tilespmem:s5+$0x1A180];
	_ =	sdelay $0x4  }
0x14c: {  	vm8 =	vlt.s32 v19, $0x0  }
0x14d: {  	v19 =	vsel vm8, $0x37, v19  }
0x14e: {  	v20 =	vshll.u32 v19, $0x8;
	v19 =	vshll.u32 v19, $0x7  }
0x14f: {  	v20 =	vand.u32 $0xFFFFF800, v20;
	v19 =	vand.u32 $0x380, v19  }
0x150: {  	v19 =	vor.u32 v19, v20  }
0x151: {  	v19 =	vor.u32 v9, v19;
	_ =	sdelay $0x4  }
0x152: {  	[tilespmem:v19+s22+$0x0] =	vst.idx.msk $0xffff, v10  }
0x153: {  	v19 =	vld [tilespmem:s5+$0x1A190];
	_ =	sdelay $0x4  }
0x154: {  	vm9 =	vlt.s32 v19, $0x0  }
0x155: {  	v19 =	vsel vm9, $0x37, v19  }
0x156: {  	v20 =	vshll.u32 v19, $0x8;
	v19 =	vshll.u32 v19, $0x7  }
0x157: {  	v20 =	vand.u32 $0xFFFFF800, v20;
	v19 =	vand.u32 $0x380, v19  }
0x158: {  	v19 =	vor.u32 v19, v20  }
0x159: {  	v19 =	vor.u32 v11, v19;
	_ =	sdelay $0x4  }
0x15a: {  	[tilespmem:v19+s22+$0x0] =	vst.idx.msk $0xffff, v10  }
0x15b: {  	v19 =	vld [tilespmem:s5+$0x1A1A0];
	_ =	sdelay $0x4  }
0x15c: {  	vm10 =	vlt.s32 v19, $0x0  }
0x15d: {  	v19 =	vsel vm10, $0x37, v19  }
0x15e: {  	v20 =	vshll.u32 v19, $0x8;
	v19 =	vshll.u32 v19, $0x7  }
0x15f: {  	v20 =	vand.u32 $0xFFFFF800, v20;
	v19 =	vand.u32 $0x380, v19  }
0x160: {  	v19 =	vor.u32 v19, v20  }
0x161: {  	v19 =	vor.u32 v12, v19;
	_ =	sdelay $0x4  }
0x162: {  	[tilespmem:v19+s22+$0x0] =	vst.idx.msk $0xffff, v10  }
0x163: {  	v19 =	vld [tilespmem:s5+$0x1A1B0];
	_ =	sdelay $0x4  }
0x164: {  	vm11 =	vlt.s32 v19, $0x0  }
0x165: {  	v19 =	vsel vm11, $0x37, v19  }
0x166: {  	v20 =	vshll.u32 v19, $0x8;
	v19 =	vshll.u32 v19, $0x7  }
0x167: {  	v20 =	vand.u32 $0xFFFFF800, v20;
	v19 =	vand.u32 $0x380, v19  }
0x168: {  	v19 =	vor.u32 v19, v20  }
0x169: {  	v19 =	vor.u32 v13, v19;
	_ =	sdelay $0x4  }
0x16a: {  	[tilespmem:v19+s22+$0x0] =	vst.idx.msk $0xffff, v10  }
0x16b: {  	v19 =	vld [tilespmem:s5+$0x1A1C0];
	_ =	sdelay $0x4  }
0x16c: {  	vm12 =	vlt.s32 v19, $0x0  }
0x16d: {  	v19 =	vsel vm12, $0x37, v19  }
0x16e: {  	v20 =	vshll.u32 v19, $0x8;
	v19 =	vshll.u32 v19, $0x7  }
0x16f: {  	v20 =	vand.u32 $0xFFFFF800, v20;
	v19 =	vand.u32 $0x380, v19  }
0x170: {  	v19 =	vor.u32 v19, v20  }
0x171: {  	v19 =	vor.u32 v14, v19;
	_ =	sdelay $0x4  }
0x172: {  	[tilespmem:v19+s22+$0x0] =	vst.idx.msk $0xffff, v10  }
0x173: {  	v19 =	vld [tilespmem:s5+$0x1A1D0];
	_ =	sdelay $0x4  }
0x174: {  	vm13 =	vlt.s32 v19, $0x0  }
0x175: {  	v19 =	vsel vm13, $0x37, v19  }
0x176: {  	v20 =	vshll.u32 v19, $0x8;
	v19 =	vshll.u32 v19, $0x7  }
0x177: {  	v20 =	vand.u32 $0xFFFFF800, v20;
	v19 =	vand.u32 $0x380, v19  }
0x178: {  	v19 =	vor.u32 v19, v20  }
0x179: {  	v19 =	vor.u32 v16, v19;
	_ =	sdelay $0x4  }
0x17a: {  	[tilespmem:v19+s22+$0x0] =	vst.idx.msk $0xffff, v10  }
0x17b: {  	v19 =	vld [tilespmem:s5+$0x1A1E0];
	_ =	sdelay $0x4  }
0x17c: {  	vm14 =	vlt.s32 v19, $0x0  }
0x17d: {  	v19 =	vsel vm14, $0x37, v19  }
0x17e: {  	v20 =	vshll.u32 v19, $0x8;
	v19 =	vshll.u32 v19, $0x7  }
0x17f: {  	v20 =	vand.u32 $0xFFFFF800, v20;
	v19 =	vand.u32 $0x380, v19  }
0x180: {  	v19 =	vor.u32 v19, v20  }
0x181: {  	v19 =	vor.u32 v17, v19;
	_ =	sdelay $0x4  }
0x182: {  	[tilespmem:v19+s22+$0x0] =	vst.idx.msk $0xffff, v10  }
0x183: {  	v19 =	vld [tilespmem:s5+$0x1A1F0];
	_ =	sdelay $0x4  }
0x184: {  	vm15 =	vlt.s32 v19, $0x0  }
0x185: {  	v19 =	vsel vm15, $0x37, v19  }
0x186: {  	v20 =	vshll.u32 v19, $0x8;
	v19 =	vshll.u32 v19, $0x7  }
0x187: {  	v20 =	vand.u32 $0xFFFFF800, v20;
	v19 =	vand.u32 $0x380, v19  }
0x188: {  	v19 =	vor.u32 v19, v20  }
0x189: {  	v19 =	vor.u32 v18, v19;
	_ =	sdelay $0x2  }
0x18a: {  	s19 =	simm.s32 $0x0  }
0x18b: {  	s31 =	sand.u32 $0x7800, s19;
	s0 =	sand.u32 $0x380, s19  }
0x18c: {  	s11 =	rddreg [dreg:$0x4];
	s0 =	sor.u32 s0, s31;
	[tilespmem:v19+s22+$0x0] =	vst.idx.msk $0xffff, v10  }
0x18d: {  	[hbm4b:s11+s20] =	stream.strided.scatter [tilespmem:s22], [sflag:$0x3], $0x6800, s21, s20, $0x38;
	[tilespmem:$0x1E000] =	vst v63  }
0x18e: {  	[tilespmem:s0+$0xD470] =	vst v1  }
0x18f: {  	[tilespmem:s0+$0xD000] =	vst v1  }
0x190: {  	[tilespmem:s0+$0xD010] =	vst v1  }
0x191: {  	[tilespmem:s0+$0xD020] =	vst v1  }
0x192: {  	[tilespmem:s0+$0xD030] =	vst v1  }
0x193: {  	[tilespmem:s0+$0xD040] =	vst v1  }
0x194: {  	[tilespmem:s0+$0xD050] =	vst v1  }
0x195: {  	[tilespmem:s0+$0xD060] =	vst v1  }
0x196: {  	[tilespmem:s0+$0xD070] =	vst v1  }
0x197: {  	[tilespmem:s0+$0xD400] =	vst v1  }
0x198: {  	[tilespmem:s0+$0xD410] =	vst v1  }
0x199: {  	[tilespmem:s0+$0xD420] =	vst v1  }
0x19a: {  	[tilespmem:s0+$0xD430] =	vst v1  }
0x19b: {  	s6 =	simm.s32 $0x100;
	s1 =	simm.s32 $0x80;
	[tilespmem:s0+$0xD440] =	vst v1  }
0x19c: {  	s9 =	sand.u32 $0x7800, s6;
	s6 =	simm.s32 $0x200;
	s10 =	sand.u32 $0x380, s1;
	[tilespmem:s0+$0xD450] =	vst v1  }
.LBB2_6:
0x19d: {  	p0 =	sne.s32 s6, $0x6300;
	[tilespmem:s0+$0xD460] =	vst v1;
	s0 =	sor.u32 s10, s9  }
0x19e: {  	[tilespmem:s0+$0xD470] =	vst v1  }
0x19f: {  	[tilespmem:s0+$0xD000] =	vst v1  }
0x1a0: {  	[tilespmem:s0+$0xD010] =	vst v1  }
0x1a1: {  	[tilespmem:s0+$0xD020] =	vst v1  }
0x1a2: {  	[tilespmem:s0+$0xD030] =	vst v1  }
0x1a3: {  	[tilespmem:s0+$0xD040] =	vst v1  }
0x1a4: {  	[tilespmem:s0+$0xD050] =	vst v1  }
0x1a5: {  	[tilespmem:s0+$0xD060] =	vst v1  }
0x1a6: {  	[tilespmem:s0+$0xD070] =	vst v1  }
0x1a7: {  	[tilespmem:s0+$0xD400] =	vst v1  }
.Ltmp4:
0x1a8: {  	[tilespmem:s0+$0xD410] =	vst v1;
	(pc) =	sbr.rel @p0 .LBB2_6-.Ltmp4, $4  }
0x1a9: {  	[tilespmem:s0+$0xD420] =	vst v1  }
0x1aa: {  	[tilespmem:s0+$0xD430] =	vst v1  }
0x1ab: {  	s1 =	sadd.s32 $0x80, s1;
	[tilespmem:s0+$0xD440] =	vst v1  }
0x1ac: {  	s9 =	sand.u32 $0x7800, s6;
	s6 =	sadd.s32 $0x100, s6;
	s10 =	sand.u32 $0x380, s1;
	[tilespmem:s0+$0xD450] =	vst v1  }
0x1ad: {  	s1 =	sor.u32 s10, s9;
	[tilespmem:s0+$0xD460] =	vst v1  }
0x1ae: {  	[tilespmem:s1+$0xD470] =	vst v1  }
0x1af: {  	[tilespmem:s1+$0xD000] =	vst v1  }
0x1b0: {  	[tilespmem:s1+$0xD010] =	vst v1  }
0x1b1: {  	[tilespmem:s1+$0xD020] =	vst v1  }
0x1b2: {  	[tilespmem:s1+$0xD030] =	vst v1  }
0x1b3: {  	[tilespmem:s1+$0xD040] =	vst v1  }
0x1b4: {  	[tilespmem:s1+$0xD050] =	vst v1  }
0x1b5: {  	[tilespmem:s1+$0xD060] =	vst v1  }
0x1b6: {  	[tilespmem:s1+$0xD070] =	vst v1  }
0x1b7: {  	[tilespmem:s1+$0xD400] =	vst v1  }
0x1b8: {  	[tilespmem:s1+$0xD410] =	vst v1  }
0x1b9: {  	[tilespmem:s1+$0xD420] =	vst v1  }
0x1ba: {  	[tilespmem:s1+$0xD430] =	vst v1  }
0x1bb: {  	[tilespmem:s1+$0xD440] =	vst v1  }
0x1bc: {  	[tilespmem:s1+$0xD450] =	vst v1  }
0x1bd: {  	[tilespmem:s1+$0xD460] =	vst v1  }
0x1be: {  	v19 =	vld [tilespmem:s5+$0x1A200];
	_ =	sdelay $0x4  }
0x1bf: {  	vm0 =	vlt.s32 v19, $0x0  }
0x1c0: {  	v19 =	vsel vm0, $0x37, v19  }
0x1c1: {  	v20 =	vshll.u32 v19, $0x8;
	v19 =	vshll.u32 v19, $0x7  }
0x1c2: {  	v20 =	vand.u32 $0xFFFFF800, v20;
	v19 =	vand.u32 $0x380, v19  }
0x1c3: {  	v19 =	vor.u32 v20, v19  }
0x1c4: {  	v19 =	vor.u32 v0, v19;
	_ =	sdelay $0x4  }
0x1c5: {  	[tilespmem:v19+s23+$0x0] =	vst.idx.msk $0xffff, v10  }
0x1c6: {  	v19 =	vld [tilespmem:s5+$0x1A210];
	_ =	sdelay $0x4  }
0x1c7: {  	vm13 =	vlt.s32 v19, $0x0  }
0x1c8: {  	v19 =	vsel vm13, $0x37, v19  }
0x1c9: {  	v20 =	vshll.u32 v19, $0x8;
	v19 =	vshll.u32 v19, $0x7  }
0x1ca: {  	v20 =	vand.u32 $0xFFFFF800, v20;
	v19 =	vand.u32 $0x380, v19  }
0x1cb: {  	v19 =	vor.u32 v20, v19  }
0x1cc: {  	v19 =	vor.u32 v2, v19;
	_ =	sdelay $0x4  }
0x1cd: {  	[tilespmem:v19+s23+$0x0] =	vst.idx.msk $0xffff, v10  }
0x1ce: {  	v19 =	vld [tilespmem:s5+$0x1A220];
	_ =	sdelay $0x4  }
0x1cf: {  	vm14 =	vlt.s32 v19, $0x0  }
0x1d0: {  	v19 =	vsel vm14, $0x37, v19  }
0x1d1: {  	v20 =	vshll.u32 v19, $0x8;
	v19 =	vshll.u32 v19, $0x7  }
0x1d2: {  	v20 =	vand.u32 $0xFFFFF800, v20;
	v19 =	vand.u32 $0x380, v19  }
0x1d3: {  	v19 =	vor.u32 v20, v19  }
0x1d4: {  	v19 =	vor.u32 v3, v19;
	_ =	sdelay $0x4  }
0x1d5: {  	[tilespmem:v19+s23+$0x0] =	vst.idx.msk $0xffff, v10  }
0x1d6: {  	v19 =	vld [tilespmem:s5+$0x1A230];
	_ =	sdelay $0x4  }
0x1d7: {  	vm15 =	vlt.s32 v19, $0x0  }
0x1d8: {  	v19 =	vsel vm15, $0x37, v19  }
0x1d9: {  	v20 =	vshll.u32 v19, $0x8;
	v19 =	vshll.u32 v19, $0x7  }
0x1da: {  	v20 =	vand.u32 $0xFFFFF800, v20;
	v19 =	vand.u32 $0x380, v19  }
0x1db: {  	v19 =	vor.u32 v20, v19  }
0x1dc: {  	v19 =	vor.u32 v4, v19;
	_ =	sdelay $0x4  }
0x1dd: {  	[tilespmem:v19+s23+$0x0] =	vst.idx.msk $0xffff, v10  }
0x1de: {  	v19 =	vld [tilespmem:s5+$0x1A240];
	_ =	sdelay $0x4  }
0x1df: {  	vm4 =	vlt.s32 v19, $0x0  }
0x1e0: {  	v19 =	vsel vm4, $0x37, v19  }
0x1e1: {  	v20 =	vshll.u32 v19, $0x8;
	v19 =	vshll.u32 v19, $0x7  }
0x1e2: {  	v20 =	vand.u32 $0xFFFFF800, v20;
	v19 =	vand.u32 $0x380, v19  }
0x1e3: {  	v19 =	vor.u32 v20, v19  }
0x1e4: {  	v19 =	vor.u32 v5, v19;
	_ =	sdelay $0x4  }
0x1e5: {  	[tilespmem:v19+s23+$0x0] =	vst.idx.msk $0xffff, v10  }
0x1e6: {  	v19 =	vld [tilespmem:s5+$0x1A250];
	_ =	sdelay $0x4  }
0x1e7: {  	vm5 =	vlt.s32 v19, $0x0  }
0x1e8: {  	v19 =	vsel vm5, $0x37, v19  }
0x1e9: {  	v20 =	vshll.u32 v19, $0x8;
	v19 =	vshll.u32 v19, $0x7  }
0x1ea: {  	v20 =	vand.u32 $0xFFFFF800, v20;
	v19 =	vand.u32 $0x380, v19  }
0x1eb: {  	v19 =	vor.u32 v20, v19  }
0x1ec: {  	v19 =	vor.u32 v6, v19;
	_ =	sdelay $0x4  }
0x1ed: {  	[tilespmem:v19+s23+$0x0] =	vst.idx.msk $0xffff, v10  }
0x1ee: {  	v19 =	vld [tilespmem:s5+$0x1A260];
	_ =	sdelay $0x4  }
0x1ef: {  	vm6 =	vlt.s32 v19, $0x0  }
0x1f0: {  	v19 =	vsel vm6, $0x37, v19  }
0x1f1: {  	v20 =	vshll.u32 v19, $0x8;
	v19 =	vshll.u32 v19, $0x7  }
0x1f2: {  	v20 =	vand.u32 $0xFFFFF800, v20;
	v19 =	vand.u32 $0x380, v19  }
0x1f3: {  	v19 =	vor.u32 v20, v19  }
0x1f4: {  	v19 =	vor.u32 v7, v19;
	_ =	sdelay $0x4  }
0x1f5: {  	[tilespmem:v19+s23+$0x0] =	vst.idx.msk $0xffff, v10  }
0x1f6: {  	v19 =	vld [tilespmem:s5+$0x1A270];
	_ =	sdelay $0x4  }
0x1f7: {  	vm7 =	vlt.s32 v19, $0x0  }
0x1f8: {  	v19 =	vsel vm7, $0x37, v19  }
0x1f9: {  	v20 =	vshll.u32 v19, $0x8;
	v19 =	vshll.u32 v19, $0x7  }
0x1fa: {  	v20 =	vand.u32 $0xFFFFF800, v20;
	v19 =	vand.u32 $0x380, v19  }
0x1fb: {  	v19 =	vor.u32 v20, v19  }
0x1fc: {  	v19 =	vor.u32 v8, v19;
	_ =	sdelay $0x4  }
0x1fd: {  	[tilespmem:v19+s23+$0x0] =	vst.idx.msk $0xffff, v10  }
0x1fe: {  	v19 =	vld [tilespmem:s5+$0x1A280];
	_ =	sdelay $0x4  }
0x1ff: {  	vm8 =	vlt.s32 v19, $0x0  }
0x200: {  	v19 =	vsel vm8, $0x37, v19  }
0x201: {  	v20 =	vshll.u32 v19, $0x8;
	v19 =	vshll.u32 v19, $0x7  }
0x202: {  	v20 =	vand.u32 $0xFFFFF800, v20;
	v19 =	vand.u32 $0x380, v19  }
0x203: {  	v19 =	vor.u32 v19, v20  }
0x204: {  	v19 =	vor.u32 v9, v19;
	_ =	sdelay $0x4  }
0x205: {  	[tilespmem:v19+s23+$0x0] =	vst.idx.msk $0xffff, v10  }
0x206: {  	v19 =	vld [tilespmem:s5+$0x1A290];
	_ =	sdelay $0x4  }
0x207: {  	vm9 =	vlt.s32 v19, $0x0  }
0x208: {  	v19 =	vsel vm9, $0x37, v19  }
0x209: {  	v20 =	vshll.u32 v19, $0x8;
	v19 =	vshll.u32 v19, $0x7  }
0x20a: {  	v20 =	vand.u32 $0xFFFFF800, v20;
	v19 =	vand.u32 $0x380, v19  }
0x20b: {  	v19 =	vor.u32 v19, v20  }
0x20c: {  	v19 =	vor.u32 v11, v19;
	_ =	sdelay $0x4  }
0x20d: {  	[tilespmem:v19+s23+$0x0] =	vst.idx.msk $0xffff, v10  }
0x20e: {  	v19 =	vld [tilespmem:s5+$0x1A2A0];
	_ =	sdelay $0x4  }
0x20f: {  	vm10 =	vlt.s32 v19, $0x0  }
0x210: {  	v19 =	vsel vm10, $0x37, v19  }
0x211: {  	v20 =	vshll.u32 v19, $0x8;
	v19 =	vshll.u32 v19, $0x7  }
0x212: {  	v20 =	vand.u32 $0xFFFFF800, v20;
	v19 =	vand.u32 $0x380, v19  }
0x213: {  	v19 =	vor.u32 v19, v20  }
0x214: {  	v19 =	vor.u32 v12, v19;
	_ =	sdelay $0x4  }
0x215: {  	[tilespmem:v19+s23+$0x0] =	vst.idx.msk $0xffff, v10  }
0x216: {  	v19 =	vld [tilespmem:s5+$0x1A2B0];
	_ =	sdelay $0x4  }
0x217: {  	vm11 =	vlt.s32 v19, $0x0  }
0x218: {  	v19 =	vsel vm11, $0x37, v19  }
0x219: {  	v20 =	vshll.u32 v19, $0x8;
	v19 =	vshll.u32 v19, $0x7  }
0x21a: {  	v20 =	vand.u32 $0xFFFFF800, v20;
	v19 =	vand.u32 $0x380, v19  }
0x21b: {  	v19 =	vor.u32 v19, v20  }
0x21c: {  	v19 =	vor.u32 v13, v19;
	_ =	sdelay $0x4  }
0x21d: {  	[tilespmem:v19+s23+$0x0] =	vst.idx.msk $0xffff, v10  }
0x21e: {  	v19 =	vld [tilespmem:s5+$0x1A2C0];
	_ =	sdelay $0x4  }
0x21f: {  	vm12 =	vlt.s32 v19, $0x0  }
0x220: {  	v19 =	vsel vm12, $0x37, v19  }
0x221: {  	v20 =	vshll.u32 v19, $0x8;
	v19 =	vshll.u32 v19, $0x7  }
0x222: {  	v20 =	vand.u32 $0xFFFFF800, v20;
	v19 =	vand.u32 $0x380, v19  }
0x223: {  	v19 =	vor.u32 v19, v20  }
0x224: {  	v19 =	vor.u32 v14, v19;
	_ =	sdelay $0x4  }
0x225: {  	[tilespmem:v19+s23+$0x0] =	vst.idx.msk $0xffff, v10  }
0x226: {  	v19 =	vld [tilespmem:s5+$0x1A2D0];
	_ =	sdelay $0x4  }
0x227: {  	vm13 =	vlt.s32 v19, $0x0  }
0x228: {  	v19 =	vsel vm13, $0x37, v19  }
0x229: {  	v20 =	vshll.u32 v19, $0x8;
	v19 =	vshll.u32 v19, $0x7  }
0x22a: {  	v20 =	vand.u32 $0xFFFFF800, v20;
	v19 =	vand.u32 $0x380, v19  }
0x22b: {  	v19 =	vor.u32 v19, v20  }
0x22c: {  	v19 =	vor.u32 v16, v19;
	_ =	sdelay $0x4  }
0x22d: {  	[tilespmem:v19+s23+$0x0] =	vst.idx.msk $0xffff, v10  }
0x22e: {  	v19 =	vld [tilespmem:s5+$0x1A2E0];
	_ =	sdelay $0x4  }
0x22f: {  	vm14 =	vlt.s32 v19, $0x0  }
0x230: {  	v19 =	vsel vm14, $0x37, v19  }
0x231: {  	v20 =	vshll.u32 v19, $0x8;
	v19 =	vshll.u32 v19, $0x7  }
0x232: {  	v20 =	vand.u32 $0xFFFFF800, v20;
	v19 =	vand.u32 $0x380, v19  }
0x233: {  	v19 =	vor.u32 v19, v20  }
0x234: {  	v19 =	vor.u32 v17, v19;
	_ =	sdelay $0x4  }
0x235: {  	[tilespmem:v19+s23+$0x0] =	vst.idx.msk $0xffff, v10  }
0x236: {  	v19 =	vld [tilespmem:s5+$0x1A2F0];
	_ =	sdelay $0x4  }
0x237: {  	vm15 =	vlt.s32 v19, $0x0  }
0x238: {  	v19 =	vsel vm15, $0x37, v19  }
0x239: {  	v20 =	vshll.u32 v19, $0x8;
	v19 =	vshll.u32 v19, $0x7  }
0x23a: {  	v20 =	vand.u32 $0xFFFFF800, v20;
	v19 =	vand.u32 $0x380, v19  }
0x23b: {  	v19 =	vor.u32 v19, v20  }
0x23c: {  	v19 =	vor.u32 v18, v19;
	_ =	sdelay $0x2  }
0x23d: {  	s19 =	simm.s32 $0x0  }
0x23e: {  	s31 =	sand.u32 $0x7800, s19;
	s0 =	sand.u32 $0x380, s19  }
0x23f: {  	s11 =	rddreg [dreg:$0x5];
	s0 =	sor.u32 s0, s31;
	[tilespmem:v19+s23+$0x0] =	vst.idx.msk $0xffff, v10  }
0x240: {  	[hbm4b:s11+s20] =	stream.strided.scatter [tilespmem:s23], [sflag:$0x4], $0x6800, s21, s20, $0x38;
	[tilespmem:$0x1E000] =	vst v63  }
0x241: {  	s1 =	sadd.s32 $0x13800, s0;
	[tilespmem:s0+$0x13800] =	vst v1  }
0x242: {  	[tilespmem:s1+$0x70] =	vst v1  }
0x243: {  	[tilespmem:s1+$0x60] =	vst v1  }
0x244: {  	[tilespmem:s1+$0x40] =	vst v1  }
0x245: {  	[tilespmem:s1+$0x50] =	vst v1  }
0x246: {  	[tilespmem:s1+$0x30] =	vst v1  }
0x247: {  	[tilespmem:s1+$0x20] =	vst v1  }
0x248: {  	[tilespmem:s1+$0x10] =	vst v1;
	s1 =	sadd.s32 $0x13C00, s0  }
0x249: {  	[tilespmem:s1+$0x60] =	vst v1  }
0x24a: {  	[tilespmem:s1+$0x50] =	vst v1  }
0x24b: {  	[tilespmem:s1+$0x40] =	vst v1  }
0x24c: {  	[tilespmem:s0+$0x13C00] =	vst v1  }
0x24d: {  	[tilespmem:s1+$0x30] =	vst v1  }
0x24e: {  	s6 =	simm.s32 $0x100;
	s0 =	simm.s32 $0x80;
	[tilespmem:s1+$0x20] =	vst v1  }
.LBB2_8:
0x24f: {  	s11 =	smov.u32 s6  }
0x250: {  	s9 =	sand.u32 $0x7800, s6;
	s10 =	sand.u32 $0x380, s0;
	[tilespmem:s1+$0x10] =	vst v1;
	s11 =	sadd.s32 $0x100, s6  }
0x251: {  	p0 =	sne.s32 s6, $0x6300;
	s9 =	sor.u32 s10, s9;
	[tilespmem:s1+$0x70] =	vst v1  }
0x252: {  	s1 =	sadd.s32 $0x13800, s9;
	[tilespmem:s9+$0x13800] =	vst v1  }
0x253: {  	[tilespmem:s1+$0x70] =	vst v1  }
0x254: {  	[tilespmem:s1+$0x60] =	vst v1  }
0x255: {  	[tilespmem:s1+$0x40] =	vst v1  }
0x256: {  	[tilespmem:s1+$0x30] =	vst v1  }
0x257: {  	[tilespmem:s1+$0x20] =	vst v1  }
0x258: {  	[tilespmem:s1+$0x10] =	vst v1  }
0x259: {  	[tilespmem:s1+$0x50] =	vst v1;
	s1 =	sadd.s32 $0x13C00, s9  }
0x25a: {  	[tilespmem:s1+$0x60] =	vst v1  }
.Ltmp5:
0x25b: {  	[tilespmem:s1+$0x50] =	vst v1;
	(pc) =	sbr.rel @p0 .LBB2_8-.Ltmp5, $4  }
0x25c: {  	[tilespmem:s1+$0x40] =	vst v1  }
0x25d: {  	[tilespmem:s9+$0x13C00] =	vst v1  }
0x25e: {  	[tilespmem:s1+$0x30] =	vst v1  }
0x25f: {  	s0 =	sadd.s32 $0x80, s0;
	s6 =	smov.u32 s11;
	[tilespmem:s1+$0x20] =	vst v1  }
0x260: {  	[tilespmem:s1+$0x10] =	vst v1  }
0x261: {  	[tilespmem:s1+$0x70] =	vst v1  }
0x262: {  	v19 =	vld [tilespmem:s5+$0x1A300];
	_ =	sdelay $0x4  }
0x263: {  	vm0 =	vlt.s32 v19, $0x0  }
0x264: {  	v19 =	vsel vm0, $0x37, v19  }
0x265: {  	v20 =	vshll.u32 v19, $0x8;
	v19 =	vshll.u32 v19, $0x7  }
0x266: {  	v20 =	vand.u32 $0xFFFFF800, v20;
	v19 =	vand.u32 $0x380, v19  }
0x267: {  	v19 =	vor.u32 v20, v19  }
0x268: {  	v19 =	vor.u32 v0, v19;
	_ =	sdelay $0x4  }
0x269: {  	[tilespmem:v19+s24+$0x0] =	vst.idx.msk $0xffff, v10  }
0x26a: {  	v19 =	vld [tilespmem:s5+$0x1A310];
	_ =	sdelay $0x4  }
0x26b: {  	vm13 =	vlt.s32 v19, $0x0  }
0x26c: {  	v19 =	vsel vm13, $0x37, v19  }
0x26d: {  	v20 =	vshll.u32 v19, $0x8;
	v19 =	vshll.u32 v19, $0x7  }
0x26e: {  	v20 =	vand.u32 $0xFFFFF800, v20;
	v19 =	vand.u32 $0x380, v19  }
0x26f: {  	v19 =	vor.u32 v20, v19  }
0x270: {  	v19 =	vor.u32 v2, v19;
	_ =	sdelay $0x4  }
0x271: {  	[tilespmem:v19+s24+$0x0] =	vst.idx.msk $0xffff, v10  }
0x272: {  	v19 =	vld [tilespmem:s5+$0x1A320];
	_ =	sdelay $0x4  }
0x273: {  	vm14 =	vlt.s32 v19, $0x0  }
0x274: {  	v19 =	vsel vm14, $0x37, v19  }
0x275: {  	v20 =	vshll.u32 v19, $0x8;
	v19 =	vshll.u32 v19, $0x7  }
0x276: {  	v20 =	vand.u32 $0xFFFFF800, v20;
	v19 =	vand.u32 $0x380, v19  }
0x277: {  	v19 =	vor.u32 v20, v19  }
0x278: {  	v19 =	vor.u32 v3, v19;
	_ =	sdelay $0x4  }
0x279: {  	[tilespmem:v19+s24+$0x0] =	vst.idx.msk $0xffff, v10  }
0x27a: {  	v19 =	vld [tilespmem:s5+$0x1A330];
	_ =	sdelay $0x4  }
0x27b: {  	vm15 =	vlt.s32 v19, $0x0  }
0x27c: {  	v19 =	vsel vm15, $0x37, v19  }
0x27d: {  	v20 =	vshll.u32 v19, $0x8;
	v19 =	vshll.u32 v19, $0x7  }
0x27e: {  	v20 =	vand.u32 $0xFFFFF800, v20;
	v19 =	vand.u32 $0x380, v19  }
0x27f: {  	v19 =	vor.u32 v20, v19  }
0x280: {  	v19 =	vor.u32 v4, v19;
	_ =	sdelay $0x4  }
0x281: {  	[tilespmem:v19+s24+$0x0] =	vst.idx.msk $0xffff, v10  }
0x282: {  	v19 =	vld [tilespmem:s5+$0x1A340];
	_ =	sdelay $0x4  }
0x283: {  	vm4 =	vlt.s32 v19, $0x0  }
0x284: {  	v19 =	vsel vm4, $0x37, v19  }
0x285: {  	v20 =	vshll.u32 v19, $0x8;
	v19 =	vshll.u32 v19, $0x7  }
0x286: {  	v20 =	vand.u32 $0xFFFFF800, v20;
	v19 =	vand.u32 $0x380, v19  }
0x287: {  	v19 =	vor.u32 v20, v19  }
0x288: {  	v19 =	vor.u32 v5, v19;
	_ =	sdelay $0x4  }
0x289: {  	[tilespmem:v19+s24+$0x0] =	vst.idx.msk $0xffff, v10  }
0x28a: {  	v19 =	vld [tilespmem:s5+$0x1A350];
	_ =	sdelay $0x4  }
0x28b: {  	vm5 =	vlt.s32 v19, $0x0  }
0x28c: {  	v19 =	vsel vm5, $0x37, v19  }
0x28d: {  	v20 =	vshll.u32 v19, $0x8;
	v19 =	vshll.u32 v19, $0x7  }
0x28e: {  	v20 =	vand.u32 $0xFFFFF800, v20;
	v19 =	vand.u32 $0x380, v19  }
0x28f: {  	v19 =	vor.u32 v20, v19  }
0x290: {  	v19 =	vor.u32 v6, v19;
	_ =	sdelay $0x4  }
0x291: {  	[tilespmem:v19+s24+$0x0] =	vst.idx.msk $0xffff, v10  }
0x292: {  	v19 =	vld [tilespmem:s5+$0x1A360];
	_ =	sdelay $0x4  }
0x293: {  	vm6 =	vlt.s32 v19, $0x0  }
0x294: {  	v19 =	vsel vm6, $0x37, v19  }
0x295: {  	v20 =	vshll.u32 v19, $0x8;
	v19 =	vshll.u32 v19, $0x7  }
0x296: {  	v20 =	vand.u32 $0xFFFFF800, v20;
	v19 =	vand.u32 $0x380, v19  }
0x297: {  	v19 =	vor.u32 v20, v19  }
0x298: {  	v19 =	vor.u32 v7, v19;
	_ =	sdelay $0x4  }
0x299: {  	[tilespmem:v19+s24+$0x0] =	vst.idx.msk $0xffff, v10  }
0x29a: {  	v19 =	vld [tilespmem:s5+$0x1A370];
	_ =	sdelay $0x4  }
0x29b: {  	vm7 =	vlt.s32 v19, $0x0  }
0x29c: {  	v19 =	vsel vm7, $0x37, v19  }
0x29d: {  	v20 =	vshll.u32 v19, $0x8;
	v19 =	vshll.u32 v19, $0x7  }
0x29e: {  	v20 =	vand.u32 $0xFFFFF800, v20;
	v19 =	vand.u32 $0x380, v19  }
0x29f: {  	v19 =	vor.u32 v20, v19  }
0x2a0: {  	v19 =	vor.u32 v8, v19;
	_ =	sdelay $0x4  }
0x2a1: {  	[tilespmem:v19+s24+$0x0] =	vst.idx.msk $0xffff, v10  }
0x2a2: {  	v19 =	vld [tilespmem:s5+$0x1A380];
	_ =	sdelay $0x4  }
0x2a3: {  	vm8 =	vlt.s32 v19, $0x0  }
0x2a4: {  	v19 =	vsel vm8, $0x37, v19  }
0x2a5: {  	v20 =	vshll.u32 v19, $0x8;
	v19 =	vshll.u32 v19, $0x7  }
0x2a6: {  	v20 =	vand.u32 $0xFFFFF800, v20;
	v19 =	vand.u32 $0x380, v19  }
0x2a7: {  	v19 =	vor.u32 v19, v20  }
0x2a8: {  	v19 =	vor.u32 v9, v19;
	_ =	sdelay $0x4  }
0x2a9: {  	[tilespmem:v19+s24+$0x0] =	vst.idx.msk $0xffff, v10  }
0x2aa: {  	v19 =	vld [tilespmem:s5+$0x1A390];
	_ =	sdelay $0x4  }
0x2ab: {  	vm9 =	vlt.s32 v19, $0x0  }
0x2ac: {  	v19 =	vsel vm9, $0x37, v19  }
0x2ad: {  	v20 =	vshll.u32 v19, $0x8;
	v19 =	vshll.u32 v19, $0x7  }
0x2ae: {  	v20 =	vand.u32 $0xFFFFF800, v20;
	v19 =	vand.u32 $0x380, v19  }
0x2af: {  	v19 =	vor.u32 v19, v20  }
0x2b0: {  	v19 =	vor.u32 v11, v19;
	_ =	sdelay $0x4  }
0x2b1: {  	[tilespmem:v19+s24+$0x0] =	vst.idx.msk $0xffff, v10  }
0x2b2: {  	v19 =	vld [tilespmem:s5+$0x1A3A0];
	_ =	sdelay $0x4  }
0x2b3: {  	vm10 =	vlt.s32 v19, $0x0  }
0x2b4: {  	v19 =	vsel vm10, $0x37, v19  }
0x2b5: {  	v20 =	vshll.u32 v19, $0x8;
	v19 =	vshll.u32 v19, $0x7  }
0x2b6: {  	v20 =	vand.u32 $0xFFFFF800, v20;
	v19 =	vand.u32 $0x380, v19  }
0x2b7: {  	v19 =	vor.u32 v19, v20  }
0x2b8: {  	v19 =	vor.u32 v12, v19;
	_ =	sdelay $0x4  }
0x2b9: {  	[tilespmem:v19+s24+$0x0] =	vst.idx.msk $0xffff, v10  }
0x2ba: {  	v19 =	vld [tilespmem:s5+$0x1A3B0];
	_ =	sdelay $0x4  }
0x2bb: {  	vm11 =	vlt.s32 v19, $0x0  }
0x2bc: {  	v19 =	vsel vm11, $0x37, v19  }
0x2bd: {  	v20 =	vshll.u32 v19, $0x8;
	v19 =	vshll.u32 v19, $0x7  }
0x2be: {  	v20 =	vand.u32 $0xFFFFF800, v20;
	v19 =	vand.u32 $0x380, v19  }
0x2bf: {  	v19 =	vor.u32 v19, v20  }
0x2c0: {  	v19 =	vor.u32 v13, v19;
	_ =	sdelay $0x4  }
0x2c1: {  	[tilespmem:v19+s24+$0x0] =	vst.idx.msk $0xffff, v10  }
0x2c2: {  	v19 =	vld [tilespmem:s5+$0x1A3C0];
	_ =	sdelay $0x4  }
0x2c3: {  	vm12 =	vlt.s32 v19, $0x0  }
0x2c4: {  	v19 =	vsel vm12, $0x37, v19  }
0x2c5: {  	v20 =	vshll.u32 v19, $0x8;
	v19 =	vshll.u32 v19, $0x7  }
0x2c6: {  	v20 =	vand.u32 $0xFFFFF800, v20;
	v19 =	vand.u32 $0x380, v19  }
0x2c7: {  	v19 =	vor.u32 v19, v20  }
0x2c8: {  	v19 =	vor.u32 v14, v19;
	_ =	sdelay $0x4  }
0x2c9: {  	[tilespmem:v19+s24+$0x0] =	vst.idx.msk $0xffff, v10  }
0x2ca: {  	v19 =	vld [tilespmem:s5+$0x1A3D0];
	_ =	sdelay $0x4  }
0x2cb: {  	vm13 =	vlt.s32 v19, $0x0  }
0x2cc: {  	v19 =	vsel vm13, $0x37, v19  }
0x2cd: {  	v20 =	vshll.u32 v19, $0x8;
	v19 =	vshll.u32 v19, $0x7  }
0x2ce: {  	v20 =	vand.u32 $0xFFFFF800, v20;
	v19 =	vand.u32 $0x380, v19  }
0x2cf: {  	v19 =	vor.u32 v19, v20  }
0x2d0: {  	v19 =	vor.u32 v16, v19;
	_ =	sdelay $0x4  }
0x2d1: {  	[tilespmem:v19+s24+$0x0] =	vst.idx.msk $0xffff, v10  }
0x2d2: {  	v19 =	vld [tilespmem:s5+$0x1A3E0];
	_ =	sdelay $0x4  }
0x2d3: {  	vm14 =	vlt.s32 v19, $0x0  }
0x2d4: {  	v19 =	vsel vm14, $0x37, v19  }
0x2d5: {  	v20 =	vshll.u32 v19, $0x8;
	v19 =	vshll.u32 v19, $0x7  }
0x2d6: {  	v20 =	vand.u32 $0xFFFFF800, v20;
	v19 =	vand.u32 $0x380, v19  }
0x2d7: {  	v19 =	vor.u32 v19, v20  }
0x2d8: {  	v19 =	vor.u32 v17, v19;
	_ =	sdelay $0x4  }
0x2d9: {  	[tilespmem:v19+s24+$0x0] =	vst.idx.msk $0xffff, v10  }
0x2da: {  	v19 =	vld [tilespmem:s5+$0x1A3F0];
	_ =	sdelay $0x4  }
0x2db: {  	vm15 =	vlt.s32 v19, $0x0  }
0x2dc: {  	v19 =	vsel vm15, $0x37, v19  }
0x2dd: {  	v20 =	vshll.u32 v19, $0x8;
	v19 =	vshll.u32 v19, $0x7  }
0x2de: {  	v20 =	vand.u32 $0xFFFFF800, v20;
	v19 =	vand.u32 $0x380, v19  }
0x2df: {  	v19 =	vor.u32 v19, v20  }
0x2e0: {  	v19 =	vor.u32 v18, v19;
	_ =	sdelay $0x2  }
.Ltmp6:
0x2e1: {  	_ = 	snop;
	(pc) =	sbr.rel .LBB2_10-.Ltmp6, $4  }
0x2e2: {  	_ = 	snop  }
0x2e3: {  	s0 =	rddreg [dreg:$0x6];
	[tilespmem:v19+s24+$0x0] =	vst.idx.msk $0xffff, v10  }
0x2e4: {  	[hbm4b:s0+s20] =	stream.strided.scatter [tilespmem:s24], [sflag:$0x5], $0x6800, s21, s20, $0x38;
	[tilespmem:$0x1E000] =	vst v63  }
0x2e5: {  	s1 =	simm.s32 $0x0;
	s31 =	simm.s32 $0xFFFF0000;
	s0 =	simm.s32 $0x0  }
.LBB2_26:
0x2e6: {  	s0 =	sadd.s32 $0x400, s0  }
0x2e7: {  	p0 =	sne.s32 s0, $0x4000  }
.Ltmp7:
0x2e8: {  	_ = 	snop;
	(pc) =	sbr.rel @!p0 .LBB2_27-.Ltmp7, $2  }
0x2e9: {  	_ =	sdelay $0x2  }
0x2ea: {  	s31 =	sadd.s32 $0x1000, s31;
	s1 =	smov.u32 s19  }
.LBB2_10:
0x2eb: {  	p0 =	sge.u32 s1, s3  }
.Ltmp8:
0x2ec: {  	_ = 	snop;
	(pc) =	sbr.rel @p0 .LBB2_12-.Ltmp8, $2  }
0x2ed: {  	_ =	sdelay $0x2  }
0x2ee: {  	s6 =	sadd.s32 s0, s18  }
0x2ef: {  	_ =	swait.ge [sflag:s25], $0x6800  }
0x2f0: {  	s9 =	sand.u32 $0x7FFFFF80, s6;
	[sflag:s25] =	ssyncset.done $0x0  }
0x2f1: {  	s10 =	sor.u32 s8, s9;
	[sflag:s25] =	ssyncadd.s32 $0xFFFF9800  }
0x2f2: {  	v19 =	vld [tilespmem:s10+$0x1A000];
	_ =	sdelay $0x4  }
0x2f3: {  	vm0 =	vlt.s32 v19, $0x0  }
0x2f4: {  	v19 =	vsel vm0, $0x37, v19  }
0x2f5: {  	v20 =	vshll.u32 v19, $0x8;
	v19 =	vshll.u32 v19, $0x7  }
0x2f6: {  	v20 =	vand.u32 $0xFFFFF800, v20;
	v19 =	vand.u32 $0x380, v19  }
0x2f7: {  	v19 =	vor.u32 v20, v19  }
0x2f8: {  	v19 =	vor.u32 v0, v19;
	_ =	sdelay $0x4  }
0x2f9: {  	s9 =	sadd.s32 $0x1A000, s10;
	[tilespmem:v19+s2+$0x0] =	vst.idx.msk $0xffff, v1  }
0x2fa: {  	v19 =	vld [tilespmem:s9+$0x10];
	_ =	sdelay $0x4  }
0x2fb: {  	vm13 =	vlt.s32 v19, $0x0  }
0x2fc: {  	v19 =	vsel vm13, $0x37, v19  }
0x2fd: {  	v20 =	vshll.u32 v19, $0x8;
	v19 =	vshll.u32 v19, $0x7  }
0x2fe: {  	v20 =	vand.u32 $0xFFFFF800, v20;
	v19 =	vand.u32 $0x380, v19  }
0x2ff: {  	v19 =	vor.u32 v20, v19  }
0x300: {  	v19 =	vor.u32 v2, v19;
	_ =	sdelay $0x4  }
0x301: {  	s19 =	sshra.s32 s31, $0x2;
	[tilespmem:v19+s2+$0x0] =	vst.idx.msk $0xffff, v1  }
0x302: {  	v19 =	vld.idx.msk [tilespmem:v15+s19+$0x4020 ss:$0x1], $0xffff;
	_ =	sdelay $0x4  }
0x303: {  	vm14 =	vlt.s32 v19, $0x0  }
0x304: {  	v19 =	vsel vm14, $0x37, v19  }
0x305: {  	v20 =	vshll.u32 v19, $0x8;
	v19 =	vshll.u32 v19, $0x7  }
0x306: {  	v20 =	vand.u32 $0xFFFFF800, v20;
	v19 =	vand.u32 $0x380, v19  }
0x307: {  	v19 =	vor.u32 v20, v19  }
0x308: {  	v19 =	vor.u32 v3, v19;
	_ =	sdelay $0x4  }
0x309: {  	[tilespmem:v19+s2+$0x0] =	vst.idx.msk $0xffff, v1  }
0x30a: {  	v19 =	vld.idx.msk [tilespmem:v15+s19+$0x4030 ss:$0x1], $0xffff;
	_ =	sdelay $0x4  }
0x30b: {  	vm15 =	vlt.s32 v19, $0x0  }
0x30c: {  	v19 =	vsel vm15, $0x37, v19  }
0x30d: {  	v20 =	vshll.u32 v19, $0x8;
	v19 =	vshll.u32 v19, $0x7  }
0x30e: {  	v20 =	vand.u32 $0xFFFFF800, v20;
	v19 =	vand.u32 $0x380, v19  }
0x30f: {  	v19 =	vor.u32 v20, v19  }
0x310: {  	v19 =	vor.u32 v4, v19;
	_ =	sdelay $0x4  }
0x311: {  	[tilespmem:v19+s2+$0x0] =	vst.idx.msk $0xffff, v1  }
0x312: {  	v19 =	vld.idx.msk [tilespmem:v15+s19+$0x4040 ss:$0x1], $0xffff;
	_ =	sdelay $0x4  }
0x313: {  	vm4 =	vlt.s32 v19, $0x0  }
0x314: {  	v19 =	vsel vm4, $0x37, v19  }
0x315: {  	v20 =	vshll.u32 v19, $0x8;
	v19 =	vshll.u32 v19, $0x7  }
0x316: {  	v20 =	vand.u32 $0xFFFFF800, v20;
	v19 =	vand.u32 $0x380, v19  }
0x317: {  	v19 =	vor.u32 v20, v19  }
0x318: {  	v19 =	vor.u32 v5, v19;
	_ =	sdelay $0x4  }
0x319: {  	[tilespmem:v19+s2+$0x0] =	vst.idx.msk $0xffff, v1  }
0x31a: {  	v19 =	vld.idx.msk [tilespmem:v15+s19+$0x4050 ss:$0x1], $0xffff;
	_ =	sdelay $0x4  }
0x31b: {  	vm5 =	vlt.s32 v19, $0x0  }
0x31c: {  	v19 =	vsel vm5, $0x37, v19  }
0x31d: {  	v20 =	vshll.u32 v19, $0x8;
	v19 =	vshll.u32 v19, $0x7  }
0x31e: {  	v20 =	vand.u32 $0xFFFFF800, v20;
	v19 =	vand.u32 $0x380, v19  }
0x31f: {  	v19 =	vor.u32 v20, v19  }
0x320: {  	v19 =	vor.u32 v6, v19;
	_ =	sdelay $0x4  }
0x321: {  	[tilespmem:v19+s2+$0x0] =	vst.idx.msk $0xffff, v1  }
0x322: {  	v19 =	vld.idx.msk [tilespmem:v15+s19+$0x4060 ss:$0x1], $0xffff;
	_ =	sdelay $0x4  }
0x323: {  	vm6 =	vlt.s32 v19, $0x0  }
0x324: {  	v19 =	vsel vm6, $0x37, v19  }
0x325: {  	v20 =	vshll.u32 v19, $0x8;
	v19 =	vshll.u32 v19, $0x7  }
0x326: {  	v20 =	vand.u32 $0xFFFFF800, v20;
	v19 =	vand.u32 $0x380, v19  }
0x327: {  	v19 =	vor.u32 v20, v19  }
0x328: {  	v19 =	vor.u32 v7, v19;
	_ =	sdelay $0x4  }
0x329: {  	[tilespmem:v19+s2+$0x0] =	vst.idx.msk $0xffff, v1  }
0x32a: {  	v19 =	vld.idx.msk [tilespmem:v15+s19+$0x4070 ss:$0x1], $0xffff;
	_ =	sdelay $0x4  }
0x32b: {  	vm7 =	vlt.s32 v19, $0x0  }
0x32c: {  	v19 =	vsel vm7, $0x37, v19  }
0x32d: {  	v20 =	vshll.u32 v19, $0x8;
	v19 =	vshll.u32 v19, $0x7  }
0x32e: {  	v20 =	vand.u32 $0xFFFFF800, v20;
	v19 =	vand.u32 $0x380, v19  }
0x32f: {  	v19 =	vor.u32 v20, v19  }
0x330: {  	v19 =	vor.u32 v8, v19;
	_ =	sdelay $0x4  }
0x331: {  	[tilespmem:v19+s2+$0x0] =	vst.idx.msk $0xffff, v1  }
0x332: {  	v19 =	vld [tilespmem:s10+$0x1A080];
	_ =	sdelay $0x4  }
0x333: {  	vm8 =	vlt.s32 v19, $0x0  }
0x334: {  	v19 =	vsel vm8, $0x37, v19  }
0x335: {  	v20 =	vshll.u32 v19, $0x8;
	v19 =	vshll.u32 v19, $0x7  }
0x336: {  	v20 =	vand.u32 $0xFFFFF800, v20;
	v19 =	vand.u32 $0x380, v19  }
0x337: {  	v19 =	vor.u32 v19, v20  }
0x338: {  	v19 =	vor.u32 v9, v19;
	_ =	sdelay $0x4  }
0x339: {  	[tilespmem:v19+s2+$0x0] =	vst.idx.msk $0xffff, v1  }
0x33a: {  	v19 =	vld.idx.msk [tilespmem:v15+s19+$0x4090 ss:$0x1], $0xffff;
	_ =	sdelay $0x4  }
0x33b: {  	vm9 =	vlt.s32 v19, $0x0  }
0x33c: {  	v19 =	vsel vm9, $0x37, v19  }
0x33d: {  	v20 =	vshll.u32 v19, $0x8;
	v19 =	vshll.u32 v19, $0x7  }
0x33e: {  	v20 =	vand.u32 $0xFFFFF800, v20;
	v19 =	vand.u32 $0x380, v19  }
0x33f: {  	v19 =	vor.u32 v19, v20  }
0x340: {  	v19 =	vor.u32 v11, v19;
	_ =	sdelay $0x4  }
0x341: {  	[tilespmem:v19+s2+$0x0] =	vst.idx.msk $0xffff, v1  }
0x342: {  	v19 =	vld.idx.msk [tilespmem:v15+s19+$0x40A0 ss:$0x1], $0xffff;
	_ =	sdelay $0x4  }
0x343: {  	vm10 =	vlt.s32 v19, $0x0  }
0x344: {  	v19 =	vsel vm10, $0x37, v19  }
0x345: {  	v20 =	vshll.u32 v19, $0x8;
	v19 =	vshll.u32 v19, $0x7  }
0x346: {  	v20 =	vand.u32 $0xFFFFF800, v20;
	v19 =	vand.u32 $0x380, v19  }
0x347: {  	v19 =	vor.u32 v19, v20  }
0x348: {  	v19 =	vor.u32 v12, v19;
	_ =	sdelay $0x4  }
0x349: {  	[tilespmem:v19+s2+$0x0] =	vst.idx.msk $0xffff, v1  }
0x34a: {  	v19 =	vld.idx.msk [tilespmem:v15+s19+$0x40B0 ss:$0x1], $0xffff;
	_ =	sdelay $0x4  }
0x34b: {  	vm11 =	vlt.s32 v19, $0x0  }
0x34c: {  	v19 =	vsel vm11, $0x37, v19  }
0x34d: {  	v20 =	vshll.u32 v19, $0x8;
	v19 =	vshll.u32 v19, $0x7  }
0x34e: {  	v20 =	vand.u32 $0xFFFFF800, v20;
	v19 =	vand.u32 $0x380, v19  }
0x34f: {  	v19 =	vor.u32 v19, v20  }
0x350: {  	v19 =	vor.u32 v13, v19;
	_ =	sdelay $0x4  }
0x351: {  	[tilespmem:v19+s2+$0x0] =	vst.idx.msk $0xffff, v1  }
0x352: {  	v19 =	vld.idx.msk [tilespmem:v15+s19+$0x40C0 ss:$0x1], $0xffff;
	_ =	sdelay $0x4  }
0x353: {  	vm12 =	vlt.s32 v19, $0x0  }
0x354: {  	v19 =	vsel vm12, $0x37, v19  }
0x355: {  	v20 =	vshll.u32 v19, $0x8;
	v19 =	vshll.u32 v19, $0x7  }
0x356: {  	v20 =	vand.u32 $0xFFFFF800, v20;
	v19 =	vand.u32 $0x380, v19  }
0x357: {  	v19 =	vor.u32 v19, v20  }
0x358: {  	v19 =	vor.u32 v14, v19;
	_ =	sdelay $0x4  }
0x359: {  	[tilespmem:v19+s2+$0x0] =	vst.idx.msk $0xffff, v1  }
0x35a: {  	v19 =	vld.idx.msk [tilespmem:v15+s19+$0x40D0 ss:$0x1], $0xffff;
	_ =	sdelay $0x4  }
0x35b: {  	vm13 =	vlt.s32 v19, $0x0  }
0x35c: {  	v19 =	vsel vm13, $0x37, v19  }
0x35d: {  	v20 =	vshll.u32 v19, $0x8;
	v19 =	vshll.u32 v19, $0x7  }
0x35e: {  	v20 =	vand.u32 $0xFFFFF800, v20;
	v19 =	vand.u32 $0x380, v19  }
0x35f: {  	v19 =	vor.u32 v19, v20  }
0x360: {  	v19 =	vor.u32 v16, v19;
	_ =	sdelay $0x4  }
0x361: {  	[tilespmem:v19+s2+$0x0] =	vst.idx.msk $0xffff, v1  }
0x362: {  	v19 =	vld.idx.msk [tilespmem:v15+s19+$0x40E0 ss:$0x1], $0xffff;
	_ =	sdelay $0x4  }
0x363: {  	vm14 =	vlt.s32 v19, $0x0  }
0x364: {  	v19 =	vsel vm14, $0x37, v19  }
0x365: {  	v20 =	vshll.u32 v19, $0x8;
	v19 =	vshll.u32 v19, $0x7  }
0x366: {  	v20 =	vand.u32 $0xFFFFF800, v20;
	v19 =	vand.u32 $0x380, v19  }
0x367: {  	v19 =	vor.u32 v19, v20  }
0x368: {  	v19 =	vor.u32 v17, v19;
	_ =	sdelay $0x4  }
0x369: {  	[tilespmem:v19+s2+$0x0] =	vst.idx.msk $0xffff, v1  }
0x36a: {  	v19 =	vld.idx.msk [tilespmem:v15+s19+$0x40F0 ss:$0x1], $0xffff;
	_ =	sdelay $0x4  }
0x36b: {  	vm15 =	vlt.s32 v19, $0x0  }
0x36c: {  	v19 =	vsel vm15, $0x37, v19  }
0x36d: {  	v20 =	vshll.u32 v19, $0x8;
	v19 =	vshll.u32 v19, $0x7  }
0x36e: {  	v20 =	vand.u32 $0xFFFFF800, v20;
	v19 =	vand.u32 $0x380, v19  }
0x36f: {  	v19 =	vor.u32 v19, v20  }
0x370: {  	v19 =	vor.u32 v18, v19;
	_ =	sdelay $0x4  }
0x371: {  	[tilespmem:v19+s2+$0x0] =	vst.idx.msk $0xffff, v1  }
.LBB2_12:
0x372: {  	s19 =	sadd.s32 $0x4, s1  }
0x373: {  	p0 =	sge.u32 s19, s3  }
.Ltmp9:
0x374: {  	_ = 	snop;
	(pc) =	sbr.rel @p0 .LBB2_14-.Ltmp9, $1  }
0x375: {  	_ =	sdelay $0x3  }
0x376: {  	s9 =	sadd.s32 $0x400, s6  }
0x377: {  	s9 =	sand.u32 $0x7FFFFF80, s9  }
0x378: {  	s10 =	sor.u32 s8, s9  }
0x379: {  	v19 =	vld [tilespmem:s10+$0x1A000];
	_ =	sdelay $0x4  }
0x37a: {  	vm0 =	vlt.s32 v19, $0x0  }
0x37b: {  	v19 =	vsel vm0, $0x37, v19  }
0x37c: {  	v20 =	vshll.u32 v19, $0x8;
	v19 =	vshll.u32 v19, $0x7  }
0x37d: {  	v20 =	vand.u32 $0xFFFFF800, v20;
	v19 =	vand.u32 $0x380, v19  }
0x37e: {  	v19 =	vor.u32 v20, v19  }
0x37f: {  	v19 =	vor.u32 v0, v19;
	_ =	sdelay $0x4  }
0x380: {  	s9 =	sadd.s32 $0x1A000, s10;
	[tilespmem:v19+s2+$0x0] =	vst.idx.msk $0xffff, v10  }
0x381: {  	v19 =	vld [tilespmem:s9+$0x10];
	_ =	sdelay $0x4  }
0x382: {  	vm13 =	vlt.s32 v19, $0x0  }
0x383: {  	v19 =	vsel vm13, $0x37, v19  }
0x384: {  	v20 =	vshll.u32 v19, $0x8;
	v19 =	vshll.u32 v19, $0x7  }
0x385: {  	v20 =	vand.u32 $0xFFFFF800, v20;
	v19 =	vand.u32 $0x380, v19  }
0x386: {  	v19 =	vor.u32 v20, v19  }
0x387: {  	v19 =	vor.u32 v2, v19;
	_ =	sdelay $0x4  }
0x388: {  	s11 =	sshra.s32 s31, $0x2;
	[tilespmem:v19+s2+$0x0] =	vst.idx.msk $0xffff, v10  }
0x389: {  	v19 =	vld.idx.msk [tilespmem:v15+s11+$0x4420 ss:$0x1], $0xffff;
	_ =	sdelay $0x4  }
0x38a: {  	vm14 =	vlt.s32 v19, $0x0  }
0x38b: {  	v19 =	vsel vm14, $0x37, v19  }
0x38c: {  	v20 =	vshll.u32 v19, $0x8;
	v19 =	vshll.u32 v19, $0x7  }
0x38d: {  	v20 =	vand.u32 $0xFFFFF800, v20;
	v19 =	vand.u32 $0x380, v19  }
0x38e: {  	v19 =	vor.u32 v20, v19  }
0x38f: {  	v19 =	vor.u32 v3, v19;
	_ =	sdelay $0x4  }
0x390: {  	[tilespmem:v19+s2+$0x0] =	vst.idx.msk $0xffff, v10  }
0x391: {  	v19 =	vld.idx.msk [tilespmem:v15+s11+$0x4430 ss:$0x1], $0xffff;
	_ =	sdelay $0x4  }
0x392: {  	vm15 =	vlt.s32 v19, $0x0  }
0x393: {  	v19 =	vsel vm15, $0x37, v19  }
0x394: {  	v20 =	vshll.u32 v19, $0x8;
	v19 =	vshll.u32 v19, $0x7  }
0x395: {  	v20 =	vand.u32 $0xFFFFF800, v20;
	v19 =	vand.u32 $0x380, v19  }
0x396: {  	v19 =	vor.u32 v20, v19  }
0x397: {  	v19 =	vor.u32 v4, v19;
	_ =	sdelay $0x4  }
0x398: {  	[tilespmem:v19+s2+$0x0] =	vst.idx.msk $0xffff, v10  }
0x399: {  	v19 =	vld.idx.msk [tilespmem:v15+s11+$0x4440 ss:$0x1], $0xffff;
	_ =	sdelay $0x4  }
0x39a: {  	vm4 =	vlt.s32 v19, $0x0  }
0x39b: {  	v19 =	vsel vm4, $0x37, v19  }
0x39c: {  	v20 =	vshll.u32 v19, $0x8;
	v19 =	vshll.u32 v19, $0x7  }
0x39d: {  	v20 =	vand.u32 $0xFFFFF800, v20;
	v19 =	vand.u32 $0x380, v19  }
0x39e: {  	v19 =	vor.u32 v20, v19  }
0x39f: {  	v19 =	vor.u32 v5, v19;
	_ =	sdelay $0x4  }
0x3a0: {  	[tilespmem:v19+s2+$0x0] =	vst.idx.msk $0xffff, v10  }
0x3a1: {  	v19 =	vld.idx.msk [tilespmem:v15+s11+$0x4450 ss:$0x1], $0xffff;
	_ =	sdelay $0x4  }
0x3a2: {  	vm5 =	vlt.s32 v19, $0x0  }
0x3a3: {  	v19 =	vsel vm5, $0x37, v19  }
0x3a4: {  	v20 =	vshll.u32 v19, $0x8;
	v19 =	vshll.u32 v19, $0x7  }
0x3a5: {  	v20 =	vand.u32 $0xFFFFF800, v20;
	v19 =	vand.u32 $0x380, v19  }
0x3a6: {  	v19 =	vor.u32 v20, v19  }
0x3a7: {  	v19 =	vor.u32 v6, v19;
	_ =	sdelay $0x4  }
0x3a8: {  	[tilespmem:v19+s2+$0x0] =	vst.idx.msk $0xffff, v10  }
0x3a9: {  	v19 =	vld.idx.msk [tilespmem:v15+s11+$0x4460 ss:$0x1], $0xffff;
	_ =	sdelay $0x4  }
0x3aa: {  	vm6 =	vlt.s32 v19, $0x0  }
0x3ab: {  	v19 =	vsel vm6, $0x37, v19  }
0x3ac: {  	v20 =	vshll.u32 v19, $0x8;
	v19 =	vshll.u32 v19, $0x7  }
0x3ad: {  	v20 =	vand.u32 $0xFFFFF800, v20;
	v19 =	vand.u32 $0x380, v19  }
0x3ae: {  	v19 =	vor.u32 v20, v19  }
0x3af: {  	v19 =	vor.u32 v7, v19;
	_ =	sdelay $0x4  }
0x3b0: {  	[tilespmem:v19+s2+$0x0] =	vst.idx.msk $0xffff, v10  }
0x3b1: {  	v19 =	vld.idx.msk [tilespmem:v15+s11+$0x4470 ss:$0x1], $0xffff;
	_ =	sdelay $0x4  }
0x3b2: {  	vm7 =	vlt.s32 v19, $0x0  }
0x3b3: {  	v19 =	vsel vm7, $0x37, v19  }
0x3b4: {  	v20 =	vshll.u32 v19, $0x8;
	v19 =	vshll.u32 v19, $0x7  }
0x3b5: {  	v20 =	vand.u32 $0xFFFFF800, v20;
	v19 =	vand.u32 $0x380, v19  }
0x3b6: {  	v19 =	vor.u32 v20, v19  }
0x3b7: {  	v19 =	vor.u32 v8, v19;
	_ =	sdelay $0x4  }
0x3b8: {  	[tilespmem:v19+s2+$0x0] =	vst.idx.msk $0xffff, v10  }
0x3b9: {  	v19 =	vld [tilespmem:s10+$0x1A080];
	_ =	sdelay $0x4  }
0x3ba: {  	vm8 =	vlt.s32 v19, $0x0  }
0x3bb: {  	v19 =	vsel vm8, $0x37, v19  }
0x3bc: {  	v20 =	vshll.u32 v19, $0x8;
	v19 =	vshll.u32 v19, $0x7  }
0x3bd: {  	v20 =	vand.u32 $0xFFFFF800, v20;
	v19 =	vand.u32 $0x380, v19  }
0x3be: {  	v19 =	vor.u32 v19, v20  }
0x3bf: {  	v19 =	vor.u32 v9, v19;
	_ =	sdelay $0x4  }
0x3c0: {  	[tilespmem:v19+s2+$0x0] =	vst.idx.msk $0xffff, v10  }
0x3c1: {  	v19 =	vld.idx.msk [tilespmem:v15+s11+$0x4490 ss:$0x1], $0xffff;
	_ =	sdelay $0x4  }
0x3c2: {  	vm9 =	vlt.s32 v19, $0x0  }
0x3c3: {  	v19 =	vsel vm9, $0x37, v19  }
0x3c4: {  	v20 =	vshll.u32 v19, $0x8;
	v19 =	vshll.u32 v19, $0x7  }
0x3c5: {  	v20 =	vand.u32 $0xFFFFF800, v20;
	v19 =	vand.u32 $0x380, v19  }
0x3c6: {  	v19 =	vor.u32 v19, v20  }
0x3c7: {  	v19 =	vor.u32 v11, v19;
	_ =	sdelay $0x4  }
0x3c8: {  	[tilespmem:v19+s2+$0x0] =	vst.idx.msk $0xffff, v10  }
0x3c9: {  	v19 =	vld.idx.msk [tilespmem:v15+s11+$0x44A0 ss:$0x1], $0xffff;
	_ =	sdelay $0x4  }
0x3ca: {  	vm10 =	vlt.s32 v19, $0x0  }
0x3cb: {  	v19 =	vsel vm10, $0x37, v19  }
0x3cc: {  	v20 =	vshll.u32 v19, $0x8;
	v19 =	vshll.u32 v19, $0x7  }
0x3cd: {  	v20 =	vand.u32 $0xFFFFF800, v20;
	v19 =	vand.u32 $0x380, v19  }
0x3ce: {  	v19 =	vor.u32 v19, v20  }
0x3cf: {  	v19 =	vor.u32 v12, v19;
	_ =	sdelay $0x4  }
0x3d0: {  	[tilespmem:v19+s2+$0x0] =	vst.idx.msk $0xffff, v10  }
0x3d1: {  	v19 =	vld.idx.msk [tilespmem:v15+s11+$0x44B0 ss:$0x1], $0xffff;
	_ =	sdelay $0x4  }
0x3d2: {  	vm11 =	vlt.s32 v19, $0x0  }
0x3d3: {  	v19 =	vsel vm11, $0x37, v19  }
0x3d4: {  	v20 =	vshll.u32 v19, $0x8;
	v19 =	vshll.u32 v19, $0x7  }
0x3d5: {  	v20 =	vand.u32 $0xFFFFF800, v20;
	v19 =	vand.u32 $0x380, v19  }
0x3d6: {  	v19 =	vor.u32 v19, v20  }
0x3d7: {  	v19 =	vor.u32 v13, v19;
	_ =	sdelay $0x4  }
0x3d8: {  	[tilespmem:v19+s2+$0x0] =	vst.idx.msk $0xffff, v10  }
0x3d9: {  	v19 =	vld.idx.msk [tilespmem:v15+s11+$0x44C0 ss:$0x1], $0xffff;
	_ =	sdelay $0x4  }
0x3da: {  	vm12 =	vlt.s32 v19, $0x0  }
0x3db: {  	v19 =	vsel vm12, $0x37, v19  }
0x3dc: {  	v20 =	vshll.u32 v19, $0x8;
	v19 =	vshll.u32 v19, $0x7  }
0x3dd: {  	v20 =	vand.u32 $0xFFFFF800, v20;
	v19 =	vand.u32 $0x380, v19  }
0x3de: {  	v19 =	vor.u32 v19, v20  }
0x3df: {  	v19 =	vor.u32 v14, v19;
	_ =	sdelay $0x4  }
0x3e0: {  	[tilespmem:v19+s2+$0x0] =	vst.idx.msk $0xffff, v10  }
0x3e1: {  	v19 =	vld.idx.msk [tilespmem:v15+s11+$0x44D0 ss:$0x1], $0xffff;
	_ =	sdelay $0x4  }
0x3e2: {  	vm13 =	vlt.s32 v19, $0x0  }
0x3e3: {  	v19 =	vsel vm13, $0x37, v19  }
0x3e4: {  	v20 =	vshll.u32 v19, $0x8;
	v19 =	vshll.u32 v19, $0x7  }
0x3e5: {  	v20 =	vand.u32 $0xFFFFF800, v20;
	v19 =	vand.u32 $0x380, v19  }
0x3e6: {  	v19 =	vor.u32 v19, v20  }
0x3e7: {  	v19 =	vor.u32 v16, v19;
	_ =	sdelay $0x4  }
0x3e8: {  	[tilespmem:v19+s2+$0x0] =	vst.idx.msk $0xffff, v10  }
0x3e9: {  	v19 =	vld.idx.msk [tilespmem:v15+s11+$0x44E0 ss:$0x1], $0xffff;
	_ =	sdelay $0x4  }
0x3ea: {  	vm14 =	vlt.s32 v19, $0x0  }
0x3eb: {  	v19 =	vsel vm14, $0x37, v19  }
0x3ec: {  	v20 =	vshll.u32 v19, $0x8;
	v19 =	vshll.u32 v19, $0x7  }
0x3ed: {  	v20 =	vand.u32 $0xFFFFF800, v20;
	v19 =	vand.u32 $0x380, v19  }
0x3ee: {  	v19 =	vor.u32 v19, v20  }
0x3ef: {  	v19 =	vor.u32 v17, v19;
	_ =	sdelay $0x4  }
0x3f0: {  	[tilespmem:v19+s2+$0x0] =	vst.idx.msk $0xffff, v10  }
0x3f1: {  	v19 =	vld.idx.msk [tilespmem:v15+s11+$0x44F0 ss:$0x1], $0xffff;
	_ =	sdelay $0x4  }
0x3f2: {  	vm15 =	vlt.s32 v19, $0x0  }
0x3f3: {  	v19 =	vsel vm15, $0x37, v19  }
0x3f4: {  	v20 =	vshll.u32 v19, $0x8;
	v19 =	vshll.u32 v19, $0x7  }
0x3f5: {  	v20 =	vand.u32 $0xFFFFF800, v20;
	v19 =	vand.u32 $0x380, v19  }
0x3f6: {  	v19 =	vor.u32 v19, v20  }
0x3f7: {  	v19 =	vor.u32 v18, v19;
	_ =	sdelay $0x4  }
0x3f8: {  	s11 =	sadd.s32 s0, s17;
	[tilespmem:v19+s2+$0x0] =	vst.idx.msk $0xffff, v10  }
0x3f9: {  	[hbm4b:s11+s20] =	stream.strided.scatter [tilespmem:s2], [sflag:$0x2], $0x6800, s21, s20, $0x38;
	[tilespmem:$0x1E000] =	vst v63  }
.LBB2_14:
0x3fa: {  	s9 =	sadd.s32 $0x1, s1  }
0x3fb: {  	p0 =	sge.u32 s9, s3  }
.Ltmp10:
0x3fc: {  	_ = 	snop;
	(pc) =	sbr.rel @p0 .LBB2_16-.Ltmp10, $1  }
0x3fd: {  	_ =	sdelay $0x3  }
0x3fe: {  	_ =	swait.ge [sflag:s26], $0x6800;
	s9 =	sadd.s32 $0x100, s6  }
0x3ff: {  	[sflag:s26] =	ssyncset.done $0x0;
	s9 =	sand.u32 $0x7FFFFF80, s9  }
0x400: {  	[sflag:s26] =	ssyncadd.s32 $0xFFFF9800;
	s10 =	sor.u32 s8, s9  }
0x401: {  	v19 =	vld [tilespmem:s10+$0x1A000];
	_ =	sdelay $0x4  }
0x402: {  	vm0 =	vlt.s32 v19, $0x0  }
0x403: {  	v19 =	vsel vm0, $0x37, v19  }
0x404: {  	v20 =	vshll.u32 v19, $0x8;
	v19 =	vshll.u32 v19, $0x7  }
0x405: {  	v20 =	vand.u32 $0xFFFFF800, v20;
	v19 =	vand.u32 $0x380, v19  }
0x406: {  	v19 =	vor.u32 v20, v19  }
0x407: {  	v19 =	vor.u32 v0, v19;
	_ =	sdelay $0x4  }
0x408: {  	s9 =	sadd.s32 $0x1A000, s10;
	[tilespmem:v19+s22+$0x0] =	vst.idx.msk $0xffff, v1  }
0x409: {  	v19 =	vld [tilespmem:s9+$0x10];
	_ =	sdelay $0x4  }
0x40a: {  	vm13 =	vlt.s32 v19, $0x0  }
0x40b: {  	v19 =	vsel vm13, $0x37, v19  }
0x40c: {  	v20 =	vshll.u32 v19, $0x8;
	v19 =	vshll.u32 v19, $0x7  }
0x40d: {  	v20 =	vand.u32 $0xFFFFF800, v20;
	v19 =	vand.u32 $0x380, v19  }
0x40e: {  	v19 =	vor.u32 v20, v19  }
0x40f: {  	v19 =	vor.u32 v2, v19;
	_ =	sdelay $0x4  }
0x410: {  	s11 =	sshra.s32 s31, $0x2;
	[tilespmem:v19+s22+$0x0] =	vst.idx.msk $0xffff, v1  }
0x411: {  	v19 =	vld.idx.msk [tilespmem:v15+s11+$0x4120 ss:$0x1], $0xffff;
	_ =	sdelay $0x4  }
0x412: {  	vm14 =	vlt.s32 v19, $0x0  }
0x413: {  	v19 =	vsel vm14, $0x37, v19  }
0x414: {  	v20 =	vshll.u32 v19, $0x8;
	v19 =	vshll.u32 v19, $0x7  }
0x415: {  	v20 =	vand.u32 $0xFFFFF800, v20;
	v19 =	vand.u32 $0x380, v19  }
0x416: {  	v19 =	vor.u32 v20, v19  }
0x417: {  	v19 =	vor.u32 v3, v19;
	_ =	sdelay $0x4  }
0x418: {  	[tilespmem:v19+s22+$0x0] =	vst.idx.msk $0xffff, v1  }
0x419: {  	v19 =	vld.idx.msk [tilespmem:v15+s11+$0x4130 ss:$0x1], $0xffff;
	_ =	sdelay $0x4  }
0x41a: {  	vm15 =	vlt.s32 v19, $0x0  }
0x41b: {  	v19 =	vsel vm15, $0x37, v19  }
0x41c: {  	v20 =	vshll.u32 v19, $0x8;
	v19 =	vshll.u32 v19, $0x7  }
0x41d: {  	v20 =	vand.u32 $0xFFFFF800, v20;
	v19 =	vand.u32 $0x380, v19  }
0x41e: {  	v19 =	vor.u32 v20, v19  }
0x41f: {  	v19 =	vor.u32 v4, v19;
	_ =	sdelay $0x4  }
0x420: {  	[tilespmem:v19+s22+$0x0] =	vst.idx.msk $0xffff, v1  }
0x421: {  	v19 =	vld.idx.msk [tilespmem:v15+s11+$0x4140 ss:$0x1], $0xffff;
	_ =	sdelay $0x4  }
0x422: {  	vm4 =	vlt.s32 v19, $0x0  }
0x423: {  	v19 =	vsel vm4, $0x37, v19  }
0x424: {  	v20 =	vshll.u32 v19, $0x8;
	v19 =	vshll.u32 v19, $0x7  }
0x425: {  	v20 =	vand.u32 $0xFFFFF800, v20;
	v19 =	vand.u32 $0x380, v19  }
0x426: {  	v19 =	vor.u32 v20, v19  }
0x427: {  	v19 =	vor.u32 v5, v19;
	_ =	sdelay $0x4  }
0x428: {  	[tilespmem:v19+s22+$0x0] =	vst.idx.msk $0xffff, v1  }
0x429: {  	v19 =	vld.idx.msk [tilespmem:v15+s11+$0x4150 ss:$0x1], $0xffff;
	_ =	sdelay $0x4  }
0x42a: {  	vm5 =	vlt.s32 v19, $0x0  }
0x42b: {  	v19 =	vsel vm5, $0x37, v19  }
0x42c: {  	v20 =	vshll.u32 v19, $0x8;
	v19 =	vshll.u32 v19, $0x7  }
0x42d: {  	v20 =	vand.u32 $0xFFFFF800, v20;
	v19 =	vand.u32 $0x380, v19  }
0x42e: {  	v19 =	vor.u32 v20, v19  }
0x42f: {  	v19 =	vor.u32 v6, v19;
	_ =	sdelay $0x4  }
0x430: {  	[tilespmem:v19+s22+$0x0] =	vst.idx.msk $0xffff, v1  }
0x431: {  	v19 =	vld.idx.msk [tilespmem:v15+s11+$0x4160 ss:$0x1], $0xffff;
	_ =	sdelay $0x4  }
0x432: {  	vm6 =	vlt.s32 v19, $0x0  }
0x433: {  	v19 =	vsel vm6, $0x37, v19  }
0x434: {  	v20 =	vshll.u32 v19, $0x8;
	v19 =	vshll.u32 v19, $0x7  }
0x435: {  	v20 =	vand.u32 $0xFFFFF800, v20;
	v19 =	vand.u32 $0x380, v19  }
0x436: {  	v19 =	vor.u32 v20, v19  }
0x437: {  	v19 =	vor.u32 v7, v19;
	_ =	sdelay $0x4  }
0x438: {  	[tilespmem:v19+s22+$0x0] =	vst.idx.msk $0xffff, v1  }
0x439: {  	v19 =	vld.idx.msk [tilespmem:v15+s11+$0x4170 ss:$0x1], $0xffff;
	_ =	sdelay $0x4  }
0x43a: {  	vm7 =	vlt.s32 v19, $0x0  }
0x43b: {  	v19 =	vsel vm7, $0x37, v19  }
0x43c: {  	v20 =	vshll.u32 v19, $0x8;
	v19 =	vshll.u32 v19, $0x7  }
0x43d: {  	v20 =	vand.u32 $0xFFFFF800, v20;
	v19 =	vand.u32 $0x380, v19  }
0x43e: {  	v19 =	vor.u32 v20, v19  }
0x43f: {  	v19 =	vor.u32 v8, v19;
	_ =	sdelay $0x4  }
0x440: {  	[tilespmem:v19+s22+$0x0] =	vst.idx.msk $0xffff, v1  }
0x441: {  	v19 =	vld [tilespmem:s10+$0x1A080];
	_ =	sdelay $0x4  }
0x442: {  	vm8 =	vlt.s32 v19, $0x0  }
0x443: {  	v19 =	vsel vm8, $0x37, v19  }
0x444: {  	v20 =	vshll.u32 v19, $0x8;
	v19 =	vshll.u32 v19, $0x7  }
0x445: {  	v20 =	vand.u32 $0xFFFFF800, v20;
	v19 =	vand.u32 $0x380, v19  }
0x446: {  	v19 =	vor.u32 v19, v20  }
0x447: {  	v19 =	vor.u32 v9, v19;
	_ =	sdelay $0x4  }
0x448: {  	[tilespmem:v19+s22+$0x0] =	vst.idx.msk $0xffff, v1  }
0x449: {  	v19 =	vld.idx.msk [tilespmem:v15+s11+$0x4190 ss:$0x1], $0xffff;
	_ =	sdelay $0x4  }
0x44a: {  	vm9 =	vlt.s32 v19, $0x0  }
0x44b: {  	v19 =	vsel vm9, $0x37, v19  }
0x44c: {  	v20 =	vshll.u32 v19, $0x8;
	v19 =	vshll.u32 v19, $0x7  }
0x44d: {  	v20 =	vand.u32 $0xFFFFF800, v20;
	v19 =	vand.u32 $0x380, v19  }
0x44e: {  	v19 =	vor.u32 v19, v20  }
0x44f: {  	v19 =	vor.u32 v11, v19;
	_ =	sdelay $0x4  }
0x450: {  	[tilespmem:v19+s22+$0x0] =	vst.idx.msk $0xffff, v1  }
0x451: {  	v19 =	vld.idx.msk [tilespmem:v15+s11+$0x41A0 ss:$0x1], $0xffff;
	_ =	sdelay $0x4  }
0x452: {  	vm10 =	vlt.s32 v19, $0x0  }
0x453: {  	v19 =	vsel vm10, $0x37, v19  }
0x454: {  	v20 =	vshll.u32 v19, $0x8;
	v19 =	vshll.u32 v19, $0x7  }
0x455: {  	v20 =	vand.u32 $0xFFFFF800, v20;
	v19 =	vand.u32 $0x380, v19  }
0x456: {  	v19 =	vor.u32 v19, v20  }
0x457: {  	v19 =	vor.u32 v12, v19;
	_ =	sdelay $0x4  }
0x458: {  	[tilespmem:v19+s22+$0x0] =	vst.idx.msk $0xffff, v1  }
0x459: {  	v19 =	vld.idx.msk [tilespmem:v15+s11+$0x41B0 ss:$0x1], $0xffff;
	_ =	sdelay $0x4  }
0x45a: {  	vm11 =	vlt.s32 v19, $0x0  }
0x45b: {  	v19 =	vsel vm11, $0x37, v19  }
0x45c: {  	v20 =	vshll.u32 v19, $0x8;
	v19 =	vshll.u32 v19, $0x7  }
0x45d: {  	v20 =	vand.u32 $0xFFFFF800, v20;
	v19 =	vand.u32 $0x380, v19  }
0x45e: {  	v19 =	vor.u32 v19, v20  }
0x45f: {  	v19 =	vor.u32 v13, v19;
	_ =	sdelay $0x4  }
0x460: {  	[tilespmem:v19+s22+$0x0] =	vst.idx.msk $0xffff, v1  }
0x461: {  	v19 =	vld.idx.msk [tilespmem:v15+s11+$0x41C0 ss:$0x1], $0xffff;
	_ =	sdelay $0x4  }
0x462: {  	vm12 =	vlt.s32 v19, $0x0  }
0x463: {  	v19 =	vsel vm12, $0x37, v19  }
0x464: {  	v20 =	vshll.u32 v19, $0x8;
	v19 =	vshll.u32 v19, $0x7  }
0x465: {  	v20 =	vand.u32 $0xFFFFF800, v20;
	v19 =	vand.u32 $0x380, v19  }
0x466: {  	v19 =	vor.u32 v19, v20  }
0x467: {  	v19 =	vor.u32 v14, v19;
	_ =	sdelay $0x4  }
0x468: {  	[tilespmem:v19+s22+$0x0] =	vst.idx.msk $0xffff, v1  }
0x469: {  	v19 =	vld.idx.msk [tilespmem:v15+s11+$0x41D0 ss:$0x1], $0xffff;
	_ =	sdelay $0x4  }
0x46a: {  	vm13 =	vlt.s32 v19, $0x0  }
0x46b: {  	v19 =	vsel vm13, $0x37, v19  }
0x46c: {  	v20 =	vshll.u32 v19, $0x8;
	v19 =	vshll.u32 v19, $0x7  }
0x46d: {  	v20 =	vand.u32 $0xFFFFF800, v20;
	v19 =	vand.u32 $0x380, v19  }
0x46e: {  	v19 =	vor.u32 v19, v20  }
0x46f: {  	v19 =	vor.u32 v16, v19;
	_ =	sdelay $0x4  }
0x470: {  	[tilespmem:v19+s22+$0x0] =	vst.idx.msk $0xffff, v1  }
0x471: {  	v19 =	vld.idx.msk [tilespmem:v15+s11+$0x41E0 ss:$0x1], $0xffff;
	_ =	sdelay $0x4  }
0x472: {  	vm14 =	vlt.s32 v19, $0x0  }
0x473: {  	v19 =	vsel vm14, $0x37, v19  }
0x474: {  	v20 =	vshll.u32 v19, $0x8;
	v19 =	vshll.u32 v19, $0x7  }
0x475: {  	v20 =	vand.u32 $0xFFFFF800, v20;
	v19 =	vand.u32 $0x380, v19  }
0x476: {  	v19 =	vor.u32 v19, v20  }
0x477: {  	v19 =	vor.u32 v17, v19;
	_ =	sdelay $0x4  }
0x478: {  	[tilespmem:v19+s22+$0x0] =	vst.idx.msk $0xffff, v1  }
0x479: {  	v19 =	vld.idx.msk [tilespmem:v15+s11+$0x41F0 ss:$0x1], $0xffff;
	_ =	sdelay $0x4  }
0x47a: {  	vm15 =	vlt.s32 v19, $0x0  }
0x47b: {  	v19 =	vsel vm15, $0x37, v19  }
0x47c: {  	v20 =	vshll.u32 v19, $0x8;
	v19 =	vshll.u32 v19, $0x7  }
0x47d: {  	v20 =	vand.u32 $0xFFFFF800, v20;
	v19 =	vand.u32 $0x380, v19  }
0x47e: {  	v19 =	vor.u32 v19, v20  }
0x47f: {  	v19 =	vor.u32 v18, v19;
	_ =	sdelay $0x4  }
0x480: {  	[tilespmem:v19+s22+$0x0] =	vst.idx.msk $0xffff, v1  }
.LBB2_16:
0x481: {  	s9 =	sadd.s32 $0x5, s1  }
0x482: {  	p0 =	sge.u32 s9, s3  }
.Ltmp11:
0x483: {  	_ = 	snop;
	(pc) =	sbr.rel @p0 .LBB2_18-.Ltmp11, $2  }
0x484: {  	_ =	sdelay $0x2  }
0x485: {  	s9 =	sadd.s32 s0, s14  }
0x486: {  	s10 =	sadd.s32 $0x500, s9  }
0x487: {  	s10 =	sand.u32 $0x7FFFFF80, s10  }
0x488: {  	s11 =	sor.u32 s8, s10  }
0x489: {  	v19 =	vld [tilespmem:s11+$0x1A000];
	_ =	sdelay $0x4  }
0x48a: {  	vm0 =	vlt.s32 v19, $0x0  }
0x48b: {  	v19 =	vsel vm0, $0x37, v19  }
0x48c: {  	v20 =	vshll.u32 v19, $0x8;
	v19 =	vshll.u32 v19, $0x7  }
0x48d: {  	v20 =	vand.u32 $0xFFFFF800, v20;
	v19 =	vand.u32 $0x380, v19  }
0x48e: {  	v19 =	vor.u32 v20, v19  }
0x48f: {  	v19 =	vor.u32 v0, v19;
	_ =	sdelay $0x4  }
0x490: {  	s10 =	sadd.s32 $0x1A000, s11;
	[tilespmem:v19+s22+$0x0] =	vst.idx.msk $0xffff, v10  }
0x491: {  	v19 =	vld [tilespmem:s10+$0x10];
	_ =	sdelay $0x4  }
0x492: {  	vm13 =	vlt.s32 v19, $0x0  }
0x493: {  	v19 =	vsel vm13, $0x37, v19  }
0x494: {  	v20 =	vshll.u32 v19, $0x8;
	v19 =	vshll.u32 v19, $0x7  }
0x495: {  	v20 =	vand.u32 $0xFFFFF800, v20;
	v19 =	vand.u32 $0x380, v19  }
0x496: {  	v19 =	vor.u32 v20, v19  }
0x497: {  	v19 =	vor.u32 v2, v19;
	_ =	sdelay $0x4  }
0x498: {  	s10 =	sshra.s32 s31, $0x2;
	[tilespmem:v19+s22+$0x0] =	vst.idx.msk $0xffff, v10  }
0x499: {  	v19 =	vld.idx.msk [tilespmem:v15+s10+$0x4520 ss:$0x1], $0xffff;
	_ =	sdelay $0x4  }
0x49a: {  	vm14 =	vlt.s32 v19, $0x0  }
0x49b: {  	v19 =	vsel vm14, $0x37, v19  }
0x49c: {  	v20 =	vshll.u32 v19, $0x8;
	v19 =	vshll.u32 v19, $0x7  }
0x49d: {  	v20 =	vand.u32 $0xFFFFF800, v20;
	v19 =	vand.u32 $0x380, v19  }
0x49e: {  	v19 =	vor.u32 v20, v19  }
0x49f: {  	v19 =	vor.u32 v3, v19;
	_ =	sdelay $0x4  }
0x4a0: {  	[tilespmem:v19+s22+$0x0] =	vst.idx.msk $0xffff, v10  }
0x4a1: {  	v19 =	vld.idx.msk [tilespmem:v15+s10+$0x4530 ss:$0x1], $0xffff;
	_ =	sdelay $0x4  }
0x4a2: {  	vm15 =	vlt.s32 v19, $0x0  }
0x4a3: {  	v19 =	vsel vm15, $0x37, v19  }
0x4a4: {  	v20 =	vshll.u32 v19, $0x8;
	v19 =	vshll.u32 v19, $0x7  }
0x4a5: {  	v20 =	vand.u32 $0xFFFFF800, v20;
	v19 =	vand.u32 $0x380, v19  }
0x4a6: {  	v19 =	vor.u32 v20, v19  }
0x4a7: {  	v19 =	vor.u32 v4, v19;
	_ =	sdelay $0x4  }
0x4a8: {  	[tilespmem:v19+s22+$0x0] =	vst.idx.msk $0xffff, v10  }
0x4a9: {  	v19 =	vld.idx.msk [tilespmem:v15+s10+$0x4540 ss:$0x1], $0xffff;
	_ =	sdelay $0x4  }
0x4aa: {  	vm4 =	vlt.s32 v19, $0x0  }
0x4ab: {  	v19 =	vsel vm4, $0x37, v19  }
0x4ac: {  	v20 =	vshll.u32 v19, $0x8;
	v19 =	vshll.u32 v19, $0x7  }
0x4ad: {  	v20 =	vand.u32 $0xFFFFF800, v20;
	v19 =	vand.u32 $0x380, v19  }
0x4ae: {  	v19 =	vor.u32 v20, v19  }
0x4af: {  	v19 =	vor.u32 v5, v19;
	_ =	sdelay $0x4  }
0x4b0: {  	[tilespmem:v19+s22+$0x0] =	vst.idx.msk $0xffff, v10  }
0x4b1: {  	v19 =	vld.idx.msk [tilespmem:v15+s10+$0x4550 ss:$0x1], $0xffff;
	_ =	sdelay $0x4  }
0x4b2: {  	vm5 =	vlt.s32 v19, $0x0  }
0x4b3: {  	v19 =	vsel vm5, $0x37, v19  }
0x4b4: {  	v20 =	vshll.u32 v19, $0x8;
	v19 =	vshll.u32 v19, $0x7  }
0x4b5: {  	v20 =	vand.u32 $0xFFFFF800, v20;
	v19 =	vand.u32 $0x380, v19  }
0x4b6: {  	v19 =	vor.u32 v20, v19  }
0x4b7: {  	v19 =	vor.u32 v6, v19;
	_ =	sdelay $0x4  }
0x4b8: {  	[tilespmem:v19+s22+$0x0] =	vst.idx.msk $0xffff, v10  }
0x4b9: {  	v19 =	vld.idx.msk [tilespmem:v15+s10+$0x4560 ss:$0x1], $0xffff;
	_ =	sdelay $0x4  }
0x4ba: {  	vm6 =	vlt.s32 v19, $0x0  }
0x4bb: {  	v19 =	vsel vm6, $0x37, v19  }
0x4bc: {  	v20 =	vshll.u32 v19, $0x8;
	v19 =	vshll.u32 v19, $0x7  }
0x4bd: {  	v20 =	vand.u32 $0xFFFFF800, v20;
	v19 =	vand.u32 $0x380, v19  }
0x4be: {  	v19 =	vor.u32 v20, v19  }
0x4bf: {  	v19 =	vor.u32 v7, v19;
	_ =	sdelay $0x4  }
0x4c0: {  	[tilespmem:v19+s22+$0x0] =	vst.idx.msk $0xffff, v10  }
0x4c1: {  	v19 =	vld.idx.msk [tilespmem:v15+s10+$0x4570 ss:$0x1], $0xffff;
	_ =	sdelay $0x4  }
0x4c2: {  	vm7 =	vlt.s32 v19, $0x0  }
0x4c3: {  	v19 =	vsel vm7, $0x37, v19  }
0x4c4: {  	v20 =	vshll.u32 v19, $0x8;
	v19 =	vshll.u32 v19, $0x7  }
0x4c5: {  	v20 =	vand.u32 $0xFFFFF800, v20;
	v19 =	vand.u32 $0x380, v19  }
0x4c6: {  	v19 =	vor.u32 v20, v19  }
0x4c7: {  	v19 =	vor.u32 v8, v19;
	_ =	sdelay $0x4  }
0x4c8: {  	[tilespmem:v19+s22+$0x0] =	vst.idx.msk $0xffff, v10  }
0x4c9: {  	v19 =	vld [tilespmem:s11+$0x1A080];
	_ =	sdelay $0x4  }
0x4ca: {  	vm8 =	vlt.s32 v19, $0x0  }
0x4cb: {  	v19 =	vsel vm8, $0x37, v19  }
0x4cc: {  	v20 =	vshll.u32 v19, $0x8;
	v19 =	vshll.u32 v19, $0x7  }
0x4cd: {  	v20 =	vand.u32 $0xFFFFF800, v20;
	v19 =	vand.u32 $0x380, v19  }
0x4ce: {  	v19 =	vor.u32 v19, v20  }
0x4cf: {  	v19 =	vor.u32 v9, v19;
	_ =	sdelay $0x4  }
0x4d0: {  	[tilespmem:v19+s22+$0x0] =	vst.idx.msk $0xffff, v10  }
0x4d1: {  	v19 =	vld.idx.msk [tilespmem:v15+s10+$0x4590 ss:$0x1], $0xffff;
	_ =	sdelay $0x4  }
0x4d2: {  	vm9 =	vlt.s32 v19, $0x0  }
0x4d3: {  	v19 =	vsel vm9, $0x37, v19  }
0x4d4: {  	v20 =	vshll.u32 v19, $0x8;
	v19 =	vshll.u32 v19, $0x7  }
0x4d5: {  	v20 =	vand.u32 $0xFFFFF800, v20;
	v19 =	vand.u32 $0x380, v19  }
0x4d6: {  	v19 =	vor.u32 v19, v20  }
0x4d7: {  	v19 =	vor.u32 v11, v19;
	_ =	sdelay $0x4  }
0x4d8: {  	[tilespmem:v19+s22+$0x0] =	vst.idx.msk $0xffff, v10  }
0x4d9: {  	v19 =	vld.idx.msk [tilespmem:v15+s10+$0x45A0 ss:$0x1], $0xffff;
	_ =	sdelay $0x4  }
0x4da: {  	vm10 =	vlt.s32 v19, $0x0  }
0x4db: {  	v19 =	vsel vm10, $0x37, v19  }
0x4dc: {  	v20 =	vshll.u32 v19, $0x8;
	v19 =	vshll.u32 v19, $0x7  }
0x4dd: {  	v20 =	vand.u32 $0xFFFFF800, v20;
	v19 =	vand.u32 $0x380, v19  }
0x4de: {  	v19 =	vor.u32 v19, v20  }
0x4df: {  	v19 =	vor.u32 v12, v19;
	_ =	sdelay $0x4  }
0x4e0: {  	[tilespmem:v19+s22+$0x0] =	vst.idx.msk $0xffff, v10  }
0x4e1: {  	v19 =	vld.idx.msk [tilespmem:v15+s10+$0x45B0 ss:$0x1], $0xffff;
	_ =	sdelay $0x4  }
0x4e2: {  	vm11 =	vlt.s32 v19, $0x0  }
0x4e3: {  	v19 =	vsel vm11, $0x37, v19  }
0x4e4: {  	v20 =	vshll.u32 v19, $0x8;
	v19 =	vshll.u32 v19, $0x7  }
0x4e5: {  	v20 =	vand.u32 $0xFFFFF800, v20;
	v19 =	vand.u32 $0x380, v19  }
0x4e6: {  	v19 =	vor.u32 v19, v20  }
0x4e7: {  	v19 =	vor.u32 v13, v19;
	_ =	sdelay $0x4  }
0x4e8: {  	[tilespmem:v19+s22+$0x0] =	vst.idx.msk $0xffff, v10  }
0x4e9: {  	v19 =	vld.idx.msk [tilespmem:v15+s10+$0x45C0 ss:$0x1], $0xffff;
	_ =	sdelay $0x4  }
0x4ea: {  	vm12 =	vlt.s32 v19, $0x0  }
0x4eb: {  	v19 =	vsel vm12, $0x37, v19  }
0x4ec: {  	v20 =	vshll.u32 v19, $0x8;
	v19 =	vshll.u32 v19, $0x7  }
0x4ed: {  	v20 =	vand.u32 $0xFFFFF800, v20;
	v19 =	vand.u32 $0x380, v19  }
0x4ee: {  	v19 =	vor.u32 v19, v20  }
0x4ef: {  	v19 =	vor.u32 v14, v19;
	_ =	sdelay $0x4  }
0x4f0: {  	[tilespmem:v19+s22+$0x0] =	vst.idx.msk $0xffff, v10  }
0x4f1: {  	v19 =	vld.idx.msk [tilespmem:v15+s10+$0x45D0 ss:$0x1], $0xffff;
	_ =	sdelay $0x4  }
0x4f2: {  	vm13 =	vlt.s32 v19, $0x0  }
0x4f3: {  	v19 =	vsel vm13, $0x37, v19  }
0x4f4: {  	v20 =	vshll.u32 v19, $0x8;
	v19 =	vshll.u32 v19, $0x7  }
0x4f5: {  	v20 =	vand.u32 $0xFFFFF800, v20;
	v19 =	vand.u32 $0x380, v19  }
0x4f6: {  	v19 =	vor.u32 v19, v20  }
0x4f7: {  	v19 =	vor.u32 v16, v19;
	_ =	sdelay $0x4  }
0x4f8: {  	[tilespmem:v19+s22+$0x0] =	vst.idx.msk $0xffff, v10  }
0x4f9: {  	v19 =	vld.idx.msk [tilespmem:v15+s10+$0x45E0 ss:$0x1], $0xffff;
	_ =	sdelay $0x4  }
0x4fa: {  	vm14 =	vlt.s32 v19, $0x0  }
0x4fb: {  	v19 =	vsel vm14, $0x37, v19  }
0x4fc: {  	v20 =	vshll.u32 v19, $0x8;
	v19 =	vshll.u32 v19, $0x7  }
0x4fd: {  	v20 =	vand.u32 $0xFFFFF800, v20;
	v19 =	vand.u32 $0x380, v19  }
0x4fe: {  	v19 =	vor.u32 v19, v20  }
0x4ff: {  	v19 =	vor.u32 v17, v19;
	_ =	sdelay $0x4  }
0x500: {  	[tilespmem:v19+s22+$0x0] =	vst.idx.msk $0xffff, v10  }
0x501: {  	v19 =	vld.idx.msk [tilespmem:v15+s10+$0x45F0 ss:$0x1], $0xffff;
	_ =	sdelay $0x4  }
0x502: {  	vm15 =	vlt.s32 v19, $0x0  }
0x503: {  	v19 =	vsel vm15, $0x37, v19  }
0x504: {  	v20 =	vshll.u32 v19, $0x8;
	v19 =	vshll.u32 v19, $0x7  }
0x505: {  	v20 =	vand.u32 $0xFFFFF800, v20;
	v19 =	vand.u32 $0x380, v19  }
0x506: {  	v19 =	vor.u32 v19, v20  }
0x507: {  	v19 =	vor.u32 v18, v19;
	_ =	sdelay $0x4  }
0x508: {  	s11 =	sadd.s32 s0, s16;
	[tilespmem:v19+s22+$0x0] =	vst.idx.msk $0xffff, v10  }
0x509: {  	[hbm4b:s11+s20] =	stream.strided.scatter [tilespmem:s22], [sflag:$0x3], $0x6800, s21, s20, $0x38;
	[tilespmem:$0x1E000] =	vst v63  }
.LBB2_18:
0x50a: {  	s10 =	sadd.s32 $0x2, s1  }
0x50b: {  	p0 =	sge.u32 s10, s3  }
.Ltmp12:
0x50c: {  	_ = 	snop;
	(pc) =	sbr.rel @p0 .LBB2_20-.Ltmp12, $1  }
0x50d: {  	_ =	sdelay $0x3  }
0x50e: {  	_ =	swait.ge [sflag:s28], $0x6800;
	s10 =	sadd.s32 $0x200, s6  }
0x50f: {  	[sflag:s28] =	ssyncset.done $0x0;
	s10 =	sand.u32 $0x7FFFFF80, s10  }
0x510: {  	[sflag:s28] =	ssyncadd.s32 $0xFFFF9800;
	s11 =	sor.u32 s8, s10  }
0x511: {  	v19 =	vld [tilespmem:s11+$0x1A000];
	_ =	sdelay $0x4  }
0x512: {  	vm0 =	vlt.s32 v19, $0x0  }
0x513: {  	v19 =	vsel vm0, $0x37, v19  }
0x514: {  	v20 =	vshll.u32 v19, $0x8;
	v19 =	vshll.u32 v19, $0x7  }
0x515: {  	v20 =	vand.u32 $0xFFFFF800, v20;
	v19 =	vand.u32 $0x380, v19  }
0x516: {  	v19 =	vor.u32 v20, v19  }
0x517: {  	v19 =	vor.u32 v0, v19;
	_ =	sdelay $0x4  }
0x518: {  	s10 =	sadd.s32 $0x1A000, s11;
	[tilespmem:v19+s23+$0x0] =	vst.idx.msk $0xffff, v1  }
0x519: {  	v19 =	vld [tilespmem:s10+$0x10];
	_ =	sdelay $0x4  }
0x51a: {  	vm13 =	vlt.s32 v19, $0x0  }
0x51b: {  	v19 =	vsel vm13, $0x37, v19  }
0x51c: {  	v20 =	vshll.u32 v19, $0x8;
	v19 =	vshll.u32 v19, $0x7  }
0x51d: {  	v20 =	vand.u32 $0xFFFFF800, v20;
	v19 =	vand.u32 $0x380, v19  }
0x51e: {  	v19 =	vor.u32 v20, v19  }
0x51f: {  	v19 =	vor.u32 v2, v19;
	_ =	sdelay $0x4  }
0x520: {  	s10 =	sshra.s32 s31, $0x2;
	[tilespmem:v19+s23+$0x0] =	vst.idx.msk $0xffff, v1  }
0x521: {  	v19 =	vld.idx.msk [tilespmem:v15+s10+$0x4220 ss:$0x1], $0xffff;
	_ =	sdelay $0x4  }
0x522: {  	vm14 =	vlt.s32 v19, $0x0  }
0x523: {  	v19 =	vsel vm14, $0x37, v19  }
0x524: {  	v20 =	vshll.u32 v19, $0x8;
	v19 =	vshll.u32 v19, $0x7  }
0x525: {  	v20 =	vand.u32 $0xFFFFF800, v20;
	v19 =	vand.u32 $0x380, v19  }
0x526: {  	v19 =	vor.u32 v20, v19  }
0x527: {  	v19 =	vor.u32 v3, v19;
	_ =	sdelay $0x4  }
0x528: {  	[tilespmem:v19+s23+$0x0] =	vst.idx.msk $0xffff, v1  }
0x529: {  	v19 =	vld.idx.msk [tilespmem:v15+s10+$0x4230 ss:$0x1], $0xffff;
	_ =	sdelay $0x4  }
0x52a: {  	vm15 =	vlt.s32 v19, $0x0  }
0x52b: {  	v19 =	vsel vm15, $0x37, v19  }
0x52c: {  	v20 =	vshll.u32 v19, $0x8;
	v19 =	vshll.u32 v19, $0x7  }
0x52d: {  	v20 =	vand.u32 $0xFFFFF800, v20;
	v19 =	vand.u32 $0x380, v19  }
0x52e: {  	v19 =	vor.u32 v20, v19  }
0x52f: {  	v19 =	vor.u32 v4, v19;
	_ =	sdelay $0x4  }
0x530: {  	[tilespmem:v19+s23+$0x0] =	vst.idx.msk $0xffff, v1  }
0x531: {  	v19 =	vld.idx.msk [tilespmem:v15+s10+$0x4240 ss:$0x1], $0xffff;
	_ =	sdelay $0x4  }
0x532: {  	vm4 =	vlt.s32 v19, $0x0  }
0x533: {  	v19 =	vsel vm4, $0x37, v19  }
0x534: {  	v20 =	vshll.u32 v19, $0x8;
	v19 =	vshll.u32 v19, $0x7  }
0x535: {  	v20 =	vand.u32 $0xFFFFF800, v20;
	v19 =	vand.u32 $0x380, v19  }
0x536: {  	v19 =	vor.u32 v20, v19  }
0x537: {  	v19 =	vor.u32 v5, v19;
	_ =	sdelay $0x4  }
0x538: {  	[tilespmem:v19+s23+$0x0] =	vst.idx.msk $0xffff, v1  }
0x539: {  	v19 =	vld.idx.msk [tilespmem:v15+s10+$0x4250 ss:$0x1], $0xffff;
	_ =	sdelay $0x4  }
0x53a: {  	vm5 =	vlt.s32 v19, $0x0  }
0x53b: {  	v19 =	vsel vm5, $0x37, v19  }
0x53c: {  	v20 =	vshll.u32 v19, $0x8;
	v19 =	vshll.u32 v19, $0x7  }
0x53d: {  	v20 =	vand.u32 $0xFFFFF800, v20;
	v19 =	vand.u32 $0x380, v19  }
0x53e: {  	v19 =	vor.u32 v20, v19  }
0x53f: {  	v19 =	vor.u32 v6, v19;
	_ =	sdelay $0x4  }
0x540: {  	[tilespmem:v19+s23+$0x0] =	vst.idx.msk $0xffff, v1  }
0x541: {  	v19 =	vld.idx.msk [tilespmem:v15+s10+$0x4260 ss:$0x1], $0xffff;
	_ =	sdelay $0x4  }
0x542: {  	vm6 =	vlt.s32 v19, $0x0  }
0x543: {  	v19 =	vsel vm6, $0x37, v19  }
0x544: {  	v20 =	vshll.u32 v19, $0x8;
	v19 =	vshll.u32 v19, $0x7  }
0x545: {  	v20 =	vand.u32 $0xFFFFF800, v20;
	v19 =	vand.u32 $0x380, v19  }
0x546: {  	v19 =	vor.u32 v20, v19  }
0x547: {  	v19 =	vor.u32 v7, v19;
	_ =	sdelay $0x4  }
0x548: {  	[tilespmem:v19+s23+$0x0] =	vst.idx.msk $0xffff, v1  }
0x549: {  	v19 =	vld.idx.msk [tilespmem:v15+s10+$0x4270 ss:$0x1], $0xffff;
	_ =	sdelay $0x4  }
0x54a: {  	vm7 =	vlt.s32 v19, $0x0  }
0x54b: {  	v19 =	vsel vm7, $0x37, v19  }
0x54c: {  	v20 =	vshll.u32 v19, $0x8;
	v19 =	vshll.u32 v19, $0x7  }
0x54d: {  	v20 =	vand.u32 $0xFFFFF800, v20;
	v19 =	vand.u32 $0x380, v19  }
0x54e: {  	v19 =	vor.u32 v20, v19  }
0x54f: {  	v19 =	vor.u32 v8, v19;
	_ =	sdelay $0x4  }
0x550: {  	[tilespmem:v19+s23+$0x0] =	vst.idx.msk $0xffff, v1  }
0x551: {  	v19 =	vld [tilespmem:s11+$0x1A080];
	_ =	sdelay $0x4  }
0x552: {  	vm8 =	vlt.s32 v19, $0x0  }
0x553: {  	v19 =	vsel vm8, $0x37, v19  }
0x554: {  	v20 =	vshll.u32 v19, $0x8;
	v19 =	vshll.u32 v19, $0x7  }
0x555: {  	v20 =	vand.u32 $0xFFFFF800, v20;
	v19 =	vand.u32 $0x380, v19  }
0x556: {  	v19 =	vor.u32 v19, v20  }
0x557: {  	v19 =	vor.u32 v9, v19;
	_ =	sdelay $0x4  }
0x558: {  	[tilespmem:v19+s23+$0x0] =	vst.idx.msk $0xffff, v1  }
0x559: {  	v19 =	vld.idx.msk [tilespmem:v15+s10+$0x4290 ss:$0x1], $0xffff;
	_ =	sdelay $0x4  }
0x55a: {  	vm9 =	vlt.s32 v19, $0x0  }
0x55b: {  	v19 =	vsel vm9, $0x37, v19  }
0x55c: {  	v20 =	vshll.u32 v19, $0x8;
	v19 =	vshll.u32 v19, $0x7  }
0x55d: {  	v20 =	vand.u32 $0xFFFFF800, v20;
	v19 =	vand.u32 $0x380, v19  }
0x55e: {  	v19 =	vor.u32 v19, v20  }
0x55f: {  	v19 =	vor.u32 v11, v19;
	_ =	sdelay $0x4  }
0x560: {  	[tilespmem:v19+s23+$0x0] =	vst.idx.msk $0xffff, v1  }
0x561: {  	v19 =	vld.idx.msk [tilespmem:v15+s10+$0x42A0 ss:$0x1], $0xffff;
	_ =	sdelay $0x4  }
0x562: {  	vm10 =	vlt.s32 v19, $0x0  }
0x563: {  	v19 =	vsel vm10, $0x37, v19  }
0x564: {  	v20 =	vshll.u32 v19, $0x8;
	v19 =	vshll.u32 v19, $0x7  }
0x565: {  	v20 =	vand.u32 $0xFFFFF800, v20;
	v19 =	vand.u32 $0x380, v19  }
0x566: {  	v19 =	vor.u32 v19, v20  }
0x567: {  	v19 =	vor.u32 v12, v19;
	_ =	sdelay $0x4  }
0x568: {  	[tilespmem:v19+s23+$0x0] =	vst.idx.msk $0xffff, v1  }
0x569: {  	v19 =	vld.idx.msk [tilespmem:v15+s10+$0x42B0 ss:$0x1], $0xffff;
	_ =	sdelay $0x4  }
0x56a: {  	vm11 =	vlt.s32 v19, $0x0  }
0x56b: {  	v19 =	vsel vm11, $0x37, v19  }
0x56c: {  	v20 =	vshll.u32 v19, $0x8;
	v19 =	vshll.u32 v19, $0x7  }
0x56d: {  	v20 =	vand.u32 $0xFFFFF800, v20;
	v19 =	vand.u32 $0x380, v19  }
0x56e: {  	v19 =	vor.u32 v19, v20  }
0x56f: {  	v19 =	vor.u32 v13, v19;
	_ =	sdelay $0x4  }
0x570: {  	[tilespmem:v19+s23+$0x0] =	vst.idx.msk $0xffff, v1  }
0x571: {  	v19 =	vld.idx.msk [tilespmem:v15+s10+$0x42C0 ss:$0x1], $0xffff;
	_ =	sdelay $0x4  }
0x572: {  	vm12 =	vlt.s32 v19, $0x0  }
0x573: {  	v19 =	vsel vm12, $0x37, v19  }
0x574: {  	v20 =	vshll.u32 v19, $0x8;
	v19 =	vshll.u32 v19, $0x7  }
0x575: {  	v20 =	vand.u32 $0xFFFFF800, v20;
	v19 =	vand.u32 $0x380, v19  }
0x576: {  	v19 =	vor.u32 v19, v20  }
0x577: {  	v19 =	vor.u32 v14, v19;
	_ =	sdelay $0x4  }
0x578: {  	[tilespmem:v19+s23+$0x0] =	vst.idx.msk $0xffff, v1  }
0x579: {  	v19 =	vld.idx.msk [tilespmem:v15+s10+$0x42D0 ss:$0x1], $0xffff;
	_ =	sdelay $0x4  }
0x57a: {  	vm13 =	vlt.s32 v19, $0x0  }
0x57b: {  	v19 =	vsel vm13, $0x37, v19  }
0x57c: {  	v20 =	vshll.u32 v19, $0x8;
	v19 =	vshll.u32 v19, $0x7  }
0x57d: {  	v20 =	vand.u32 $0xFFFFF800, v20;
	v19 =	vand.u32 $0x380, v19  }
0x57e: {  	v19 =	vor.u32 v19, v20  }
0x57f: {  	v19 =	vor.u32 v16, v19;
	_ =	sdelay $0x4  }
0x580: {  	[tilespmem:v19+s23+$0x0] =	vst.idx.msk $0xffff, v1  }
0x581: {  	v19 =	vld.idx.msk [tilespmem:v15+s10+$0x42E0 ss:$0x1], $0xffff;
	_ =	sdelay $0x4  }
0x582: {  	vm14 =	vlt.s32 v19, $0x0  }
0x583: {  	v19 =	vsel vm14, $0x37, v19  }
0x584: {  	v20 =	vshll.u32 v19, $0x8;
	v19 =	vshll.u32 v19, $0x7  }
0x585: {  	v20 =	vand.u32 $0xFFFFF800, v20;
	v19 =	vand.u32 $0x380, v19  }
0x586: {  	v19 =	vor.u32 v19, v20  }
0x587: {  	v19 =	vor.u32 v17, v19;
	_ =	sdelay $0x4  }
0x588: {  	[tilespmem:v19+s23+$0x0] =	vst.idx.msk $0xffff, v1  }
0x589: {  	v19 =	vld.idx.msk [tilespmem:v15+s10+$0x42F0 ss:$0x1], $0xffff;
	_ =	sdelay $0x4  }
0x58a: {  	vm15 =	vlt.s32 v19, $0x0  }
0x58b: {  	v19 =	vsel vm15, $0x37, v19  }
0x58c: {  	v20 =	vshll.u32 v19, $0x8;
	v19 =	vshll.u32 v19, $0x7  }
0x58d: {  	v20 =	vand.u32 $0xFFFFF800, v20;
	v19 =	vand.u32 $0x380, v19  }
0x58e: {  	v19 =	vor.u32 v19, v20  }
0x58f: {  	v19 =	vor.u32 v18, v19;
	_ =	sdelay $0x4  }
0x590: {  	[tilespmem:v19+s23+$0x0] =	vst.idx.msk $0xffff, v1  }
.LBB2_20:
0x591: {  	s10 =	sadd.s32 $0x6, s1  }
0x592: {  	p0 =	sge.u32 s10, s3  }
.Ltmp13:
0x593: {  	_ = 	snop;
	(pc) =	sbr.rel @p0 .LBB2_22-.Ltmp13, $1  }
0x594: {  	_ =	sdelay $0x3  }
0x595: {  	s10 =	sadd.s32 $0x600, s9  }
0x596: {  	s10 =	sand.u32 $0x7FFFFF80, s10  }
0x597: {  	s11 =	sor.u32 s8, s10  }
0x598: {  	v19 =	vld [tilespmem:s11+$0x1A000];
	_ =	sdelay $0x4  }
0x599: {  	vm0 =	vlt.s32 v19, $0x0  }
0x59a: {  	v19 =	vsel vm0, $0x37, v19  }
0x59b: {  	v20 =	vshll.u32 v19, $0x8;
	v19 =	vshll.u32 v19, $0x7  }
0x59c: {  	v20 =	vand.u32 $0xFFFFF800, v20;
	v19 =	vand.u32 $0x380, v19  }
0x59d: {  	v19 =	vor.u32 v20, v19  }
0x59e: {  	v19 =	vor.u32 v0, v19;
	_ =	sdelay $0x4  }
0x59f: {  	s10 =	sadd.s32 $0x1A000, s11;
	[tilespmem:v19+s23+$0x0] =	vst.idx.msk $0xffff, v10  }
0x5a0: {  	v19 =	vld [tilespmem:s10+$0x10];
	_ =	sdelay $0x4  }
0x5a1: {  	vm13 =	vlt.s32 v19, $0x0  }
0x5a2: {  	v19 =	vsel vm13, $0x37, v19  }
0x5a3: {  	v20 =	vshll.u32 v19, $0x8;
	v19 =	vshll.u32 v19, $0x7  }
0x5a4: {  	v20 =	vand.u32 $0xFFFFF800, v20;
	v19 =	vand.u32 $0x380, v19  }
0x5a5: {  	v19 =	vor.u32 v20, v19  }
0x5a6: {  	v19 =	vor.u32 v2, v19;
	_ =	sdelay $0x4  }
0x5a7: {  	s10 =	sshra.s32 s31, $0x2;
	[tilespmem:v19+s23+$0x0] =	vst.idx.msk $0xffff, v10  }
0x5a8: {  	v19 =	vld.idx.msk [tilespmem:v15+s10+$0x4620 ss:$0x1], $0xffff;
	_ =	sdelay $0x4  }
0x5a9: {  	vm14 =	vlt.s32 v19, $0x0  }
0x5aa: {  	v19 =	vsel vm14, $0x37, v19  }
0x5ab: {  	v20 =	vshll.u32 v19, $0x8;
	v19 =	vshll.u32 v19, $0x7  }
0x5ac: {  	v20 =	vand.u32 $0xFFFFF800, v20;
	v19 =	vand.u32 $0x380, v19  }
0x5ad: {  	v19 =	vor.u32 v20, v19  }
0x5ae: {  	v19 =	vor.u32 v3, v19;
	_ =	sdelay $0x4  }
0x5af: {  	[tilespmem:v19+s23+$0x0] =	vst.idx.msk $0xffff, v10  }
0x5b0: {  	v19 =	vld.idx.msk [tilespmem:v15+s10+$0x4630 ss:$0x1], $0xffff;
	_ =	sdelay $0x4  }
0x5b1: {  	vm15 =	vlt.s32 v19, $0x0  }
0x5b2: {  	v19 =	vsel vm15, $0x37, v19  }
0x5b3: {  	v20 =	vshll.u32 v19, $0x8;
	v19 =	vshll.u32 v19, $0x7  }
0x5b4: {  	v20 =	vand.u32 $0xFFFFF800, v20;
	v19 =	vand.u32 $0x380, v19  }
0x5b5: {  	v19 =	vor.u32 v20, v19  }
0x5b6: {  	v19 =	vor.u32 v4, v19;
	_ =	sdelay $0x4  }
0x5b7: {  	[tilespmem:v19+s23+$0x0] =	vst.idx.msk $0xffff, v10  }
0x5b8: {  	v19 =	vld.idx.msk [tilespmem:v15+s10+$0x4640 ss:$0x1], $0xffff;
	_ =	sdelay $0x4  }
0x5b9: {  	vm4 =	vlt.s32 v19, $0x0  }
0x5ba: {  	v19 =	vsel vm4, $0x37, v19  }
0x5bb: {  	v20 =	vshll.u32 v19, $0x8;
	v19 =	vshll.u32 v19, $0x7  }
0x5bc: {  	v20 =	vand.u32 $0xFFFFF800, v20;
	v19 =	vand.u32 $0x380, v19  }
0x5bd: {  	v19 =	vor.u32 v20, v19  }
0x5be: {  	v19 =	vor.u32 v5, v19;
	_ =	sdelay $0x4  }
0x5bf: {  	[tilespmem:v19+s23+$0x0] =	vst.idx.msk $0xffff, v10  }
0x5c0: {  	v19 =	vld.idx.msk [tilespmem:v15+s10+$0x4650 ss:$0x1], $0xffff;
	_ =	sdelay $0x4  }
0x5c1: {  	vm5 =	vlt.s32 v19, $0x0  }
0x5c2: {  	v19 =	vsel vm5, $0x37, v19  }
0x5c3: {  	v20 =	vshll.u32 v19, $0x8;
	v19 =	vshll.u32 v19, $0x7  }
0x5c4: {  	v20 =	vand.u32 $0xFFFFF800, v20;
	v19 =	vand.u32 $0x380, v19  }
0x5c5: {  	v19 =	vor.u32 v20, v19  }
0x5c6: {  	v19 =	vor.u32 v6, v19;
	_ =	sdelay $0x4  }
0x5c7: {  	[tilespmem:v19+s23+$0x0] =	vst.idx.msk $0xffff, v10  }
0x5c8: {  	v19 =	vld.idx.msk [tilespmem:v15+s10+$0x4660 ss:$0x1], $0xffff;
	_ =	sdelay $0x4  }
0x5c9: {  	vm6 =	vlt.s32 v19, $0x0  }
0x5ca: {  	v19 =	vsel vm6, $0x37, v19  }
0x5cb: {  	v20 =	vshll.u32 v19, $0x8;
	v19 =	vshll.u32 v19, $0x7  }
0x5cc: {  	v20 =	vand.u32 $0xFFFFF800, v20;
	v19 =	vand.u32 $0x380, v19  }
0x5cd: {  	v19 =	vor.u32 v20, v19  }
0x5ce: {  	v19 =	vor.u32 v7, v19;
	_ =	sdelay $0x4  }
0x5cf: {  	[tilespmem:v19+s23+$0x0] =	vst.idx.msk $0xffff, v10  }
0x5d0: {  	v19 =	vld.idx.msk [tilespmem:v15+s10+$0x4670 ss:$0x1], $0xffff;
	_ =	sdelay $0x4  }
0x5d1: {  	vm7 =	vlt.s32 v19, $0x0  }
0x5d2: {  	v19 =	vsel vm7, $0x37, v19  }
0x5d3: {  	v20 =	vshll.u32 v19, $0x8;
	v19 =	vshll.u32 v19, $0x7  }
0x5d4: {  	v20 =	vand.u32 $0xFFFFF800, v20;
	v19 =	vand.u32 $0x380, v19  }
0x5d5: {  	v19 =	vor.u32 v20, v19  }
0x5d6: {  	v19 =	vor.u32 v8, v19;
	_ =	sdelay $0x4  }
0x5d7: {  	[tilespmem:v19+s23+$0x0] =	vst.idx.msk $0xffff, v10  }
0x5d8: {  	v19 =	vld [tilespmem:s11+$0x1A080];
	_ =	sdelay $0x4  }
0x5d9: {  	vm8 =	vlt.s32 v19, $0x0  }
0x5da: {  	v19 =	vsel vm8, $0x37, v19  }
0x5db: {  	v20 =	vshll.u32 v19, $0x8;
	v19 =	vshll.u32 v19, $0x7  }
0x5dc: {  	v20 =	vand.u32 $0xFFFFF800, v20;
	v19 =	vand.u32 $0x380, v19  }
0x5dd: {  	v19 =	vor.u32 v19, v20  }
0x5de: {  	v19 =	vor.u32 v9, v19;
	_ =	sdelay $0x4  }
0x5df: {  	[tilespmem:v19+s23+$0x0] =	vst.idx.msk $0xffff, v10  }
0x5e0: {  	v19 =	vld.idx.msk [tilespmem:v15+s10+$0x4690 ss:$0x1], $0xffff;
	_ =	sdelay $0x4  }
0x5e1: {  	vm9 =	vlt.s32 v19, $0x0  }
0x5e2: {  	v19 =	vsel vm9, $0x37, v19  }
0x5e3: {  	v20 =	vshll.u32 v19, $0x8;
	v19 =	vshll.u32 v19, $0x7  }
0x5e4: {  	v20 =	vand.u32 $0xFFFFF800, v20;
	v19 =	vand.u32 $0x380, v19  }
0x5e5: {  	v19 =	vor.u32 v19, v20  }
0x5e6: {  	v19 =	vor.u32 v11, v19;
	_ =	sdelay $0x4  }
0x5e7: {  	[tilespmem:v19+s23+$0x0] =	vst.idx.msk $0xffff, v10  }
0x5e8: {  	v19 =	vld.idx.msk [tilespmem:v15+s10+$0x46A0 ss:$0x1], $0xffff;
	_ =	sdelay $0x4  }
0x5e9: {  	vm10 =	vlt.s32 v19, $0x0  }
0x5ea: {  	v19 =	vsel vm10, $0x37, v19  }
0x5eb: {  	v20 =	vshll.u32 v19, $0x8;
	v19 =	vshll.u32 v19, $0x7  }
0x5ec: {  	v20 =	vand.u32 $0xFFFFF800, v20;
	v19 =	vand.u32 $0x380, v19  }
0x5ed: {  	v19 =	vor.u32 v19, v20  }
0x5ee: {  	v19 =	vor.u32 v12, v19;
	_ =	sdelay $0x4  }
0x5ef: {  	[tilespmem:v19+s23+$0x0] =	vst.idx.msk $0xffff, v10  }
0x5f0: {  	v19 =	vld.idx.msk [tilespmem:v15+s10+$0x46B0 ss:$0x1], $0xffff;
	_ =	sdelay $0x4  }
0x5f1: {  	vm11 =	vlt.s32 v19, $0x0  }
0x5f2: {  	v19 =	vsel vm11, $0x37, v19  }
0x5f3: {  	v20 =	vshll.u32 v19, $0x8;
	v19 =	vshll.u32 v19, $0x7  }
0x5f4: {  	v20 =	vand.u32 $0xFFFFF800, v20;
	v19 =	vand.u32 $0x380, v19  }
0x5f5: {  	v19 =	vor.u32 v19, v20  }
0x5f6: {  	v19 =	vor.u32 v13, v19;
	_ =	sdelay $0x4  }
0x5f7: {  	[tilespmem:v19+s23+$0x0] =	vst.idx.msk $0xffff, v10  }
0x5f8: {  	v19 =	vld.idx.msk [tilespmem:v15+s10+$0x46C0 ss:$0x1], $0xffff;
	_ =	sdelay $0x4  }
0x5f9: {  	vm12 =	vlt.s32 v19, $0x0  }
0x5fa: {  	v19 =	vsel vm12, $0x37, v19  }
0x5fb: {  	v20 =	vshll.u32 v19, $0x8;
	v19 =	vshll.u32 v19, $0x7  }
0x5fc: {  	v20 =	vand.u32 $0xFFFFF800, v20;
	v19 =	vand.u32 $0x380, v19  }
0x5fd: {  	v19 =	vor.u32 v19, v20  }
0x5fe: {  	v19 =	vor.u32 v14, v19;
	_ =	sdelay $0x4  }
0x5ff: {  	[tilespmem:v19+s23+$0x0] =	vst.idx.msk $0xffff, v10  }
0x600: {  	v19 =	vld.idx.msk [tilespmem:v15+s10+$0x46D0 ss:$0x1], $0xffff;
	_ =	sdelay $0x4  }
0x601: {  	vm13 =	vlt.s32 v19, $0x0  }
0x602: {  	v19 =	vsel vm13, $0x37, v19  }
0x603: {  	v20 =	vshll.u32 v19, $0x8;
	v19 =	vshll.u32 v19, $0x7  }
0x604: {  	v20 =	vand.u32 $0xFFFFF800, v20;
	v19 =	vand.u32 $0x380, v19  }
0x605: {  	v19 =	vor.u32 v19, v20  }
0x606: {  	v19 =	vor.u32 v16, v19;
	_ =	sdelay $0x4  }
0x607: {  	[tilespmem:v19+s23+$0x0] =	vst.idx.msk $0xffff, v10  }
0x608: {  	v19 =	vld.idx.msk [tilespmem:v15+s10+$0x46E0 ss:$0x1], $0xffff;
	_ =	sdelay $0x4  }
0x609: {  	vm14 =	vlt.s32 v19, $0x0  }
0x60a: {  	v19 =	vsel vm14, $0x37, v19  }
0x60b: {  	v20 =	vshll.u32 v19, $0x8;
	v19 =	vshll.u32 v19, $0x7  }
0x60c: {  	v20 =	vand.u32 $0xFFFFF800, v20;
	v19 =	vand.u32 $0x380, v19  }
0x60d: {  	v19 =	vor.u32 v19, v20  }
0x60e: {  	v19 =	vor.u32 v17, v19;
	_ =	sdelay $0x4  }
0x60f: {  	[tilespmem:v19+s23+$0x0] =	vst.idx.msk $0xffff, v10  }
0x610: {  	v19 =	vld.idx.msk [tilespmem:v15+s10+$0x46F0 ss:$0x1], $0xffff;
	_ =	sdelay $0x4  }
0x611: {  	vm15 =	vlt.s32 v19, $0x0  }
0x612: {  	v19 =	vsel vm15, $0x37, v19  }
0x613: {  	v20 =	vshll.u32 v19, $0x8;
	v19 =	vshll.u32 v19, $0x7  }
0x614: {  	v20 =	vand.u32 $0xFFFFF800, v20;
	v19 =	vand.u32 $0x380, v19  }
0x615: {  	v19 =	vor.u32 v19, v20  }
0x616: {  	v19 =	vor.u32 v18, v19;
	_ =	sdelay $0x4  }
0x617: {  	s11 =	sadd.s32 s0, s15;
	[tilespmem:v19+s23+$0x0] =	vst.idx.msk $0xffff, v10  }
0x618: {  	[hbm4b:s11+s20] =	stream.strided.scatter [tilespmem:s23], [sflag:$0x4], $0x6800, s21, s20, $0x38;
	[tilespmem:$0x1E000] =	vst v63  }
.LBB2_22:
0x619: {  	s10 =	sadd.s32 $0x3, s1  }
0x61a: {  	p0 =	sge.u32 s10, s3  }
.Ltmp14:
0x61b: {  	_ = 	snop;
	(pc) =	sbr.rel @p0 .LBB2_24-.Ltmp14, $1  }
0x61c: {  	_ =	sdelay $0x3  }
0x61d: {  	_ =	swait.ge [sflag:s29], $0x6800;
	s6 =	sadd.s32 $0x300, s6  }
0x61e: {  	[sflag:s29] =	ssyncset.done $0x0;
	s6 =	sand.u32 $0x7FFFFF80, s6  }
0x61f: {  	[sflag:s29] =	ssyncadd.s32 $0xFFFF9800;
	s10 =	sor.u32 s8, s6  }
0x620: {  	v19 =	vld [tilespmem:s10+$0x1A000];
	_ =	sdelay $0x4  }
0x621: {  	vm0 =	vlt.s32 v19, $0x0  }
0x622: {  	v19 =	vsel vm0, $0x37, v19  }
0x623: {  	v20 =	vshll.u32 v19, $0x8;
	v19 =	vshll.u32 v19, $0x7  }
0x624: {  	v20 =	vand.u32 $0xFFFFF800, v20;
	v19 =	vand.u32 $0x380, v19  }
0x625: {  	v19 =	vor.u32 v20, v19  }
0x626: {  	v19 =	vor.u32 v0, v19;
	_ =	sdelay $0x4  }
0x627: {  	s6 =	sadd.s32 $0x1A000, s10;
	[tilespmem:v19+s24+$0x0] =	vst.idx.msk $0xffff, v1  }
0x628: {  	v19 =	vld [tilespmem:s6+$0x10];
	_ =	sdelay $0x4  }
0x629: {  	vm13 =	vlt.s32 v19, $0x0  }
0x62a: {  	v19 =	vsel vm13, $0x37, v19  }
0x62b: {  	v20 =	vshll.u32 v19, $0x8;
	v19 =	vshll.u32 v19, $0x7  }
0x62c: {  	v20 =	vand.u32 $0xFFFFF800, v20;
	v19 =	vand.u32 $0x380, v19  }
0x62d: {  	v19 =	vor.u32 v20, v19  }
0x62e: {  	v19 =	vor.u32 v2, v19;
	_ =	sdelay $0x4  }
0x62f: {  	s11 =	sshra.s32 s31, $0x2;
	[tilespmem:v19+s24+$0x0] =	vst.idx.msk $0xffff, v1  }
0x630: {  	v19 =	vld.idx.msk [tilespmem:v15+s11+$0x4320 ss:$0x1], $0xffff;
	_ =	sdelay $0x4  }
0x631: {  	vm14 =	vlt.s32 v19, $0x0  }
0x632: {  	v19 =	vsel vm14, $0x37, v19  }
0x633: {  	v20 =	vshll.u32 v19, $0x8;
	v19 =	vshll.u32 v19, $0x7  }
0x634: {  	v20 =	vand.u32 $0xFFFFF800, v20;
	v19 =	vand.u32 $0x380, v19  }
0x635: {  	v19 =	vor.u32 v20, v19  }
0x636: {  	v19 =	vor.u32 v3, v19;
	_ =	sdelay $0x4  }
0x637: {  	[tilespmem:v19+s24+$0x0] =	vst.idx.msk $0xffff, v1  }
0x638: {  	v19 =	vld.idx.msk [tilespmem:v15+s11+$0x4330 ss:$0x1], $0xffff;
	_ =	sdelay $0x4  }
0x639: {  	vm15 =	vlt.s32 v19, $0x0  }
0x63a: {  	v19 =	vsel vm15, $0x37, v19  }
0x63b: {  	v20 =	vshll.u32 v19, $0x8;
	v19 =	vshll.u32 v19, $0x7  }
0x63c: {  	v20 =	vand.u32 $0xFFFFF800, v20;
	v19 =	vand.u32 $0x380, v19  }
0x63d: {  	v19 =	vor.u32 v20, v19  }
0x63e: {  	v19 =	vor.u32 v4, v19;
	_ =	sdelay $0x4  }
0x63f: {  	[tilespmem:v19+s24+$0x0] =	vst.idx.msk $0xffff, v1  }
0x640: {  	v19 =	vld.idx.msk [tilespmem:v15+s11+$0x4340 ss:$0x1], $0xffff;
	_ =	sdelay $0x4  }
0x641: {  	vm4 =	vlt.s32 v19, $0x0  }
0x642: {  	v19 =	vsel vm4, $0x37, v19  }
0x643: {  	v20 =	vshll.u32 v19, $0x8;
	v19 =	vshll.u32 v19, $0x7  }
0x644: {  	v20 =	vand.u32 $0xFFFFF800, v20;
	v19 =	vand.u32 $0x380, v19  }
0x645: {  	v19 =	vor.u32 v20, v19  }
0x646: {  	v19 =	vor.u32 v5, v19;
	_ =	sdelay $0x4  }
0x647: {  	[tilespmem:v19+s24+$0x0] =	vst.idx.msk $0xffff, v1  }
0x648: {  	v19 =	vld.idx.msk [tilespmem:v15+s11+$0x4350 ss:$0x1], $0xffff;
	_ =	sdelay $0x4  }
0x649: {  	vm5 =	vlt.s32 v19, $0x0  }
0x64a: {  	v19 =	vsel vm5, $0x37, v19  }
0x64b: {  	v20 =	vshll.u32 v19, $0x8;
	v19 =	vshll.u32 v19, $0x7  }
0x64c: {  	v20 =	vand.u32 $0xFFFFF800, v20;
	v19 =	vand.u32 $0x380, v19  }
0x64d: {  	v19 =	vor.u32 v20, v19  }
0x64e: {  	v19 =	vor.u32 v6, v19;
	_ =	sdelay $0x4  }
0x64f: {  	[tilespmem:v19+s24+$0x0] =	vst.idx.msk $0xffff, v1  }
0x650: {  	v19 =	vld.idx.msk [tilespmem:v15+s11+$0x4360 ss:$0x1], $0xffff;
	_ =	sdelay $0x4  }
0x651: {  	vm6 =	vlt.s32 v19, $0x0  }
0x652: {  	v19 =	vsel vm6, $0x37, v19  }
0x653: {  	v20 =	vshll.u32 v19, $0x8;
	v19 =	vshll.u32 v19, $0x7  }
0x654: {  	v20 =	vand.u32 $0xFFFFF800, v20;
	v19 =	vand.u32 $0x380, v19  }
0x655: {  	v19 =	vor.u32 v20, v19  }
0x656: {  	v19 =	vor.u32 v7, v19;
	_ =	sdelay $0x4  }
0x657: {  	[tilespmem:v19+s24+$0x0] =	vst.idx.msk $0xffff, v1  }
0x658: {  	v19 =	vld.idx.msk [tilespmem:v15+s11+$0x4370 ss:$0x1], $0xffff;
	_ =	sdelay $0x4  }
0x659: {  	vm7 =	vlt.s32 v19, $0x0  }
0x65a: {  	v19 =	vsel vm7, $0x37, v19  }
0x65b: {  	v20 =	vshll.u32 v19, $0x8;
	v19 =	vshll.u32 v19, $0x7  }
0x65c: {  	v20 =	vand.u32 $0xFFFFF800, v20;
	v19 =	vand.u32 $0x380, v19  }
0x65d: {  	v19 =	vor.u32 v20, v19  }
0x65e: {  	v19 =	vor.u32 v8, v19;
	_ =	sdelay $0x4  }
0x65f: {  	[tilespmem:v19+s24+$0x0] =	vst.idx.msk $0xffff, v1  }
0x660: {  	v19 =	vld [tilespmem:s10+$0x1A080];
	_ =	sdelay $0x4  }
0x661: {  	vm8 =	vlt.s32 v19, $0x0  }
0x662: {  	v19 =	vsel vm8, $0x37, v19  }
0x663: {  	v20 =	vshll.u32 v19, $0x8;
	v19 =	vshll.u32 v19, $0x7  }
0x664: {  	v20 =	vand.u32 $0xFFFFF800, v20;
	v19 =	vand.u32 $0x380, v19  }
0x665: {  	v19 =	vor.u32 v19, v20  }
0x666: {  	v19 =	vor.u32 v9, v19;
	_ =	sdelay $0x4  }
0x667: {  	[tilespmem:v19+s24+$0x0] =	vst.idx.msk $0xffff, v1  }
0x668: {  	v19 =	vld.idx.msk [tilespmem:v15+s11+$0x4390 ss:$0x1], $0xffff;
	_ =	sdelay $0x4  }
0x669: {  	vm9 =	vlt.s32 v19, $0x0  }
0x66a: {  	v19 =	vsel vm9, $0x37, v19  }
0x66b: {  	v20 =	vshll.u32 v19, $0x8;
	v19 =	vshll.u32 v19, $0x7  }
0x66c: {  	v20 =	vand.u32 $0xFFFFF800, v20;
	v19 =	vand.u32 $0x380, v19  }
0x66d: {  	v19 =	vor.u32 v19, v20  }
0x66e: {  	v19 =	vor.u32 v11, v19;
	_ =	sdelay $0x4  }
0x66f: {  	[tilespmem:v19+s24+$0x0] =	vst.idx.msk $0xffff, v1  }
0x670: {  	v19 =	vld.idx.msk [tilespmem:v15+s11+$0x43A0 ss:$0x1], $0xffff;
	_ =	sdelay $0x4  }
0x671: {  	vm10 =	vlt.s32 v19, $0x0  }
0x672: {  	v19 =	vsel vm10, $0x37, v19  }
0x673: {  	v20 =	vshll.u32 v19, $0x8;
	v19 =	vshll.u32 v19, $0x7  }
0x674: {  	v20 =	vand.u32 $0xFFFFF800, v20;
	v19 =	vand.u32 $0x380, v19  }
0x675: {  	v19 =	vor.u32 v19, v20  }
0x676: {  	v19 =	vor.u32 v12, v19;
	_ =	sdelay $0x4  }
0x677: {  	[tilespmem:v19+s24+$0x0] =	vst.idx.msk $0xffff, v1  }
0x678: {  	v19 =	vld.idx.msk [tilespmem:v15+s11+$0x43B0 ss:$0x1], $0xffff;
	_ =	sdelay $0x4  }
0x679: {  	vm11 =	vlt.s32 v19, $0x0  }
0x67a: {  	v19 =	vsel vm11, $0x37, v19  }
0x67b: {  	v20 =	vshll.u32 v19, $0x8;
	v19 =	vshll.u32 v19, $0x7  }
0x67c: {  	v20 =	vand.u32 $0xFFFFF800, v20;
	v19 =	vand.u32 $0x380, v19  }
0x67d: {  	v19 =	vor.u32 v19, v20  }
0x67e: {  	v19 =	vor.u32 v13, v19;
	_ =	sdelay $0x4  }
0x67f: {  	[tilespmem:v19+s24+$0x0] =	vst.idx.msk $0xffff, v1  }
0x680: {  	v19 =	vld.idx.msk [tilespmem:v15+s11+$0x43C0 ss:$0x1], $0xffff;
	_ =	sdelay $0x4  }
0x681: {  	vm12 =	vlt.s32 v19, $0x0  }
0x682: {  	v19 =	vsel vm12, $0x37, v19  }
0x683: {  	v20 =	vshll.u32 v19, $0x8;
	v19 =	vshll.u32 v19, $0x7  }
0x684: {  	v20 =	vand.u32 $0xFFFFF800, v20;
	v19 =	vand.u32 $0x380, v19  }
0x685: {  	v19 =	vor.u32 v19, v20  }
0x686: {  	v19 =	vor.u32 v14, v19;
	_ =	sdelay $0x4  }
0x687: {  	[tilespmem:v19+s24+$0x0] =	vst.idx.msk $0xffff, v1  }
0x688: {  	v19 =	vld.idx.msk [tilespmem:v15+s11+$0x43D0 ss:$0x1], $0xffff;
	_ =	sdelay $0x4  }
0x689: {  	vm13 =	vlt.s32 v19, $0x0  }
0x68a: {  	v19 =	vsel vm13, $0x37, v19  }
0x68b: {  	v20 =	vshll.u32 v19, $0x8;
	v19 =	vshll.u32 v19, $0x7  }
0x68c: {  	v20 =	vand.u32 $0xFFFFF800, v20;
	v19 =	vand.u32 $0x380, v19  }
0x68d: {  	v19 =	vor.u32 v19, v20  }
0x68e: {  	v19 =	vor.u32 v16, v19;
	_ =	sdelay $0x4  }
0x68f: {  	[tilespmem:v19+s24+$0x0] =	vst.idx.msk $0xffff, v1  }
0x690: {  	v19 =	vld.idx.msk [tilespmem:v15+s11+$0x43E0 ss:$0x1], $0xffff;
	_ =	sdelay $0x4  }
0x691: {  	vm14 =	vlt.s32 v19, $0x0  }
0x692: {  	v19 =	vsel vm14, $0x37, v19  }
0x693: {  	v20 =	vshll.u32 v19, $0x8;
	v19 =	vshll.u32 v19, $0x7  }
0x694: {  	v20 =	vand.u32 $0xFFFFF800, v20;
	v19 =	vand.u32 $0x380, v19  }
0x695: {  	v19 =	vor.u32 v19, v20  }
0x696: {  	v19 =	vor.u32 v17, v19;
	_ =	sdelay $0x4  }
0x697: {  	[tilespmem:v19+s24+$0x0] =	vst.idx.msk $0xffff, v1  }
0x698: {  	v19 =	vld.idx.msk [tilespmem:v15+s11+$0x43F0 ss:$0x1], $0xffff;
	_ =	sdelay $0x4  }
0x699: {  	vm15 =	vlt.s32 v19, $0x0  }
0x69a: {  	v19 =	vsel vm15, $0x37, v19  }
0x69b: {  	v20 =	vshll.u32 v19, $0x8;
	v19 =	vshll.u32 v19, $0x7  }
0x69c: {  	v20 =	vand.u32 $0xFFFFF800, v20;
	v19 =	vand.u32 $0x380, v19  }
0x69d: {  	v19 =	vor.u32 v19, v20  }
0x69e: {  	v19 =	vor.u32 v18, v19;
	_ =	sdelay $0x4  }
0x69f: {  	[tilespmem:v19+s24+$0x0] =	vst.idx.msk $0xffff, v1  }
.LBB2_24:
0x6a0: {  	s1 =	sadd.s32 $0x7, s1  }
0x6a1: {  	p0 =	sge.u32 s1, s3  }
.Ltmp15:
0x6a2: {  	_ = 	snop;
	(pc) =	sbr.rel @p0 .LBB2_26-.Ltmp15, $1  }
0x6a3: {  	_ =	sdelay $0x3  }
0x6a4: {  	s1 =	sadd.s32 $0x700, s9  }
0x6a5: {  	s1 =	sand.u32 $0x7FFFFF80, s1  }
0x6a6: {  	s6 =	sor.u32 s8, s1  }
0x6a7: {  	v19 =	vld [tilespmem:s6+$0x1A000];
	_ =	sdelay $0x4  }
0x6a8: {  	vm0 =	vlt.s32 v19, $0x0  }
0x6a9: {  	v19 =	vsel vm0, $0x37, v19  }
0x6aa: {  	v20 =	vshll.u32 v19, $0x8;
	v19 =	vshll.u32 v19, $0x7  }
0x6ab: {  	v20 =	vand.u32 $0xFFFFF800, v20;
	v19 =	vand.u32 $0x380, v19  }
0x6ac: {  	v19 =	vor.u32 v20, v19  }
0x6ad: {  	v19 =	vor.u32 v0, v19;
	_ =	sdelay $0x4  }
0x6ae: {  	s1 =	sadd.s32 $0x1A000, s6;
	[tilespmem:v19+s24+$0x0] =	vst.idx.msk $0xffff, v10  }
0x6af: {  	v19 =	vld [tilespmem:s1+$0x10];
	_ =	sdelay $0x4  }
0x6b0: {  	vm13 =	vlt.s32 v19, $0x0  }
0x6b1: {  	v19 =	vsel vm13, $0x37, v19  }
0x6b2: {  	v20 =	vshll.u32 v19, $0x8;
	v19 =	vshll.u32 v19, $0x7  }
0x6b3: {  	v20 =	vand.u32 $0xFFFFF800, v20;
	v19 =	vand.u32 $0x380, v19  }
0x6b4: {  	v19 =	vor.u32 v20, v19  }
0x6b5: {  	v19 =	vor.u32 v2, v19;
	_ =	sdelay $0x4  }
0x6b6: {  	s10 =	sshra.s32 s31, $0x2;
	[tilespmem:v19+s24+$0x0] =	vst.idx.msk $0xffff, v10  }
0x6b7: {  	v19 =	vld.idx.msk [tilespmem:v15+s10+$0x4720 ss:$0x1], $0xffff;
	_ =	sdelay $0x4  }
0x6b8: {  	vm14 =	vlt.s32 v19, $0x0  }
0x6b9: {  	v19 =	vsel vm14, $0x37, v19  }
0x6ba: {  	v20 =	vshll.u32 v19, $0x8;
	v19 =	vshll.u32 v19, $0x7  }
0x6bb: {  	v20 =	vand.u32 $0xFFFFF800, v20;
	v19 =	vand.u32 $0x380, v19  }
0x6bc: {  	v19 =	vor.u32 v20, v19  }
0x6bd: {  	v19 =	vor.u32 v3, v19;
	_ =	sdelay $0x4  }
0x6be: {  	[tilespmem:v19+s24+$0x0] =	vst.idx.msk $0xffff, v10  }
0x6bf: {  	v19 =	vld.idx.msk [tilespmem:v15+s10+$0x4730 ss:$0x1], $0xffff;
	_ =	sdelay $0x4  }
0x6c0: {  	vm15 =	vlt.s32 v19, $0x0  }
0x6c1: {  	v19 =	vsel vm15, $0x37, v19  }
0x6c2: {  	v20 =	vshll.u32 v19, $0x8;
	v19 =	vshll.u32 v19, $0x7  }
0x6c3: {  	v20 =	vand.u32 $0xFFFFF800, v20;
	v19 =	vand.u32 $0x380, v19  }
0x6c4: {  	v19 =	vor.u32 v20, v19  }
0x6c5: {  	v19 =	vor.u32 v4, v19;
	_ =	sdelay $0x4  }
0x6c6: {  	[tilespmem:v19+s24+$0x0] =	vst.idx.msk $0xffff, v10  }
0x6c7: {  	v19 =	vld.idx.msk [tilespmem:v15+s10+$0x4740 ss:$0x1], $0xffff;
	_ =	sdelay $0x4  }
0x6c8: {  	vm4 =	vlt.s32 v19, $0x0  }
0x6c9: {  	v19 =	vsel vm4, $0x37, v19  }
0x6ca: {  	v20 =	vshll.u32 v19, $0x8;
	v19 =	vshll.u32 v19, $0x7  }
0x6cb: {  	v20 =	vand.u32 $0xFFFFF800, v20;
	v19 =	vand.u32 $0x380, v19  }
0x6cc: {  	v19 =	vor.u32 v20, v19  }
0x6cd: {  	v19 =	vor.u32 v5, v19;
	_ =	sdelay $0x4  }
0x6ce: {  	[tilespmem:v19+s24+$0x0] =	vst.idx.msk $0xffff, v10  }
0x6cf: {  	v19 =	vld.idx.msk [tilespmem:v15+s10+$0x4750 ss:$0x1], $0xffff;
	_ =	sdelay $0x4  }
0x6d0: {  	vm5 =	vlt.s32 v19, $0x0  }
0x6d1: {  	v19 =	vsel vm5, $0x37, v19  }
0x6d2: {  	v20 =	vshll.u32 v19, $0x8;
	v19 =	vshll.u32 v19, $0x7  }
0x6d3: {  	v20 =	vand.u32 $0xFFFFF800, v20;
	v19 =	vand.u32 $0x380, v19  }
0x6d4: {  	v19 =	vor.u32 v20, v19  }
0x6d5: {  	v19 =	vor.u32 v6, v19;
	_ =	sdelay $0x4  }
0x6d6: {  	[tilespmem:v19+s24+$0x0] =	vst.idx.msk $0xffff, v10  }
0x6d7: {  	v19 =	vld.idx.msk [tilespmem:v15+s10+$0x4760 ss:$0x1], $0xffff;
	_ =	sdelay $0x4  }
0x6d8: {  	vm6 =	vlt.s32 v19, $0x0  }
0x6d9: {  	v19 =	vsel vm6, $0x37, v19  }
0x6da: {  	v20 =	vshll.u32 v19, $0x8;
	v19 =	vshll.u32 v19, $0x7  }
0x6db: {  	v20 =	vand.u32 $0xFFFFF800, v20;
	v19 =	vand.u32 $0x380, v19  }
0x6dc: {  	v19 =	vor.u32 v20, v19  }
0x6dd: {  	v19 =	vor.u32 v7, v19;
	_ =	sdelay $0x4  }
0x6de: {  	[tilespmem:v19+s24+$0x0] =	vst.idx.msk $0xffff, v10  }
0x6df: {  	v19 =	vld.idx.msk [tilespmem:v15+s10+$0x4770 ss:$0x1], $0xffff;
	_ =	sdelay $0x4  }
0x6e0: {  	vm7 =	vlt.s32 v19, $0x0  }
0x6e1: {  	v19 =	vsel vm7, $0x37, v19  }
0x6e2: {  	v20 =	vshll.u32 v19, $0x8;
	v19 =	vshll.u32 v19, $0x7  }
0x6e3: {  	v20 =	vand.u32 $0xFFFFF800, v20;
	v19 =	vand.u32 $0x380, v19  }
0x6e4: {  	v19 =	vor.u32 v20, v19  }
0x6e5: {  	v19 =	vor.u32 v8, v19;
	_ =	sdelay $0x4  }
0x6e6: {  	[tilespmem:v19+s24+$0x0] =	vst.idx.msk $0xffff, v10  }
0x6e7: {  	v19 =	vld [tilespmem:s6+$0x1A080];
	_ =	sdelay $0x4  }
0x6e8: {  	vm8 =	vlt.s32 v19, $0x0  }
0x6e9: {  	v19 =	vsel vm8, $0x37, v19  }
0x6ea: {  	v20 =	vshll.u32 v19, $0x8;
	v19 =	vshll.u32 v19, $0x7  }
0x6eb: {  	v20 =	vand.u32 $0xFFFFF800, v20;
	v19 =	vand.u32 $0x380, v19  }
0x6ec: {  	v19 =	vor.u32 v19, v20  }
0x6ed: {  	v19 =	vor.u32 v9, v19;
	_ =	sdelay $0x4  }
0x6ee: {  	[tilespmem:v19+s24+$0x0] =	vst.idx.msk $0xffff, v10  }
0x6ef: {  	v19 =	vld.idx.msk [tilespmem:v15+s10+$0x4790 ss:$0x1], $0xffff;
	_ =	sdelay $0x4  }
0x6f0: {  	vm9 =	vlt.s32 v19, $0x0  }
0x6f1: {  	v19 =	vsel vm9, $0x37, v19  }
0x6f2: {  	v20 =	vshll.u32 v19, $0x8;
	v19 =	vshll.u32 v19, $0x7  }
0x6f3: {  	v20 =	vand.u32 $0xFFFFF800, v20;
	v19 =	vand.u32 $0x380, v19  }
0x6f4: {  	v19 =	vor.u32 v19, v20  }
0x6f5: {  	v19 =	vor.u32 v11, v19;
	_ =	sdelay $0x4  }
0x6f6: {  	[tilespmem:v19+s24+$0x0] =	vst.idx.msk $0xffff, v10  }
0x6f7: {  	v19 =	vld.idx.msk [tilespmem:v15+s10+$0x47A0 ss:$0x1], $0xffff;
	_ =	sdelay $0x4  }
0x6f8: {  	vm10 =	vlt.s32 v19, $0x0  }
0x6f9: {  	v19 =	vsel vm10, $0x37, v19  }
0x6fa: {  	v20 =	vshll.u32 v19, $0x8;
	v19 =	vshll.u32 v19, $0x7  }
0x6fb: {  	v20 =	vand.u32 $0xFFFFF800, v20;
	v19 =	vand.u32 $0x380, v19  }
0x6fc: {  	v19 =	vor.u32 v19, v20  }
0x6fd: {  	v19 =	vor.u32 v12, v19;
	_ =	sdelay $0x4  }
0x6fe: {  	[tilespmem:v19+s24+$0x0] =	vst.idx.msk $0xffff, v10  }
0x6ff: {  	v19 =	vld.idx.msk [tilespmem:v15+s10+$0x47B0 ss:$0x1], $0xffff;
	_ =	sdelay $0x4  }
0x700: {  	vm11 =	vlt.s32 v19, $0x0  }
0x701: {  	v19 =	vsel vm11, $0x37, v19  }
0x702: {  	v20 =	vshll.u32 v19, $0x8;
	v19 =	vshll.u32 v19, $0x7  }
0x703: {  	v20 =	vand.u32 $0xFFFFF800, v20;
	v19 =	vand.u32 $0x380, v19  }
0x704: {  	v19 =	vor.u32 v19, v20  }
0x705: {  	v19 =	vor.u32 v13, v19;
	_ =	sdelay $0x4  }
0x706: {  	[tilespmem:v19+s24+$0x0] =	vst.idx.msk $0xffff, v10  }
0x707: {  	v19 =	vld.idx.msk [tilespmem:v15+s10+$0x47C0 ss:$0x1], $0xffff;
	_ =	sdelay $0x4  }
0x708: {  	vm12 =	vlt.s32 v19, $0x0  }
0x709: {  	v19 =	vsel vm12, $0x37, v19  }
0x70a: {  	v20 =	vshll.u32 v19, $0x8;
	v19 =	vshll.u32 v19, $0x7  }
0x70b: {  	v20 =	vand.u32 $0xFFFFF800, v20;
	v19 =	vand.u32 $0x380, v19  }
0x70c: {  	v19 =	vor.u32 v19, v20  }
0x70d: {  	v19 =	vor.u32 v14, v19;
	_ =	sdelay $0x4  }
0x70e: {  	[tilespmem:v19+s24+$0x0] =	vst.idx.msk $0xffff, v10  }
0x70f: {  	v19 =	vld.idx.msk [tilespmem:v15+s10+$0x47D0 ss:$0x1], $0xffff;
	_ =	sdelay $0x4  }
0x710: {  	vm13 =	vlt.s32 v19, $0x0  }
0x711: {  	v19 =	vsel vm13, $0x37, v19  }
0x712: {  	v20 =	vshll.u32 v19, $0x8;
	v19 =	vshll.u32 v19, $0x7  }
0x713: {  	v20 =	vand.u32 $0xFFFFF800, v20;
	v19 =	vand.u32 $0x380, v19  }
0x714: {  	v19 =	vor.u32 v19, v20  }
0x715: {  	v19 =	vor.u32 v16, v19;
	_ =	sdelay $0x4  }
0x716: {  	[tilespmem:v19+s24+$0x0] =	vst.idx.msk $0xffff, v10  }
0x717: {  	v19 =	vld.idx.msk [tilespmem:v15+s10+$0x47E0 ss:$0x1], $0xffff;
	_ =	sdelay $0x4  }
0x718: {  	vm14 =	vlt.s32 v19, $0x0  }
0x719: {  	v19 =	vsel vm14, $0x37, v19  }
0x71a: {  	v20 =	vshll.u32 v19, $0x8;
	v19 =	vshll.u32 v19, $0x7  }
0x71b: {  	v20 =	vand.u32 $0xFFFFF800, v20;
	v19 =	vand.u32 $0x380, v19  }
0x71c: {  	v19 =	vor.u32 v19, v20  }
0x71d: {  	v19 =	vor.u32 v17, v19;
	_ =	sdelay $0x4  }
0x71e: {  	[tilespmem:v19+s24+$0x0] =	vst.idx.msk $0xffff, v10  }
0x71f: {  	v19 =	vld.idx.msk [tilespmem:v15+s10+$0x47F0 ss:$0x1], $0xffff;
	_ =	sdelay $0x4  }
0x720: {  	vm15 =	vlt.s32 v19, $0x0  }
0x721: {  	v19 =	vsel vm15, $0x37, v19  }
0x722: {  	v20 =	vshll.u32 v19, $0x8;
	v19 =	vshll.u32 v19, $0x7  }
0x723: {  	v20 =	vand.u32 $0xFFFFF800, v20;
	v19 =	vand.u32 $0x380, v19  }
0x724: {  	v19 =	vor.u32 v19, v20  }
0x725: {  	v19 =	vor.u32 v18, v19;
	_ =	sdelay $0x1  }
.Ltmp16:
0x726: {  	_ = 	snop;
	(pc) =	sbr.rel .LBB2_26-.Ltmp16, $3  }
0x727: {  	_ =	sdelay $0x1  }
0x728: {  	s11 =	sadd.s32 s0, s13;
	[tilespmem:v19+s24+$0x0] =	vst.idx.msk $0xffff, v10  }
0x729: {  	[hbm4b:s11+s20] =	stream.strided.scatter [tilespmem:s24], [sflag:$0x5], $0x6800, s21, s20, $0x38;
	[tilespmem:$0x1E000] =	vst v63  }
.LBB2_28:
0x72a: {  	_ =	sfence.sel $0x180000  }
0x72b: {  	[bflag:$0x0] =	sbarrier.arrive $0xFFFF  }
0x72c: {  	_ =	strace $0x90000047  }
0x72d: {  	s0 =	stileid.u32;
	[bflag:$0x2] =	sbarrier.arrive $0xFFFF  }
0x72e: {  	p0 =	sne.s32 s0, $0x0;
	s0 =	rddreg [dreg:$0x2]  }
0x72f: {  	s0 =	sadd.s32 @!p0 $0x100000, s0  }
0x730: {  	[sflag:s0] =	ssyncadd.tile.s32 @!p0 $0x1;
	_ =	shalt  }
.Lfunc_end2:
_tile_overlayer_lowered:
.L_overlay_start_2:
0x731: {  	(tag) =	ssettag $0x2  }
0x732: {  	s0 =	rddreg [dreg:$0x0];
	s2 =	stileid.u32  }
0x733: {  	s1 =	rddreg [dreg:$0x1];
	p0 =	sne.s32 s2, $0x0  }
0x734: {  	s3 =	rddreg [dreg:$0x2];
	[bflag:$0x3] =	sbarrier.arrive $0xFFFF;
	s2 =	simm.s32 @!p0 $0x1C06  }
0x735: {  	[timem:s3], [sflag:s2] =	dma.local @!p0 [hbm:s0], s1  }
0x736: {  	s0 =	simm.s32 @!p0 $0x6  }
0x737: {  	_ =	swait.ge @!p0 [sflag:s0], s1  }
0x738: {  	s1 =	ssub.s32 @!p0 $0x0, s1;
	[sflag:s0] =	ssyncset.done @!p0 $0x0  }
0x739: {  	[sflag:s0] =	ssyncadd.s32 @!p0 s1  }
0x73a: {  	[bflag:$0x3] =	sbarrier.arrive $0xFFFF  }
0x73b: {  	_ =	shalt  }

</sc_bundles>
